<compile_context>
chip_gen: v7x
topology: tpu7x:2x2x1
jax: 0.10.2.dev20260603
libtpu: 0.0.44.dev20260713+nightly
codegen_flags: <defaults>
</compile_context>

<pallas_src>
import functools

import jax
import jax.numpy as jnp
from jax import lax
from jax.experimental import pallas as pl
from jax.experimental.pallas import tpu as pltpu
from jax.experimental.pallas import tpu_sc as plsc

N = 100000
E = 3200000
RAW = 128
R1, R2, R3 = 20, 15, 12
R5, R6, R7 = 10, 20, 10

D = 16
NC, NS = 2, 16
NW = NC * NS
CHUNK = 128
SUP = 4
NSUP = 196
CPW = SUP * NSUP
NCHUNKS = E // CHUNK
ROWS_PER_TILE = 6272
N_ACC = ROWS_PER_TILE * NS

BN = 4096
GRID = -(-N // BN)
PB = BN * D // 128
NP = N * D // 128

_MESH = plsc.VectorSubcoreMesh(core_axis_name="c", subcore_axis_name="s")


@functools.partial(
    pl.kernel,
    out_type=jax.ShapeDtypeStruct((NC, N_ACC, D), jnp.float32),
    mesh=_MESH,
    scratch_types=[
        pltpu.VMEM((3, SUP, CHUNK), jnp.int32),
        pltpu.VMEM((3, SUP, CHUNK), jnp.int32),
        pltpu.VMEM((3, SUP, CHUNK, D), jnp.float32),
        pltpu.VMEM_SHARED((N_ACC, D), jnp.float32),
        pltpu.SemaphoreType.DMA,
        pltpu.SemaphoreType.DMA,
        pltpu.SemaphoreType.DMA,
    ],
    compiler_params=pltpu.CompilerParams(use_tc_tiling_on_sc=False),
)
def _sc_agg(table_hbm, edges_hbm, zeros_hbm, out_hbm,
            src_v, dst_v, rows_v, acc_sh, gsem, ssem, isem):
    c = lax.axis_index("c")
    s = lax.axis_index("s")
    base = s * ROWS_PER_TILE

    pltpu.sync_copy(zeros_hbm, acc_sh.at[pl.ds(base, ROWS_PER_TILE)])

    plsc.subcore_barrier()

    wbase = (c * NS + s) * CPW
    ulim = jnp.minimum(NSUP, (NCHUNKS - wbase) // SUP)

    def _stage_idx(u, p):
        pltpu.async_copy(edges_hbm.at[0].at[pl.ds(wbase + u * SUP, SUP)],
                         src_v.at[p], isem)
        pltpu.async_copy(edges_hbm.at[1].at[pl.ds(wbase + u * SUP, SUP)],
                         dst_v.at[p], isem)

    def _drain_idx():
        for _ in range(2):
            pltpu.make_async_copy(edges_hbm.at[0].at[pl.ds(0, SUP)],
                                  src_v.at[0], isem).wait()

    def _fire_gathers(p):
        @pl.loop(0, SUP)
        def _(j):
            pltpu.async_copy(table_hbm.at[src_v.at[p, j]], rows_v.at[p, j], gsem)

    _stage_idx(0, 0)
    _drain_idx()
    _fire_gathers(0)
    _stage_idx(1, 1)
    _drain_idx()
    _fire_gathers(1)
    _stage_idx(2, 2)

    @pl.loop(0, ulim)
    def _(u):
        p = lax.rem(u, 3)

        @pl.loop(0, SUP)
        def _(j):
            pltpu.make_async_copy(table_hbm.at[pl.ds(0, CHUNK)],
                                  rows_v.at[p, 0], gsem).wait()

        @pl.when(u + 2 < ulim)
        def _():
            _drain_idx()
            _fire_gathers(lax.rem(u + 2, 3))

        @pl.loop(0, SUP)
        def _(j):
            pltpu.async_copy(rows_v.at[p, j], acc_sh.at[dst_v.at[p, j]],
                             ssem, add=True)

        @pl.loop(0, SUP)
        def _(j):
            pltpu.make_async_copy(rows_v.at[p, 0],
                                  acc_sh.at[pl.ds(0, CHUNK)], ssem).wait()

        @pl.when(u + 3 < ulim)
        def _():
            _stage_idx(u + 3, p)

    plsc.subcore_barrier()
    pltpu.sync_copy(acc_sh.at[pl.ds(base, ROWS_PER_TILE)],
                    out_hbm.at[c].at[pl.ds(base, ROWS_PER_TILE)])


def _full(shape):
    return pl.BlockSpec(shape, lambda i: tuple(0 for _ in shape))


def _rows(shape):
    ndims = len(shape)
    if ndims == 2:
        return pl.BlockSpec(shape, lambda i: (i, 0))
    return pl.BlockSpec(shape, lambda i: (0, i, 0))


def _unpack(a):
    return jnp.concatenate([a[:, g * D:(g + 1) * D] for g in range(8)], axis=0)


def _pack(a):
    return jnp.concatenate([a[g * PB:(g + 1) * PB] for g in range(8)], axis=1)


def _mlp_body(x_ref, w1_ref, b1_ref, n5_ref, w2_ref, b2_ref, n6_ref,
              w3_ref, b3_ref, n7_ref, t0_ref):
    xp = x_ref[...]
    xa = jnp.concatenate([xp[:, g:g + 1] for g in range(8)], axis=0)
    h = jnp.maximum(xa * w1_ref[...] + b1_ref[...], 0.0) + n5_ref[...]
    h = jnp.maximum(jnp.dot(h, w2_ref[...], preferred_element_type=jnp.float32)
                    + b2_ref[...], 0.0) + n6_ref[...]
    h = jnp.maximum(jnp.dot(h, w3_ref[...], preferred_element_type=jnp.float32)
                    + b3_ref[...], 0.0) + n7_ref[...]
    lane = lax.broadcasted_iota(jnp.int32, (BN, D), 1)
    t0_ref[...] = _pack(h[:, :D] + jnp.where(lane == R7, 1.0, 0.0))


def _l1_body(p_ref, t0_ref, wrel_ref, brel_ref, wroot_ref, na_ref, wnext_ref,
             t1_ref, h1a_ref, h1b_ref, invp_ref):
    pr = p_ref[...]
    sp = _unpack(pr[0] + pr[1])
    inv = 1.0 / jnp.maximum(sp[:, R7:R7 + 1], 1.0)
    t0u = _unpack(t0_ref[...])
    h1 = jnp.maximum(
        jnp.dot(sp * inv, wrel_ref[...], preferred_element_type=jnp.float32)
        + brel_ref[...]
        + jnp.dot(t0u, wroot_ref[...], preferred_element_type=jnp.float32),
        0.0) + na_ref[...]
    t1_ref[...] = _pack(jnp.dot(h1, wnext_ref[...],
                                preferred_element_type=jnp.float32))
    h1a_ref[...] = _pack(h1[:, :D])
    h1b_ref[...] = _pack(h1[:, D:2 * D])
    invp_ref[...] = _pack(jnp.broadcast_to(inv, (BN, D)))


def _l2_body(p_ref, h1a_ref, h1b_ref, invp_ref, brel_ref, wroot_ref, nb_ref,
             wnext_ref, t2_ref, h2_ref):
    pr = p_ref[...]
    mean16 = _unpack((pr[0] + pr[1]) * invp_ref[...])
    h1u = jnp.concatenate([_unpack(h1a_ref[...]), _unpack(h1b_ref[...])], axis=1)
    h2 = jnp.maximum(
        mean16 + brel_ref[...]
        + jnp.dot(h1u, wroot_ref[...], preferred_element_type=jnp.float32),
        0.0) + nb_ref[...]
    t2_ref[...] = _pack(jnp.dot(h2, wnext_ref[...],
                                preferred_element_type=jnp.float32))
    h2_ref[...] = _pack(h2)


def _l3_body(p_ref, h2_ref, invp_ref, brel_ref, wroot_ref, nc_ref, t3_ref):
    pr = p_ref[...]
    mean16 = _unpack((pr[0] + pr[1]) * invp_ref[...])
    h3 = jnp.maximum(
        mean16 + brel_ref[...]
        + jnp.dot(_unpack(h2_ref[...]), wroot_ref[...],
                  preferred_element_type=jnp.float32),
        0.0) + nc_ref[...]
    t3_ref[...] = _pack(h3)


def _l4_body(p_ref, t3_ref, invp_ref, wrel_ref, brel_ref, wroot_ref, o_ref):
    pr = p_ref[...]
    mean16 = _unpack((pr[0] + pr[1]) * invp_ref[...])
    o = (jnp.dot(mean16, wrel_ref[...], preferred_element_type=jnp.float32)
         + brel_ref[...]
         + jnp.dot(_unpack(t3_ref[...]), wroot_ref[...],
                   preferred_element_type=jnp.float32))
    o_ref[...] = jnp.concatenate(
        [o[g * PB:(g + 1) * PB][:, None, :] for g in range(8)], axis=1)


def _pad2(w, rin, rout):
    return jnp.zeros((rin, rout), jnp.float32).at[:w.shape[0], :w.shape[1]].set(w)


def _pad1(v, r=128):
    return jnp.zeros((1, r), jnp.float32).at[0, :v.shape[0]].set(v)


def _noise_vals():
    nk = jax.random.split(jax.random.key(42), 6)
    return (jax.random.normal(nk[0], (R5,), dtype=jnp.float32),
            jax.random.normal(nk[1], (R6,), dtype=jnp.float32),
            jax.random.normal(nk[2], (R7,), dtype=jnp.float32),
            jax.random.normal(nk[3], (R1,), dtype=jnp.float32),
            jax.random.normal(nk[4], (R2,), dtype=jnp.float32),
            jax.random.normal(nk[5], (R3,), dtype=jnp.float32))


_PK = pl.BlockSpec((PB, 128), lambda i: (i, 0))


def kernel(x, edge_index, W1, b1, W2, b2, W3, b3,
           Wrel1, brel1, Wroot1, Wrel2, brel2, Wroot2,
           Wrel3, brel3, Wroot3, Wrel4, brel4, Wroot4):
    n5, n6, n7, na, nb, nc = _noise_vals()
    f32 = jnp.float32
    pk = jax.ShapeDtypeStruct((NP, 128), f32)
    pspec = pl.BlockSpec((2, PB, 128), lambda i: (0, i, 0))

    w1 = _pad1(W1[0])
    w2 = _pad2(W2, 128, 128)
    w3 = _pad2(W3, 128, 128)
    wrel1 = _pad2(Wrel1, D, 128)
    wroot1 = _pad2(Wroot1, D, 128)
    wnext1 = _pad2(Wrel2, 128, D)
    wroot2 = _pad2(Wroot2, 32, D)
    wnext2 = _pad2(Wrel3, D, D)
    wroot3 = _pad2(Wroot3, D, D)
    wrel4 = _pad2(Wrel4, D, 128)
    wroot4 = _pad2(Wroot4, D, 128)

    zrows = jnp.zeros((ROWS_PER_TILE, D), f32)

    e3 = edge_index.reshape(2, NCHUNKS, CHUNK)
    xp = x.reshape(NP, 8)

    t0 = pl.pallas_call(
        _mlp_body,
        grid=(GRID,),
        in_specs=[pl.BlockSpec((PB, 8), lambda i: (i, 0)), _full((1, 128)),
                  _full((1, 128)), _full((1, 128)), _full((128, 128)),
                  _full((1, 128)), _full((1, 128)), _full((128, 128)),
                  _full((1, 128)), _full((1, 128))],
        out_specs=_PK,
        out_shape=pk,
    )(xp, w1, _pad1(b1), _pad1(n5), w2, _pad1(b2), _pad1(n6), w3, _pad1(b3), _pad1(n7))

    p1 = _sc_agg(t0.reshape(N, D), e3, zrows).reshape(NC, N_ACC // 8, 128)

    t1, h1a, h1b, invp = pl.pallas_call(
        _l1_body,
        grid=(GRID,),
        in_specs=[pspec, _PK, _full((D, 128)), _full((1, 128)),
                  _full((D, 128)), _full((1, 128)), _full((128, D))],
        out_specs=[_PK] * 4,
        out_shape=[pk] * 4,
    )(p1, t0, wrel1, _pad1(brel1), wroot1, _pad1(na), wnext1)

    p2 = _sc_agg(t1.reshape(N, D), e3, zrows).reshape(NC, N_ACC // 8, 128)

    t2, h2 = pl.pallas_call(
        _l2_body,
        grid=(GRID,),
        in_specs=[pspec, _PK, _PK, _PK, _full((1, D)), _full((32, D)),
                  _full((1, D)), _full((D, D))],
        out_specs=[_PK] * 2,
        out_shape=[pk] * 2,
    )(p2, h1a, h1b, invp, _pad1(brel2, D), wroot2, _pad1(nb, D), wnext2)

    p3 = _sc_agg(t2.reshape(N, D), e3, zrows).reshape(NC, N_ACC // 8, 128)

    t3 = pl.pallas_call(
        _l3_body,
        grid=(GRID,),
        in_specs=[pspec, _PK, _PK, _full((1, D)), _full((D, D)), _full((1, D))],
        out_specs=_PK,
        out_shape=pk,
    )(p3, h2, invp, _pad1(brel3, D), wroot3, _pad1(nc, D))

    p4 = _sc_agg(t3.reshape(N, D), e3, zrows).reshape(NC, N_ACC // 8, 128)

    out = pl.pallas_call(
        _l4_body,
        grid=(GRID,),
        in_specs=[pspec, _PK, _PK, _full((D, 128)), _full((1, 128)),
                  _full((D, 128))],
        out_specs=pl.BlockSpec((PB, 8, 128), lambda i: (i, 0, 0)),
        out_shape=jax.ShapeDtypeStruct((NP, 8, 128), f32),
    )(p4, t3, invp, wrel4, _pad1(brel4), wroot4)

    return out.reshape(N, 128)

# --- scband reference (transcript-rebuilt; emitter-appended) ---
"""Pipeline reference for scband-feature-generation-net2-46084999086839 (READ-ONLY COPY).

The authoritative reference and input builder live on the scoring server;
editing this copy changes nothing except your own understanding.
"""

import jax, jax.numpy as jnp
import numpy as np

N = 100000
E = 3200000
RAW = 128
R1, R2, R3 = 20, 15, 12
R5, R6, R7 = 10, 20, 10


def _lin_params(k, fin, fout, bias=True):
    k1, k2 = jax.random.split(k)
    s = 1.0 / np.sqrt(fin)
    W = jax.random.uniform(k1, (fin, fout), minval=-s, maxval=s, dtype=jnp.float32)
    if bias:
        b = jax.random.uniform(k2, (fout,), minval=-s, maxval=s, dtype=jnp.float32)
        return W, b
    return W


def setup_inputs(seed: int = 0):
    key = jax.random.key(seed)
    ks = jax.random.split(key, 16)
    x = jax.random.normal(ks[0], (N, 1), dtype=jnp.float32)
    edge_index = jax.random.randint(ks[1], (2, E), 0, N, dtype=jnp.int32)
    W1, b1 = _lin_params(ks[2], 1, R5)
    W2, b2 = _lin_params(ks[3], R5, R6)
    W3, b3 = _lin_params(ks[4], R6, R7)
    Wrel1, brel1 = _lin_params(ks[5], R7, R1)
    Wroot1 = _lin_params(ks[6], R7, R1, bias=False)
    Wrel2, brel2 = _lin_params(ks[7], R1, R2)
    Wroot2 = _lin_params(ks[8], R1, R2, bias=False)
    Wrel3, brel3 = _lin_params(ks[9], R2, R3)
    Wroot3 = _lin_params(ks[10], R2, R3, bias=False)
    Wrel4, brel4 = _lin_params(ks[11], R3, RAW)
    Wroot4 = _lin_params(ks[12], R3, RAW, bias=False)
    return dict(x=x, edge_index=edge_index, W1=W1, b1=b1, W2=W2, b2=b2, W3=W3, b3=b3,
                Wrel1=Wrel1, brel1=brel1, Wroot1=Wroot1,
                Wrel2=Wrel2, brel2=brel2, Wroot2=Wroot2,
                Wrel3=Wrel3, brel3=brel3, Wroot3=Wroot3,
                Wrel4=Wrel4, brel4=brel4, Wroot4=Wroot4)


def _noise():
    nk = jax.random.split(jax.random.key(42), 6)
    return (jax.random.normal(nk[0], (R5,), dtype=jnp.float32),
            jax.random.normal(nk[1], (R6,), dtype=jnp.float32),
            jax.random.normal(nk[2], (R7,), dtype=jnp.float32),
            jax.random.normal(nk[3], (R1,), dtype=jnp.float32),
            jax.random.normal(nk[4], (R2,), dtype=jnp.float32),
            jax.random.normal(nk[5], (R3,), dtype=jnp.float32))


def _graph_conv_mean(h, src, dst, Wrel, brel, Wroot):
    # PyG GraphConv with aggr='mean': lin_rel(mean_{j in N(i)} x_j) + lin_root(x_i)
    msg = h[src]
    agg = jax.ops.segment_sum(msg, dst, num_segments=N)
    cnt = jax.ops.segment_sum(jnp.ones((src.shape[0], 1), dtype=h.dtype), dst, num_segments=N)
    agg = agg / jnp.maximum(cnt, 1.0)
    return agg @ Wrel + brel + h @ Wroot


def reference(x, edge_index, W1, b1, W2, b2, W3, b3,
              Wrel1, brel1, Wroot1, Wrel2, brel2, Wroot2,
              Wrel3, brel3, Wroot3, Wrel4, brel4, Wroot4):
    src, dst = edge_index[0], edge_index[1]
    n5, n6, n7, na, nb, nc = _noise()
    noise_std = 1.0
    h = jax.nn.relu(x @ W1 + b1) + noise_std * n5
    h = jax.nn.relu(h @ W2 + b2) + noise_std * n6
    h = jax.nn.relu(h @ W3 + b3) + noise_std * n7
    h = jax.nn.relu(_graph_conv_mean(h, src, dst, Wrel1, brel1, Wroot1)) + noise_std * na
    h = jax.nn.relu(_graph_conv_mean(h, src, dst, Wrel2, brel2, Wroot2)) + noise_std * nb
    h = jax.nn.relu(_graph_conv_mean(h, src, dst, Wrel3, brel3, Wroot3)) + noise_std * nc
    h = _graph_conv_mean(h, src, dst, Wrel4, brel4, Wroot4)
    return h

if __name__ == "__main__":
    import jax
    _d = setup_inputs()
    print(jax.jit(kernel)(*tuple(_d.values())))

</pallas_src>

<mosaic_0001>
#map = affine_map<(d0, d1) -> (0, 0)>
#map1 = affine_map<(d0, d1) -> (0, 0, 0)>
module attributes {stable_mosaic.version = 14 : i64} {
  func.func @_sc_agg(%arg0: i32, %arg1: i32, %arg2: memref<100000x16xf32, #tpu.memory_space<hbm>>, %arg3: memref<2x25000x128xi32, #tpu.memory_space<hbm>>, %arg4: memref<6272x16xf32, #tpu.memory_space<hbm>>, %arg5: memref<2x100352x16xf32, #tpu.memory_space<hbm>>, %arg6: memref<3x4x128xi32, #tpu.memory_space<vmem>>, %arg7: memref<3x4x128xi32, #tpu.memory_space<vmem>>, %arg8: memref<3x4x128x16xf32, #tpu.memory_space<vmem>>, %arg9: memref<100352x16xf32, #tpu.memory_space<vmem_shared>>, %arg10: memref<!tpu.dma_semaphore, #tpu.memory_space<semaphore_mem>>, %arg11: memref<!tpu.dma_semaphore, #tpu.memory_space<semaphore_mem>>, %arg12: memref<!tpu.dma_semaphore, #tpu.memory_space<semaphore_mem>>) attributes {dimension_semantics = [#tpu.dimension_semantics<core_parallel>, #tpu.dimension_semantics<subcore_parallel>], iteration_bounds = array<i64: 2, 16>, scalar_prefetch = 0 : i64, scratch_operands = 7 : i64, tpu.core_type = #tpu.core_type<sc_vector_subcore>, window_params = [{transform_indices = #map}, {transform_indices = #map1}, {transform_indices = #map}, {transform_indices = #map1}]} {
    %mul3A = arith.constant 6272 : i32
    %mul3A_0 = arith.muli %arg1, %mul3A : i32
    "tpu.region"() ({
      %run_scoped3A = tpu.sem_alloc : memref<!tpu.dma_semaphore, #tpu.memory_space<semaphore_mem>>
      %dma_start3A_290 = arith.constant 0 : i32
      %dma_start3A_291 = tpu.memref_slice %arg9[%mul3A_0, %dma_start3A_290] : memref<100352x16xf32, #tpu.memory_space<vmem_shared>> -> memref<6272x16xf32, #tpu.memory_space<vmem_shared>>
      tpu.enqueue_dma source(%arg4 : memref<6272x16xf32, #tpu.memory_space<hbm>>) target(%dma_start3A_291 : memref<6272x16xf32, #tpu.memory_space<vmem_shared>>) target_semaphore(%run_scoped3A : memref<!tpu.dma_semaphore, #tpu.memory_space<semaphore_mem>>)
      %dma_wait3A_292 = arith.constant 0 : i32
      %dma_wait3A_293 = tpu.memref_slice %arg9[%mul3A_0, %dma_wait3A_292] : memref<100352x16xf32, #tpu.memory_space<vmem_shared>> -> memref<6272x16xf32, #tpu.memory_space<vmem_shared>>
      tpu.wait_dma2 semaphore(%run_scoped3A : memref<!tpu.dma_semaphore, #tpu.memory_space<semaphore_mem>>) src(%arg4 : memref<6272x16xf32, #tpu.memory_space<hbm>>) dst(%dma_wait3A_293 : memref<6272x16xf32, #tpu.memory_space<vmem_shared>>)
      tpu.yield
    }) : () -> ()
    %barrier3A = arith.constant 0 : index
    tpu.barrier barrier_id(%barrier3A)
    %mul3A_1 = arith.constant 16 : i32
    %mul3A_2 = arith.muli %arg0, %mul3A_1 : i32
    %add3A = arith.addi %mul3A_2, %arg1 : i32
    %mul3A_3 = arith.constant 784 : i32
    %mul3A_4 = arith.muli %add3A, %mul3A_3 : i32
    %sub3A = arith.constant 25000 : i32
    %sub3A_5 = arith.subi %sub3A, %mul3A_4 : i32
    %jit3A = arith.constant 4 : i32
    %div3A = arith.divsi %sub3A_5, %jit3A : i32
    %sign3A = arith.constant 0 : i32
    %sign3A_6 = arith.cmpi sgt, %sub3A_5, %sign3A : i32
    %sign3A_7 = arith.extui %sign3A_6 : i1 to i32
    %sign3A_8 = arith.constant 0 : i32
    %sign3A_9 = arith.cmpi slt, %sub3A_5, %sign3A_8 : i32
    %sign3A_10 = arith.extui %sign3A_9 : i1 to i32
    %sign3A_11 = arith.subi %sign3A_7, %sign3A_10 : i32
    %sign3A_12 = arith.constant 0 : i32
    %sign3A_13 = arith.cmpi sgt, %jit3A, %sign3A_12 : i32
    %sign3A_14 = arith.extui %sign3A_13 : i1 to i32
    %sign3A_15 = arith.constant 0 : i32
    %sign3A_16 = arith.cmpi slt, %jit3A, %sign3A_15 : i32
    %sign3A_17 = arith.extui %sign3A_16 : i1 to i32
    %sign3A_18 = arith.subi %sign3A_14, %sign3A_17 : i32
    %ne3A = arith.cmpi ne, %sign3A_11, %sign3A_18 : i32
    %rem3A = arith.remsi %sub3A_5, %jit3A : i32
    %ne3A_19 = arith.constant 0 : i32
    %ne3A_20 = arith.cmpi ne, %rem3A, %ne3A_19 : i32
    %and3A = arith.andi %ne3A, %ne3A_20 : i1
    %sub3A_21 = arith.constant 1 : i32
    %sub3A_22 = arith.subi %div3A, %sub3A_21 : i32
    %select_n3A = arith.select %and3A, %sub3A_22, %div3A : i32
    %min3A = arith.constant 196 : i32
    %min3A_23 = arith.minsi %min3A, %select_n3A : i32
    %add3A_24 = arith.constant 0 : i32
    %add3A_25 = arith.addi %mul3A_4, %add3A_24 : i32
    %dma_start3A = arith.constant 0 : i32
    %dma_start3A_26 = arith.constant 0 : i32
    %dma_start3A_27 = arith.constant 0 : i32
    %dma_start3A_28 = arith.constant 0 : i32
    %dma_start3A_29 = tpu.memref_slice %arg6[%dma_start3A_26, %dma_start3A_27, %dma_start3A_28] : memref<3x4x128xi32, #tpu.memory_space<vmem>> -> memref<1x4x128xi32, #tpu.memory_space<vmem>>
    %dma_start3A_30 = tpu.memref_squeeze %dma_start3A_29 : memref<1x4x128xi32, #tpu.memory_space<vmem>> -> memref<4x128xi32, #tpu.memory_space<vmem>>
    %dma_start3A_31 = arith.constant 0 : i32
    %dma_start3A_32 = arith.constant 0 : i32
    %dma_start3A_33 = tpu.memref_slice %arg3[%dma_start3A, %dma_start3A_31, %dma_start3A_32] : memref<2x25000x128xi32, #tpu.memory_space<hbm>> -> memref<1x25000x128xi32, #tpu.memory_space<hbm>>
    %dma_start3A_34 = tpu.memref_squeeze %dma_start3A_33 : memref<1x25000x128xi32, #tpu.memory_space<hbm>> -> memref<25000x128xi32, #tpu.memory_space<hbm>>
    %dma_start3A_35 = arith.constant 0 : i32
    %dma_start3A_36 = tpu.memref_slice %dma_start3A_34[%add3A_25, %dma_start3A_35] : memref<25000x128xi32, #tpu.memory_space<hbm>> -> memref<4x128xi32, #tpu.memory_space<hbm>>
    %dma_start3A_37 = arith.constant 0 : i32
    %dma_start3A_38 = arith.constant 0 : i32
    %dma_start3A_39 = tpu.memref_slice %arg6[%dma_start3A_26, %dma_start3A_37, %dma_start3A_38] : memref<3x4x128xi32, #tpu.memory_space<vmem>> -> memref<1x4x128xi32, #tpu.memory_space<vmem>>
    %dma_start3A_40 = tpu.memref_squeeze %dma_start3A_39 : memref<1x4x128xi32, #tpu.memory_space<vmem>> -> memref<4x128xi32, #tpu.memory_space<vmem>>
    %dma_start3A_41 = arith.constant 0 : i32
    %dma_start3A_42 = arith.constant 0 : i32
    %dma_start3A_43 = tpu.memref_slice %arg3[%dma_start3A, %dma_start3A_41, %dma_start3A_42] : memref<2x25000x128xi32, #tpu.memory_space<hbm>> -> memref<1x25000x128xi32, #tpu.memory_space<hbm>>
    %dma_start3A_44 = tpu.memref_squeeze %dma_start3A_43 : memref<1x25000x128xi32, #tpu.memory_space<hbm>> -> memref<25000x128xi32, #tpu.memory_space<hbm>>
    %dma_start3A_45 = arith.constant 0 : i32
    %dma_start3A_46 = tpu.memref_slice %dma_start3A_44[%add3A_25, %dma_start3A_45] : memref<25000x128xi32, #tpu.memory_space<hbm>> -> memref<4x128xi32, #tpu.memory_space<hbm>>
    tpu.enqueue_dma source(%dma_start3A_46 : memref<4x128xi32, #tpu.memory_space<hbm>>) target(%dma_start3A_40 : memref<4x128xi32, #tpu.memory_space<vmem>>) target_semaphore(%arg12 : memref<!tpu.dma_semaphore, #tpu.memory_space<semaphore_mem>>)
    %add3A_47 = arith.constant 0 : i32
    %add3A_48 = arith.addi %mul3A_4, %add3A_47 : i32
    %dma_start3A_49 = arith.constant 1 : i32
    %dma_start3A_50 = arith.constant 0 : i32
    %dma_start3A_51 = arith.constant 0 : i32
    %dma_start3A_52 = arith.constant 0 : i32
    %dma_start3A_53 = tpu.memref_slice %arg7[%dma_start3A_50, %dma_start3A_51, %dma_start3A_52] : memref<3x4x128xi32, #tpu.memory_space<vmem>> -> memref<1x4x128xi32, #tpu.memory_space<vmem>>
    %dma_start3A_54 = tpu.memref_squeeze %dma_start3A_53 : memref<1x4x128xi32, #tpu.memory_space<vmem>> -> memref<4x128xi32, #tpu.memory_space<vmem>>
    %dma_start3A_55 = arith.constant 0 : i32
    %dma_start3A_56 = arith.constant 0 : i32
    %dma_start3A_57 = tpu.memref_slice %arg3[%dma_start3A_49, %dma_start3A_55, %dma_start3A_56] : memref<2x25000x128xi32, #tpu.memory_space<hbm>> -> memref<1x25000x128xi32, #tpu.memory_space<hbm>>
    %dma_start3A_58 = tpu.memref_squeeze %dma_start3A_57 : memref<1x25000x128xi32, #tpu.memory_space<hbm>> -> memref<25000x128xi32, #tpu.memory_space<hbm>>
    %dma_start3A_59 = arith.constant 0 : i32
    %dma_start3A_60 = tpu.memref_slice %dma_start3A_58[%add3A_48, %dma_start3A_59] : memref<25000x128xi32, #tpu.memory_space<hbm>> -> memref<4x128xi32, #tpu.memory_space<hbm>>
    %dma_start3A_61 = arith.constant 0 : i32
    %dma_start3A_62 = arith.constant 0 : i32
    %dma_start3A_63 = tpu.memref_slice %arg7[%dma_start3A_50, %dma_start3A_61, %dma_start3A_62] : memref<3x4x128xi32, #tpu.memory_space<vmem>> -> memref<1x4x128xi32, #tpu.memory_space<vmem>>
    %dma_start3A_64 = tpu.memref_squeeze %dma_start3A_63 : memref<1x4x128xi32, #tpu.memory_space<vmem>> -> memref<4x128xi32, #tpu.memory_space<vmem>>
    %dma_start3A_65 = arith.constant 0 : i32
    %dma_start3A_66 = arith.constant 0 : i32
    %dma_start3A_67 = tpu.memref_slice %arg3[%dma_start3A_49, %dma_start3A_65, %dma_start3A_66] : memref<2x25000x128xi32, #tpu.memory_space<hbm>> -> memref<1x25000x128xi32, #tpu.memory_space<hbm>>
    %dma_start3A_68 = tpu.memref_squeeze %dma_start3A_67 : memref<1x25000x128xi32, #tpu.memory_space<hbm>> -> memref<25000x128xi32, #tpu.memory_space<hbm>>
    %dma_start3A_69 = arith.constant 0 : i32
    %dma_start3A_70 = tpu.memref_slice %dma_start3A_68[%add3A_48, %dma_start3A_69] : memref<25000x128xi32, #tpu.memory_space<hbm>> -> memref<4x128xi32, #tpu.memory_space<hbm>>
    tpu.enqueue_dma source(%dma_start3A_70 : memref<4x128xi32, #tpu.memory_space<hbm>>) target(%dma_start3A_64 : memref<4x128xi32, #tpu.memory_space<vmem>>) target_semaphore(%arg12 : memref<!tpu.dma_semaphore, #tpu.memory_space<semaphore_mem>>)
    %dma_wait3A = arith.constant 0 : i32
    %dma_wait3A_71 = arith.constant 0 : i32
    %dma_wait3A_72 = arith.constant 0 : i32
    %dma_wait3A_73 = arith.constant 0 : i32
    %dma_wait3A_74 = tpu.memref_slice %arg6[%dma_wait3A_71, %dma_wait3A_72, %dma_wait3A_73] : memref<3x4x128xi32, #tpu.memory_space<vmem>> -> memref<1x4x128xi32, #tpu.memory_space<vmem>>
    %dma_wait3A_75 = tpu.memref_squeeze %dma_wait3A_74 : memref<1x4x128xi32, #tpu.memory_space<vmem>> -> memref<4x128xi32, #tpu.memory_space<vmem>>
    %dma_wait3A_76 = arith.constant 0 : i32
    %dma_wait3A_77 = arith.constant 0 : i32
    %dma_wait3A_78 = tpu.memref_slice %arg3[%dma_wait3A, %dma_wait3A_76, %dma_wait3A_77] : memref<2x25000x128xi32, #tpu.memory_space<hbm>> -> memref<1x25000x128xi32, #tpu.memory_space<hbm>>
    %dma_wait3A_79 = tpu.memref_squeeze %dma_wait3A_78 : memref<1x25000x128xi32, #tpu.memory_space<hbm>> -> memref<25000x128xi32, #tpu.memory_space<hbm>>
    %dma_wait3A_80 = arith.constant 0 : i32
    %dma_wait3A_81 = arith.constant 0 : i32
    %dma_wait3A_82 = tpu.memref_slice %dma_wait3A_79[%dma_wait3A_80, %dma_wait3A_81] : memref<25000x128xi32, #tpu.memory_space<hbm>> -> memref<4x128xi32, #tpu.memory_space<hbm>>
    %dma_wait3A_83 = arith.constant 0 : i32
    %dma_wait3A_84 = arith.constant 0 : i32
    %dma_wait3A_85 = tpu.memref_slice %arg6[%dma_wait3A_71, %dma_wait3A_83, %dma_wait3A_84] : memref<3x4x128xi32, #tpu.memory_space<vmem>> -> memref<1x4x128xi32, #tpu.memory_space<vmem>>
    %dma_wait3A_86 = tpu.memref_squeeze %dma_wait3A_85 : memref<1x4x128xi32, #tpu.memory_space<vmem>> -> memref<4x128xi32, #tpu.memory_space<vmem>>
    %dma_wait3A_87 = arith.constant 0 : i32
    %dma_wait3A_88 = arith.constant 0 : i32
    %dma_wait3A_89 = tpu.memref_slice %arg3[%dma_wait3A, %dma_wait3A_87, %dma_wait3A_88] : memref<2x25000x128xi32, #tpu.memory_space<hbm>> -> memref<1x25000x128xi32, #tpu.memory_space<hbm>>
    %dma_wait3A_90 = tpu.memref_squeeze %dma_wait3A_89 : memref<1x25000x128xi32, #tpu.memory_space<hbm>> -> memref<25000x128xi32, #tpu.memory_space<hbm>>
    %dma_wait3A_91 = arith.constant 0 : i32
    %dma_wait3A_92 = arith.constant 0 : i32
    %dma_wait3A_93 = tpu.memref_slice %dma_wait3A_90[%dma_wait3A_91, %dma_wait3A_92] : memref<25000x128xi32, #tpu.memory_space<hbm>> -> memref<4x128xi32, #tpu.memory_space<hbm>>
    tpu.wait_dma2 semaphore(%arg12 : memref<!tpu.dma_semaphore, #tpu.memory_space<semaphore_mem>>) src(%dma_wait3A_93 : memref<4x128xi32, #tpu.memory_space<hbm>>) dst(%dma_wait3A_86 : memref<4x128xi32, #tpu.memory_space<vmem>>)
    %dma_wait3A_94 = arith.constant 0 : i32
    %dma_wait3A_95 = arith.constant 0 : i32
    %dma_wait3A_96 = arith.constant 0 : i32
    %dma_wait3A_97 = arith.constant 0 : i32
    %dma_wait3A_98 = tpu.memref_slice %arg6[%dma_wait3A_95, %dma_wait3A_96, %dma_wait3A_97] : memref<3x4x128xi32, #tpu.memory_space<vmem>> -> memref<1x4x128xi32, #tpu.memory_space<vmem>>
    %dma_wait3A_99 = tpu.memref_squeeze %dma_wait3A_98 : memref<1x4x128xi32, #tpu.memory_space<vmem>> -> memref<4x128xi32, #tpu.memory_space<vmem>>
    %dma_wait3A_100 = arith.constant 0 : i32
    %dma_wait3A_101 = arith.constant 0 : i32
    %dma_wait3A_102 = tpu.memref_slice %arg3[%dma_wait3A_94, %dma_wait3A_100, %dma_wait3A_101] : memref<2x25000x128xi32, #tpu.memory_space<hbm>> -> memref<1x25000x128xi32, #tpu.memory_space<hbm>>
    %dma_wait3A_103 = tpu.memref_squeeze %dma_wait3A_102 : memref<1x25000x128xi32, #tpu.memory_space<hbm>> -> memref<25000x128xi32, #tpu.memory_space<hbm>>
    %dma_wait3A_104 = arith.constant 0 : i32
    %dma_wait3A_105 = arith.constant 0 : i32
    %dma_wait3A_106 = tpu.memref_slice %dma_wait3A_103[%dma_wait3A_104, %dma_wait3A_105] : memref<25000x128xi32, #tpu.memory_space<hbm>> -> memref<4x128xi32, #tpu.memory_space<hbm>>
    %dma_wait3A_107 = arith.constant 0 : i32
    %dma_wait3A_108 = arith.constant 0 : i32
    %dma_wait3A_109 = tpu.memref_slice %arg6[%dma_wait3A_95, %dma_wait3A_107, %dma_wait3A_108] : memref<3x4x128xi32, #tpu.memory_space<vmem>> -> memref<1x4x128xi32, #tpu.memory_space<vmem>>
    %dma_wait3A_110 = tpu.memref_squeeze %dma_wait3A_109 : memref<1x4x128xi32, #tpu.memory_space<vmem>> -> memref<4x128xi32, #tpu.memory_space<vmem>>
    %dma_wait3A_111 = arith.constant 0 : i32
    %dma_wait3A_112 = arith.constant 0 : i32
    %dma_wait3A_113 = tpu.memref_slice %arg3[%dma_wait3A_94, %dma_wait3A_111, %dma_wait3A_112] : memref<2x25000x128xi32, #tpu.memory_space<hbm>> -> memref<1x25000x128xi32, #tpu.memory_space<hbm>>
    %dma_wait3A_114 = tpu.memref_squeeze %dma_wait3A_113 : memref<1x25000x128xi32, #tpu.memory_space<hbm>> -> memref<25000x128xi32, #tpu.memory_space<hbm>>
    %dma_wait3A_115 = arith.constant 0 : i32
    %dma_wait3A_116 = arith.constant 0 : i32
    %dma_wait3A_117 = tpu.memref_slice %dma_wait3A_114[%dma_wait3A_115, %dma_wait3A_116] : memref<25000x128xi32, #tpu.memory_space<hbm>> -> memref<4x128xi32, #tpu.memory_space<hbm>>
    tpu.wait_dma2 semaphore(%arg12 : memref<!tpu.dma_semaphore, #tpu.memory_space<semaphore_mem>>) src(%dma_wait3A_117 : memref<4x128xi32, #tpu.memory_space<hbm>>) dst(%dma_wait3A_110 : memref<4x128xi32, #tpu.memory_space<vmem>>)
    %scan3A = arith.constant 0 : i32
    %scan3A_118 = arith.constant 4 : i32
    %scan3A_119 = arith.addi %scan3A, %scan3A_118 : i32
    %scan3A_120 = arith.constant 1 : i32
    scf.for %scan3A_290 = %scan3A to %scan3A_119 step %scan3A_120  : i32 {
      %mul3A_291 = arith.constant 1 : i32
      %mul3A_292 = arith.muli %scan3A_290, %mul3A_291 : i32
      %add3A_293 = arith.constant 0 : i32
      %add3A_294 = arith.addi %add3A_293, %mul3A_292 : i32
      %dma_start3A_295 = arith.constant 0 : i32
      %dma_start3A_296 = arith.constant 0 : i32
      %dma_start3A_297 = arith.constant 0 : i32
      %dma_start3A_298 = arith.constant 0 : i32
      %dma_start3A_299 = tpu.memref_slice %arg8[%dma_start3A_296, %add3A_294, %dma_start3A_297, %dma_start3A_298] : memref<3x4x128x16xf32, #tpu.memory_space<vmem>> -> memref<1x1x128x16xf32, #tpu.memory_space<vmem>>
      %dma_start3A_300 = tpu.memref_squeeze %dma_start3A_299 : memref<1x1x128x16xf32, #tpu.memory_space<vmem>> -> memref<128x16xf32, #tpu.memory_space<vmem>>
      %dma_start3A_301 = arith.constant 0 : i32
      %dma_start3A_302 = tpu.memref_slice %arg6[%dma_start3A_295, %add3A_294, %dma_start3A_301] : memref<3x4x128xi32, #tpu.memory_space<vmem>> -> memref<1x1x128xi32, #tpu.memory_space<vmem>>
      %dma_start3A_303 = tpu.memref_squeeze %dma_start3A_302 : memref<1x1x128xi32, #tpu.memory_space<vmem>> -> memref<128xi32, #tpu.memory_space<vmem>>
      %dma_start3A_304 = arith.constant 0 : i32
      %dma_start3A_305 = arith.constant 0 : i32
      %dma_start3A_306 = tpu.memref_slice %arg2[%dma_start3A_304, %dma_start3A_305] : memref<100000x16xf32, #tpu.memory_space<hbm>> -> memref<100000x16xf32, #tpu.memory_space<hbm>>
      tpu.enqueue_indirect_dma source(%dma_start3A_306 : memref<100000x16xf32, #tpu.memory_space<hbm>>) target(%dma_start3A_300 : memref<128x16xf32, #tpu.memory_space<vmem>>) offsets(%dma_start3A_303 : memref<128xi32, #tpu.memory_space<vmem>>) semaphore(%arg10 : memref<!tpu.dma_semaphore, #tpu.memory_space<semaphore_mem>>)
    }
    %scan3A_121 = arith.constant 4 : i32
    %add3A_122 = arith.constant 4 : i32
    %add3A_123 = arith.addi %mul3A_4, %add3A_122 : i32
    %dma_start3A_124 = arith.constant 0 : i32
    %dma_start3A_125 = arith.constant 1 : i32
    %dma_start3A_126 = arith.constant 0 : i32
    %dma_start3A_127 = arith.constant 0 : i32
    %dma_start3A_128 = tpu.memref_slice %arg6[%dma_start3A_125, %dma_start3A_126, %dma_start3A_127] : memref<3x4x128xi32, #tpu.memory_space<vmem>> -> memref<1x4x128xi32, #tpu.memory_space<vmem>>
    %dma_start3A_129 = tpu.memref_squeeze %dma_start3A_128 : memref<1x4x128xi32, #tpu.memory_space<vmem>> -> memref<4x128xi32, #tpu.memory_space<vmem>>
    %dma_start3A_130 = arith.constant 0 : i32
    %dma_start3A_131 = arith.constant 0 : i32
    %dma_start3A_132 = tpu.memref_slice %arg3[%dma_start3A_124, %dma_start3A_130, %dma_start3A_131] : memref<2x25000x128xi32, #tpu.memory_space<hbm>> -> memref<1x25000x128xi32, #tpu.memory_space<hbm>>
    %dma_start3A_133 = tpu.memref_squeeze %dma_start3A_132 : memref<1x25000x128xi32, #tpu.memory_space<hbm>> -> memref<25000x128xi32, #tpu.memory_space<hbm>>
    %dma_start3A_134 = arith.constant 0 : i32
    %dma_start3A_135 = tpu.memref_slice %dma_start3A_133[%add3A_123, %dma_start3A_134] : memref<25000x128xi32, #tpu.memory_space<hbm>> -> memref<4x128xi32, #tpu.memory_space<hbm>>
    %dma_start3A_136 = arith.constant 0 : i32
    %dma_start3A_137 = arith.constant 0 : i32
    %dma_start3A_138 = tpu.memref_slice %arg6[%dma_start3A_125, %dma_start3A_136, %dma_start3A_137] : memref<3x4x128xi32, #tpu.memory_space<vmem>> -> memref<1x4x128xi32, #tpu.memory_space<vmem>>
    %dma_start3A_139 = tpu.memref_squeeze %dma_start3A_138 : memref<1x4x128xi32, #tpu.memory_space<vmem>> -> memref<4x128xi32, #tpu.memory_space<vmem>>
    %dma_start3A_140 = arith.constant 0 : i32
    %dma_start3A_141 = arith.constant 0 : i32
    %dma_start3A_142 = tpu.memref_slice %arg3[%dma_start3A_124, %dma_start3A_140, %dma_start3A_141] : memref<2x25000x128xi32, #tpu.memory_space<hbm>> -> memref<1x25000x128xi32, #tpu.memory_space<hbm>>
    %dma_start3A_143 = tpu.memref_squeeze %dma_start3A_142 : memref<1x25000x128xi32, #tpu.memory_space<hbm>> -> memref<25000x128xi32, #tpu.memory_space<hbm>>
    %dma_start3A_144 = arith.constant 0 : i32
    %dma_start3A_145 = tpu.memref_slice %dma_start3A_143[%add3A_123, %dma_start3A_144] : memref<25000x128xi32, #tpu.memory_space<hbm>> -> memref<4x128xi32, #tpu.memory_space<hbm>>
    tpu.enqueue_dma source(%dma_start3A_145 : memref<4x128xi32, #tpu.memory_space<hbm>>) target(%dma_start3A_139 : memref<4x128xi32, #tpu.memory_space<vmem>>) target_semaphore(%arg12 : memref<!tpu.dma_semaphore, #tpu.memory_space<semaphore_mem>>)
    %add3A_146 = arith.constant 4 : i32
    %add3A_147 = arith.addi %mul3A_4, %add3A_146 : i32
    %dma_start3A_148 = arith.constant 1 : i32
    %dma_start3A_149 = arith.constant 1 : i32
    %dma_start3A_150 = arith.constant 0 : i32
    %dma_start3A_151 = arith.constant 0 : i32
    %dma_start3A_152 = tpu.memref_slice %arg7[%dma_start3A_149, %dma_start3A_150, %dma_start3A_151] : memref<3x4x128xi32, #tpu.memory_space<vmem>> -> memref<1x4x128xi32, #tpu.memory_space<vmem>>
    %dma_start3A_153 = tpu.memref_squeeze %dma_start3A_152 : memref<1x4x128xi32, #tpu.memory_space<vmem>> -> memref<4x128xi32, #tpu.memory_space<vmem>>
    %dma_start3A_154 = arith.constant 0 : i32
    %dma_start3A_155 = arith.constant 0 : i32
    %dma_start3A_156 = tpu.memref_slice %arg3[%dma_start3A_148, %dma_start3A_154, %dma_start3A_155] : memref<2x25000x128xi32, #tpu.memory_space<hbm>> -> memref<1x25000x128xi32, #tpu.memory_space<hbm>>
    %dma_start3A_157 = tpu.memref_squeeze %dma_start3A_156 : memref<1x25000x128xi32, #tpu.memory_space<hbm>> -> memref<25000x128xi32, #tpu.memory_space<hbm>>
    %dma_start3A_158 = arith.constant 0 : i32
    %dma_start3A_159 = tpu.memref_slice %dma_start3A_157[%add3A_147, %dma_start3A_158] : memref<25000x128xi32, #tpu.memory_space<hbm>> -> memref<4x128xi32, #tpu.memory_space<hbm>>
    %dma_start3A_160 = arith.constant 0 : i32
    %dma_start3A_161 = arith.constant 0 : i32
    %dma_start3A_162 = tpu.memref_slice %arg7[%dma_start3A_149, %dma_start3A_160, %dma_start3A_161] : memref<3x4x128xi32, #tpu.memory_space<vmem>> -> memref<1x4x128xi32, #tpu.memory_space<vmem>>
    %dma_start3A_163 = tpu.memref_squeeze %dma_start3A_162 : memref<1x4x128xi32, #tpu.memory_space<vmem>> -> memref<4x128xi32, #tpu.memory_space<vmem>>
    %dma_start3A_164 = arith.constant 0 : i32
    %dma_start3A_165 = arith.constant 0 : i32
    %dma_start3A_166 = tpu.memref_slice %arg3[%dma_start3A_148, %dma_start3A_164, %dma_start3A_165] : memref<2x25000x128xi32, #tpu.memory_space<hbm>> -> memref<1x25000x128xi32, #tpu.memory_space<hbm>>
    %dma_start3A_167 = tpu.memref_squeeze %dma_start3A_166 : memref<1x25000x128xi32, #tpu.memory_space<hbm>> -> memref<25000x128xi32, #tpu.memory_space<hbm>>
    %dma_start3A_168 = arith.constant 0 : i32
    %dma_start3A_169 = tpu.memref_slice %dma_start3A_167[%add3A_147, %dma_start3A_168] : memref<25000x128xi32, #tpu.memory_space<hbm>> -> memref<4x128xi32, #tpu.memory_space<hbm>>
    tpu.enqueue_dma source(%dma_start3A_169 : memref<4x128xi32, #tpu.memory_space<hbm>>) target(%dma_start3A_163 : memref<4x128xi32, #tpu.memory_space<vmem>>) target_semaphore(%arg12 : memref<!tpu.dma_semaphore, #tpu.memory_space<semaphore_mem>>)
    %dma_wait3A_170 = arith.constant 0 : i32
    %dma_wait3A_171 = arith.constant 0 : i32
    %dma_wait3A_172 = arith.constant 0 : i32
    %dma_wait3A_173 = arith.constant 0 : i32
    %dma_wait3A_174 = tpu.memref_slice %arg6[%dma_wait3A_171, %dma_wait3A_172, %dma_wait3A_173] : memref<3x4x128xi32, #tpu.memory_space<vmem>> -> memref<1x4x128xi32, #tpu.memory_space<vmem>>
    %dma_wait3A_175 = tpu.memref_squeeze %dma_wait3A_174 : memref<1x4x128xi32, #tpu.memory_space<vmem>> -> memref<4x128xi32, #tpu.memory_space<vmem>>
    %dma_wait3A_176 = arith.constant 0 : i32
    %dma_wait3A_177 = arith.constant 0 : i32
    %dma_wait3A_178 = tpu.memref_slice %arg3[%dma_wait3A_170, %dma_wait3A_176, %dma_wait3A_177] : memref<2x25000x128xi32, #tpu.memory_space<hbm>> -> memref<1x25000x128xi32, #tpu.memory_space<hbm>>
    %dma_wait3A_179 = tpu.memref_squeeze %dma_wait3A_178 : memref<1x25000x128xi32, #tpu.memory_space<hbm>> -> memref<25000x128xi32, #tpu.memory_space<hbm>>
    %dma_wait3A_180 = arith.constant 0 : i32
    %dma_wait3A_181 = arith.constant 0 : i32
    %dma_wait3A_182 = tpu.memref_slice %dma_wait3A_179[%dma_wait3A_180, %dma_wait3A_181] : memref<25000x128xi32, #tpu.memory_space<hbm>> -> memref<4x128xi32, #tpu.memory_space<hbm>>
    %dma_wait3A_183 = arith.constant 0 : i32
    %dma_wait3A_184 = arith.constant 0 : i32
    %dma_wait3A_185 = tpu.memref_slice %arg6[%dma_wait3A_171, %dma_wait3A_183, %dma_wait3A_184] : memref<3x4x128xi32, #tpu.memory_space<vmem>> -> memref<1x4x128xi32, #tpu.memory_space<vmem>>
    %dma_wait3A_186 = tpu.memref_squeeze %dma_wait3A_185 : memref<1x4x128xi32, #tpu.memory_space<vmem>> -> memref<4x128xi32, #tpu.memory_space<vmem>>
    %dma_wait3A_187 = arith.constant 0 : i32
    %dma_wait3A_188 = arith.constant 0 : i32
    %dma_wait3A_189 = tpu.memref_slice %arg3[%dma_wait3A_170, %dma_wait3A_187, %dma_wait3A_188] : memref<2x25000x128xi32, #tpu.memory_space<hbm>> -> memref<1x25000x128xi32, #tpu.memory_space<hbm>>
    %dma_wait3A_190 = tpu.memref_squeeze %dma_wait3A_189 : memref<1x25000x128xi32, #tpu.memory_space<hbm>> -> memref<25000x128xi32, #tpu.memory_space<hbm>>
    %dma_wait3A_191 = arith.constant 0 : i32
    %dma_wait3A_192 = arith.constant 0 : i32
    %dma_wait3A_193 = tpu.memref_slice %dma_wait3A_190[%dma_wait3A_191, %dma_wait3A_192] : memref<25000x128xi32, #tpu.memory_space<hbm>> -> memref<4x128xi32, #tpu.memory_space<hbm>>
    tpu.wait_dma2 semaphore(%arg12 : memref<!tpu.dma_semaphore, #tpu.memory_space<semaphore_mem>>) src(%dma_wait3A_193 : memref<4x128xi32, #tpu.memory_space<hbm>>) dst(%dma_wait3A_186 : memref<4x128xi32, #tpu.memory_space<vmem>>)
    %dma_wait3A_194 = arith.constant 0 : i32
    %dma_wait3A_195 = arith.constant 0 : i32
    %dma_wait3A_196 = arith.constant 0 : i32
    %dma_wait3A_197 = arith.constant 0 : i32
    %dma_wait3A_198 = tpu.memref_slice %arg6[%dma_wait3A_195, %dma_wait3A_196, %dma_wait3A_197] : memref<3x4x128xi32, #tpu.memory_space<vmem>> -> memref<1x4x128xi32, #tpu.memory_space<vmem>>
    %dma_wait3A_199 = tpu.memref_squeeze %dma_wait3A_198 : memref<1x4x128xi32, #tpu.memory_space<vmem>> -> memref<4x128xi32, #tpu.memory_space<vmem>>
    %dma_wait3A_200 = arith.constant 0 : i32
    %dma_wait3A_201 = arith.constant 0 : i32
    %dma_wait3A_202 = tpu.memref_slice %arg3[%dma_wait3A_194, %dma_wait3A_200, %dma_wait3A_201] : memref<2x25000x128xi32, #tpu.memory_space<hbm>> -> memref<1x25000x128xi32, #tpu.memory_space<hbm>>
    %dma_wait3A_203 = tpu.memref_squeeze %dma_wait3A_202 : memref<1x25000x128xi32, #tpu.memory_space<hbm>> -> memref<25000x128xi32, #tpu.memory_space<hbm>>
    %dma_wait3A_204 = arith.constant 0 : i32
    %dma_wait3A_205 = arith.constant 0 : i32
    %dma_wait3A_206 = tpu.memref_slice %dma_wait3A_203[%dma_wait3A_204, %dma_wait3A_205] : memref<25000x128xi32, #tpu.memory_space<hbm>> -> memref<4x128xi32, #tpu.memory_space<hbm>>
    %dma_wait3A_207 = arith.constant 0 : i32
    %dma_wait3A_208 = arith.constant 0 : i32
    %dma_wait3A_209 = tpu.memref_slice %arg6[%dma_wait3A_195, %dma_wait3A_207, %dma_wait3A_208] : memref<3x4x128xi32, #tpu.memory_space<vmem>> -> memref<1x4x128xi32, #tpu.memory_space<vmem>>
    %dma_wait3A_210 = tpu.memref_squeeze %dma_wait3A_209 : memref<1x4x128xi32, #tpu.memory_space<vmem>> -> memref<4x128xi32, #tpu.memory_space<vmem>>
    %dma_wait3A_211 = arith.constant 0 : i32
    %dma_wait3A_212 = arith.constant 0 : i32
    %dma_wait3A_213 = tpu.memref_slice %arg3[%dma_wait3A_194, %dma_wait3A_211, %dma_wait3A_212] : memref<2x25000x128xi32, #tpu.memory_space<hbm>> -> memref<1x25000x128xi32, #tpu.memory_space<hbm>>
    %dma_wait3A_214 = tpu.memref_squeeze %dma_wait3A_213 : memref<1x25000x128xi32, #tpu.memory_space<hbm>> -> memref<25000x128xi32, #tpu.memory_space<hbm>>
    %dma_wait3A_215 = arith.constant 0 : i32
    %dma_wait3A_216 = arith.constant 0 : i32
    %dma_wait3A_217 = tpu.memref_slice %dma_wait3A_214[%dma_wait3A_215, %dma_wait3A_216] : memref<25000x128xi32, #tpu.memory_space<hbm>> -> memref<4x128xi32, #tpu.memory_space<hbm>>
    tpu.wait_dma2 semaphore(%arg12 : memref<!tpu.dma_semaphore, #tpu.memory_space<semaphore_mem>>) src(%dma_wait3A_217 : memref<4x128xi32, #tpu.memory_space<hbm>>) dst(%dma_wait3A_210 : memref<4x128xi32, #tpu.memory_space<vmem>>)
    %scan3A_218 = arith.constant 0 : i32
    %scan3A_219 = arith.constant 4 : i32
    %scan3A_220 = arith.addi %scan3A_218, %scan3A_219 : i32
    %scan3A_221 = arith.constant 1 : i32
    scf.for %scan3A_290 = %scan3A_218 to %scan3A_220 step %scan3A_221  : i32 {
      %mul3A_291 = arith.constant 1 : i32
      %mul3A_292 = arith.muli %scan3A_290, %mul3A_291 : i32
      %add3A_293 = arith.constant 0 : i32
      %add3A_294 = arith.addi %add3A_293, %mul3A_292 : i32
      %dma_start3A_295 = arith.constant 1 : i32
      %dma_start3A_296 = arith.constant 1 : i32
      %dma_start3A_297 = arith.constant 0 : i32
      %dma_start3A_298 = arith.constant 0 : i32
      %dma_start3A_299 = tpu.memref_slice %arg8[%dma_start3A_296, %add3A_294, %dma_start3A_297, %dma_start3A_298] : memref<3x4x128x16xf32, #tpu.memory_space<vmem>> -> memref<1x1x128x16xf32, #tpu.memory_space<vmem>>
      %dma_start3A_300 = tpu.memref_squeeze %dma_start3A_299 : memref<1x1x128x16xf32, #tpu.memory_space<vmem>> -> memref<128x16xf32, #tpu.memory_space<vmem>>
      %dma_start3A_301 = arith.constant 0 : i32
      %dma_start3A_302 = tpu.memref_slice %arg6[%dma_start3A_295, %add3A_294, %dma_start3A_301] : memref<3x4x128xi32, #tpu.memory_space<vmem>> -> memref<1x1x128xi32, #tpu.memory_space<vmem>>
      %dma_start3A_303 = tpu.memref_squeeze %dma_start3A_302 : memref<1x1x128xi32, #tpu.memory_space<vmem>> -> memref<128xi32, #tpu.memory_space<vmem>>
      %dma_start3A_304 = arith.constant 0 : i32
      %dma_start3A_305 = arith.constant 0 : i32
      %dma_start3A_306 = tpu.memref_slice %arg2[%dma_start3A_304, %dma_start3A_305] : memref<100000x16xf32, #tpu.memory_space<hbm>> -> memref<100000x16xf32, #tpu.memory_space<hbm>>
      tpu.enqueue_indirect_dma source(%dma_start3A_306 : memref<100000x16xf32, #tpu.memory_space<hbm>>) target(%dma_start3A_300 : memref<128x16xf32, #tpu.memory_space<vmem>>) offsets(%dma_start3A_303 : memref<128xi32, #tpu.memory_space<vmem>>) semaphore(%arg10 : memref<!tpu.dma_semaphore, #tpu.memory_space<semaphore_mem>>)
    }
    %scan3A_222 = arith.constant 4 : i32
    %add3A_223 = arith.constant 8 : i32
    %add3A_224 = arith.addi %mul3A_4, %add3A_223 : i32
    %dma_start3A_225 = arith.constant 0 : i32
    %dma_start3A_226 = arith.constant 2 : i32
    %dma_start3A_227 = arith.constant 0 : i32
    %dma_start3A_228 = arith.constant 0 : i32
    %dma_start3A_229 = tpu.memref_slice %arg6[%dma_start3A_226, %dma_start3A_227, %dma_start3A_228] : memref<3x4x128xi32, #tpu.memory_space<vmem>> -> memref<1x4x128xi32, #tpu.memory_space<vmem>>
    %dma_start3A_230 = tpu.memref_squeeze %dma_start3A_229 : memref<1x4x128xi32, #tpu.memory_space<vmem>> -> memref<4x128xi32, #tpu.memory_space<vmem>>
    %dma_start3A_231 = arith.constant 0 : i32
    %dma_start3A_232 = arith.constant 0 : i32
    %dma_start3A_233 = tpu.memref_slice %arg3[%dma_start3A_225, %dma_start3A_231, %dma_start3A_232] : memref<2x25000x128xi32, #tpu.memory_space<hbm>> -> memref<1x25000x128xi32, #tpu.memory_space<hbm>>
    %dma_start3A_234 = tpu.memref_squeeze %dma_start3A_233 : memref<1x25000x128xi32, #tpu.memory_space<hbm>> -> memref<25000x128xi32, #tpu.memory_space<hbm>>
    %dma_start3A_235 = arith.constant 0 : i32
    %dma_start3A_236 = tpu.memref_slice %dma_start3A_234[%add3A_224, %dma_start3A_235] : memref<25000x128xi32, #tpu.memory_space<hbm>> -> memref<4x128xi32, #tpu.memory_space<hbm>>
    %dma_start3A_237 = arith.constant 0 : i32
    %dma_start3A_238 = arith.constant 0 : i32
    %dma_start3A_239 = tpu.memref_slice %arg6[%dma_start3A_226, %dma_start3A_237, %dma_start3A_238] : memref<3x4x128xi32, #tpu.memory_space<vmem>> -> memref<1x4x128xi32, #tpu.memory_space<vmem>>
    %dma_start3A_240 = tpu.memref_squeeze %dma_start3A_239 : memref<1x4x128xi32, #tpu.memory_space<vmem>> -> memref<4x128xi32, #tpu.memory_space<vmem>>
    %dma_start3A_241 = arith.constant 0 : i32
    %dma_start3A_242 = arith.constant 0 : i32
    %dma_start3A_243 = tpu.memref_slice %arg3[%dma_start3A_225, %dma_start3A_241, %dma_start3A_242] : memref<2x25000x128xi32, #tpu.memory_space<hbm>> -> memref<1x25000x128xi32, #tpu.memory_space<hbm>>
    %dma_start3A_244 = tpu.memref_squeeze %dma_start3A_243 : memref<1x25000x128xi32, #tpu.memory_space<hbm>> -> memref<25000x128xi32, #tpu.memory_space<hbm>>
    %dma_start3A_245 = arith.constant 0 : i32
    %dma_start3A_246 = tpu.memref_slice %dma_start3A_244[%add3A_224, %dma_start3A_245] : memref<25000x128xi32, #tpu.memory_space<hbm>> -> memref<4x128xi32, #tpu.memory_space<hbm>>
    tpu.enqueue_dma source(%dma_start3A_246 : memref<4x128xi32, #tpu.memory_space<hbm>>) target(%dma_start3A_240 : memref<4x128xi32, #tpu.memory_space<vmem>>) target_semaphore(%arg12 : memref<!tpu.dma_semaphore, #tpu.memory_space<semaphore_mem>>)
    %add3A_247 = arith.constant 8 : i32
    %add3A_248 = arith.addi %mul3A_4, %add3A_247 : i32
    %dma_start3A_249 = arith.constant 1 : i32
    %dma_start3A_250 = arith.constant 2 : i32
    %dma_start3A_251 = arith.constant 0 : i32
    %dma_start3A_252 = arith.constant 0 : i32
    %dma_start3A_253 = tpu.memref_slice %arg7[%dma_start3A_250, %dma_start3A_251, %dma_start3A_252] : memref<3x4x128xi32, #tpu.memory_space<vmem>> -> memref<1x4x128xi32, #tpu.memory_space<vmem>>
    %dma_start3A_254 = tpu.memref_squeeze %dma_start3A_253 : memref<1x4x128xi32, #tpu.memory_space<vmem>> -> memref<4x128xi32, #tpu.memory_space<vmem>>
    %dma_start3A_255 = arith.constant 0 : i32
    %dma_start3A_256 = arith.constant 0 : i32
    %dma_start3A_257 = tpu.memref_slice %arg3[%dma_start3A_249, %dma_start3A_255, %dma_start3A_256] : memref<2x25000x128xi32, #tpu.memory_space<hbm>> -> memref<1x25000x128xi32, #tpu.memory_space<hbm>>
    %dma_start3A_258 = tpu.memref_squeeze %dma_start3A_257 : memref<1x25000x128xi32, #tpu.memory_space<hbm>> -> memref<25000x128xi32, #tpu.memory_space<hbm>>
    %dma_start3A_259 = arith.constant 0 : i32
    %dma_start3A_260 = tpu.memref_slice %dma_start3A_258[%add3A_248, %dma_start3A_259] : memref<25000x128xi32, #tpu.memory_space<hbm>> -> memref<4x128xi32, #tpu.memory_space<hbm>>
    %dma_start3A_261 = arith.constant 0 : i32
    %dma_start3A_262 = arith.constant 0 : i32
    %dma_start3A_263 = tpu.memref_slice %arg7[%dma_start3A_250, %dma_start3A_261, %dma_start3A_262] : memref<3x4x128xi32, #tpu.memory_space<vmem>> -> memref<1x4x128xi32, #tpu.memory_space<vmem>>
    %dma_start3A_264 = tpu.memref_squeeze %dma_start3A_263 : memref<1x4x128xi32, #tpu.memory_space<vmem>> -> memref<4x128xi32, #tpu.memory_space<vmem>>
    %dma_start3A_265 = arith.constant 0 : i32
    %dma_start3A_266 = arith.constant 0 : i32
    %dma_start3A_267 = tpu.memref_slice %arg3[%dma_start3A_249, %dma_start3A_265, %dma_start3A_266] : memref<2x25000x128xi32, #tpu.memory_space<hbm>> -> memref<1x25000x128xi32, #tpu.memory_space<hbm>>
    %dma_start3A_268 = tpu.memref_squeeze %dma_start3A_267 : memref<1x25000x128xi32, #tpu.memory_space<hbm>> -> memref<25000x128xi32, #tpu.memory_space<hbm>>
    %dma_start3A_269 = arith.constant 0 : i32
    %dma_start3A_270 = tpu.memref_slice %dma_start3A_268[%add3A_248, %dma_start3A_269] : memref<25000x128xi32, #tpu.memory_space<hbm>> -> memref<4x128xi32, #tpu.memory_space<hbm>>
    tpu.enqueue_dma source(%dma_start3A_270 : memref<4x128xi32, #tpu.memory_space<hbm>>) target(%dma_start3A_264 : memref<4x128xi32, #tpu.memory_space<vmem>>) target_semaphore(%arg12 : memref<!tpu.dma_semaphore, #tpu.memory_space<semaphore_mem>>)
    %sub3A_271 = arith.constant 0 : i32
    %sub3A_272 = arith.subi %min3A_23, %sub3A_271 : i32
    %sub3A_273 = arith.constant 1 : i32
    %sub3A_274 = arith.constant 1 : i32
    %sub3A_275 = arith.subi %sub3A_273, %sub3A_274 : i32
    %add3A_276 = arith.addi %sub3A_272, %sub3A_275 : i32
    %div3A_277 = arith.constant 1 : i32
    %div3A_278 = arith.divsi %add3A_276, %div3A_277 : i32
    %while3A = arith.constant 1 : i32
    %while3A_279 = arith.constant 0 : i32
    %while3A_280 = arith.constant 0 : i32
    %while3A_281 = arith.subi %div3A_278, %while3A_280 : i32
    %while3A_282 = arith.addi %while3A_280, %while3A_281 : i32
    %while3A_283 = arith.constant 1 : i32
    %while3A_284 = arith.divsi %while3A_281, %while3A_283 : i32
    %while3A_285 = arith.muli %while3A_284, %while3A_283 : i32
    %while3A_286 = arith.addi %while3A_280, %while3A_285 : i32
    %while3A_287 = arith.constant 1 : i32
    scf.for %while3A_290 = %while3A_280 to %while3A_286 step %while3A_287  : i32 {
      %mul3A_291 = arith.muli %while3A_290, %while3A : i32
      %add3A_292 = arith.addi %while3A_279, %mul3A_291 : i32
      %rem3A_293 = arith.constant 3 : i32
      %rem3A_294 = arith.remsi %add3A_292, %rem3A_293 : i32
      %scan3A_295 = arith.constant 0 : i32
      %scan3A_296 = arith.constant 4 : i32
      %scan3A_297 = arith.addi %scan3A_295, %scan3A_296 : i32
      %scan3A_298 = arith.constant 1 : i32
      scf.for %scan3A_319 = %scan3A_295 to %scan3A_297 step %scan3A_298  : i32 {
        %mul3A_320 = arith.constant 1 : i32
        %mul3A_321 = arith.muli %scan3A_319, %mul3A_320 : i32
        %add3A_322 = arith.constant 0 : i32
        %add3A_323 = arith.addi %add3A_322, %mul3A_321 : i32
        %dma_wait3A_324 = arith.constant 0 : i32
        %dma_wait3A_325 = arith.constant 0 : i32
        %dma_wait3A_326 = arith.constant 0 : i32
        %dma_wait3A_327 = tpu.memref_slice %arg8[%rem3A_294, %dma_wait3A_324, %dma_wait3A_325, %dma_wait3A_326] : memref<3x4x128x16xf32, #tpu.memory_space<vmem>> -> memref<1x1x128x16xf32, #tpu.memory_space<vmem>>
        %dma_wait3A_328 = tpu.memref_squeeze %dma_wait3A_327 : memref<1x1x128x16xf32, #tpu.memory_space<vmem>> -> memref<128x16xf32, #tpu.memory_space<vmem>>
        %dma_wait3A_329 = arith.constant 0 : i32
        %dma_wait3A_330 = arith.constant 0 : i32
        %dma_wait3A_331 = tpu.memref_slice %arg2[%dma_wait3A_329, %dma_wait3A_330] : memref<100000x16xf32, #tpu.memory_space<hbm>> -> memref<128x16xf32, #tpu.memory_space<hbm>>
        %dma_wait3A_332 = arith.constant 0 : i32
        %dma_wait3A_333 = arith.constant 0 : i32
        %dma_wait3A_334 = tpu.memref_slice %arg8[%rem3A_294, %dma_wait3A_324, %dma_wait3A_332, %dma_wait3A_333] : memref<3x4x128x16xf32, #tpu.memory_space<vmem>> -> memref<1x1x128x16xf32, #tpu.memory_space<vmem>>
        %dma_wait3A_335 = tpu.memref_squeeze %dma_wait3A_334 : memref<1x1x128x16xf32, #tpu.memory_space<vmem>> -> memref<128x16xf32, #tpu.memory_space<vmem>>
        %dma_wait3A_336 = arith.constant 0 : i32
        %dma_wait3A_337 = arith.constant 0 : i32
        %dma_wait3A_338 = tpu.memref_slice %arg2[%dma_wait3A_336, %dma_wait3A_337] : memref<100000x16xf32, #tpu.memory_space<hbm>> -> memref<128x16xf32, #tpu.memory_space<hbm>>
        tpu.wait_dma2 semaphore(%arg10 : memref<!tpu.dma_semaphore, #tpu.memory_space<semaphore_mem>>) src(%dma_wait3A_338 : memref<128x16xf32, #tpu.memory_space<hbm>>) dst(%dma_wait3A_335 : memref<128x16xf32, #tpu.memory_space<vmem>>)
      }
      %scan3A_299 = arith.constant 4 : i32
      %add3A_300 = arith.constant 2 : i32
      %add3A_301 = arith.addi %add3A_292, %add3A_300 : i32
      %lt3A = arith.cmpi slt, %add3A_301, %min3A_23 : i32
      %convert_element_type3A = arith.extui %lt3A : i1 to i32
      %cond3A = arith.constant 0 : i32
      %cond3A_302 = arith.cmpi ne, %convert_element_type3A, %cond3A : i32
      scf.if %cond3A_302 {
        %dma_wait3A_319 = arith.constant 0 : i32
        %dma_wait3A_320 = arith.constant 0 : i32
        %dma_wait3A_321 = arith.constant 0 : i32
        %dma_wait3A_322 = arith.constant 0 : i32
        %dma_wait3A_323 = tpu.memref_slice %arg6[%dma_wait3A_320, %dma_wait3A_321, %dma_wait3A_322] : memref<3x4x128xi32, #tpu.memory_space<vmem>> -> memref<1x4x128xi32, #tpu.memory_space<vmem>>
        %dma_wait3A_324 = tpu.memref_squeeze %dma_wait3A_323 : memref<1x4x128xi32, #tpu.memory_space<vmem>> -> memref<4x128xi32, #tpu.memory_space<vmem>>
        %dma_wait3A_325 = arith.constant 0 : i32
        %dma_wait3A_326 = arith.constant 0 : i32
        %dma_wait3A_327 = tpu.memref_slice %arg3[%dma_wait3A_319, %dma_wait3A_325, %dma_wait3A_326] : memref<2x25000x128xi32, #tpu.memory_space<hbm>> -> memref<1x25000x128xi32, #tpu.memory_space<hbm>>
        %dma_wait3A_328 = tpu.memref_squeeze %dma_wait3A_327 : memref<1x25000x128xi32, #tpu.memory_space<hbm>> -> memref<25000x128xi32, #tpu.memory_space<hbm>>
        %dma_wait3A_329 = arith.constant 0 : i32
        %dma_wait3A_330 = arith.constant 0 : i32
        %dma_wait3A_331 = tpu.memref_slice %dma_wait3A_328[%dma_wait3A_329, %dma_wait3A_330] : memref<25000x128xi32, #tpu.memory_space<hbm>> -> memref<4x128xi32, #tpu.memory_space<hbm>>
        %dma_wait3A_332 = arith.constant 0 : i32
        %dma_wait3A_333 = arith.constant 0 : i32
        %dma_wait3A_334 = tpu.memref_slice %arg6[%dma_wait3A_320, %dma_wait3A_332, %dma_wait3A_333] : memref<3x4x128xi32, #tpu.memory_space<vmem>> -> memref<1x4x128xi32, #tpu.memory_space<vmem>>
        %dma_wait3A_335 = tpu.memref_squeeze %dma_wait3A_334 : memref<1x4x128xi32, #tpu.memory_space<vmem>> -> memref<4x128xi32, #tpu.memory_space<vmem>>
        %dma_wait3A_336 = arith.constant 0 : i32
        %dma_wait3A_337 = arith.constant 0 : i32
        %dma_wait3A_338 = tpu.memref_slice %arg3[%dma_wait3A_319, %dma_wait3A_336, %dma_wait3A_337] : memref<2x25000x128xi32, #tpu.memory_space<hbm>> -> memref<1x25000x128xi32, #tpu.memory_space<hbm>>
        %dma_wait3A_339 = tpu.memref_squeeze %dma_wait3A_338 : memref<1x25000x128xi32, #tpu.memory_space<hbm>> -> memref<25000x128xi32, #tpu.memory_space<hbm>>
        %dma_wait3A_340 = arith.constant 0 : i32
        %dma_wait3A_341 = arith.constant 0 : i32
        %dma_wait3A_342 = tpu.memref_slice %dma_wait3A_339[%dma_wait3A_340, %dma_wait3A_341] : memref<25000x128xi32, #tpu.memory_space<hbm>> -> memref<4x128xi32, #tpu.memory_space<hbm>>
        tpu.wait_dma2 semaphore(%arg12 : memref<!tpu.dma_semaphore, #tpu.memory_space<semaphore_mem>>) src(%dma_wait3A_342 : memref<4x128xi32, #tpu.memory_space<hbm>>) dst(%dma_wait3A_335 : memref<4x128xi32, #tpu.memory_space<vmem>>)
        %dma_wait3A_343 = arith.constant 0 : i32
        %dma_wait3A_344 = arith.constant 0 : i32
        %dma_wait3A_345 = arith.constant 0 : i32
        %dma_wait3A_346 = arith.constant 0 : i32
        %dma_wait3A_347 = tpu.memref_slice %arg6[%dma_wait3A_344, %dma_wait3A_345, %dma_wait3A_346] : memref<3x4x128xi32, #tpu.memory_space<vmem>> -> memref<1x4x128xi32, #tpu.memory_space<vmem>>
        %dma_wait3A_348 = tpu.memref_squeeze %dma_wait3A_347 : memref<1x4x128xi32, #tpu.memory_space<vmem>> -> memref<4x128xi32, #tpu.memory_space<vmem>>
        %dma_wait3A_349 = arith.constant 0 : i32
        %dma_wait3A_350 = arith.constant 0 : i32
        %dma_wait3A_351 = tpu.memref_slice %arg3[%dma_wait3A_343, %dma_wait3A_349, %dma_wait3A_350] : memref<2x25000x128xi32, #tpu.memory_space<hbm>> -> memref<1x25000x128xi32, #tpu.memory_space<hbm>>
        %dma_wait3A_352 = tpu.memref_squeeze %dma_wait3A_351 : memref<1x25000x128xi32, #tpu.memory_space<hbm>> -> memref<25000x128xi32, #tpu.memory_space<hbm>>
        %dma_wait3A_353 = arith.constant 0 : i32
        %dma_wait3A_354 = arith.constant 0 : i32
        %dma_wait3A_355 = tpu.memref_slice %dma_wait3A_352[%dma_wait3A_353, %dma_wait3A_354] : memref<25000x128xi32, #tpu.memory_space<hbm>> -> memref<4x128xi32, #tpu.memory_space<hbm>>
        %dma_wait3A_356 = arith.constant 0 : i32
        %dma_wait3A_357 = arith.constant 0 : i32
        %dma_wait3A_358 = tpu.memref_slice %arg6[%dma_wait3A_344, %dma_wait3A_356, %dma_wait3A_357] : memref<3x4x128xi32, #tpu.memory_space<vmem>> -> memref<1x4x128xi32, #tpu.memory_space<vmem>>
        %dma_wait3A_359 = tpu.memref_squeeze %dma_wait3A_358 : memref<1x4x128xi32, #tpu.memory_space<vmem>> -> memref<4x128xi32, #tpu.memory_space<vmem>>
        %dma_wait3A_360 = arith.constant 0 : i32
        %dma_wait3A_361 = arith.constant 0 : i32
        %dma_wait3A_362 = tpu.memref_slice %arg3[%dma_wait3A_343, %dma_wait3A_360, %dma_wait3A_361] : memref<2x25000x128xi32, #tpu.memory_space<hbm>> -> memref<1x25000x128xi32, #tpu.memory_space<hbm>>
        %dma_wait3A_363 = tpu.memref_squeeze %dma_wait3A_362 : memref<1x25000x128xi32, #tpu.memory_space<hbm>> -> memref<25000x128xi32, #tpu.memory_space<hbm>>
        %dma_wait3A_364 = arith.constant 0 : i32
        %dma_wait3A_365 = arith.constant 0 : i32
        %dma_wait3A_366 = tpu.memref_slice %dma_wait3A_363[%dma_wait3A_364, %dma_wait3A_365] : memref<25000x128xi32, #tpu.memory_space<hbm>> -> memref<4x128xi32, #tpu.memory_space<hbm>>
        tpu.wait_dma2 semaphore(%arg12 : memref<!tpu.dma_semaphore, #tpu.memory_space<semaphore_mem>>) src(%dma_wait3A_366 : memref<4x128xi32, #tpu.memory_space<hbm>>) dst(%dma_wait3A_359 : memref<4x128xi32, #tpu.memory_space<vmem>>)
        %add3A_367 = arith.constant 2 : i32
        %add3A_368 = arith.addi %add3A_292, %add3A_367 : i32
        %rem3A_369 = arith.constant 3 : i32
        %rem3A_370 = arith.remsi %add3A_368, %rem3A_369 : i32
        %scan3A_371 = arith.constant 0 : i32
        %scan3A_372 = arith.constant 4 : i32
        %scan3A_373 = arith.addi %scan3A_371, %scan3A_372 : i32
        %scan3A_374 = arith.constant 1 : i32
        scf.for %scan3A_376 = %scan3A_371 to %scan3A_373 step %scan3A_374  : i32 {
          %mul3A_377 = arith.constant 1 : i32
          %mul3A_378 = arith.muli %scan3A_376, %mul3A_377 : i32
          %add3A_379 = arith.constant 0 : i32
          %add3A_380 = arith.addi %add3A_379, %mul3A_378 : i32
          %dma_start3A_381 = arith.constant 0 : i32
          %dma_start3A_382 = arith.constant 0 : i32
          %dma_start3A_383 = tpu.memref_slice %arg8[%rem3A_370, %add3A_380, %dma_start3A_381, %dma_start3A_382] : memref<3x4x128x16xf32, #tpu.memory_space<vmem>> -> memref<1x1x128x16xf32, #tpu.memory_space<vmem>>
          %dma_start3A_384 = tpu.memref_squeeze %dma_start3A_383 : memref<1x1x128x16xf32, #tpu.memory_space<vmem>> -> memref<128x16xf32, #tpu.memory_space<vmem>>
          %dma_start3A_385 = arith.constant 0 : i32
          %dma_start3A_386 = tpu.memref_slice %arg6[%rem3A_370, %add3A_380, %dma_start3A_385] : memref<3x4x128xi32, #tpu.memory_space<vmem>> -> memref<1x1x128xi32, #tpu.memory_space<vmem>>
          %dma_start3A_387 = tpu.memref_squeeze %dma_start3A_386 : memref<1x1x128xi32, #tpu.memory_space<vmem>> -> memref<128xi32, #tpu.memory_space<vmem>>
          %dma_start3A_388 = arith.constant 0 : i32
          %dma_start3A_389 = arith.constant 0 : i32
          %dma_start3A_390 = tpu.memref_slice %arg2[%dma_start3A_388, %dma_start3A_389] : memref<100000x16xf32, #tpu.memory_space<hbm>> -> memref<100000x16xf32, #tpu.memory_space<hbm>>
          tpu.enqueue_indirect_dma source(%dma_start3A_390 : memref<100000x16xf32, #tpu.memory_space<hbm>>) target(%dma_start3A_384 : memref<128x16xf32, #tpu.memory_space<vmem>>) offsets(%dma_start3A_387 : memref<128xi32, #tpu.memory_space<vmem>>) semaphore(%arg10 : memref<!tpu.dma_semaphore, #tpu.memory_space<semaphore_mem>>)
        }
        %scan3A_375 = arith.constant 4 : i32
      } else {
      }
      %scan3A_303 = arith.constant 0 : i32
      %scan3A_304 = arith.constant 4 : i32
      %scan3A_305 = arith.addi %scan3A_303, %scan3A_304 : i32
      %scan3A_306 = arith.constant 1 : i32
      scf.for %scan3A_319 = %scan3A_303 to %scan3A_305 step %scan3A_306  : i32 {
        %mul3A_320 = arith.constant 1 : i32
        %mul3A_321 = arith.muli %scan3A_319, %mul3A_320 : i32
        %add3A_322 = arith.constant 0 : i32
        %add3A_323 = arith.addi %add3A_322, %mul3A_321 : i32
        %dma_start3A_324 = arith.constant 0 : i32
        %dma_start3A_325 = arith.constant 0 : i32
        %dma_start3A_326 = tpu.memref_slice %arg8[%rem3A_294, %add3A_323, %dma_start3A_324, %dma_start3A_325] : memref<3x4x128x16xf32, #tpu.memory_space<vmem>> -> memref<1x1x128x16xf32, #tpu.memory_space<vmem>>
        %dma_start3A_327 = tpu.memref_squeeze %dma_start3A_326 : memref<1x1x128x16xf32, #tpu.memory_space<vmem>> -> memref<128x16xf32, #tpu.memory_space<vmem>>
        %dma_start3A_328 = arith.constant 0 : i32
        %dma_start3A_329 = tpu.memref_slice %arg7[%rem3A_294, %add3A_323, %dma_start3A_328] : memref<3x4x128xi32, #tpu.memory_space<vmem>> -> memref<1x1x128xi32, #tpu.memory_space<vmem>>
        %dma_start3A_330 = tpu.memref_squeeze %dma_start3A_329 : memref<1x1x128xi32, #tpu.memory_space<vmem>> -> memref<128xi32, #tpu.memory_space<vmem>>
        %dma_start3A_331 = arith.constant 0 : i32
        %dma_start3A_332 = arith.constant 0 : i32
        %dma_start3A_333 = tpu.memref_slice %arg9[%dma_start3A_331, %dma_start3A_332] : memref<100352x16xf32, #tpu.memory_space<vmem_shared>> -> memref<100352x16xf32, #tpu.memory_space<vmem_shared>>
        tpu.enqueue_indirect_dma source(%dma_start3A_327 : memref<128x16xf32, #tpu.memory_space<vmem>>) target(%dma_start3A_333 : memref<100352x16xf32, #tpu.memory_space<vmem_shared>>) offsets(%dma_start3A_330 : memref<128xi32, #tpu.memory_space<vmem>>) semaphore(%arg11 : memref<!tpu.dma_semaphore, #tpu.memory_space<semaphore_mem>>) {add = true}
      }
      %scan3A_307 = arith.constant 4 : i32
      %scan3A_308 = arith.constant 0 : i32
      %scan3A_309 = arith.constant 4 : i32
      %scan3A_310 = arith.addi %scan3A_308, %scan3A_309 : i32
      %scan3A_311 = arith.constant 1 : i32
      scf.for %scan3A_319 = %scan3A_308 to %scan3A_310 step %scan3A_311  : i32 {
        %mul3A_320 = arith.constant 1 : i32
        %mul3A_321 = arith.muli %scan3A_319, %mul3A_320 : i32
        %add3A_322 = arith.constant 0 : i32
        %add3A_323 = arith.addi %add3A_322, %mul3A_321 : i32
        %dma_wait3A_324 = arith.constant 0 : i32
        %dma_wait3A_325 = arith.constant 0 : i32
        %dma_wait3A_326 = arith.constant 0 : i32
        %dma_wait3A_327 = tpu.memref_slice %arg8[%rem3A_294, %dma_wait3A_324, %dma_wait3A_325, %dma_wait3A_326] : memref<3x4x128x16xf32, #tpu.memory_space<vmem>> -> memref<1x1x128x16xf32, #tpu.memory_space<vmem>>
        %dma_wait3A_328 = tpu.memref_squeeze %dma_wait3A_327 : memref<1x1x128x16xf32, #tpu.memory_space<vmem>> -> memref<128x16xf32, #tpu.memory_space<vmem>>
        %dma_wait3A_329 = arith.constant 0 : i32
        %dma_wait3A_330 = arith.constant 0 : i32
        %dma_wait3A_331 = tpu.memref_slice %arg9[%dma_wait3A_329, %dma_wait3A_330] : memref<100352x16xf32, #tpu.memory_space<vmem_shared>> -> memref<128x16xf32, #tpu.memory_space<vmem_shared>>
        %dma_wait3A_332 = arith.constant 0 : i32
        %dma_wait3A_333 = arith.constant 0 : i32
        %dma_wait3A_334 = tpu.memref_slice %arg9[%dma_wait3A_332, %dma_wait3A_333] : memref<100352x16xf32, #tpu.memory_space<vmem_shared>> -> memref<128x16xf32, #tpu.memory_space<vmem_shared>>
        %dma_wait3A_335 = arith.constant 0 : i32
        %dma_wait3A_336 = arith.constant 0 : i32
        %dma_wait3A_337 = tpu.memref_slice %arg8[%rem3A_294, %dma_wait3A_324, %dma_wait3A_335, %dma_wait3A_336] : memref<3x4x128x16xf32, #tpu.memory_space<vmem>> -> memref<1x1x128x16xf32, #tpu.memory_space<vmem>>
        %dma_wait3A_338 = tpu.memref_squeeze %dma_wait3A_337 : memref<1x1x128x16xf32, #tpu.memory_space<vmem>> -> memref<128x16xf32, #tpu.memory_space<vmem>>
        tpu.wait_dma2 semaphore(%arg11 : memref<!tpu.dma_semaphore, #tpu.memory_space<semaphore_mem>>) src(%dma_wait3A_338 : memref<128x16xf32, #tpu.memory_space<vmem>>) dst(%dma_wait3A_334 : memref<128x16xf32, #tpu.memory_space<vmem_shared>>)
      }
      %scan3A_312 = arith.constant 4 : i32
      %add3A_313 = arith.constant 3 : i32
      %add3A_314 = arith.addi %add3A_292, %add3A_313 : i32
      %lt3A_315 = arith.cmpi slt, %add3A_314, %min3A_23 : i32
      %convert_element_type3A_316 = arith.extui %lt3A_315 : i1 to i32
      %cond3A_317 = arith.constant 0 : i32
      %cond3A_318 = arith.cmpi ne, %convert_element_type3A_316, %cond3A_317 : i32
      scf.if %cond3A_318 {
        %add3A_319 = arith.constant 3 : i32
        %add3A_320 = arith.addi %add3A_292, %add3A_319 : i32
        %mul3A_321 = arith.constant 4 : i32
        %mul3A_322 = arith.muli %add3A_320, %mul3A_321 : i32
        %add3A_323 = arith.addi %mul3A_4, %mul3A_322 : i32
        %dma_start3A_324 = arith.constant 0 : i32
        %dma_start3A_325 = arith.constant 0 : i32
        %dma_start3A_326 = arith.constant 0 : i32
        %dma_start3A_327 = tpu.memref_slice %arg6[%rem3A_294, %dma_start3A_325, %dma_start3A_326] : memref<3x4x128xi32, #tpu.memory_space<vmem>> -> memref<1x4x128xi32, #tpu.memory_space<vmem>>
        %dma_start3A_328 = tpu.memref_squeeze %dma_start3A_327 : memref<1x4x128xi32, #tpu.memory_space<vmem>> -> memref<4x128xi32, #tpu.memory_space<vmem>>
        %dma_start3A_329 = arith.constant 0 : i32
        %dma_start3A_330 = arith.constant 0 : i32
        %dma_start3A_331 = tpu.memref_slice %arg3[%dma_start3A_324, %dma_start3A_329, %dma_start3A_330] : memref<2x25000x128xi32, #tpu.memory_space<hbm>> -> memref<1x25000x128xi32, #tpu.memory_space<hbm>>
        %dma_start3A_332 = tpu.memref_squeeze %dma_start3A_331 : memref<1x25000x128xi32, #tpu.memory_space<hbm>> -> memref<25000x128xi32, #tpu.memory_space<hbm>>
        %dma_start3A_333 = arith.constant 0 : i32
        %dma_start3A_334 = tpu.memref_slice %dma_start3A_332[%add3A_323, %dma_start3A_333] : memref<25000x128xi32, #tpu.memory_space<hbm>> -> memref<4x128xi32, #tpu.memory_space<hbm>>
        %dma_start3A_335 = arith.constant 0 : i32
        %dma_start3A_336 = arith.constant 0 : i32
        %dma_start3A_337 = tpu.memref_slice %arg6[%rem3A_294, %dma_start3A_335, %dma_start3A_336] : memref<3x4x128xi32, #tpu.memory_space<vmem>> -> memref<1x4x128xi32, #tpu.memory_space<vmem>>
        %dma_start3A_338 = tpu.memref_squeeze %dma_start3A_337 : memref<1x4x128xi32, #tpu.memory_space<vmem>> -> memref<4x128xi32, #tpu.memory_space<vmem>>
        %dma_start3A_339 = arith.constant 0 : i32
        %dma_start3A_340 = arith.constant 0 : i32
        %dma_start3A_341 = tpu.memref_slice %arg3[%dma_start3A_324, %dma_start3A_339, %dma_start3A_340] : memref<2x25000x128xi32, #tpu.memory_space<hbm>> -> memref<1x25000x128xi32, #tpu.memory_space<hbm>>
        %dma_start3A_342 = tpu.memref_squeeze %dma_start3A_341 : memref<1x25000x128xi32, #tpu.memory_space<hbm>> -> memref<25000x128xi32, #tpu.memory_space<hbm>>
        %dma_start3A_343 = arith.constant 0 : i32
        %dma_start3A_344 = tpu.memref_slice %dma_start3A_342[%add3A_323, %dma_start3A_343] : memref<25000x128xi32, #tpu.memory_space<hbm>> -> memref<4x128xi32, #tpu.memory_space<hbm>>
        tpu.enqueue_dma source(%dma_start3A_344 : memref<4x128xi32, #tpu.memory_space<hbm>>) target(%dma_start3A_338 : memref<4x128xi32, #tpu.memory_space<vmem>>) target_semaphore(%arg12 : memref<!tpu.dma_semaphore, #tpu.memory_space<semaphore_mem>>)
        %mul3A_345 = arith.constant 4 : i32
        %mul3A_346 = arith.muli %add3A_320, %mul3A_345 : i32
        %add3A_347 = arith.addi %mul3A_4, %mul3A_346 : i32
        %dma_start3A_348 = arith.constant 1 : i32
        %dma_start3A_349 = arith.constant 0 : i32
        %dma_start3A_350 = arith.constant 0 : i32
        %dma_start3A_351 = tpu.memref_slice %arg7[%rem3A_294, %dma_start3A_349, %dma_start3A_350] : memref<3x4x128xi32, #tpu.memory_space<vmem>> -> memref<1x4x128xi32, #tpu.memory_space<vmem>>
        %dma_start3A_352 = tpu.memref_squeeze %dma_start3A_351 : memref<1x4x128xi32, #tpu.memory_space<vmem>> -> memref<4x128xi32, #tpu.memory_space<vmem>>
        %dma_start3A_353 = arith.constant 0 : i32
        %dma_start3A_354 = arith.constant 0 : i32
        %dma_start3A_355 = tpu.memref_slice %arg3[%dma_start3A_348, %dma_start3A_353, %dma_start3A_354] : memref<2x25000x128xi32, #tpu.memory_space<hbm>> -> memref<1x25000x128xi32, #tpu.memory_space<hbm>>
        %dma_start3A_356 = tpu.memref_squeeze %dma_start3A_355 : memref<1x25000x128xi32, #tpu.memory_space<hbm>> -> memref<25000x128xi32, #tpu.memory_space<hbm>>
        %dma_start3A_357 = arith.constant 0 : i32
        %dma_start3A_358 = tpu.memref_slice %dma_start3A_356[%add3A_347, %dma_start3A_357] : memref<25000x128xi32, #tpu.memory_space<hbm>> -> memref<4x128xi32, #tpu.memory_space<hbm>>
        %dma_start3A_359 = arith.constant 0 : i32
        %dma_start3A_360 = arith.constant 0 : i32
        %dma_start3A_361 = tpu.memref_slice %arg7[%rem3A_294, %dma_start3A_359, %dma_start3A_360] : memref<3x4x128xi32, #tpu.memory_space<vmem>> -> memref<1x4x128xi32, #tpu.memory_space<vmem>>
        %dma_start3A_362 = tpu.memref_squeeze %dma_start3A_361 : memref<1x4x128xi32, #tpu.memory_space<vmem>> -> memref<4x128xi32, #tpu.memory_space<vmem>>
        %dma_start3A_363 = arith.constant 0 : i32
        %dma_start3A_364 = arith.constant 0 : i32
        %dma_start3A_365 = tpu.memref_slice %arg3[%dma_start3A_348, %dma_start3A_363, %dma_start3A_364] : memref<2x25000x128xi32, #tpu.memory_space<hbm>> -> memref<1x25000x128xi32, #tpu.memory_space<hbm>>
        %dma_start3A_366 = tpu.memref_squeeze %dma_start3A_365 : memref<1x25000x128xi32, #tpu.memory_space<hbm>> -> memref<25000x128xi32, #tpu.memory_space<hbm>>
        %dma_start3A_367 = arith.constant 0 : i32
        %dma_start3A_368 = tpu.memref_slice %dma_start3A_366[%add3A_347, %dma_start3A_367] : memref<25000x128xi32, #tpu.memory_space<hbm>> -> memref<4x128xi32, #tpu.memory_space<hbm>>
        tpu.enqueue_dma source(%dma_start3A_368 : memref<4x128xi32, #tpu.memory_space<hbm>>) target(%dma_start3A_362 : memref<4x128xi32, #tpu.memory_space<vmem>>) target_semaphore(%arg12 : memref<!tpu.dma_semaphore, #tpu.memory_space<semaphore_mem>>)
      } else {
      }
    }
    %while3A_288 = arith.constant 1 : i32
    scf.for %while3A_290 = %while3A_286 to %while3A_282 step %while3A_288  : i32 {
      %mul3A_291 = arith.muli %while3A_290, %while3A : i32
      %add3A_292 = arith.addi %while3A_279, %mul3A_291 : i32
      %rem3A_293 = arith.constant 3 : i32
      %rem3A_294 = arith.remsi %add3A_292, %rem3A_293 : i32
      %scan3A_295 = arith.constant 0 : i32
      %scan3A_296 = arith.constant 4 : i32
      %scan3A_297 = arith.addi %scan3A_295, %scan3A_296 : i32
      %scan3A_298 = arith.constant 1 : i32
      scf.for %scan3A_319 = %scan3A_295 to %scan3A_297 step %scan3A_298  : i32 {
        %mul3A_320 = arith.constant 1 : i32
        %mul3A_321 = arith.muli %scan3A_319, %mul3A_320 : i32
        %add3A_322 = arith.constant 0 : i32
        %add3A_323 = arith.addi %add3A_322, %mul3A_321 : i32
        %dma_wait3A_324 = arith.constant 0 : i32
        %dma_wait3A_325 = arith.constant 0 : i32
        %dma_wait3A_326 = arith.constant 0 : i32
        %dma_wait3A_327 = tpu.memref_slice %arg8[%rem3A_294, %dma_wait3A_324, %dma_wait3A_325, %dma_wait3A_326] : memref<3x4x128x16xf32, #tpu.memory_space<vmem>> -> memref<1x1x128x16xf32, #tpu.memory_space<vmem>>
        %dma_wait3A_328 = tpu.memref_squeeze %dma_wait3A_327 : memref<1x1x128x16xf32, #tpu.memory_space<vmem>> -> memref<128x16xf32, #tpu.memory_space<vmem>>
        %dma_wait3A_329 = arith.constant 0 : i32
        %dma_wait3A_330 = arith.constant 0 : i32
        %dma_wait3A_331 = tpu.memref_slice %arg2[%dma_wait3A_329, %dma_wait3A_330] : memref<100000x16xf32, #tpu.memory_space<hbm>> -> memref<128x16xf32, #tpu.memory_space<hbm>>
        %dma_wait3A_332 = arith.constant 0 : i32
        %dma_wait3A_333 = arith.constant 0 : i32
        %dma_wait3A_334 = tpu.memref_slice %arg8[%rem3A_294, %dma_wait3A_324, %dma_wait3A_332, %dma_wait3A_333] : memref<3x4x128x16xf32, #tpu.memory_space<vmem>> -> memref<1x1x128x16xf32, #tpu.memory_space<vmem>>
        %dma_wait3A_335 = tpu.memref_squeeze %dma_wait3A_334 : memref<1x1x128x16xf32, #tpu.memory_space<vmem>> -> memref<128x16xf32, #tpu.memory_space<vmem>>
        %dma_wait3A_336 = arith.constant 0 : i32
        %dma_wait3A_337 = arith.constant 0 : i32
        %dma_wait3A_338 = tpu.memref_slice %arg2[%dma_wait3A_336, %dma_wait3A_337] : memref<100000x16xf32, #tpu.memory_space<hbm>> -> memref<128x16xf32, #tpu.memory_space<hbm>>
        tpu.wait_dma2 semaphore(%arg10 : memref<!tpu.dma_semaphore, #tpu.memory_space<semaphore_mem>>) src(%dma_wait3A_338 : memref<128x16xf32, #tpu.memory_space<hbm>>) dst(%dma_wait3A_335 : memref<128x16xf32, #tpu.memory_space<vmem>>)
      }
      %scan3A_299 = arith.constant 4 : i32
      %add3A_300 = arith.constant 2 : i32
      %add3A_301 = arith.addi %add3A_292, %add3A_300 : i32
      %lt3A = arith.cmpi slt, %add3A_301, %min3A_23 : i32
      %convert_element_type3A = arith.extui %lt3A : i1 to i32
      %cond3A = arith.constant 0 : i32
      %cond3A_302 = arith.cmpi ne, %convert_element_type3A, %cond3A : i32
      scf.if %cond3A_302 {
        %dma_wait3A_319 = arith.constant 0 : i32
        %dma_wait3A_320 = arith.constant 0 : i32
        %dma_wait3A_321 = arith.constant 0 : i32
        %dma_wait3A_322 = arith.constant 0 : i32
        %dma_wait3A_323 = tpu.memref_slice %arg6[%dma_wait3A_320, %dma_wait3A_321, %dma_wait3A_322] : memref<3x4x128xi32, #tpu.memory_space<vmem>> -> memref<1x4x128xi32, #tpu.memory_space<vmem>>
        %dma_wait3A_324 = tpu.memref_squeeze %dma_wait3A_323 : memref<1x4x128xi32, #tpu.memory_space<vmem>> -> memref<4x128xi32, #tpu.memory_space<vmem>>
        %dma_wait3A_325 = arith.constant 0 : i32
        %dma_wait3A_326 = arith.constant 0 : i32
        %dma_wait3A_327 = tpu.memref_slice %arg3[%dma_wait3A_319, %dma_wait3A_325, %dma_wait3A_326] : memref<2x25000x128xi32, #tpu.memory_space<hbm>> -> memref<1x25000x128xi32, #tpu.memory_space<hbm>>
        %dma_wait3A_328 = tpu.memref_squeeze %dma_wait3A_327 : memref<1x25000x128xi32, #tpu.memory_space<hbm>> -> memref<25000x128xi32, #tpu.memory_space<hbm>>
        %dma_wait3A_329 = arith.constant 0 : i32
        %dma_wait3A_330 = arith.constant 0 : i32
        %dma_wait3A_331 = tpu.memref_slice %dma_wait3A_328[%dma_wait3A_329, %dma_wait3A_330] : memref<25000x128xi32, #tpu.memory_space<hbm>> -> memref<4x128xi32, #tpu.memory_space<hbm>>
        %dma_wait3A_332 = arith.constant 0 : i32
        %dma_wait3A_333 = arith.constant 0 : i32
        %dma_wait3A_334 = tpu.memref_slice %arg6[%dma_wait3A_320, %dma_wait3A_332, %dma_wait3A_333] : memref<3x4x128xi32, #tpu.memory_space<vmem>> -> memref<1x4x128xi32, #tpu.memory_space<vmem>>
        %dma_wait3A_335 = tpu.memref_squeeze %dma_wait3A_334 : memref<1x4x128xi32, #tpu.memory_space<vmem>> -> memref<4x128xi32, #tpu.memory_space<vmem>>
        %dma_wait3A_336 = arith.constant 0 : i32
        %dma_wait3A_337 = arith.constant 0 : i32
        %dma_wait3A_338 = tpu.memref_slice %arg3[%dma_wait3A_319, %dma_wait3A_336, %dma_wait3A_337] : memref<2x25000x128xi32, #tpu.memory_space<hbm>> -> memref<1x25000x128xi32, #tpu.memory_space<hbm>>
        %dma_wait3A_339 = tpu.memref_squeeze %dma_wait3A_338 : memref<1x25000x128xi32, #tpu.memory_space<hbm>> -> memref<25000x128xi32, #tpu.memory_space<hbm>>
        %dma_wait3A_340 = arith.constant 0 : i32
        %dma_wait3A_341 = arith.constant 0 : i32
        %dma_wait3A_342 = tpu.memref_slice %dma_wait3A_339[%dma_wait3A_340, %dma_wait3A_341] : memref<25000x128xi32, #tpu.memory_space<hbm>> -> memref<4x128xi32, #tpu.memory_space<hbm>>
        tpu.wait_dma2 semaphore(%arg12 : memref<!tpu.dma_semaphore, #tpu.memory_space<semaphore_mem>>) src(%dma_wait3A_342 : memref<4x128xi32, #tpu.memory_space<hbm>>) dst(%dma_wait3A_335 : memref<4x128xi32, #tpu.memory_space<vmem>>)
        %dma_wait3A_343 = arith.constant 0 : i32
        %dma_wait3A_344 = arith.constant 0 : i32
        %dma_wait3A_345 = arith.constant 0 : i32
        %dma_wait3A_346 = arith.constant 0 : i32
        %dma_wait3A_347 = tpu.memref_slice %arg6[%dma_wait3A_344, %dma_wait3A_345, %dma_wait3A_346] : memref<3x4x128xi32, #tpu.memory_space<vmem>> -> memref<1x4x128xi32, #tpu.memory_space<vmem>>
        %dma_wait3A_348 = tpu.memref_squeeze %dma_wait3A_347 : memref<1x4x128xi32, #tpu.memory_space<vmem>> -> memref<4x128xi32, #tpu.memory_space<vmem>>
        %dma_wait3A_349 = arith.constant 0 : i32
        %dma_wait3A_350 = arith.constant 0 : i32
        %dma_wait3A_351 = tpu.memref_slice %arg3[%dma_wait3A_343, %dma_wait3A_349, %dma_wait3A_350] : memref<2x25000x128xi32, #tpu.memory_space<hbm>> -> memref<1x25000x128xi32, #tpu.memory_space<hbm>>
        %dma_wait3A_352 = tpu.memref_squeeze %dma_wait3A_351 : memref<1x25000x128xi32, #tpu.memory_space<hbm>> -> memref<25000x128xi32, #tpu.memory_space<hbm>>
        %dma_wait3A_353 = arith.constant 0 : i32
        %dma_wait3A_354 = arith.constant 0 : i32
        %dma_wait3A_355 = tpu.memref_slice %dma_wait3A_352[%dma_wait3A_353, %dma_wait3A_354] : memref<25000x128xi32, #tpu.memory_space<hbm>> -> memref<4x128xi32, #tpu.memory_space<hbm>>
        %dma_wait3A_356 = arith.constant 0 : i32
        %dma_wait3A_357 = arith.constant 0 : i32
        %dma_wait3A_358 = tpu.memref_slice %arg6[%dma_wait3A_344, %dma_wait3A_356, %dma_wait3A_357] : memref<3x4x128xi32, #tpu.memory_space<vmem>> -> memref<1x4x128xi32, #tpu.memory_space<vmem>>
        %dma_wait3A_359 = tpu.memref_squeeze %dma_wait3A_358 : memref<1x4x128xi32, #tpu.memory_space<vmem>> -> memref<4x128xi32, #tpu.memory_space<vmem>>
        %dma_wait3A_360 = arith.constant 0 : i32
        %dma_wait3A_361 = arith.constant 0 : i32
        %dma_wait3A_362 = tpu.memref_slice %arg3[%dma_wait3A_343, %dma_wait3A_360, %dma_wait3A_361] : memref<2x25000x128xi32, #tpu.memory_space<hbm>> -> memref<1x25000x128xi32, #tpu.memory_space<hbm>>
        %dma_wait3A_363 = tpu.memref_squeeze %dma_wait3A_362 : memref<1x25000x128xi32, #tpu.memory_space<hbm>> -> memref<25000x128xi32, #tpu.memory_space<hbm>>
        %dma_wait3A_364 = arith.constant 0 : i32
        %dma_wait3A_365 = arith.constant 0 : i32
        %dma_wait3A_366 = tpu.memref_slice %dma_wait3A_363[%dma_wait3A_364, %dma_wait3A_365] : memref<25000x128xi32, #tpu.memory_space<hbm>> -> memref<4x128xi32, #tpu.memory_space<hbm>>
        tpu.wait_dma2 semaphore(%arg12 : memref<!tpu.dma_semaphore, #tpu.memory_space<semaphore_mem>>) src(%dma_wait3A_366 : memref<4x128xi32, #tpu.memory_space<hbm>>) dst(%dma_wait3A_359 : memref<4x128xi32, #tpu.memory_space<vmem>>)
        %add3A_367 = arith.constant 2 : i32
        %add3A_368 = arith.addi %add3A_292, %add3A_367 : i32
        %rem3A_369 = arith.constant 3 : i32
        %rem3A_370 = arith.remsi %add3A_368, %rem3A_369 : i32
        %scan3A_371 = arith.constant 0 : i32
        %scan3A_372 = arith.constant 4 : i32
        %scan3A_373 = arith.addi %scan3A_371, %scan3A_372 : i32
        %scan3A_374 = arith.constant 1 : i32
        scf.for %scan3A_376 = %scan3A_371 to %scan3A_373 step %scan3A_374  : i32 {
          %mul3A_377 = arith.constant 1 : i32
          %mul3A_378 = arith.muli %scan3A_376, %mul3A_377 : i32
          %add3A_379 = arith.constant 0 : i32
          %add3A_380 = arith.addi %add3A_379, %mul3A_378 : i32
          %dma_start3A_381 = arith.constant 0 : i32
          %dma_start3A_382 = arith.constant 0 : i32
          %dma_start3A_383 = tpu.memref_slice %arg8[%rem3A_370, %add3A_380, %dma_start3A_381, %dma_start3A_382] : memref<3x4x128x16xf32, #tpu.memory_space<vmem>> -> memref<1x1x128x16xf32, #tpu.memory_space<vmem>>
          %dma_start3A_384 = tpu.memref_squeeze %dma_start3A_383 : memref<1x1x128x16xf32, #tpu.memory_space<vmem>> -> memref<128x16xf32, #tpu.memory_space<vmem>>
          %dma_start3A_385 = arith.constant 0 : i32
          %dma_start3A_386 = tpu.memref_slice %arg6[%rem3A_370, %add3A_380, %dma_start3A_385] : memref<3x4x128xi32, #tpu.memory_space<vmem>> -> memref<1x1x128xi32, #tpu.memory_space<vmem>>
          %dma_start3A_387 = tpu.memref_squeeze %dma_start3A_386 : memref<1x1x128xi32, #tpu.memory_space<vmem>> -> memref<128xi32, #tpu.memory_space<vmem>>
          %dma_start3A_388 = arith.constant 0 : i32
          %dma_start3A_389 = arith.constant 0 : i32
          %dma_start3A_390 = tpu.memref_slice %arg2[%dma_start3A_388, %dma_start3A_389] : memref<100000x16xf32, #tpu.memory_space<hbm>> -> memref<100000x16xf32, #tpu.memory_space<hbm>>
          tpu.enqueue_indirect_dma source(%dma_start3A_390 : memref<100000x16xf32, #tpu.memory_space<hbm>>) target(%dma_start3A_384 : memref<128x16xf32, #tpu.memory_space<vmem>>) offsets(%dma_start3A_387 : memref<128xi32, #tpu.memory_space<vmem>>) semaphore(%arg10 : memref<!tpu.dma_semaphore, #tpu.memory_space<semaphore_mem>>)
        }
        %scan3A_375 = arith.constant 4 : i32
      } else {
      }
      %scan3A_303 = arith.constant 0 : i32
      %scan3A_304 = arith.constant 4 : i32
      %scan3A_305 = arith.addi %scan3A_303, %scan3A_304 : i32
      %scan3A_306 = arith.constant 1 : i32
      scf.for %scan3A_319 = %scan3A_303 to %scan3A_305 step %scan3A_306  : i32 {
        %mul3A_320 = arith.constant 1 : i32
        %mul3A_321 = arith.muli %scan3A_319, %mul3A_320 : i32
        %add3A_322 = arith.constant 0 : i32
        %add3A_323 = arith.addi %add3A_322, %mul3A_321 : i32
        %dma_start3A_324 = arith.constant 0 : i32
        %dma_start3A_325 = arith.constant 0 : i32
        %dma_start3A_326 = tpu.memref_slice %arg8[%rem3A_294, %add3A_323, %dma_start3A_324, %dma_start3A_325] : memref<3x4x128x16xf32, #tpu.memory_space<vmem>> -> memref<1x1x128x16xf32, #tpu.memory_space<vmem>>
        %dma_start3A_327 = tpu.memref_squeeze %dma_start3A_326 : memref<1x1x128x16xf32, #tpu.memory_space<vmem>> -> memref<128x16xf32, #tpu.memory_space<vmem>>
        %dma_start3A_328 = arith.constant 0 : i32
        %dma_start3A_329 = tpu.memref_slice %arg7[%rem3A_294, %add3A_323, %dma_start3A_328] : memref<3x4x128xi32, #tpu.memory_space<vmem>> -> memref<1x1x128xi32, #tpu.memory_space<vmem>>
        %dma_start3A_330 = tpu.memref_squeeze %dma_start3A_329 : memref<1x1x128xi32, #tpu.memory_space<vmem>> -> memref<128xi32, #tpu.memory_space<vmem>>
        %dma_start3A_331 = arith.constant 0 : i32
        %dma_start3A_332 = arith.constant 0 : i32
        %dma_start3A_333 = tpu.memref_slice %arg9[%dma_start3A_331, %dma_start3A_332] : memref<100352x16xf32, #tpu.memory_space<vmem_shared>> -> memref<100352x16xf32, #tpu.memory_space<vmem_shared>>
        tpu.enqueue_indirect_dma source(%dma_start3A_327 : memref<128x16xf32, #tpu.memory_space<vmem>>) target(%dma_start3A_333 : memref<100352x16xf32, #tpu.memory_space<vmem_shared>>) offsets(%dma_start3A_330 : memref<128xi32, #tpu.memory_space<vmem>>) semaphore(%arg11 : memref<!tpu.dma_semaphore, #tpu.memory_space<semaphore_mem>>) {add = true}
      }
      %scan3A_307 = arith.constant 4 : i32
      %scan3A_308 = arith.constant 0 : i32
      %scan3A_309 = arith.constant 4 : i32
      %scan3A_310 = arith.addi %scan3A_308, %scan3A_309 : i32
      %scan3A_311 = arith.constant 1 : i32
      scf.for %scan3A_319 = %scan3A_308 to %scan3A_310 step %scan3A_311  : i32 {
        %mul3A_320 = arith.constant 1 : i32
        %mul3A_321 = arith.muli %scan3A_319, %mul3A_320 : i32
        %add3A_322 = arith.constant 0 : i32
        %add3A_323 = arith.addi %add3A_322, %mul3A_321 : i32
        %dma_wait3A_324 = arith.constant 0 : i32
        %dma_wait3A_325 = arith.constant 0 : i32
        %dma_wait3A_326 = arith.constant 0 : i32
        %dma_wait3A_327 = tpu.memref_slice %arg8[%rem3A_294, %dma_wait3A_324, %dma_wait3A_325, %dma_wait3A_326] : memref<3x4x128x16xf32, #tpu.memory_space<vmem>> -> memref<1x1x128x16xf32, #tpu.memory_space<vmem>>
        %dma_wait3A_328 = tpu.memref_squeeze %dma_wait3A_327 : memref<1x1x128x16xf32, #tpu.memory_space<vmem>> -> memref<128x16xf32, #tpu.memory_space<vmem>>
        %dma_wait3A_329 = arith.constant 0 : i32
        %dma_wait3A_330 = arith.constant 0 : i32
        %dma_wait3A_331 = tpu.memref_slice %arg9[%dma_wait3A_329, %dma_wait3A_330] : memref<100352x16xf32, #tpu.memory_space<vmem_shared>> -> memref<128x16xf32, #tpu.memory_space<vmem_shared>>
        %dma_wait3A_332 = arith.constant 0 : i32
        %dma_wait3A_333 = arith.constant 0 : i32
        %dma_wait3A_334 = tpu.memref_slice %arg9[%dma_wait3A_332, %dma_wait3A_333] : memref<100352x16xf32, #tpu.memory_space<vmem_shared>> -> memref<128x16xf32, #tpu.memory_space<vmem_shared>>
        %dma_wait3A_335 = arith.constant 0 : i32
        %dma_wait3A_336 = arith.constant 0 : i32
        %dma_wait3A_337 = tpu.memref_slice %arg8[%rem3A_294, %dma_wait3A_324, %dma_wait3A_335, %dma_wait3A_336] : memref<3x4x128x16xf32, #tpu.memory_space<vmem>> -> memref<1x1x128x16xf32, #tpu.memory_space<vmem>>
        %dma_wait3A_338 = tpu.memref_squeeze %dma_wait3A_337 : memref<1x1x128x16xf32, #tpu.memory_space<vmem>> -> memref<128x16xf32, #tpu.memory_space<vmem>>
        tpu.wait_dma2 semaphore(%arg11 : memref<!tpu.dma_semaphore, #tpu.memory_space<semaphore_mem>>) src(%dma_wait3A_338 : memref<128x16xf32, #tpu.memory_space<vmem>>) dst(%dma_wait3A_334 : memref<128x16xf32, #tpu.memory_space<vmem_shared>>)
      }
      %scan3A_312 = arith.constant 4 : i32
      %add3A_313 = arith.constant 3 : i32
      %add3A_314 = arith.addi %add3A_292, %add3A_313 : i32
      %lt3A_315 = arith.cmpi slt, %add3A_314, %min3A_23 : i32
      %convert_element_type3A_316 = arith.extui %lt3A_315 : i1 to i32
      %cond3A_317 = arith.constant 0 : i32
      %cond3A_318 = arith.cmpi ne, %convert_element_type3A_316, %cond3A_317 : i32
      scf.if %cond3A_318 {
        %add3A_319 = arith.constant 3 : i32
        %add3A_320 = arith.addi %add3A_292, %add3A_319 : i32
        %mul3A_321 = arith.constant 4 : i32
        %mul3A_322 = arith.muli %add3A_320, %mul3A_321 : i32
        %add3A_323 = arith.addi %mul3A_4, %mul3A_322 : i32
        %dma_start3A_324 = arith.constant 0 : i32
        %dma_start3A_325 = arith.constant 0 : i32
        %dma_start3A_326 = arith.constant 0 : i32
        %dma_start3A_327 = tpu.memref_slice %arg6[%rem3A_294, %dma_start3A_325, %dma_start3A_326] : memref<3x4x128xi32, #tpu.memory_space<vmem>> -> memref<1x4x128xi32, #tpu.memory_space<vmem>>
        %dma_start3A_328 = tpu.memref_squeeze %dma_start3A_327 : memref<1x4x128xi32, #tpu.memory_space<vmem>> -> memref<4x128xi32, #tpu.memory_space<vmem>>
        %dma_start3A_329 = arith.constant 0 : i32
        %dma_start3A_330 = arith.constant 0 : i32
        %dma_start3A_331 = tpu.memref_slice %arg3[%dma_start3A_324, %dma_start3A_329, %dma_start3A_330] : memref<2x25000x128xi32, #tpu.memory_space<hbm>> -> memref<1x25000x128xi32, #tpu.memory_space<hbm>>
        %dma_start3A_332 = tpu.memref_squeeze %dma_start3A_331 : memref<1x25000x128xi32, #tpu.memory_space<hbm>> -> memref<25000x128xi32, #tpu.memory_space<hbm>>
        %dma_start3A_333 = arith.constant 0 : i32
        %dma_start3A_334 = tpu.memref_slice %dma_start3A_332[%add3A_323, %dma_start3A_333] : memref<25000x128xi32, #tpu.memory_space<hbm>> -> memref<4x128xi32, #tpu.memory_space<hbm>>
        %dma_start3A_335 = arith.constant 0 : i32
        %dma_start3A_336 = arith.constant 0 : i32
        %dma_start3A_337 = tpu.memref_slice %arg6[%rem3A_294, %dma_start3A_335, %dma_start3A_336] : memref<3x4x128xi32, #tpu.memory_space<vmem>> -> memref<1x4x128xi32, #tpu.memory_space<vmem>>
        %dma_start3A_338 = tpu.memref_squeeze %dma_start3A_337 : memref<1x4x128xi32, #tpu.memory_space<vmem>> -> memref<4x128xi32, #tpu.memory_space<vmem>>
        %dma_start3A_339 = arith.constant 0 : i32
        %dma_start3A_340 = arith.constant 0 : i32
        %dma_start3A_341 = tpu.memref_slice %arg3[%dma_start3A_324, %dma_start3A_339, %dma_start3A_340] : memref<2x25000x128xi32, #tpu.memory_space<hbm>> -> memref<1x25000x128xi32, #tpu.memory_space<hbm>>
        %dma_start3A_342 = tpu.memref_squeeze %dma_start3A_341 : memref<1x25000x128xi32, #tpu.memory_space<hbm>> -> memref<25000x128xi32, #tpu.memory_space<hbm>>
        %dma_start3A_343 = arith.constant 0 : i32
        %dma_start3A_344 = tpu.memref_slice %dma_start3A_342[%add3A_323, %dma_start3A_343] : memref<25000x128xi32, #tpu.memory_space<hbm>> -> memref<4x128xi32, #tpu.memory_space<hbm>>
        tpu.enqueue_dma source(%dma_start3A_344 : memref<4x128xi32, #tpu.memory_space<hbm>>) target(%dma_start3A_338 : memref<4x128xi32, #tpu.memory_space<vmem>>) target_semaphore(%arg12 : memref<!tpu.dma_semaphore, #tpu.memory_space<semaphore_mem>>)
        %mul3A_345 = arith.constant 4 : i32
        %mul3A_346 = arith.muli %add3A_320, %mul3A_345 : i32
        %add3A_347 = arith.addi %mul3A_4, %mul3A_346 : i32
        %dma_start3A_348 = arith.constant 1 : i32
        %dma_start3A_349 = arith.constant 0 : i32
        %dma_start3A_350 = arith.constant 0 : i32
        %dma_start3A_351 = tpu.memref_slice %arg7[%rem3A_294, %dma_start3A_349, %dma_start3A_350] : memref<3x4x128xi32, #tpu.memory_space<vmem>> -> memref<1x4x128xi32, #tpu.memory_space<vmem>>
        %dma_start3A_352 = tpu.memref_squeeze %dma_start3A_351 : memref<1x4x128xi32, #tpu.memory_space<vmem>> -> memref<4x128xi32, #tpu.memory_space<vmem>>
        %dma_start3A_353 = arith.constant 0 : i32
        %dma_start3A_354 = arith.constant 0 : i32
        %dma_start3A_355 = tpu.memref_slice %arg3[%dma_start3A_348, %dma_start3A_353, %dma_start3A_354] : memref<2x25000x128xi32, #tpu.memory_space<hbm>> -> memref<1x25000x128xi32, #tpu.memory_space<hbm>>
        %dma_start3A_356 = tpu.memref_squeeze %dma_start3A_355 : memref<1x25000x128xi32, #tpu.memory_space<hbm>> -> memref<25000x128xi32, #tpu.memory_space<hbm>>
        %dma_start3A_357 = arith.constant 0 : i32
        %dma_start3A_358 = tpu.memref_slice %dma_start3A_356[%add3A_347, %dma_start3A_357] : memref<25000x128xi32, #tpu.memory_space<hbm>> -> memref<4x128xi32, #tpu.memory_space<hbm>>
        %dma_start3A_359 = arith.constant 0 : i32
        %dma_start3A_360 = arith.constant 0 : i32
        %dma_start3A_361 = tpu.memref_slice %arg7[%rem3A_294, %dma_start3A_359, %dma_start3A_360] : memref<3x4x128xi32, #tpu.memory_space<vmem>> -> memref<1x4x128xi32, #tpu.memory_space<vmem>>
        %dma_start3A_362 = tpu.memref_squeeze %dma_start3A_361 : memref<1x4x128xi32, #tpu.memory_space<vmem>> -> memref<4x128xi32, #tpu.memory_space<vmem>>
        %dma_start3A_363 = arith.constant 0 : i32
        %dma_start3A_364 = arith.constant 0 : i32
        %dma_start3A_365 = tpu.memref_slice %arg3[%dma_start3A_348, %dma_start3A_363, %dma_start3A_364] : memref<2x25000x128xi32, #tpu.memory_space<hbm>> -> memref<1x25000x128xi32, #tpu.memory_space<hbm>>
        %dma_start3A_366 = tpu.memref_squeeze %dma_start3A_365 : memref<1x25000x128xi32, #tpu.memory_space<hbm>> -> memref<25000x128xi32, #tpu.memory_space<hbm>>
        %dma_start3A_367 = arith.constant 0 : i32
        %dma_start3A_368 = tpu.memref_slice %dma_start3A_366[%add3A_347, %dma_start3A_367] : memref<25000x128xi32, #tpu.memory_space<hbm>> -> memref<4x128xi32, #tpu.memory_space<hbm>>
        tpu.enqueue_dma source(%dma_start3A_368 : memref<4x128xi32, #tpu.memory_space<hbm>>) target(%dma_start3A_362 : memref<4x128xi32, #tpu.memory_space<vmem>>) target_semaphore(%arg12 : memref<!tpu.dma_semaphore, #tpu.memory_space<semaphore_mem>>)
      } else {
      }
    }
    %barrier3A_289 = arith.constant 0 : index
    tpu.barrier barrier_id(%barrier3A_289)
    "tpu.region"() ({
      %run_scoped3A = tpu.sem_alloc : memref<!tpu.dma_semaphore, #tpu.memory_space<semaphore_mem>>
      %dma_start3A_290 = arith.constant 0 : i32
      %dma_start3A_291 = arith.constant 0 : i32
      %dma_start3A_292 = tpu.memref_slice %arg5[%arg0, %dma_start3A_290, %dma_start3A_291] : memref<2x100352x16xf32, #tpu.memory_space<hbm>> -> memref<1x100352x16xf32, #tpu.memory_space<hbm>>
      %dma_start3A_293 = tpu.memref_squeeze %dma_start3A_292 : memref<1x100352x16xf32, #tpu.memory_space<hbm>> -> memref<100352x16xf32, #tpu.memory_space<hbm>>
      %dma_start3A_294 = arith.constant 0 : i32
      %dma_start3A_295 = tpu.memref_slice %dma_start3A_293[%mul3A_0, %dma_start3A_294] : memref<100352x16xf32, #tpu.memory_space<hbm>> -> memref<6272x16xf32, #tpu.memory_space<hbm>>
      %dma_start3A_296 = arith.constant 0 : i32
      %dma_start3A_297 = tpu.memref_slice %arg9[%mul3A_0, %dma_start3A_296] : memref<100352x16xf32, #tpu.memory_space<vmem_shared>> -> memref<6272x16xf32, #tpu.memory_space<vmem_shared>>
      tpu.enqueue_dma source(%dma_start3A_297 : memref<6272x16xf32, #tpu.memory_space<vmem_shared>>) target(%dma_start3A_295 : memref<6272x16xf32, #tpu.memory_space<hbm>>) target_semaphore(%run_scoped3A : memref<!tpu.dma_semaphore, #tpu.memory_space<semaphore_mem>>)
      %dma_wait3A_298 = arith.constant 0 : i32
      %dma_wait3A_299 = arith.constant 0 : i32
      %dma_wait3A_300 = tpu.memref_slice %arg5[%arg0, %dma_wait3A_298, %dma_wait3A_299] : memref<2x100352x16xf32, #tpu.memory_space<hbm>> -> memref<1x100352x16xf32, #tpu.memory_space<hbm>>
      %dma_wait3A_301 = tpu.memref_squeeze %dma_wait3A_300 : memref<1x100352x16xf32, #tpu.memory_space<hbm>> -> memref<100352x16xf32, #tpu.memory_space<hbm>>
      %dma_wait3A_302 = arith.constant 0 : i32
      %dma_wait3A_303 = tpu.memref_slice %dma_wait3A_301[%mul3A_0, %dma_wait3A_302] : memref<100352x16xf32, #tpu.memory_space<hbm>> -> memref<6272x16xf32, #tpu.memory_space<hbm>>
      %dma_wait3A_304 = arith.constant 0 : i32
      %dma_wait3A_305 = tpu.memref_slice %arg9[%mul3A_0, %dma_wait3A_304] : memref<100352x16xf32, #tpu.memory_space<vmem_shared>> -> memref<6272x16xf32, #tpu.memory_space<vmem_shared>>
      tpu.wait_dma2 semaphore(%run_scoped3A : memref<!tpu.dma_semaphore, #tpu.memory_space<semaphore_mem>>) src(%dma_wait3A_305 : memref<6272x16xf32, #tpu.memory_space<vmem_shared>>) dst(%dma_wait3A_303 : memref<6272x16xf32, #tpu.memory_space<hbm>>)
      tpu.yield
    }) : () -> ()
    return
  }
}

#map = affine_map<(d0, d1) -> (0, 0)>
#map1 = affine_map<(d0, d1) -> (0, 0, 0)>
module attributes {stable_mosaic.version = 14 : i64} {
  func.func @_sc_agg(%arg0: i32, %arg1: i32, %arg2: memref<100000x16xf32, #tpu.memory_space<hbm>>, %arg3: memref<2x25000x128xi32, #tpu.memory_space<hbm>>, %arg4: memref<6272x16xf32, #tpu.memory_space<hbm>>, %arg5: memref<2x100352x16xf32, #tpu.memory_space<hbm>>, %arg6: memref<3x4x128xi32, #tpu.memory_space<vmem>>, %arg7: memref<3x4x128xi32, #tpu.memory_space<vmem>>, %arg8: memref<3x4x128x16xf32, #tpu.memory_space<vmem>>, %arg9: memref<100352x16xf32, #tpu.memory_space<vmem_shared>>, %arg10: memref<!tpu.dma_semaphore, #tpu.memory_space<semaphore_mem>>, %arg11: memref<!tpu.dma_semaphore, #tpu.memory_space<semaphore_mem>>, %arg12: memref<!tpu.dma_semaphore, #tpu.memory_space<semaphore_mem>>) attributes {dimension_semantics = [#tpu.dimension_semantics<core_parallel>, #tpu.dimension_semantics<subcore_parallel>], iteration_bounds = array<i64: 2, 16>, scalar_prefetch = 0 : i64, scratch_operands = 7 : i64, tpu.core_type = #tpu.core_type<sc_vector_subcore>, window_params = [{transform_indices = #map}, {transform_indices = #map1}, {transform_indices = #map}, {transform_indices = #map1}]} {
    %mul3A = arith.constant 6272 : i32
    %mul3A_0 = arith.muli %arg1, %mul3A : i32
    "tpu.region"() ({
      %run_scoped3A = tpu.sem_alloc : memref<!tpu.dma_semaphore, #tpu.memory_space<semaphore_mem>>
      %dma_start3A_290 = arith.constant 0 : i32
      %dma_start3A_291 = tpu.memref_slice %arg9[%mul3A_0, %dma_start3A_290] : memref<100352x16xf32, #tpu.memory_space<vmem_shared>> -> memref<6272x16xf32, #tpu.memory_space<vmem_shared>>
      tpu.enqueue_dma source(%arg4 : memref<6272x16xf32, #tpu.memory_space<hbm>>) target(%dma_start3A_291 : memref<6272x16xf32, #tpu.memory_space<vmem_shared>>) target_semaphore(%run_scoped3A : memref<!tpu.dma_semaphore, #tpu.memory_space<semaphore_mem>>)
      %dma_wait3A_292 = arith.constant 0 : i32
      %dma_wait3A_293 = tpu.memref_slice %arg9[%mul3A_0, %dma_wait3A_292] : memref<100352x16xf32, #tpu.memory_space<vmem_shared>> -> memref<6272x16xf32, #tpu.memory_space<vmem_shared>>
      tpu.wait_dma2 semaphore(%run_scoped3A : memref<!tpu.dma_semaphore, #tpu.memory_space<semaphore_mem>>) src(%arg4 : memref<6272x16xf32, #tpu.memory_space<hbm>>) dst(%dma_wait3A_293 : memref<6272x16xf32, #tpu.memory_space<vmem_shared>>)
      tpu.yield
    }) : () -> ()
    %barrier3A = arith.constant 0 : index
    tpu.barrier barrier_id(%barrier3A)
    %mul3A_1 = arith.constant 16 : i32
    %mul3A_2 = arith.muli %arg0, %mul3A_1 : i32
    %add3A = arith.addi %mul3A_2, %arg1 : i32
    %mul3A_3 = arith.constant 784 : i32
    %mul3A_4 = arith.muli %add3A, %mul3A_3 : i32
    %sub3A = arith.constant 25000 : i32
    %sub3A_5 = arith.subi %sub3A, %mul3A_4 : i32
    %jit3A = arith.constant 4 : i32
    %div3A = arith.divsi %sub3A_5, %jit3A : i32
    %sign3A = arith.constant 0 : i32
    %sign3A_6 = arith.cmpi sgt, %sub3A_5, %sign3A : i32
    %sign3A_7 = arith.extui %sign3A_6 : i1 to i32
    %sign3A_8 = arith.constant 0 : i32
    %sign3A_9 = arith.cmpi slt, %sub3A_5, %sign3A_8 : i32
    %sign3A_10 = arith.extui %sign3A_9 : i1 to i32
    %sign3A_11 = arith.subi %sign3A_7, %sign3A_10 : i32
    %sign3A_12 = arith.constant 0 : i32
    %sign3A_13 = arith.cmpi sgt, %jit3A, %sign3A_12 : i32
    %sign3A_14 = arith.extui %sign3A_13 : i1 to i32
    %sign3A_15 = arith.constant 0 : i32
    %sign3A_16 = arith.cmpi slt, %jit3A, %sign3A_15 : i32
    %sign3A_17 = arith.extui %sign3A_16 : i1 to i32
    %sign3A_18 = arith.subi %sign3A_14, %sign3A_17 : i32
    %ne3A = arith.cmpi ne, %sign3A_11, %sign3A_18 : i32
    %rem3A = arith.remsi %sub3A_5, %jit3A : i32
    %ne3A_19 = arith.constant 0 : i32
    %ne3A_20 = arith.cmpi ne, %rem3A, %ne3A_19 : i32
    %and3A = arith.andi %ne3A, %ne3A_20 : i1
    %sub3A_21 = arith.constant 1 : i32
    %sub3A_22 = arith.subi %div3A, %sub3A_21 : i32
    %select_n3A = arith.select %and3A, %sub3A_22, %div3A : i32
    %min3A = arith.constant 196 : i32
    %min3A_23 = arith.minsi %min3A, %select_n3A : i32
    %add3A_24 = arith.constant 0 : i32
    %add3A_25 = arith.addi %mul3A_4, %add3A_24 : i32
    %dma_start3A = arith.constant 0 : i32
    %dma_start3A_26 = arith.constant 0 : i32
    %dma_start3A_27 = arith.constant 0 : i32
    %dma_start3A_28 = arith.constant 0 : i32
    %dma_start3A_29 = tpu.memref_slice %arg6[%dma_start3A_26, %dma_start3A_27, %dma_start3A_28] : memref<3x4x128xi32, #tpu.memory_space<vmem>> -> memref<1x4x128xi32, #tpu.memory_space<vmem>>
    %dma_start3A_30 = tpu.memref_squeeze %dma_start3A_29 : memref<1x4x128xi32, #tpu.memory_space<vmem>> -> memref<4x128xi32, #tpu.memory_space<vmem>>
    %dma_start3A_31 = arith.constant 0 : i32
    %dma_start3A_32 = arith.constant 0 : i32
    %dma_start3A_33 = tpu.memref_slice %arg3[%dma_start3A, %dma_start3A_31, %dma_start3A_32] : memref<2x25000x128xi32, #tpu.memory_space<hbm>> -> memref<1x25000x128xi32, #tpu.memory_space<hbm>>
    %dma_start3A_34 = tpu.memref_squeeze %dma_start3A_33 : memref<1x25000x128xi32, #tpu.memory_space<hbm>> -> memref<25000x128xi32, #tpu.memory_space<hbm>>
    %dma_start3A_35 = arith.constant 0 : i32
    %dma_start3A_36 = tpu.memref_slice %dma_start3A_34[%add3A_25, %dma_start3A_35] : memref<25000x128xi32, #tpu.memory_space<hbm>> -> memref<4x128xi32, #tpu.memory_space<hbm>>
    %dma_start3A_37 = arith.constant 0 : i32
    %dma_start3A_38 = arith.constant 0 : i32
    %dma_start3A_39 = tpu.memref_slice %arg6[%dma_start3A_26, %dma_start3A_37, %dma_start3A_38] : memref<3x4x128xi32, #tpu.memory_space<vmem>> -> memref<1x4x128xi32, #tpu.memory_space<vmem>>
    %dma_start3A_40 = tpu.memref_squeeze %dma_start3A_39 : memref<1x4x128xi32, #tpu.memory_space<vmem>> -> memref<4x128xi32, #tpu.memory_space<vmem>>
    %dma_start3A_41 = arith.constant 0 : i32
    %dma_start3A_42 = arith.constant 0 : i32
    %dma_start3A_43 = tpu.memref_slice %arg3[%dma_start3A, %dma_start3A_41, %dma_start3A_42] : memref<2x25000x128xi32, #tpu.memory_space<hbm>> -> memref<1x25000x128xi32, #tpu.memory_space<hbm>>
    %dma_start3A_44 = tpu.memref_squeeze %dma_start3A_43 : memref<1x25000x128xi32, #tpu.memory_space<hbm>> -> memref<25000x128xi32, #tpu.memory_space<hbm>>
    %dma_start3A_45 = arith.constant 0 : i32
    %dma_start3A_46 = tpu.memref_slice %dma_start3A_44[%add3A_25, %dma_start3A_45] : memref<25000x128xi32, #tpu.memory_space<hbm>> -> memref<4x128xi32, #tpu.memory_space<hbm>>
    tpu.enqueue_dma source(%dma_start3A_46 : memref<4x128xi32, #tpu.memory_space<hbm>>) target(%dma_start3A_40 : memref<4x128xi32, #tpu.memory_space<vmem>>) target_semaphore(%arg12 : memref<!tpu.dma_semaphore, #tpu.memory_space<semaphore_mem>>)
    %add3A_47 = arith.constant 0 : i32
    %add3A_48 = arith.addi %mul3A_4, %add3A_47 : i32
    %dma_start3A_49 = arith.constant 1 : i32
    %dma_start3A_50 = arith.constant 0 : i32
    %dma_start3A_51 = arith.constant 0 : i32
    %dma_start3A_52 = arith.constant 0 : i32
    %dma_start3A_53 = tpu.memref_slice %arg7[%dma_start3A_50, %dma_start3A_51, %dma_start3A_52] : memref<3x4x128xi32, #tpu.memory_space<vmem>> -> memref<1x4x128xi32, #tpu.memory_space<vmem>>
    %dma_start3A_54 = tpu.memref_squeeze %dma_start3A_53 : memref<1x4x128xi32, #tpu.memory_space<vmem>> -> memref<4x128xi32, #tpu.memory_space<vmem>>
    %dma_start3A_55 = arith.constant 0 : i32
    %dma_start3A_56 = arith.constant 0 : i32
    %dma_start3A_57 = tpu.memref_slice %arg3[%dma_start3A_49, %dma_start3A_55, %dma_start3A_56] : memref<2x25000x128xi32, #tpu.memory_space<hbm>> -> memref<1x25000x128xi32, #tpu.memory_space<hbm>>
    %dma_start3A_58 = tpu.memref_squeeze %dma_start3A_57 : memref<1x25000x128xi32, #tpu.memory_space<hbm>> -> memref<25000x128xi32, #tpu.memory_space<hbm>>
    %dma_start3A_59 = arith.constant 0 : i32
    %dma_start3A_60 = tpu.memref_slice %dma_start3A_58[%add3A_48, %dma_start3A_59] : memref<25000x128xi32, #tpu.memory_space<hbm>> -> memref<4x128xi32, #tpu.memory_space<hbm>>
    %dma_start3A_61 = arith.constant 0 : i32
    %dma_start3A_62 = arith.constant 0 : i32
    %dma_start3A_63 = tpu.memref_slice %arg7[%dma_start3A_50, %dma_start3A_61, %dma_start3A_62] : memref<3x4x128xi32, #tpu.memory_space<vmem>> -> memref<1x4x128xi32, #tpu.memory_space<vmem>>
    %dma_start3A_64 = tpu.memref_squeeze %dma_start3A_63 : memref<1x4x128xi32, #tpu.memory_space<vmem>> -> memref<4x128xi32, #tpu.memory_space<vmem>>
    %dma_start3A_65 = arith.constant 0 : i32
    %dma_start3A_66 = arith.constant 0 : i32
    %dma_start3A_67 = tpu.memref_slice %arg3[%dma_start3A_49, %dma_start3A_65, %dma_start3A_66] : memref<2x25000x128xi32, #tpu.memory_space<hbm>> -> memref<1x25000x128xi32, #tpu.memory_space<hbm>>
    %dma_start3A_68 = tpu.memref_squeeze %dma_start3A_67 : memref<1x25000x128xi32, #tpu.memory_space<hbm>> -> memref<25000x128xi32, #tpu.memory_space<hbm>>
    %dma_start3A_69 = arith.constant 0 : i32
    %dma_start3A_70 = tpu.memref_slice %dma_start3A_68[%add3A_48, %dma_start3A_69] : memref<25000x128xi32, #tpu.memory_space<hbm>> -> memref<4x128xi32, #tpu.memory_space<hbm>>
    tpu.enqueue_dma source(%dma_start3A_70 : memref<4x128xi32, #tpu.memory_space<hbm>>) target(%dma_start3A_64 : memref<4x128xi32, #tpu.memory_space<vmem>>) target_semaphore(%arg12 : memref<!tpu.dma_semaphore, #tpu.memory_space<semaphore_mem>>)
    %dma_wait3A = arith.constant 0 : i32
    %dma_wait3A_71 = arith.constant 0 : i32
    %dma_wait3A_72 = arith.constant 0 : i32
    %dma_wait3A_73 = arith.constant 0 : i32
    %dma_wait3A_74 = tpu.memref_slice %arg6[%dma_wait3A_71, %dma_wait3A_72, %dma_wait3A_73] : memref<3x4x128xi32, #tpu.memory_space<vmem>> -> memref<1x4x128xi32, #tpu.memory_space<vmem>>
    %dma_wait3A_75 = tpu.memref_squeeze %dma_wait3A_74 : memref<1x4x128xi32, #tpu.memory_space<vmem>> -> memref<4x128xi32, #tpu.memory_space<vmem>>
    %dma_wait3A_76 = arith.constant 0 : i32
    %dma_wait3A_77 = arith.constant 0 : i32
    %dma_wait3A_78 = tpu.memref_slice %arg3[%dma_wait3A, %dma_wait3A_76, %dma_wait3A_77] : memref<2x25000x128xi32, #tpu.memory_space<hbm>> -> memref<1x25000x128xi32, #tpu.memory_space<hbm>>
    %dma_wait3A_79 = tpu.memref_squeeze %dma_wait3A_78 : memref<1x25000x128xi32, #tpu.memory_space<hbm>> -> memref<25000x128xi32, #tpu.memory_space<hbm>>
    %dma_wait3A_80 = arith.constant 0 : i32
    %dma_wait3A_81 = arith.constant 0 : i32
    %dma_wait3A_82 = tpu.memref_slice %dma_wait3A_79[%dma_wait3A_80, %dma_wait3A_81] : memref<25000x128xi32, #tpu.memory_space<hbm>> -> memref<4x128xi32, #tpu.memory_space<hbm>>
    %dma_wait3A_83 = arith.constant 0 : i32
    %dma_wait3A_84 = arith.constant 0 : i32
    %dma_wait3A_85 = tpu.memref_slice %arg6[%dma_wait3A_71, %dma_wait3A_83, %dma_wait3A_84] : memref<3x4x128xi32, #tpu.memory_space<vmem>> -> memref<1x4x128xi32, #tpu.memory_space<vmem>>
    %dma_wait3A_86 = tpu.memref_squeeze %dma_wait3A_85 : memref<1x4x128xi32, #tpu.memory_space<vmem>> -> memref<4x128xi32, #tpu.memory_space<vmem>>
    %dma_wait3A_87 = arith.constant 0 : i32
    %dma_wait3A_88 = arith.constant 0 : i32
    %dma_wait3A_89 = tpu.memref_slice %arg3[%dma_wait3A, %dma_wait3A_87, %dma_wait3A_88] : memref<2x25000x128xi32, #tpu.memory_space<hbm>> -> memref<1x25000x128xi32, #tpu.memory_space<hbm>>
    %dma_wait3A_90 = tpu.memref_squeeze %dma_wait3A_89 : memref<1x25000x128xi32, #tpu.memory_space<hbm>> -> memref<25000x128xi32, #tpu.memory_space<hbm>>
    %dma_wait3A_91 = arith.constant 0 : i32
    %dma_wait3A_92 = arith.constant 0 : i32
    %dma_wait3A_93 = tpu.memref_slice %dma_wait3A_90[%dma_wait3A_91, %dma_wait3A_92] : memref<25000x128xi32, #tpu.memory_space<hbm>> -> memref<4x128xi32, #tpu.memory_space<hbm>>
    tpu.wait_dma2 semaphore(%arg12 : memref<!tpu.dma_semaphore, #tpu.memory_space<semaphore_mem>>) src(%dma_wait3A_93 : memref<4x128xi32, #tpu.memory_space<hbm>>) dst(%dma_wait3A_86 : memref<4x128xi32, #tpu.memory_space<vmem>>)
    %dma_wait3A_94 = arith.constant 0 : i32
    %dma_wait3A_95 = arith.constant 0 : i32
    %dma_wait3A_96 = arith.constant 0 : i32
    %dma_wait3A_97 = arith.constant 0 : i32
    %dma_wait3A_98 = tpu.memref_slice %arg6[%dma_wait3A_95, %dma_wait3A_96, %dma_wait3A_97] : memref<3x4x128xi32, #tpu.memory_space<vmem>> -> memref<1x4x128xi32, #tpu.memory_space<vmem>>
    %dma_wait3A_99 = tpu.memref_squeeze %dma_wait3A_98 : memref<1x4x128xi32, #tpu.memory_space<vmem>> -> memref<4x128xi32, #tpu.memory_space<vmem>>
    %dma_wait3A_100 = arith.constant 0 : i32
    %dma_wait3A_101 = arith.constant 0 : i32
    %dma_wait3A_102 = tpu.memref_slice %arg3[%dma_wait3A_94, %dma_wait3A_100, %dma_wait3A_101] : memref<2x25000x128xi32, #tpu.memory_space<hbm>> -> memref<1x25000x128xi32, #tpu.memory_space<hbm>>
    %dma_wait3A_103 = tpu.memref_squeeze %dma_wait3A_102 : memref<1x25000x128xi32, #tpu.memory_space<hbm>> -> memref<25000x128xi32, #tpu.memory_space<hbm>>
    %dma_wait3A_104 = arith.constant 0 : i32
    %dma_wait3A_105 = arith.constant 0 : i32
    %dma_wait3A_106 = tpu.memref_slice %dma_wait3A_103[%dma_wait3A_104, %dma_wait3A_105] : memref<25000x128xi32, #tpu.memory_space<hbm>> -> memref<4x128xi32, #tpu.memory_space<hbm>>
    %dma_wait3A_107 = arith.constant 0 : i32
    %dma_wait3A_108 = arith.constant 0 : i32
    %dma_wait3A_109 = tpu.memref_slice %arg6[%dma_wait3A_95, %dma_wait3A_107, %dma_wait3A_108] : memref<3x4x128xi32, #tpu.memory_space<vmem>> -> memref<1x4x128xi32, #tpu.memory_space<vmem>>
    %dma_wait3A_110 = tpu.memref_squeeze %dma_wait3A_109 : memref<1x4x128xi32, #tpu.memory_space<vmem>> -> memref<4x128xi32, #tpu.memory_space<vmem>>
    %dma_wait3A_111 = arith.constant 0 : i32
    %dma_wait3A_112 = arith.constant 0 : i32
    %dma_wait3A_113 = tpu.memref_slice %arg3[%dma_wait3A_94, %dma_wait3A_111, %dma_wait3A_112] : memref<2x25000x128xi32, #tpu.memory_space<hbm>> -> memref<1x25000x128xi32, #tpu.memory_space<hbm>>
    %dma_wait3A_114 = tpu.memref_squeeze %dma_wait3A_113 : memref<1x25000x128xi32, #tpu.memory_space<hbm>> -> memref<25000x128xi32, #tpu.memory_space<hbm>>
    %dma_wait3A_115 = arith.constant 0 : i32
    %dma_wait3A_116 = arith.constant 0 : i32
    %dma_wait3A_117 = tpu.memref_slice %dma_wait3A_114[%dma_wait3A_115, %dma_wait3A_116] : memref<25000x128xi32, #tpu.memory_space<hbm>> -> memref<4x128xi32, #tpu.memory_space<hbm>>
    tpu.wait_dma2 semaphore(%arg12 : memref<!tpu.dma_semaphore, #tpu.memory_space<semaphore_mem>>) src(%dma_wait3A_117 : memref<4x128xi32, #tpu.memory_space<hbm>>) dst(%dma_wait3A_110 : memref<4x128xi32, #tpu.memory_space<vmem>>)
    %scan3A = arith.constant 0 : i32
    %scan3A_118 = arith.constant 4 : i32
    %scan3A_119 = arith.addi %scan3A, %scan3A_118 : i32
    %scan3A_120 = arith.constant 1 : i32
    scf.for %scan3A_290 = %scan3A to %scan3A_119 step %scan3A_120  : i32 {
      %mul3A_291 = arith.constant 1 : i32
      %mul3A_292 = arith.muli %scan3A_290, %mul3A_291 : i32
      %add3A_293 = arith.constant 0 : i32
      %add3A_294 = arith.addi %add3A_293, %mul3A_292 : i32
      %dma_start3A_295 = arith.constant 0 : i32
      %dma_start3A_296 = arith.constant 0 : i32
      %dma_start3A_297 = arith.constant 0 : i32
      %dma_start3A_298 = arith.constant 0 : i32
      %dma_start3A_299 = tpu.memref_slice %arg8[%dma_start3A_296, %add3A_294, %dma_start3A_297, %dma_start3A_298] : memref<3x4x128x16xf32, #tpu.memory_space<vmem>> -> memref<1x1x128x16xf32, #tpu.memory_space<vmem>>
      %dma_start3A_300 = tpu.memref_squeeze %dma_start3A_299 : memref<1x1x128x16xf32, #tpu.memory_space<vmem>> -> memref<128x16xf32, #tpu.memory_space<vmem>>
      %dma_start3A_301 = arith.constant 0 : i32
      %dma_start3A_302 = tpu.memref_slice %arg6[%dma_start3A_295, %add3A_294, %dma_start3A_301] : memref<3x4x128xi32, #tpu.memory_space<vmem>> -> memref<1x1x128xi32, #tpu.memory_space<vmem>>
      %dma_start3A_303 = tpu.memref_squeeze %dma_start3A_302 : memref<1x1x128xi32, #tpu.memory_space<vmem>> -> memref<128xi32, #tpu.memory_space<vmem>>
      %dma_start3A_304 = arith.constant 0 : i32
      %dma_start3A_305 = arith.constant 0 : i32
      %dma_start3A_306 = tpu.memref_slice %arg2[%dma_start3A_304, %dma_start3A_305] : memref<100000x16xf32, #tpu.memory_space<hbm>> -> memref<100000x16xf32, #tpu.memory_space<hbm>>
      tpu.enqueue_indirect_dma source(%dma_start3A_306 : memref<100000x16xf32, #tpu.memory_space<hbm>>) target(%dma_start3A_300 : memref<128x16xf32, #tpu.memory_space<vmem>>) offsets(%dma_start3A_303 : memref<128xi32, #tpu.memory_space<vmem>>) semaphore(%arg10 : memref<!tpu.dma_semaphore, #tpu.memory_space<semaphore_mem>>)
    }
    %scan3A_121 = arith.constant 4 : i32
    %add3A_122 = arith.constant 4 : i32
    %add3A_123 = arith.addi %mul3A_4, %add3A_122 : i32
    %dma_start3A_124 = arith.constant 0 : i32
    %dma_start3A_125 = arith.constant 1 : i32
    %dma_start3A_126 = arith.constant 0 : i32
    %dma_start3A_127 = arith.constant 0 : i32
    %dma_start3A_128 = tpu.memref_slice %arg6[%dma_start3A_125, %dma_start3A_126, %dma_start3A_127] : memref<3x4x128xi32, #tpu.memory_space<vmem>> -> memref<1x4x128xi32, #tpu.memory_space<vmem>>
    %dma_start3A_129 = tpu.memref_squeeze %dma_start3A_128 : memref<1x4x128xi32, #tpu.memory_space<vmem>> -> memref<4x128xi32, #tpu.memory_space<vmem>>
    %dma_start3A_130 = arith.constant 0 : i32
    %dma_start3A_131 = arith.constant 0 : i32
    %dma_start3A_132 = tpu.memref_slice %arg3[%dma_start3A_124, %dma_start3A_130, %dma_start3A_131] : memref<2x25000x128xi32, #tpu.memory_space<hbm>> -> memref<1x25000x128xi32, #tpu.memory_space<hbm>>
    %dma_start3A_133 = tpu.memref_squeeze %dma_start3A_132 : memref<1x25000x128xi32, #tpu.memory_space<hbm>> -> memref<25000x128xi32, #tpu.memory_space<hbm>>
    %dma_start3A_134 = arith.constant 0 : i32
    %dma_start3A_135 = tpu.memref_slice %dma_start3A_133[%add3A_123, %dma_start3A_134] : memref<25000x128xi32, #tpu.memory_space<hbm>> -> memref<4x128xi32, #tpu.memory_space<hbm>>
    %dma_start3A_136 = arith.constant 0 : i32
    %dma_start3A_137 = arith.constant 0 : i32
    %dma_start3A_138 = tpu.memref_slice %arg6[%dma_start3A_125, %dma_start3A_136, %dma_start3A_137] : memref<3x4x128xi32, #tpu.memory_space<vmem>> -> memref<1x4x128xi32, #tpu.memory_space<vmem>>
    %dma_start3A_139 = tpu.memref_squeeze %dma_start3A_138 : memref<1x4x128xi32, #tpu.memory_space<vmem>> -> memref<4x128xi32, #tpu.memory_space<vmem>>
    %dma_start3A_140 = arith.constant 0 : i32
    %dma_start3A_141 = arith.constant 0 : i32
    %dma_start3A_142 = tpu.memref_slice %arg3[%dma_start3A_124, %dma_start3A_140, %dma_start3A_141] : memref<2x25000x128xi32, #tpu.memory_space<hbm>> -> memref<1x25000x128xi32, #tpu.memory_space<hbm>>
    %dma_start3A_143 = tpu.memref_squeeze %dma_start3A_142 : memref<1x25000x128xi32, #tpu.memory_space<hbm>> -> memref<25000x128xi32, #tpu.memory_space<hbm>>
    %dma_start3A_144 = arith.constant 0 : i32
    %dma_start3A_145 = tpu.memref_slice %dma_start3A_143[%add3A_123, %dma_start3A_144] : memref<25000x128xi32, #tpu.memory_space<hbm>> -> memref<4x128xi32, #tpu.memory_space<hbm>>
    tpu.enqueue_dma source(%dma_start3A_145 : memref<4x128xi32, #tpu.memory_space<hbm>>) target(%dma_start3A_139 : memref<4x128xi32, #tpu.memory_space<vmem>>) target_semaphore(%arg12 : memref<!tpu.dma_semaphore, #tpu.memory_space<semaphore_mem>>)
    %add3A_146 = arith.constant 4 : i32
    %add3A_147 = arith.addi %mul3A_4, %add3A_146 : i32
    %dma_start3A_148 = arith.constant 1 : i32
    %dma_start3A_149 = arith.constant 1 : i32
    %dma_start3A_150 = arith.constant 0 : i32
    %dma_start3A_151 = arith.constant 0 : i32
    %dma_start3A_152 = tpu.memref_slice %arg7[%dma_start3A_149, %dma_start3A_150, %dma_start3A_151] : memref<3x4x128xi32, #tpu.memory_space<vmem>> -> memref<1x4x128xi32, #tpu.memory_space<vmem>>
    %dma_start3A_153 = tpu.memref_squeeze %dma_start3A_152 : memref<1x4x128xi32, #tpu.memory_space<vmem>> -> memref<4x128xi32, #tpu.memory_space<vmem>>
    %dma_start3A_154 = arith.constant 0 : i32
    %dma_start3A_155 = arith.constant 0 : i32
    %dma_start3A_156 = tpu.memref_slice %arg3[%dma_start3A_148, %dma_start3A_154, %dma_start3A_155] : memref<2x25000x128xi32, #tpu.memory_space<hbm>> -> memref<1x25000x128xi32, #tpu.memory_space<hbm>>
    %dma_start3A_157 = tpu.memref_squeeze %dma_start3A_156 : memref<1x25000x128xi32, #tpu.memory_space<hbm>> -> memref<25000x128xi32, #tpu.memory_space<hbm>>
    %dma_start3A_158 = arith.constant 0 : i32
    %dma_start3A_159 = tpu.memref_slice %dma_start3A_157[%add3A_147, %dma_start3A_158] : memref<25000x128xi32, #tpu.memory_space<hbm>> -> memref<4x128xi32, #tpu.memory_space<hbm>>
    %dma_start3A_160 = arith.constant 0 : i32
    %dma_start3A_161 = arith.constant 0 : i32
    %dma_start3A_162 = tpu.memref_slice %arg7[%dma_start3A_149, %dma_start3A_160, %dma_start3A_161] : memref<3x4x128xi32, #tpu.memory_space<vmem>> -> memref<1x4x128xi32, #tpu.memory_space<vmem>>
    %dma_start3A_163 = tpu.memref_squeeze %dma_start3A_162 : memref<1x4x128xi32, #tpu.memory_space<vmem>> -> memref<4x128xi32, #tpu.memory_space<vmem>>
    %dma_start3A_164 = arith.constant 0 : i32
    %dma_start3A_165 = arith.constant 0 : i32
    %dma_start3A_166 = tpu.memref_slice %arg3[%dma_start3A_148, %dma_start3A_164, %dma_start3A_165] : memref<2x25000x128xi32, #tpu.memory_space<hbm>> -> memref<1x25000x128xi32, #tpu.memory_space<hbm>>
    %dma_start3A_167 = tpu.memref_squeeze %dma_start3A_166 : memref<1x25000x128xi32, #tpu.memory_space<hbm>> -> memref<25000x128xi32, #tpu.memory_space<hbm>>
    %dma_start3A_168 = arith.constant 0 : i32
    %dma_start3A_169 = tpu.memref_slice %dma_start3A_167[%add3A_147, %dma_start3A_168] : memref<25000x128xi32, #tpu.memory_space<hbm>> -> memref<4x128xi32, #tpu.memory_space<hbm>>
    tpu.enqueue_dma source(%dma_start3A_169 : memref<4x128xi32, #tpu.memory_space<hbm>>) target(%dma_start3A_163 : memref<4x128xi32, #tpu.memory_space<vmem>>) target_semaphore(%arg12 : memref<!tpu.dma_semaphore, #tpu.memory_space<semaphore_mem>>)
    %dma_wait3A_170 = arith.constant 0 : i32
    %dma_wait3A_171 = arith.constant 0 : i32
    %dma_wait3A_172 = arith.constant 0 : i32
    %dma_wait3A_173 = arith.constant 0 : i32
    %dma_wait3A_174 = tpu.memref_slice %arg6[%dma_wait3A_171, %dma_wait3A_172, %dma_wait3A_173] : memref<3x4x128xi32, #tpu.memory_space<vmem>> -> memref<1x4x128xi32, #tpu.memory_space<vmem>>
    %dma_wait3A_175 = tpu.memref_squeeze %dma_wait3A_174 : memref<1x4x128xi32, #tpu.memory_space<vmem>> -> memref<4x128xi32, #tpu.memory_space<vmem>>
    %dma_wait3A_176 = arith.constant 0 : i32
    %dma_wait3A_177 = arith.constant 0 : i32
    %dma_wait3A_178 = tpu.memref_slice %arg3[%dma_wait3A_170, %dma_wait3A_176, %dma_wait3A_177] : memref<2x25000x128xi32, #tpu.memory_space<hbm>> -> memref<1x25000x128xi32, #tpu.memory_space<hbm>>
    %dma_wait3A_179 = tpu.memref_squeeze %dma_wait3A_178 : memref<1x25000x128xi32, #tpu.memory_space<hbm>> -> memref<25000x128xi32, #tpu.memory_space<hbm>>
    %dma_wait3A_180 = arith.constant 0 : i32
    %dma_wait3A_181 = arith.constant 0 : i32
    %dma_wait3A_182 = tpu.memref_slice %dma_wait3A_179[%dma_wait3A_180, %dma_wait3A_181] : memref<25000x128xi32, #tpu.memory_space<hbm>> -> memref<4x128xi32, #tpu.memory_space<hbm>>
    %dma_wait3A_183 = arith.constant 0 : i32
    %dma_wait3A_184 = arith.constant 0 : i32
    %dma_wait3A_185 = tpu.memref_slice %arg6[%dma_wait3A_171, %dma_wait3A_183, %dma_wait3A_184] : memref<3x4x128xi32, #tpu.memory_space<vmem>> -> memref<1x4x128xi32, #tpu.memory_space<vmem>>
    %dma_wait3A_186 = tpu.memref_squeeze %dma_wait3A_185 : memref<1x4x128xi32, #tpu.memory_space<vmem>> -> memref<4x128xi32, #tpu.memory_space<vmem>>
    %dma_wait3A_187 = arith.constant 0 : i32
    %dma_wait3A_188 = arith.constant 0 : i32
    %dma_wait3A_189 = tpu.memref_slice %arg3[%dma_wait3A_170, %dma_wait3A_187, %dma_wait3A_188] : memref<2x25000x128xi32, #tpu.memory_space<hbm>> -> memref<1x25000x128xi32, #tpu.memory_space<hbm>>
    %dma_wait3A_190 = tpu.memref_squeeze %dma_wait3A_189 : memref<1x25000x128xi32, #tpu.memory_space<hbm>> -> memref<25000x128xi32, #tpu.memory_space<hbm>>
    %dma_wait3A_191 = arith.constant 0 : i32
    %dma_wait3A_192 = arith.constant 0 : i32
    %dma_wait3A_193 = tpu.memref_slice %dma_wait3A_190[%dma_wait3A_191, %dma_wait3A_192] : memref<25000x128xi32, #tpu.memory_space<hbm>> -> memref<4x128xi32, #tpu.memory_space<hbm>>
    tpu.wait_dma2 semaphore(%arg12 : memref<!tpu.dma_semaphore, #tpu.memory_space<semaphore_mem>>) src(%dma_wait3A_193 : memref<4x128xi32, #tpu.memory_space<hbm>>) dst(%dma_wait3A_186 : memref<4x128xi32, #tpu.memory_space<vmem>>)
    %dma_wait3A_194 = arith.constant 0 : i32
    %dma_wait3A_195 = arith.constant 0 : i32
    %dma_wait3A_196 = arith.constant 0 : i32
    %dma_wait3A_197 = arith.constant 0 : i32
    %dma_wait3A_198 = tpu.memref_slice %arg6[%dma_wait3A_195, %dma_wait3A_196, %dma_wait3A_197] : memref<3x4x128xi32, #tpu.memory_space<vmem>> -> memref<1x4x128xi32, #tpu.memory_space<vmem>>
    %dma_wait3A_199 = tpu.memref_squeeze %dma_wait3A_198 : memref<1x4x128xi32, #tpu.memory_space<vmem>> -> memref<4x128xi32, #tpu.memory_space<vmem>>
    %dma_wait3A_200 = arith.constant 0 : i32
    %dma_wait3A_201 = arith.constant 0 : i32
    %dma_wait3A_202 = tpu.memref_slice %arg3[%dma_wait3A_194, %dma_wait3A_200, %dma_wait3A_201] : memref<2x25000x128xi32, #tpu.memory_space<hbm>> -> memref<1x25000x128xi32, #tpu.memory_space<hbm>>
    %dma_wait3A_203 = tpu.memref_squeeze %dma_wait3A_202 : memref<1x25000x128xi32, #tpu.memory_space<hbm>> -> memref<25000x128xi32, #tpu.memory_space<hbm>>
    %dma_wait3A_204 = arith.constant 0 : i32
    %dma_wait3A_205 = arith.constant 0 : i32
    %dma_wait3A_206 = tpu.memref_slice %dma_wait3A_203[%dma_wait3A_204, %dma_wait3A_205] : memref<25000x128xi32, #tpu.memory_space<hbm>> -> memref<4x128xi32, #tpu.memory_space<hbm>>
    %dma_wait3A_207 = arith.constant 0 : i32
    %dma_wait3A_208 = arith.constant 0 : i32
    %dma_wait3A_209 = tpu.memref_slice %arg6[%dma_wait3A_195, %dma_wait3A_207, %dma_wait3A_208] : memref<3x4x128xi32, #tpu.memory_space<vmem>> -> memref<1x4x128xi32, #tpu.memory_space<vmem>>
    %dma_wait3A_210 = tpu.memref_squeeze %dma_wait3A_209 : memref<1x4x128xi32, #tpu.memory_space<vmem>> -> memref<4x128xi32, #tpu.memory_space<vmem>>
    %dma_wait3A_211 = arith.constant 0 : i32
    %dma_wait3A_212 = arith.constant 0 : i32
    %dma_wait3A_213 = tpu.memref_slice %arg3[%dma_wait3A_194, %dma_wait3A_211, %dma_wait3A_212] : memref<2x25000x128xi32, #tpu.memory_space<hbm>> -> memref<1x25000x128xi32, #tpu.memory_space<hbm>>
    %dma_wait3A_214 = tpu.memref_squeeze %dma_wait3A_213 : memref<1x25000x128xi32, #tpu.memory_space<hbm>> -> memref<25000x128xi32, #tpu.memory_space<hbm>>
    %dma_wait3A_215 = arith.constant 0 : i32
    %dma_wait3A_216 = arith.constant 0 : i32
    %dma_wait3A_217 = tpu.memref_slice %dma_wait3A_214[%dma_wait3A_215, %dma_wait3A_216] : memref<25000x128xi32, #tpu.memory_space<hbm>> -> memref<4x128xi32, #tpu.memory_space<hbm>>
    tpu.wait_dma2 semaphore(%arg12 : memref<!tpu.dma_semaphore, #tpu.memory_space<semaphore_mem>>) src(%dma_wait3A_217 : memref<4x128xi32, #tpu.memory_space<hbm>>) dst(%dma_wait3A_210 : memref<4x128xi32, #tpu.memory_space<vmem>>)
    %scan3A_218 = arith.constant 0 : i32
    %scan3A_219 = arith.constant 4 : i32
    %scan3A_220 = arith.addi %scan3A_218, %scan3A_219 : i32
    %scan3A_221 = arith.constant 1 : i32
    scf.for %scan3A_290 = %scan3A_218 to %scan3A_220 step %scan3A_221  : i32 {
      %mul3A_291 = arith.constant 1 : i32
      %mul3A_292 = arith.muli %scan3A_290, %mul3A_291 : i32
      %add3A_293 = arith.constant 0 : i32
      %add3A_294 = arith.addi %add3A_293, %mul3A_292 : i32
      %dma_start3A_295 = arith.constant 1 : i32
      %dma_start3A_296 = arith.constant 1 : i32
      %dma_start3A_297 = arith.constant 0 : i32
      %dma_start3A_298 = arith.constant 0 : i32
      %dma_start3A_299 = tpu.memref_slice %arg8[%dma_start3A_296, %add3A_294, %dma_start3A_297, %dma_start3A_298] : memref<3x4x128x16xf32, #tpu.memory_space<vmem>> -> memref<1x1x128x16xf32, #tpu.memory_space<vmem>>
      %dma_start3A_300 = tpu.memref_squeeze %dma_start3A_299 : memref<1x1x128x16xf32, #tpu.memory_space<vmem>> -> memref<128x16xf32, #tpu.memory_space<vmem>>
      %dma_start3A_301 = arith.constant 0 : i32
      %dma_start3A_302 = tpu.memref_slice %arg6[%dma_start3A_295, %add3A_294, %dma_start3A_301] : memref<3x4x128xi32, #tpu.memory_space<vmem>> -> memref<1x1x128xi32, #tpu.memory_space<vmem>>
      %dma_start3A_303 = tpu.memref_squeeze %dma_start3A_302 : memref<1x1x128xi32, #tpu.memory_space<vmem>> -> memref<128xi32, #tpu.memory_space<vmem>>
      %dma_start3A_304 = arith.constant 0 : i32
      %dma_start3A_305 = arith.constant 0 : i32
      %dma_start3A_306 = tpu.memref_slice %arg2[%dma_start3A_304, %dma_start3A_305] : memref<100000x16xf32, #tpu.memory_space<hbm>> -> memref<100000x16xf32, #tpu.memory_space<hbm>>
      tpu.enqueue_indirect_dma source(%dma_start3A_306 : memref<100000x16xf32, #tpu.memory_space<hbm>>) target(%dma_start3A_300 : memref<128x16xf32, #tpu.memory_space<vmem>>) offsets(%dma_start3A_303 : memref<128xi32, #tpu.memory_space<vmem>>) semaphore(%arg10 : memref<!tpu.dma_semaphore, #tpu.memory_space<semaphore_mem>>)
    }
    %scan3A_222 = arith.constant 4 : i32
    %add3A_223 = arith.constant 8 : i32
    %add3A_224 = arith.addi %mul3A_4, %add3A_223 : i32
    %dma_start3A_225 = arith.constant 0 : i32
    %dma_start3A_226 = arith.constant 2 : i32
    %dma_start3A_227 = arith.constant 0 : i32
    %dma_start3A_228 = arith.constant 0 : i32
    %dma_start3A_229 = tpu.memref_slice %arg6[%dma_start3A_226, %dma_start3A_227, %dma_start3A_228] : memref<3x4x128xi32, #tpu.memory_space<vmem>> -> memref<1x4x128xi32, #tpu.memory_space<vmem>>
    %dma_start3A_230 = tpu.memref_squeeze %dma_start3A_229 : memref<1x4x128xi32, #tpu.memory_space<vmem>> -> memref<4x128xi32, #tpu.memory_space<vmem>>
    %dma_start3A_231 = arith.constant 0 : i32
    %dma_start3A_232 = arith.constant 0 : i32
    %dma_start3A_233 = tpu.memref_slice %arg3[%dma_start3A_225, %dma_start3A_231, %dma_start3A_232] : memref<2x25000x128xi32, #tpu.memory_space<hbm>> -> memref<1x25000x128xi32, #tpu.memory_space<hbm>>
    %dma_start3A_234 = tpu.memref_squeeze %dma_start3A_233 : memref<1x25000x128xi32, #tpu.memory_space<hbm>> -> memref<25000x128xi32, #tpu.memory_space<hbm>>
    %dma_start3A_235 = arith.constant 0 : i32
    %dma_start3A_236 = tpu.memref_slice %dma_start3A_234[%add3A_224, %dma_start3A_235] : memref<25000x128xi32, #tpu.memory_space<hbm>> -> memref<4x128xi32, #tpu.memory_space<hbm>>
    %dma_start3A_237 = arith.constant 0 : i32
    %dma_start3A_238 = arith.constant 0 : i32
    %dma_start3A_239 = tpu.memref_slice %arg6[%dma_start3A_226, %dma_start3A_237, %dma_start3A_238] : memref<3x4x128xi32, #tpu.memory_space<vmem>> -> memref<1x4x128xi32, #tpu.memory_space<vmem>>
    %dma_start3A_240 = tpu.memref_squeeze %dma_start3A_239 : memref<1x4x128xi32, #tpu.memory_space<vmem>> -> memref<4x128xi32, #tpu.memory_space<vmem>>
    %dma_start3A_241 = arith.constant 0 : i32
    %dma_start3A_242 = arith.constant 0 : i32
    %dma_start3A_243 = tpu.memref_slice %arg3[%dma_start3A_225, %dma_start3A_241, %dma_start3A_242] : memref<2x25000x128xi32, #tpu.memory_space<hbm>> -> memref<1x25000x128xi32, #tpu.memory_space<hbm>>
    %dma_start3A_244 = tpu.memref_squeeze %dma_start3A_243 : memref<1x25000x128xi32, #tpu.memory_space<hbm>> -> memref<25000x128xi32, #tpu.memory_space<hbm>>
    %dma_start3A_245 = arith.constant 0 : i32
    %dma_start3A_246 = tpu.memref_slice %dma_start3A_244[%add3A_224, %dma_start3A_245] : memref<25000x128xi32, #tpu.memory_space<hbm>> -> memref<4x128xi32, #tpu.memory_space<hbm>>
    tpu.enqueue_dma source(%dma_start3A_246 : memref<4x128xi32, #tpu.memory_space<hbm>>) target(%dma_start3A_240 : memref<4x128xi32, #tpu.memory_space<vmem>>) target_semaphore(%arg12 : memref<!tpu.dma_semaphore, #tpu.memory_space<semaphore_mem>>)
    %add3A_247 = arith.constant 8 : i32
    %add3A_248 = arith.addi %mul3A_4, %add3A_247 : i32
    %dma_start3A_249 = arith.constant 1 : i32
    %dma_start3A_250 = arith.constant 2 : i32
    %dma_start3A_251 = arith.constant 0 : i32
    %dma_start3A_252 = arith.constant 0 : i32
    %dma_start3A_253 = tpu.memref_slice %arg7[%dma_start3A_250, %dma_start3A_251, %dma_start3A_252] : memref<3x4x128xi32, #tpu.memory_space<vmem>> -> memref<1x4x128xi32, #tpu.memory_space<vmem>>
    %dma_start3A_254 = tpu.memref_squeeze %dma_start3A_253 : memref<1x4x128xi32, #tpu.memory_space<vmem>> -> memref<4x128xi32, #tpu.memory_space<vmem>>
    %dma_start3A_255 = arith.constant 0 : i32
    %dma_start3A_256 = arith.constant 0 : i32
    %dma_start3A_257 = tpu.memref_slice %arg3[%dma_start3A_249, %dma_start3A_255, %dma_start3A_256] : memref<2x25000x128xi32, #tpu.memory_space<hbm>> -> memref<1x25000x128xi32, #tpu.memory_space<hbm>>
    %dma_start3A_258 = tpu.memref_squeeze %dma_start3A_257 : memref<1x25000x128xi32, #tpu.memory_space<hbm>> -> memref<25000x128xi32, #tpu.memory_space<hbm>>
    %dma_start3A_259 = arith.constant 0 : i32
    %dma_start3A_260 = tpu.memref_slice %dma_start3A_258[%add3A_248, %dma_start3A_259] : memref<25000x128xi32, #tpu.memory_space<hbm>> -> memref<4x128xi32, #tpu.memory_space<hbm>>
    %dma_start3A_261 = arith.constant 0 : i32
    %dma_start3A_262 = arith.constant 0 : i32
    %dma_start3A_263 = tpu.memref_slice %arg7[%dma_start3A_250, %dma_start3A_261, %dma_start3A_262] : memref<3x4x128xi32, #tpu.memory_space<vmem>> -> memref<1x4x128xi32, #tpu.memory_space<vmem>>
    %dma_start3A_264 = tpu.memref_squeeze %dma_start3A_263 : memref<1x4x128xi32, #tpu.memory_space<vmem>> -> memref<4x128xi32, #tpu.memory_space<vmem>>
    %dma_start3A_265 = arith.constant 0 : i32
    %dma_start3A_266 = arith.constant 0 : i32
    %dma_start3A_267 = tpu.memref_slice %arg3[%dma_start3A_249, %dma_start3A_265, %dma_start3A_266] : memref<2x25000x128xi32, #tpu.memory_space<hbm>> -> memref<1x25000x128xi32, #tpu.memory_space<hbm>>
    %dma_start3A_268 = tpu.memref_squeeze %dma_start3A_267 : memref<1x25000x128xi32, #tpu.memory_space<hbm>> -> memref<25000x128xi32, #tpu.memory_space<hbm>>
    %dma_start3A_269 = arith.constant 0 : i32
    %dma_start3A_270 = tpu.memref_slice %dma_start3A_268[%add3A_248, %dma_start3A_269] : memref<25000x128xi32, #tpu.memory_space<hbm>> -> memref<4x128xi32, #tpu.memory_space<hbm>>
    tpu.enqueue_dma source(%dma_start3A_270 : memref<4x128xi32, #tpu.memory_space<hbm>>) target(%dma_start3A_264 : memref<4x128xi32, #tpu.memory_space<vmem>>) target_semaphore(%arg12 : memref<!tpu.dma_semaphore, #tpu.memory_space<semaphore_mem>>)
    %sub3A_271 = arith.constant 0 : i32
    %sub3A_272 = arith.subi %min3A_23, %sub3A_271 : i32
    %sub3A_273 = arith.constant 1 : i32
    %sub3A_274 = arith.constant 1 : i32
    %sub3A_275 = arith.subi %sub3A_273, %sub3A_274 : i32
    %add3A_276 = arith.addi %sub3A_272, %sub3A_275 : i32
    %div3A_277 = arith.constant 1 : i32
    %div3A_278 = arith.divsi %add3A_276, %div3A_277 : i32
    %while3A = arith.constant 1 : i32
    %while3A_279 = arith.constant 0 : i32
    %while3A_280 = arith.constant 0 : i32
    %while3A_281 = arith.subi %div3A_278, %while3A_280 : i32
    %while3A_282 = arith.addi %while3A_280, %while3A_281 : i32
    %while3A_283 = arith.constant 1 : i32
    %while3A_284 = arith.divsi %while3A_281, %while3A_283 : i32
    %while3A_285 = arith.muli %while3A_284, %while3A_283 : i32
    %while3A_286 = arith.addi %while3A_280, %while3A_285 : i32
    %while3A_287 = arith.constant 1 : i32
    scf.for %while3A_290 = %while3A_280 to %while3A_286 step %while3A_287  : i32 {
      %mul3A_291 = arith.muli %while3A_290, %while3A : i32
      %add3A_292 = arith.addi %while3A_279, %mul3A_291 : i32
      %rem3A_293 = arith.constant 3 : i32
      %rem3A_294 = arith.remsi %add3A_292, %rem3A_293 : i32
      %scan3A_295 = arith.constant 0 : i32
      %scan3A_296 = arith.constant 4 : i32
      %scan3A_297 = arith.addi %scan3A_295, %scan3A_296 : i32
      %scan3A_298 = arith.constant 1 : i32
      scf.for %scan3A_319 = %scan3A_295 to %scan3A_297 step %scan3A_298  : i32 {
        %mul3A_320 = arith.constant 1 : i32
        %mul3A_321 = arith.muli %scan3A_319, %mul3A_320 : i32
        %add3A_322 = arith.constant 0 : i32
        %add3A_323 = arith.addi %add3A_322, %mul3A_321 : i32
        %dma_wait3A_324 = arith.constant 0 : i32
        %dma_wait3A_325 = arith.constant 0 : i32
        %dma_wait3A_326 = arith.constant 0 : i32
        %dma_wait3A_327 = tpu.memref_slice %arg8[%rem3A_294, %dma_wait3A_324, %dma_wait3A_325, %dma_wait3A_326] : memref<3x4x128x16xf32, #tpu.memory_space<vmem>> -> memref<1x1x128x16xf32, #tpu.memory_space<vmem>>
        %dma_wait3A_328 = tpu.memref_squeeze %dma_wait3A_327 : memref<1x1x128x16xf32, #tpu.memory_space<vmem>> -> memref<128x16xf32, #tpu.memory_space<vmem>>
        %dma_wait3A_329 = arith.constant 0 : i32
        %dma_wait3A_330 = arith.constant 0 : i32
        %dma_wait3A_331 = tpu.memref_slice %arg2[%dma_wait3A_329, %dma_wait3A_330] : memref<100000x16xf32, #tpu.memory_space<hbm>> -> memref<128x16xf32, #tpu.memory_space<hbm>>
        %dma_wait3A_332 = arith.constant 0 : i32
        %dma_wait3A_333 = arith.constant 0 : i32
        %dma_wait3A_334 = tpu.memref_slice %arg8[%rem3A_294, %dma_wait3A_324, %dma_wait3A_332, %dma_wait3A_333] : memref<3x4x128x16xf32, #tpu.memory_space<vmem>> -> memref<1x1x128x16xf32, #tpu.memory_space<vmem>>
        %dma_wait3A_335 = tpu.memref_squeeze %dma_wait3A_334 : memref<1x1x128x16xf32, #tpu.memory_space<vmem>> -> memref<128x16xf32, #tpu.memory_space<vmem>>
        %dma_wait3A_336 = arith.constant 0 : i32
        %dma_wait3A_337 = arith.constant 0 : i32
        %dma_wait3A_338 = tpu.memref_slice %arg2[%dma_wait3A_336, %dma_wait3A_337] : memref<100000x16xf32, #tpu.memory_space<hbm>> -> memref<128x16xf32, #tpu.memory_space<hbm>>
        tpu.wait_dma2 semaphore(%arg10 : memref<!tpu.dma_semaphore, #tpu.memory_space<semaphore_mem>>) src(%dma_wait3A_338 : memref<128x16xf32, #tpu.memory_space<hbm>>) dst(%dma_wait3A_335 : memref<128x16xf32, #tpu.memory_space<vmem>>)
      }
      %scan3A_299 = arith.constant 4 : i32
      %add3A_300 = arith.constant 2 : i32
      %add3A_301 = arith.addi %add3A_292, %add3A_300 : i32
      %lt3A = arith.cmpi slt, %add3A_301, %min3A_23 : i32
      %convert_element_type3A = arith.extui %lt3A : i1 to i32
      %cond3A = arith.constant 0 : i32
      %cond3A_302 = arith.cmpi ne, %convert_element_type3A, %cond3A : i32
      scf.if %cond3A_302 {
        %dma_wait3A_319 = arith.constant 0 : i32
        %dma_wait3A_320 = arith.constant 0 : i32
        %dma_wait3A_321 = arith.constant 0 : i32
        %dma_wait3A_322 = arith.constant 0 : i32
        %dma_wait3A_323 = tpu.memref_slice %arg6[%dma_wait3A_320, %dma_wait3A_321, %dma_wait3A_322] : memref<3x4x128xi32, #tpu.memory_space<vmem>> -> memref<1x4x128xi32, #tpu.memory_space<vmem>>
        %dma_wait3A_324 = tpu.memref_squeeze %dma_wait3A_323 : memref<1x4x128xi32, #tpu.memory_space<vmem>> -> memref<4x128xi32, #tpu.memory_space<vmem>>
        %dma_wait3A_325 = arith.constant 0 : i32
        %dma_wait3A_326 = arith.constant 0 : i32
        %dma_wait3A_327 = tpu.memref_slice %arg3[%dma_wait3A_319, %dma_wait3A_325, %dma_wait3A_326] : memref<2x25000x128xi32, #tpu.memory_space<hbm>> -> memref<1x25000x128xi32, #tpu.memory_space<hbm>>
        %dma_wait3A_328 = tpu.memref_squeeze %dma_wait3A_327 : memref<1x25000x128xi32, #tpu.memory_space<hbm>> -> memref<25000x128xi32, #tpu.memory_space<hbm>>
        %dma_wait3A_329 = arith.constant 0 : i32
        %dma_wait3A_330 = arith.constant 0 : i32
        %dma_wait3A_331 = tpu.memref_slice %dma_wait3A_328[%dma_wait3A_329, %dma_wait3A_330] : memref<25000x128xi32, #tpu.memory_space<hbm>> -> memref<4x128xi32, #tpu.memory_space<hbm>>
        %dma_wait3A_332 = arith.constant 0 : i32
        %dma_wait3A_333 = arith.constant 0 : i32
        %dma_wait3A_334 = tpu.memref_slice %arg6[%dma_wait3A_320, %dma_wait3A_332, %dma_wait3A_333] : memref<3x4x128xi32, #tpu.memory_space<vmem>> -> memref<1x4x128xi32, #tpu.memory_space<vmem>>
        %dma_wait3A_335 = tpu.memref_squeeze %dma_wait3A_334 : memref<1x4x128xi32, #tpu.memory_space<vmem>> -> memref<4x128xi32, #tpu.memory_space<vmem>>
        %dma_wait3A_336 = arith.constant 0 : i32
        %dma_wait3A_337 = arith.constant 0 : i32
        %dma_wait3A_338 = tpu.memref_slice %arg3[%dma_wait3A_319, %dma_wait3A_336, %dma_wait3A_337] : memref<2x25000x128xi32, #tpu.memory_space<hbm>> -> memref<1x25000x128xi32, #tpu.memory_space<hbm>>
        %dma_wait3A_339 = tpu.memref_squeeze %dma_wait3A_338 : memref<1x25000x128xi32, #tpu.memory_space<hbm>> -> memref<25000x128xi32, #tpu.memory_space<hbm>>
        %dma_wait3A_340 = arith.constant 0 : i32
        %dma_wait3A_341 = arith.constant 0 : i32
        %dma_wait3A_342 = tpu.memref_slice %dma_wait3A_339[%dma_wait3A_340, %dma_wait3A_341] : memref<25000x128xi32, #tpu.memory_space<hbm>> -> memref<4x128xi32, #tpu.memory_space<hbm>>
        tpu.wait_dma2 semaphore(%arg12 : memref<!tpu.dma_semaphore, #tpu.memory_space<semaphore_mem>>) src(%dma_wait3A_342 : memref<4x128xi32, #tpu.memory_space<hbm>>) dst(%dma_wait3A_335 : memref<4x128xi32, #tpu.memory_space<vmem>>)
        %dma_wait3A_343 = arith.constant 0 : i32
        %dma_wait3A_344 = arith.constant 0 : i32
        %dma_wait3A_345 = arith.constant 0 : i32
        %dma_wait3A_346 = arith.constant 0 : i32
        %dma_wait3A_347 = tpu.memref_slice %arg6[%dma_wait3A_344, %dma_wait3A_345, %dma_wait3A_346] : memref<3x4x128xi32, #tpu.memory_space<vmem>> -> memref<1x4x128xi32, #tpu.memory_space<vmem>>
        %dma_wait3A_348 = tpu.memref_squeeze %dma_wait3A_347 : memref<1x4x128xi32, #tpu.memory_space<vmem>> -> memref<4x128xi32, #tpu.memory_space<vmem>>
        %dma_wait3A_349 = arith.constant 0 : i32
        %dma_wait3A_350 = arith.constant 0 : i32
        %dma_wait3A_351 = tpu.memref_slice %arg3[%dma_wait3A_343, %dma_wait3A_349, %dma_wait3A_350] : memref<2x25000x128xi32, #tpu.memory_space<hbm>> -> memref<1x25000x128xi32, #tpu.memory_space<hbm>>
        %dma_wait3A_352 = tpu.memref_squeeze %dma_wait3A_351 : memref<1x25000x128xi32, #tpu.memory_space<hbm>> -> memref<25000x128xi32, #tpu.memory_space<hbm>>
        %dma_wait3A_353 = arith.constant 0 : i32
        %dma_wait3A_354 = arith.constant 0 : i32
        %dma_wait3A_355 = tpu.memref_slice %dma_wait3A_352[%dma_wait3A_353, %dma_wait3A_354] : memref<25000x128xi32, #tpu.memory_space<hbm>> -> memref<4x128xi32, #tpu.memory_space<hbm>>
        %dma_wait3A_356 = arith.constant 0 : i32
        %dma_wait3A_357 = arith.constant 0 : i32
        %dma_wait3A_358 = tpu.memref_slice %arg6[%dma_wait3A_344, %dma_wait3A_356, %dma_wait3A_357] : memref<3x4x128xi32, #tpu.memory_space<vmem>> -> memref<1x4x128xi32, #tpu.memory_space<vmem>>
        %dma_wait3A_359 = tpu.memref_squeeze %dma_wait3A_358 : memref<1x4x128xi32, #tpu.memory_space<vmem>> -> memref<4x128xi32, #tpu.memory_space<vmem>>
        %dma_wait3A_360 = arith.constant 0 : i32
        %dma_wait3A_361 = arith.constant 0 : i32
        %dma_wait3A_362 = tpu.memref_slice %arg3[%dma_wait3A_343, %dma_wait3A_360, %dma_wait3A_361] : memref<2x25000x128xi32, #tpu.memory_space<hbm>> -> memref<1x25000x128xi32, #tpu.memory_space<hbm>>
        %dma_wait3A_363 = tpu.memref_squeeze %dma_wait3A_362 : memref<1x25000x128xi32, #tpu.memory_space<hbm>> -> memref<25000x128xi32, #tpu.memory_space<hbm>>
        %dma_wait3A_364 = arith.constant 0 : i32
        %dma_wait3A_365 = arith.constant 0 : i32
        %dma_wait3A_366 = tpu.memref_slice %dma_wait3A_363[%dma_wait3A_364, %dma_wait3A_365] : memref<25000x128xi32, #tpu.memory_space<hbm>> -> memref<4x128xi32, #tpu.memory_space<hbm>>
        tpu.wait_dma2 semaphore(%arg12 : memref<!tpu.dma_semaphore, #tpu.memory_space<semaphore_mem>>) src(%dma_wait3A_366 : memref<4x128xi32, #tpu.memory_space<hbm>>) dst(%dma_wait3A_359 : memref<4x128xi32, #tpu.memory_space<vmem>>)
        %add3A_367 = arith.constant 2 : i32
        %add3A_368 = arith.addi %add3A_292, %add3A_367 : i32
        %rem3A_369 = arith.constant 3 : i32
        %rem3A_370 = arith.remsi %add3A_368, %rem3A_369 : i32
        %scan3A_371 = arith.constant 0 : i32
        %scan3A_372 = arith.constant 4 : i32
        %scan3A_373 = arith.addi %scan3A_371, %scan3A_372 : i32
        %scan3A_374 = arith.constant 1 : i32
        scf.for %scan3A_376 = %scan3A_371 to %scan3A_373 step %scan3A_374  : i32 {
          %mul3A_377 = arith.constant 1 : i32
          %mul3A_378 = arith.muli %scan3A_376, %mul3A_377 : i32
          %add3A_379 = arith.constant 0 : i32
          %add3A_380 = arith.addi %add3A_379, %mul3A_378 : i32
          %dma_start3A_381 = arith.constant 0 : i32
          %dma_start3A_382 = arith.constant 0 : i32
          %dma_start3A_383 = tpu.memref_slice %arg8[%rem3A_370, %add3A_380, %dma_start3A_381, %dma_start3A_382] : memref<3x4x128x16xf32, #tpu.memory_space<vmem>> -> memref<1x1x128x16xf32, #tpu.memory_space<vmem>>
          %dma_start3A_384 = tpu.memref_squeeze %dma_start3A_383 : memref<1x1x128x16xf32, #tpu.memory_space<vmem>> -> memref<128x16xf32, #tpu.memory_space<vmem>>
          %dma_start3A_385 = arith.constant 0 : i32
          %dma_start3A_386 = tpu.memref_slice %arg6[%rem3A_370, %add3A_380, %dma_start3A_385] : memref<3x4x128xi32, #tpu.memory_space<vmem>> -> memref<1x1x128xi32, #tpu.memory_space<vmem>>
          %dma_start3A_387 = tpu.memref_squeeze %dma_start3A_386 : memref<1x1x128xi32, #tpu.memory_space<vmem>> -> memref<128xi32, #tpu.memory_space<vmem>>
          %dma_start3A_388 = arith.constant 0 : i32
          %dma_start3A_389 = arith.constant 0 : i32
          %dma_start3A_390 = tpu.memref_slice %arg2[%dma_start3A_388, %dma_start3A_389] : memref<100000x16xf32, #tpu.memory_space<hbm>> -> memref<100000x16xf32, #tpu.memory_space<hbm>>
          tpu.enqueue_indirect_dma source(%dma_start3A_390 : memref<100000x16xf32, #tpu.memory_space<hbm>>) target(%dma_start3A_384 : memref<128x16xf32, #tpu.memory_space<vmem>>) offsets(%dma_start3A_387 : memref<128xi32, #tpu.memory_space<vmem>>) semaphore(%arg10 : memref<!tpu.dma_semaphore, #tpu.memory_space<semaphore_mem>>)
        }
        %scan3A_375 = arith.constant 4 : i32
      } else {
      }
      %scan3A_303 = arith.constant 0 : i32
      %scan3A_304 = arith.constant 4 : i32
      %scan3A_305 = arith.addi %scan3A_303, %scan3A_304 : i32
      %scan3A_306 = arith.constant 1 : i32
      scf.for %scan3A_319 = %scan3A_303 to %scan3A_305 step %scan3A_306  : i32 {
        %mul3A_320 = arith.constant 1 : i32
        %mul3A_321 = arith.muli %scan3A_319, %mul3A_320 : i32
        %add3A_322 = arith.constant 0 : i32
        %add3A_323 = arith.addi %add3A_322, %mul3A_321 : i32
        %dma_start3A_324 = arith.constant 0 : i32
        %dma_start3A_325 = arith.constant 0 : i32
        %dma_start3A_326 = tpu.memref_slice %arg8[%rem3A_294, %add3A_323, %dma_start3A_324, %dma_start3A_325] : memref<3x4x128x16xf32, #tpu.memory_space<vmem>> -> memref<1x1x128x16xf32, #tpu.memory_space<vmem>>
        %dma_start3A_327 = tpu.memref_squeeze %dma_start3A_326 : memref<1x1x128x16xf32, #tpu.memory_space<vmem>> -> memref<128x16xf32, #tpu.memory_space<vmem>>
        %dma_start3A_328 = arith.constant 0 : i32
        %dma_start3A_329 = tpu.memref_slice %arg7[%rem3A_294, %add3A_323, %dma_start3A_328] : memref<3x4x128xi32, #tpu.memory_space<vmem>> -> memref<1x1x128xi32, #tpu.memory_space<vmem>>
        %dma_start3A_330 = tpu.memref_squeeze %dma_start3A_329 : memref<1x1x128xi32, #tpu.memory_space<vmem>> -> memref<128xi32, #tpu.memory_space<vmem>>
        %dma_start3A_331 = arith.constant 0 : i32
        %dma_start3A_332 = arith.constant 0 : i32
        %dma_start3A_333 = tpu.memref_slice %arg9[%dma_start3A_331, %dma_start3A_332] : memref<100352x16xf32, #tpu.memory_space<vmem_shared>> -> memref<100352x16xf32, #tpu.memory_space<vmem_shared>>
        tpu.enqueue_indirect_dma source(%dma_start3A_327 : memref<128x16xf32, #tpu.memory_space<vmem>>) target(%dma_start3A_333 : memref<100352x16xf32, #tpu.memory_space<vmem_shared>>) offsets(%dma_start3A_330 : memref<128xi32, #tpu.memory_space<vmem>>) semaphore(%arg11 : memref<!tpu.dma_semaphore, #tpu.memory_space<semaphore_mem>>) {add = true}
      }
      %scan3A_307 = arith.constant 4 : i32
      %scan3A_308 = arith.constant 0 : i32
      %scan3A_309 = arith.constant 4 : i32
      %scan3A_310 = arith.addi %scan3A_308, %scan3A_309 : i32
      %scan3A_311 = arith.constant 1 : i32
      scf.for %scan3A_319 = %scan3A_308 to %scan3A_310 step %scan3A_311  : i32 {
        %mul3A_320 = arith.constant 1 : i32
        %mul3A_321 = arith.muli %scan3A_319, %mul3A_320 : i32
        %add3A_322 = arith.constant 0 : i32
        %add3A_323 = arith.addi %add3A_322, %mul3A_321 : i32
        %dma_wait3A_324 = arith.constant 0 : i32
        %dma_wait3A_325 = arith.constant 0 : i32
        %dma_wait3A_326 = arith.constant 0 : i32
        %dma_wait3A_327 = tpu.memref_slice %arg8[%rem3A_294, %dma_wait3A_324, %dma_wait3A_325, %dma_wait3A_326] : memref<3x4x128x16xf32, #tpu.memory_space<vmem>> -> memref<1x1x128x16xf32, #tpu.memory_space<vmem>>
        %dma_wait3A_328 = tpu.memref_squeeze %dma_wait3A_327 : memref<1x1x128x16xf32, #tpu.memory_space<vmem>> -> memref<128x16xf32, #tpu.memory_space<vmem>>
        %dma_wait3A_329 = arith.constant 0 : i32
        %dma_wait3A_330 = arith.constant 0 : i32
        %dma_wait3A_331 = tpu.memref_slice %arg9[%dma_wait3A_329, %dma_wait3A_330] : memref<100352x16xf32, #tpu.memory_space<vmem_shared>> -> memref<128x16xf32, #tpu.memory_space<vmem_shared>>
        %dma_wait3A_332 = arith.constant 0 : i32
        %dma_wait3A_333 = arith.constant 0 : i32
        %dma_wait3A_334 = tpu.memref_slice %arg9[%dma_wait3A_332, %dma_wait3A_333] : memref<100352x16xf32, #tpu.memory_space<vmem_shared>> -> memref<128x16xf32, #tpu.memory_space<vmem_shared>>
        %dma_wait3A_335 = arith.constant 0 : i32
        %dma_wait3A_336 = arith.constant 0 : i32
        %dma_wait3A_337 = tpu.memref_slice %arg8[%rem3A_294, %dma_wait3A_324, %dma_wait3A_335, %dma_wait3A_336] : memref<3x4x128x16xf32, #tpu.memory_space<vmem>> -> memref<1x1x128x16xf32, #tpu.memory_space<vmem>>
        %dma_wait3A_338 = tpu.memref_squeeze %dma_wait3A_337 : memref<1x1x128x16xf32, #tpu.memory_space<vmem>> -> memref<128x16xf32, #tpu.memory_space<vmem>>
        tpu.wait_dma2 semaphore(%arg11 : memref<!tpu.dma_semaphore, #tpu.memory_space<semaphore_mem>>) src(%dma_wait3A_338 : memref<128x16xf32, #tpu.memory_space<vmem>>) dst(%dma_wait3A_334 : memref<128x16xf32, #tpu.memory_space<vmem_shared>>)
      }
      %scan3A_312 = arith.constant 4 : i32
      %add3A_313 = arith.constant 3 : i32
      %add3A_314 = arith.addi %add3A_292, %add3A_313 : i32
      %lt3A_315 = arith.cmpi slt, %add3A_314, %min3A_23 : i32
      %convert_element_type3A_316 = arith.extui %lt3A_315 : i1 to i32
      %cond3A_317 = arith.constant 0 : i32
      %cond3A_318 = arith.cmpi ne, %convert_element_type3A_316, %cond3A_317 : i32
      scf.if %cond3A_318 {
        %add3A_319 = arith.constant 3 : i32
        %add3A_320 = arith.addi %add3A_292, %add3A_319 : i32
        %mul3A_321 = arith.constant 4 : i32
        %mul3A_322 = arith.muli %add3A_320, %mul3A_321 : i32
        %add3A_323 = arith.addi %mul3A_4, %mul3A_322 : i32
        %dma_start3A_324 = arith.constant 0 : i32
        %dma_start3A_325 = arith.constant 0 : i32
        %dma_start3A_326 = arith.constant 0 : i32
        %dma_start3A_327 = tpu.memref_slice %arg6[%rem3A_294, %dma_start3A_325, %dma_start3A_326] : memref<3x4x128xi32, #tpu.memory_space<vmem>> -> memref<1x4x128xi32, #tpu.memory_space<vmem>>
        %dma_start3A_328 = tpu.memref_squeeze %dma_start3A_327 : memref<1x4x128xi32, #tpu.memory_space<vmem>> -> memref<4x128xi32, #tpu.memory_space<vmem>>
        %dma_start3A_329 = arith.constant 0 : i32
        %dma_start3A_330 = arith.constant 0 : i32
        %dma_start3A_331 = tpu.memref_slice %arg3[%dma_start3A_324, %dma_start3A_329, %dma_start3A_330] : memref<2x25000x128xi32, #tpu.memory_space<hbm>> -> memref<1x25000x128xi32, #tpu.memory_space<hbm>>
        %dma_start3A_332 = tpu.memref_squeeze %dma_start3A_331 : memref<1x25000x128xi32, #tpu.memory_space<hbm>> -> memref<25000x128xi32, #tpu.memory_space<hbm>>
        %dma_start3A_333 = arith.constant 0 : i32
        %dma_start3A_334 = tpu.memref_slice %dma_start3A_332[%add3A_323, %dma_start3A_333] : memref<25000x128xi32, #tpu.memory_space<hbm>> -> memref<4x128xi32, #tpu.memory_space<hbm>>
        %dma_start3A_335 = arith.constant 0 : i32
        %dma_start3A_336 = arith.constant 0 : i32
        %dma_start3A_337 = tpu.memref_slice %arg6[%rem3A_294, %dma_start3A_335, %dma_start3A_336] : memref<3x4x128xi32, #tpu.memory_space<vmem>> -> memref<1x4x128xi32, #tpu.memory_space<vmem>>
        %dma_start3A_338 = tpu.memref_squeeze %dma_start3A_337 : memref<1x4x128xi32, #tpu.memory_space<vmem>> -> memref<4x128xi32, #tpu.memory_space<vmem>>
        %dma_start3A_339 = arith.constant 0 : i32
        %dma_start3A_340 = arith.constant 0 : i32
        %dma_start3A_341 = tpu.memref_slice %arg3[%dma_start3A_324, %dma_start3A_339, %dma_start3A_340] : memref<2x25000x128xi32, #tpu.memory_space<hbm>> -> memref<1x25000x128xi32, #tpu.memory_space<hbm>>
        %dma_start3A_342 = tpu.memref_squeeze %dma_start3A_341 : memref<1x25000x128xi32, #tpu.memory_space<hbm>> -> memref<25000x128xi32, #tpu.memory_space<hbm>>
        %dma_start3A_343 = arith.constant 0 : i32
        %dma_start3A_344 = tpu.memref_slice %dma_start3A_342[%add3A_323, %dma_start3A_343] : memref<25000x128xi32, #tpu.memory_space<hbm>> -> memref<4x128xi32, #tpu.memory_space<hbm>>
        tpu.enqueue_dma source(%dma_start3A_344 : memref<4x128xi32, #tpu.memory_space<hbm>>) target(%dma_start3A_338 : memref<4x128xi32, #tpu.memory_space<vmem>>) target_semaphore(%arg12 : memref<!tpu.dma_semaphore, #tpu.memory_space<semaphore_mem>>)
        %mul3A_345 = arith.constant 4 : i32
        %mul3A_346 = arith.muli %add3A_320, %mul3A_345 : i32
        %add3A_347 = arith.addi %mul3A_4, %mul3A_346 : i32
        %dma_start3A_348 = arith.constant 1 : i32
        %dma_start3A_349 = arith.constant 0 : i32
        %dma_start3A_350 = arith.constant 0 : i32
        %dma_start3A_351 = tpu.memref_slice %arg7[%rem3A_294, %dma_start3A_349, %dma_start3A_350] : memref<3x4x128xi32, #tpu.memory_space<vmem>> -> memref<1x4x128xi32, #tpu.memory_space<vmem>>
        %dma_start3A_352 = tpu.memref_squeeze %dma_start3A_351 : memref<1x4x128xi32, #tpu.memory_space<vmem>> -> memref<4x128xi32, #tpu.memory_space<vmem>>
        %dma_start3A_353 = arith.constant 0 : i32
        %dma_start3A_354 = arith.constant 0 : i32
        %dma_start3A_355 = tpu.memref_slice %arg3[%dma_start3A_348, %dma_start3A_353, %dma_start3A_354] : memref<2x25000x128xi32, #tpu.memory_space<hbm>> -> memref<1x25000x128xi32, #tpu.memory_space<hbm>>
        %dma_start3A_356 = tpu.memref_squeeze %dma_start3A_355 : memref<1x25000x128xi32, #tpu.memory_space<hbm>> -> memref<25000x128xi32, #tpu.memory_space<hbm>>
        %dma_start3A_357 = arith.constant 0 : i32
        %dma_start3A_358 = tpu.memref_slice %dma_start3A_356[%add3A_347, %dma_start3A_357] : memref<25000x128xi32, #tpu.memory_space<hbm>> -> memref<4x128xi32, #tpu.memory_space<hbm>>
        %dma_start3A_359 = arith.constant 0 : i32
        %dma_start3A_360 = arith.constant 0 : i32
        %dma_start3A_361 = tpu.memref_slice %arg7[%rem3A_294, %dma_start3A_359, %dma_start3A_360] : memref<3x4x128xi32, #tpu.memory_space<vmem>> -> memref<1x4x128xi32, #tpu.memory_space<vmem>>
        %dma_start3A_362 = tpu.memref_squeeze %dma_start3A_361 : memref<1x4x128xi32, #tpu.memory_space<vmem>> -> memref<4x128xi32, #tpu.memory_space<vmem>>
        %dma_start3A_363 = arith.constant 0 : i32
        %dma_start3A_364 = arith.constant 0 : i32
        %dma_start3A_365 = tpu.memref_slice %arg3[%dma_start3A_348, %dma_start3A_363, %dma_start3A_364] : memref<2x25000x128xi32, #tpu.memory_space<hbm>> -> memref<1x25000x128xi32, #tpu.memory_space<hbm>>
        %dma_start3A_366 = tpu.memref_squeeze %dma_start3A_365 : memref<1x25000x128xi32, #tpu.memory_space<hbm>> -> memref<25000x128xi32, #tpu.memory_space<hbm>>
        %dma_start3A_367 = arith.constant 0 : i32
        %dma_start3A_368 = tpu.memref_slice %dma_start3A_366[%add3A_347, %dma_start3A_367] : memref<25000x128xi32, #tpu.memory_space<hbm>> -> memref<4x128xi32, #tpu.memory_space<hbm>>
        tpu.enqueue_dma source(%dma_start3A_368 : memref<4x128xi32, #tpu.memory_space<hbm>>) target(%dma_start3A_362 : memref<4x128xi32, #tpu.memory_space<vmem>>) target_semaphore(%arg12 : memref<!tpu.dma_semaphore, #tpu.memory_space<semaphore_mem>>)
      } else {
      }
    }
    %while3A_288 = arith.constant 1 : i32
    scf.for %while3A_290 = %while3A_286 to %while3A_282 step %while3A_288  : i32 {
      %mul3A_291 = arith.muli %while3A_290, %while3A : i32
      %add3A_292 = arith.addi %while3A_279, %mul3A_291 : i32
      %rem3A_293 = arith.constant 3 : i32
      %rem3A_294 = arith.remsi %add3A_292, %rem3A_293 : i32
      %scan3A_295 = arith.constant 0 : i32
      %scan3A_296 = arith.constant 4 : i32
      %scan3A_297 = arith.addi %scan3A_295, %scan3A_296 : i32
      %scan3A_298 = arith.constant 1 : i32
      scf.for %scan3A_319 = %scan3A_295 to %scan3A_297 step %scan3A_298  : i32 {
        %mul3A_320 = arith.constant 1 : i32
        %mul3A_321 = arith.muli %scan3A_319, %mul3A_320 : i32
        %add3A_322 = arith.constant 0 : i32
        %add3A_323 = arith.addi %add3A_322, %mul3A_321 : i32
        %dma_wait3A_324 = arith.constant 0 : i32
        %dma_wait3A_325 = arith.constant 0 : i32
        %dma_wait3A_326 = arith.constant 0 : i32
        %dma_wait3A_327 = tpu.memref_slice %arg8[%rem3A_294, %dma_wait3A_324, %dma_wait3A_325, %dma_wait3A_326] : memref<3x4x128x16xf32, #tpu.memory_space<vmem>> -> memref<1x1x128x16xf32, #tpu.memory_space<vmem>>
        %dma_wait3A_328 = tpu.memref_squeeze %dma_wait3A_327 : memref<1x1x128x16xf32, #tpu.memory_space<vmem>> -> memref<128x16xf32, #tpu.memory_space<vmem>>
        %dma_wait3A_329 = arith.constant 0 : i32
        %dma_wait3A_330 = arith.constant 0 : i32
        %dma_wait3A_331 = tpu.memref_slice %arg2[%dma_wait3A_329, %dma_wait3A_330] : memref<100000x16xf32, #tpu.memory_space<hbm>> -> memref<128x16xf32, #tpu.memory_space<hbm>>
        %dma_wait3A_332 = arith.constant 0 : i32
        %dma_wait3A_333 = arith.constant 0 : i32
        %dma_wait3A_334 = tpu.memref_slice %arg8[%rem3A_294, %dma_wait3A_324, %dma_wait3A_332, %dma_wait3A_333] : memref<3x4x128x16xf32, #tpu.memory_space<vmem>> -> memref<1x1x128x16xf32, #tpu.memory_space<vmem>>
        %dma_wait3A_335 = tpu.memref_squeeze %dma_wait3A_334 : memref<1x1x128x16xf32, #tpu.memory_space<vmem>> -> memref<128x16xf32, #tpu.memory_space<vmem>>
        %dma_wait3A_336 = arith.constant 0 : i32
        %dma_wait3A_337 = arith.constant 0 : i32
        %dma_wait3A_338 = tpu.memref_slice %arg2[%dma_wait3A_336, %dma_wait3A_337] : memref<100000x16xf32, #tpu.memory_space<hbm>> -> memref<128x16xf32, #tpu.memory_space<hbm>>
        tpu.wait_dma2 semaphore(%arg10 : memref<!tpu.dma_semaphore, #tpu.memory_space<semaphore_mem>>) src(%dma_wait3A_338 : memref<128x16xf32, #tpu.memory_space<hbm>>) dst(%dma_wait3A_335 : memref<128x16xf32, #tpu.memory_space<vmem>>)
      }
      %scan3A_299 = arith.constant 4 : i32
      %add3A_300 = arith.constant 2 : i32
      %add3A_301 = arith.addi %add3A_292, %add3A_300 : i32
      %lt3A = arith.cmpi slt, %add3A_301, %min3A_23 : i32
      %convert_element_type3A = arith.extui %lt3A : i1 to i32
      %cond3A = arith.constant 0 : i32
      %cond3A_302 = arith.cmpi ne, %convert_element_type3A, %cond3A : i32
      scf.if %cond3A_302 {
        %dma_wait3A_319 = arith.constant 0 : i32
        %dma_wait3A_320 = arith.constant 0 : i32
        %dma_wait3A_321 = arith.constant 0 : i32
        %dma_wait3A_322 = arith.constant 0 : i32
        %dma_wait3A_323 = tpu.memref_slice %arg6[%dma_wait3A_320, %dma_wait3A_321, %dma_wait3A_322] : memref<3x4x128xi32, #tpu.memory_space<vmem>> -> memref<1x4x128xi32, #tpu.memory_space<vmem>>
        %dma_wait3A_324 = tpu.memref_squeeze %dma_wait3A_323 : memref<1x4x128xi32, #tpu.memory_space<vmem>> -> memref<4x128xi32, #tpu.memory_space<vmem>>
        %dma_wait3A_325 = arith.constant 0 : i32
        %dma_wait3A_326 = arith.constant 0 : i32
        %dma_wait3A_327 = tpu.memref_slice %arg3[%dma_wait3A_319, %dma_wait3A_325, %dma_wait3A_326] : memref<2x25000x128xi32, #tpu.memory_space<hbm>> -> memref<1x25000x128xi32, #tpu.memory_space<hbm>>
        %dma_wait3A_328 = tpu.memref_squeeze %dma_wait3A_327 : memref<1x25000x128xi32, #tpu.memory_space<hbm>> -> memref<25000x128xi32, #tpu.memory_space<hbm>>
        %dma_wait3A_329 = arith.constant 0 : i32
        %dma_wait3A_330 = arith.constant 0 : i32
        %dma_wait3A_331 = tpu.memref_slice %dma_wait3A_328[%dma_wait3A_329, %dma_wait3A_330] : memref<25000x128xi32, #tpu.memory_space<hbm>> -> memref<4x128xi32, #tpu.memory_space<hbm>>
        %dma_wait3A_332 = arith.constant 0 : i32
        %dma_wait3A_333 = arith.constant 0 : i32
        %dma_wait3A_334 = tpu.memref_slice %arg6[%dma_wait3A_320, %dma_wait3A_332, %dma_wait3A_333] : memref<3x4x128xi32, #tpu.memory_space<vmem>> -> memref<1x4x128xi32, #tpu.memory_space<vmem>>
        %dma_wait3A_335 = tpu.memref_squeeze %dma_wait3A_334 : memref<1x4x128xi32, #tpu.memory_space<vmem>> -> memref<4x128xi32, #tpu.memory_space<vmem>>
        %dma_wait3A_336 = arith.constant 0 : i32
        %dma_wait3A_337 = arith.constant 0 : i32
        %dma_wait3A_338 = tpu.memref_slice %arg3[%dma_wait3A_319, %dma_wait3A_336, %dma_wait3A_337] : memref<2x25000x128xi32, #tpu.memory_space<hbm>> -> memref<1x25000x128xi32, #tpu.memory_space<hbm>>
        %dma_wait3A_339 = tpu.memref_squeeze %dma_wait3A_338 : memref<1x25000x128xi32, #tpu.memory_space<hbm>> -> memref<25000x128xi32, #tpu.memory_space<hbm>>
        %dma_wait3A_340 = arith.constant 0 : i32
        %dma_wait3A_341 = arith.constant 0 : i32
        %dma_wait3A_342 = tpu.memref_slice %dma_wait3A_339[%dma_wait3A_340, %dma_wait3A_341] : memref<25000x128xi32, #tpu.memory_space<hbm>> -> memref<4x128xi32, #tpu.memory_space<hbm>>
        tpu.wait_dma2 semaphore(%arg12 : memref<!tpu.dma_semaphore, #tpu.memory_space<semaphore_mem>>) src(%dma_wait3A_342 : memref<4x128xi32, #tpu.memory_space<hbm>>) dst(%dma_wait3A_335 : memref<4x128xi32, #tpu.memory_space<vmem>>)
        %dma_wait3A_343 = arith.constant 0 : i32
        %dma_wait3A_344 = arith.constant 0 : i32
        %dma_wait3A_345 = arith.constant 0 : i32
        %dma_wait3A_346 = arith.constant 0 : i32
        %dma_wait3A_347 = tpu.memref_slice %arg6[%dma_wait3A_344, %dma_wait3A_345, %dma_wait3A_346] : memref<3x4x128xi32, #tpu.memory_space<vmem>> -> memref<1x4x128xi32, #tpu.memory_space<vmem>>
        %dma_wait3A_348 = tpu.memref_squeeze %dma_wait3A_347 : memref<1x4x128xi32, #tpu.memory_space<vmem>> -> memref<4x128xi32, #tpu.memory_space<vmem>>
        %dma_wait3A_349 = arith.constant 0 : i32
        %dma_wait3A_350 = arith.constant 0 : i32
        %dma_wait3A_351 = tpu.memref_slice %arg3[%dma_wait3A_343, %dma_wait3A_349, %dma_wait3A_350] : memref<2x25000x128xi32, #tpu.memory_space<hbm>> -> memref<1x25000x128xi32, #tpu.memory_space<hbm>>
        %dma_wait3A_352 = tpu.memref_squeeze %dma_wait3A_351 : memref<1x25000x128xi32, #tpu.memory_space<hbm>> -> memref<25000x128xi32, #tpu.memory_space<hbm>>
        %dma_wait3A_353 = arith.constant 0 : i32
        %dma_wait3A_354 = arith.constant 0 : i32
        %dma_wait3A_355 = tpu.memref_slice %dma_wait3A_352[%dma_wait3A_353, %dma_wait3A_354] : memref<25000x128xi32, #tpu.memory_space<hbm>> -> memref<4x128xi32, #tpu.memory_space<hbm>>
        %dma_wait3A_356 = arith.constant 0 : i32
        %dma_wait3A_357 = arith.constant 0 : i32
        %dma_wait3A_358 = tpu.memref_slice %arg6[%dma_wait3A_344, %dma_wait3A_356, %dma_wait3A_357] : memref<3x4x128xi32, #tpu.memory_space<vmem>> -> memref<1x4x128xi32, #tpu.memory_space<vmem>>
        %dma_wait3A_359 = tpu.memref_squeeze %dma_wait3A_358 : memref<1x4x128xi32, #tpu.memory_space<vmem>> -> memref<4x128xi32, #tpu.memory_space<vmem>>
        %dma_wait3A_360 = arith.constant 0 : i32
        %dma_wait3A_361 = arith.constant 0 : i32
        %dma_wait3A_362 = tpu.memref_slice %arg3[%dma_wait3A_343, %dma_wait3A_360, %dma_wait3A_361] : memref<2x25000x128xi32, #tpu.memory_space<hbm>> -> memref<1x25000x128xi32, #tpu.memory_space<hbm>>
        %dma_wait3A_363 = tpu.memref_squeeze %dma_wait3A_362 : memref<1x25000x128xi32, #tpu.memory_space<hbm>> -> memref<25000x128xi32, #tpu.memory_space<hbm>>
        %dma_wait3A_364 = arith.constant 0 : i32
        %dma_wait3A_365 = arith.constant 0 : i32
        %dma_wait3A_366 = tpu.memref_slice %dma_wait3A_363[%dma_wait3A_364, %dma_wait3A_365] : memref<25000x128xi32, #tpu.memory_space<hbm>> -> memref<4x128xi32, #tpu.memory_space<hbm>>
        tpu.wait_dma2 semaphore(%arg12 : memref<!tpu.dma_semaphore, #tpu.memory_space<semaphore_mem>>) src(%dma_wait3A_366 : memref<4x128xi32, #tpu.memory_space<hbm>>) dst(%dma_wait3A_359 : memref<4x128xi32, #tpu.memory_space<vmem>>)
        %add3A_367 = arith.constant 2 : i32
        %add3A_368 = arith.addi %add3A_292, %add3A_367 : i32
        %rem3A_369 = arith.constant 3 : i32
        %rem3A_370 = arith.remsi %add3A_368, %rem3A_369 : i32
        %scan3A_371 = arith.constant 0 : i32
        %scan3A_372 = arith.constant 4 : i32
        %scan3A_373 = arith.addi %scan3A_371, %scan3A_372 : i32
        %scan3A_374 = arith.constant 1 : i32
        scf.for %scan3A_376 = %scan3A_371 to %scan3A_373 step %scan3A_374  : i32 {
          %mul3A_377 = arith.constant 1 : i32
          %mul3A_378 = arith.muli %scan3A_376, %mul3A_377 : i32
          %add3A_379 = arith.constant 0 : i32
          %add3A_380 = arith.addi %add3A_379, %mul3A_378 : i32
          %dma_start3A_381 = arith.constant 0 : i32
          %dma_start3A_382 = arith.constant 0 : i32
          %dma_start3A_383 = tpu.memref_slice %arg8[%rem3A_370, %add3A_380, %dma_start3A_381, %dma_start3A_382] : memref<3x4x128x16xf32, #tpu.memory_space<vmem>> -> memref<1x1x128x16xf32, #tpu.memory_space<vmem>>
          %dma_start3A_384 = tpu.memref_squeeze %dma_start3A_383 : memref<1x1x128x16xf32, #tpu.memory_space<vmem>> -> memref<128x16xf32, #tpu.memory_space<vmem>>
          %dma_start3A_385 = arith.constant 0 : i32
          %dma_start3A_386 = tpu.memref_slice %arg6[%rem3A_370, %add3A_380, %dma_start3A_385] : memref<3x4x128xi32, #tpu.memory_space<vmem>> -> memref<1x1x128xi32, #tpu.memory_space<vmem>>
          %dma_start3A_387 = tpu.memref_squeeze %dma_start3A_386 : memref<1x1x128xi32, #tpu.memory_space<vmem>> -> memref<128xi32, #tpu.memory_space<vmem>>
          %dma_start3A_388 = arith.constant 0 : i32
          %dma_start3A_389 = arith.constant 0 : i32
          %dma_start3A_390 = tpu.memref_slice %arg2[%dma_start3A_388, %dma_start3A_389] : memref<100000x16xf32, #tpu.memory_space<hbm>> -> memref<100000x16xf32, #tpu.memory_space<hbm>>
          tpu.enqueue_indirect_dma source(%dma_start3A_390 : memref<100000x16xf32, #tpu.memory_space<hbm>>) target(%dma_start3A_384 : memref<128x16xf32, #tpu.memory_space<vmem>>) offsets(%dma_start3A_387 : memref<128xi32, #tpu.memory_space<vmem>>) semaphore(%arg10 : memref<!tpu.dma_semaphore, #tpu.memory_space<semaphore_mem>>)
        }
        %scan3A_375 = arith.constant 4 : i32
      } else {
      }
      %scan3A_303 = arith.constant 0 : i32
      %scan3A_304 = arith.constant 4 : i32
      %scan3A_305 = arith.addi %scan3A_303, %scan3A_304 : i32
      %scan3A_306 = arith.constant 1 : i32
      scf.for %scan3A_319 = %scan3A_303 to %scan3A_305 step %scan3A_306  : i32 {
        %mul3A_320 = arith.constant 1 : i32
        %mul3A_321 = arith.muli %scan3A_319, %mul3A_320 : i32
        %add3A_322 = arith.constant 0 : i32
        %add3A_323 = arith.addi %add3A_322, %mul3A_321 : i32
        %dma_start3A_324 = arith.constant 0 : i32
        %dma_start3A_325 = arith.constant 0 : i32
        %dma_start3A_326 = tpu.memref_slice %arg8[%rem3A_294, %add3A_323, %dma_start3A_324, %dma_start3A_325] : memref<3x4x128x16xf32, #tpu.memory_space<vmem>> -> memref<1x1x128x16xf32, #tpu.memory_space<vmem>>
        %dma_start3A_327 = tpu.memref_squeeze %dma_start3A_326 : memref<1x1x128x16xf32, #tpu.memory_space<vmem>> -> memref<128x16xf32, #tpu.memory_space<vmem>>
        %dma_start3A_328 = arith.constant 0 : i32
        %dma_start3A_329 = tpu.memref_slice %arg7[%rem3A_294, %add3A_323, %dma_start3A_328] : memref<3x4x128xi32, #tpu.memory_space<vmem>> -> memref<1x1x128xi32, #tpu.memory_space<vmem>>
        %dma_start3A_330 = tpu.memref_squeeze %dma_start3A_329 : memref<1x1x128xi32, #tpu.memory_space<vmem>> -> memref<128xi32, #tpu.memory_space<vmem>>
        %dma_start3A_331 = arith.constant 0 : i32
        %dma_start3A_332 = arith.constant 0 : i32
        %dma_start3A_333 = tpu.memref_slice %arg9[%dma_start3A_331, %dma_start3A_332] : memref<100352x16xf32, #tpu.memory_space<vmem_shared>> -> memref<100352x16xf32, #tpu.memory_space<vmem_shared>>
        tpu.enqueue_indirect_dma source(%dma_start3A_327 : memref<128x16xf32, #tpu.memory_space<vmem>>) target(%dma_start3A_333 : memref<100352x16xf32, #tpu.memory_space<vmem_shared>>) offsets(%dma_start3A_330 : memref<128xi32, #tpu.memory_space<vmem>>) semaphore(%arg11 : memref<!tpu.dma_semaphore, #tpu.memory_space<semaphore_mem>>) {add = true}
      }
      %scan3A_307 = arith.constant 4 : i32
      %scan3A_308 = arith.constant 0 : i32
      %scan3A_309 = arith.constant 4 : i32
      %scan3A_310 = arith.addi %scan3A_308, %scan3A_309 : i32
      %scan3A_311 = arith.constant 1 : i32
      scf.for %scan3A_319 = %scan3A_308 to %scan3A_310 step %scan3A_311  : i32 {
        %mul3A_320 = arith.constant 1 : i32
        %mul3A_321 = arith.muli %scan3A_319, %mul3A_320 : i32
        %add3A_322 = arith.constant 0 : i32
        %add3A_323 = arith.addi %add3A_322, %mul3A_321 : i32
        %dma_wait3A_324 = arith.constant 0 : i32
        %dma_wait3A_325 = arith.constant 0 : i32
        %dma_wait3A_326 = arith.constant 0 : i32
        %dma_wait3A_327 = tpu.memref_slice %arg8[%rem3A_294, %dma_wait3A_324, %dma_wait3A_325, %dma_wait3A_326] : memref<3x4x128x16xf32, #tpu.memory_space<vmem>> -> memref<1x1x128x16xf32, #tpu.memory_space<vmem>>
        %dma_wait3A_328 = tpu.memref_squeeze %dma_wait3A_327 : memref<1x1x128x16xf32, #tpu.memory_space<vmem>> -> memref<128x16xf32, #tpu.memory_space<vmem>>
        %dma_wait3A_329 = arith.constant 0 : i32
        %dma_wait3A_330 = arith.constant 0 : i32
        %dma_wait3A_331 = tpu.memref_slice %arg9[%dma_wait3A_329, %dma_wait3A_330] : memref<100352x16xf32, #tpu.memory_space<vmem_shared>> -> memref<128x16xf32, #tpu.memory_space<vmem_shared>>
        %dma_wait3A_332 = arith.constant 0 : i32
        %dma_wait3A_333 = arith.constant 0 : i32
        %dma_wait3A_334 = tpu.memref_slice %arg9[%dma_wait3A_332, %dma_wait3A_333] : memref<100352x16xf32, #tpu.memory_space<vmem_shared>> -> memref<128x16xf32, #tpu.memory_space<vmem_shared>>
        %dma_wait3A_335 = arith.constant 0 : i32
        %dma_wait3A_336 = arith.constant 0 : i32
        %dma_wait3A_337 = tpu.memref_slice %arg8[%rem3A_294, %dma_wait3A_324, %dma_wait3A_335, %dma_wait3A_336] : memref<3x4x128x16xf32, #tpu.memory_space<vmem>> -> memref<1x1x128x16xf32, #tpu.memory_space<vmem>>
        %dma_wait3A_338 = tpu.memref_squeeze %dma_wait3A_337 : memref<1x1x128x16xf32, #tpu.memory_space<vmem>> -> memref<128x16xf32, #tpu.memory_space<vmem>>
        tpu.wait_dma2 semaphore(%arg11 : memref<!tpu.dma_semaphore, #tpu.memory_space<semaphore_mem>>) src(%dma_wait3A_338 : memref<128x16xf32, #tpu.memory_space<vmem>>) dst(%dma_wait3A_334 : memref<128x16xf32, #tpu.memory_space<vmem_shared>>)
      }
      %scan3A_312 = arith.constant 4 : i32
      %add3A_313 = arith.constant 3 : i32
      %add3A_314 = arith.addi %add3A_292, %add3A_313 : i32
      %lt3A_315 = arith.cmpi slt, %add3A_314, %min3A_23 : i32
      %convert_element_type3A_316 = arith.extui %lt3A_315 : i1 to i32
      %cond3A_317 = arith.constant 0 : i32
      %cond3A_318 = arith.cmpi ne, %convert_element_type3A_316, %cond3A_317 : i32
      scf.if %cond3A_318 {
        %add3A_319 = arith.constant 3 : i32
        %add3A_320 = arith.addi %add3A_292, %add3A_319 : i32
        %mul3A_321 = arith.constant 4 : i32
        %mul3A_322 = arith.muli %add3A_320, %mul3A_321 : i32
        %add3A_323 = arith.addi %mul3A_4, %mul3A_322 : i32
        %dma_start3A_324 = arith.constant 0 : i32
        %dma_start3A_325 = arith.constant 0 : i32
        %dma_start3A_326 = arith.constant 0 : i32
        %dma_start3A_327 = tpu.memref_slice %arg6[%rem3A_294, %dma_start3A_325, %dma_start3A_326] : memref<3x4x128xi32, #tpu.memory_space<vmem>> -> memref<1x4x128xi32, #tpu.memory_space<vmem>>
        %dma_start3A_328 = tpu.memref_squeeze %dma_start3A_327 : memref<1x4x128xi32, #tpu.memory_space<vmem>> -> memref<4x128xi32, #tpu.memory_space<vmem>>
        %dma_start3A_329 = arith.constant 0 : i32
        %dma_start3A_330 = arith.constant 0 : i32
        %dma_start3A_331 = tpu.memref_slice %arg3[%dma_start3A_324, %dma_start3A_329, %dma_start3A_330] : memref<2x25000x128xi32, #tpu.memory_space<hbm>> -> memref<1x25000x128xi32, #tpu.memory_space<hbm>>
        %dma_start3A_332 = tpu.memref_squeeze %dma_start3A_331 : memref<1x25000x128xi32, #tpu.memory_space<hbm>> -> memref<25000x128xi32, #tpu.memory_space<hbm>>
        %dma_start3A_333 = arith.constant 0 : i32
        %dma_start3A_334 = tpu.memref_slice %dma_start3A_332[%add3A_323, %dma_start3A_333] : memref<25000x128xi32, #tpu.memory_space<hbm>> -> memref<4x128xi32, #tpu.memory_space<hbm>>
        %dma_start3A_335 = arith.constant 0 : i32
        %dma_start3A_336 = arith.constant 0 : i32
        %dma_start3A_337 = tpu.memref_slice %arg6[%rem3A_294, %dma_start3A_335, %dma_start3A_336] : memref<3x4x128xi32, #tpu.memory_space<vmem>> -> memref<1x4x128xi32, #tpu.memory_space<vmem>>
        %dma_start3A_338 = tpu.memref_squeeze %dma_start3A_337 : memref<1x4x128xi32, #tpu.memory_space<vmem>> -> memref<4x128xi32, #tpu.memory_space<vmem>>
        %dma_start3A_339 = arith.constant 0 : i32
        %dma_start3A_340 = arith.constant 0 : i32
        %dma_start3A_341 = tpu.memref_slice %arg3[%dma_start3A_324, %dma_start3A_339, %dma_start3A_340] : memref<2x25000x128xi32, #tpu.memory_space<hbm>> -> memref<1x25000x128xi32, #tpu.memory_space<hbm>>
        %dma_start3A_342 = tpu.memref_squeeze %dma_start3A_341 : memref<1x25000x128xi32, #tpu.memory_space<hbm>> -> memref<25000x128xi32, #tpu.memory_space<hbm>>
        %dma_start3A_343 = arith.constant 0 : i32
        %dma_start3A_344 = tpu.memref_slice %dma_start3A_342[%add3A_323, %dma_start3A_343] : memref<25000x128xi32, #tpu.memory_space<hbm>> -> memref<4x128xi32, #tpu.memory_space<hbm>>
        tpu.enqueue_dma source(%dma_start3A_344 : memref<4x128xi32, #tpu.memory_space<hbm>>) target(%dma_start3A_338 : memref<4x128xi32, #tpu.memory_space<vmem>>) target_semaphore(%arg12 : memref<!tpu.dma_semaphore, #tpu.memory_space<semaphore_mem>>)
        %mul3A_345 = arith.constant 4 : i32
        %mul3A_346 = arith.muli %add3A_320, %mul3A_345 : i32
        %add3A_347 = arith.addi %mul3A_4, %mul3A_346 : i32
        %dma_start3A_348 = arith.constant 1 : i32
        %dma_start3A_349 = arith.constant 0 : i32
        %dma_start3A_350 = arith.constant 0 : i32
        %dma_start3A_351 = tpu.memref_slice %arg7[%rem3A_294, %dma_start3A_349, %dma_start3A_350] : memref<3x4x128xi32, #tpu.memory_space<vmem>> -> memref<1x4x128xi32, #tpu.memory_space<vmem>>
        %dma_start3A_352 = tpu.memref_squeeze %dma_start3A_351 : memref<1x4x128xi32, #tpu.memory_space<vmem>> -> memref<4x128xi32, #tpu.memory_space<vmem>>
        %dma_start3A_353 = arith.constant 0 : i32
        %dma_start3A_354 = arith.constant 0 : i32
        %dma_start3A_355 = tpu.memref_slice %arg3[%dma_start3A_348, %dma_start3A_353, %dma_start3A_354] : memref<2x25000x128xi32, #tpu.memory_space<hbm>> -> memref<1x25000x128xi32, #tpu.memory_space<hbm>>
        %dma_start3A_356 = tpu.memref_squeeze %dma_start3A_355 : memref<1x25000x128xi32, #tpu.memory_space<hbm>> -> memref<25000x128xi32, #tpu.memory_space<hbm>>
        %dma_start3A_357 = arith.constant 0 : i32
        %dma_start3A_358 = tpu.memref_slice %dma_start3A_356[%add3A_347, %dma_start3A_357] : memref<25000x128xi32, #tpu.memory_space<hbm>> -> memref<4x128xi32, #tpu.memory_space<hbm>>
        %dma_start3A_359 = arith.constant 0 : i32
        %dma_start3A_360 = arith.constant 0 : i32
        %dma_start3A_361 = tpu.memref_slice %arg7[%rem3A_294, %dma_start3A_359, %dma_start3A_360] : memref<3x4x128xi32, #tpu.memory_space<vmem>> -> memref<1x4x128xi32, #tpu.memory_space<vmem>>
        %dma_start3A_362 = tpu.memref_squeeze %dma_start3A_361 : memref<1x4x128xi32, #tpu.memory_space<vmem>> -> memref<4x128xi32, #tpu.memory_space<vmem>>
        %dma_start3A_363 = arith.constant 0 : i32
        %dma_start3A_364 = arith.constant 0 : i32
        %dma_start3A_365 = tpu.memref_slice %arg3[%dma_start3A_348, %dma_start3A_363, %dma_start3A_364] : memref<2x25000x128xi32, #tpu.memory_space<hbm>> -> memref<1x25000x128xi32, #tpu.memory_space<hbm>>
        %dma_start3A_366 = tpu.memref_squeeze %dma_start3A_365 : memref<1x25000x128xi32, #tpu.memory_space<hbm>> -> memref<25000x128xi32, #tpu.memory_space<hbm>>
        %dma_start3A_367 = arith.constant 0 : i32
        %dma_start3A_368 = tpu.memref_slice %dma_start3A_366[%add3A_347, %dma_start3A_367] : memref<25000x128xi32, #tpu.memory_space<hbm>> -> memref<4x128xi32, #tpu.memory_space<hbm>>
        tpu.enqueue_dma source(%dma_start3A_368 : memref<4x128xi32, #tpu.memory_space<hbm>>) target(%dma_start3A_362 : memref<4x128xi32, #tpu.memory_space<vmem>>) target_semaphore(%arg12 : memref<!tpu.dma_semaphore, #tpu.memory_space<semaphore_mem>>)
      } else {
      }
    }
    %barrier3A_289 = arith.constant 0 : index
    tpu.barrier barrier_id(%barrier3A_289)
    "tpu.region"() ({
      %run_scoped3A = tpu.sem_alloc : memref<!tpu.dma_semaphore, #tpu.memory_space<semaphore_mem>>
      %dma_start3A_290 = arith.constant 0 : i32
      %dma_start3A_291 = arith.constant 0 : i32
      %dma_start3A_292 = tpu.memref_slice %arg5[%arg0, %dma_start3A_290, %dma_start3A_291] : memref<2x100352x16xf32, #tpu.memory_space<hbm>> -> memref<1x100352x16xf32, #tpu.memory_space<hbm>>
      %dma_start3A_293 = tpu.memref_squeeze %dma_start3A_292 : memref<1x100352x16xf32, #tpu.memory_space<hbm>> -> memref<100352x16xf32, #tpu.memory_space<hbm>>
      %dma_start3A_294 = arith.constant 0 : i32
      %dma_start3A_295 = tpu.memref_slice %dma_start3A_293[%mul3A_0, %dma_start3A_294] : memref<100352x16xf32, #tpu.memory_space<hbm>> -> memref<6272x16xf32, #tpu.memory_space<hbm>>
      %dma_start3A_296 = arith.constant 0 : i32
      %dma_start3A_297 = tpu.memref_slice %arg9[%mul3A_0, %dma_start3A_296] : memref<100352x16xf32, #tpu.memory_space<vmem_shared>> -> memref<6272x16xf32, #tpu.memory_space<vmem_shared>>
      tpu.enqueue_dma source(%dma_start3A_297 : memref<6272x16xf32, #tpu.memory_space<vmem_shared>>) target(%dma_start3A_295 : memref<6272x16xf32, #tpu.memory_space<hbm>>) target_semaphore(%run_scoped3A : memref<!tpu.dma_semaphore, #tpu.memory_space<semaphore_mem>>)
      %dma_wait3A_298 = arith.constant 0 : i32
      %dma_wait3A_299 = arith.constant 0 : i32
      %dma_wait3A_300 = tpu.memref_slice %arg5[%arg0, %dma_wait3A_298, %dma_wait3A_299] : memref<2x100352x16xf32, #tpu.memory_space<hbm>> -> memref<1x100352x16xf32, #tpu.memory_space<hbm>>
      %dma_wait3A_301 = tpu.memref_squeeze %dma_wait3A_300 : memref<1x100352x16xf32, #tpu.memory_space<hbm>> -> memref<100352x16xf32, #tpu.memory_space<hbm>>
      %dma_wait3A_302 = arith.constant 0 : i32
      %dma_wait3A_303 = tpu.memref_slice %dma_wait3A_301[%mul3A_0, %dma_wait3A_302] : memref<100352x16xf32, #tpu.memory_space<hbm>> -> memref<6272x16xf32, #tpu.memory_space<hbm>>
      %dma_wait3A_304 = arith.constant 0 : i32
      %dma_wait3A_305 = tpu.memref_slice %arg9[%mul3A_0, %dma_wait3A_304] : memref<100352x16xf32, #tpu.memory_space<vmem_shared>> -> memref<6272x16xf32, #tpu.memory_space<vmem_shared>>
      tpu.wait_dma2 semaphore(%run_scoped3A : memref<!tpu.dma_semaphore, #tpu.memory_space<semaphore_mem>>) src(%dma_wait3A_305 : memref<6272x16xf32, #tpu.memory_space<vmem_shared>>) dst(%dma_wait3A_303 : memref<6272x16xf32, #tpu.memory_space<hbm>>)
      tpu.yield
    }) : () -> ()
    return
  }
}

#map = affine_map<(d0, d1) -> (0, 0)>
#map1 = affine_map<(d0, d1) -> (0, 0, 0)>
module attributes {stable_mosaic.version = 14 : i64} {
  func.func @_sc_agg(%arg0: i32, %arg1: i32, %arg2: memref<100000x16xf32, #tpu.memory_space<hbm>>, %arg3: memref<2x25000x128xi32, #tpu.memory_space<hbm>>, %arg4: memref<6272x16xf32, #tpu.memory_space<hbm>>, %arg5: memref<2x100352x16xf32, #tpu.memory_space<hbm>>, %arg6: memref<3x4x128xi32, #tpu.memory_space<vmem>>, %arg7: memref<3x4x128xi32, #tpu.memory_space<vmem>>, %arg8: memref<3x4x128x16xf32, #tpu.memory_space<vmem>>, %arg9: memref<100352x16xf32, #tpu.memory_space<vmem_shared>>, %arg10: memref<!tpu.dma_semaphore, #tpu.memory_space<semaphore_mem>>, %arg11: memref<!tpu.dma_semaphore, #tpu.memory_space<semaphore_mem>>, %arg12: memref<!tpu.dma_semaphore, #tpu.memory_space<semaphore_mem>>) attributes {dimension_semantics = [#tpu.dimension_semantics<core_parallel>, #tpu.dimension_semantics<subcore_parallel>], iteration_bounds = array<i64: 2, 16>, scalar_prefetch = 0 : i64, scratch_operands = 7 : i64, tpu.core_type = #tpu.core_type<sc_vector_subcore>, window_params = [{transform_indices = #map}, {transform_indices = #map1}, {transform_indices = #map}, {transform_indices = #map1}]} {
    %mul3A = arith.constant 6272 : i32
    %mul3A_0 = arith.muli %arg1, %mul3A : i32
    "tpu.region"() ({
      %run_scoped3A = tpu.sem_alloc : memref<!tpu.dma_semaphore, #tpu.memory_space<semaphore_mem>>
      %dma_start3A_290 = arith.constant 0 : i32
      %dma_start3A_291 = tpu.memref_slice %arg9[%mul3A_0, %dma_start3A_290] : memref<100352x16xf32, #tpu.memory_space<vmem_shared>> -> memref<6272x16xf32, #tpu.memory_space<vmem_shared>>
      tpu.enqueue_dma source(%arg4 : memref<6272x16xf32, #tpu.memory_space<hbm>>) target(%dma_start3A_291 : memref<6272x16xf32, #tpu.memory_space<vmem_shared>>) target_semaphore(%run_scoped3A : memref<!tpu.dma_semaphore, #tpu.memory_space<semaphore_mem>>)
      %dma_wait3A_292 = arith.constant 0 : i32
      %dma_wait3A_293 = tpu.memref_slice %arg9[%mul3A_0, %dma_wait3A_292] : memref<100352x16xf32, #tpu.memory_space<vmem_shared>> -> memref<6272x16xf32, #tpu.memory_space<vmem_shared>>
      tpu.wait_dma2 semaphore(%run_scoped3A : memref<!tpu.dma_semaphore, #tpu.memory_space<semaphore_mem>>) src(%arg4 : memref<6272x16xf32, #tpu.memory_space<hbm>>) dst(%dma_wait3A_293 : memref<6272x16xf32, #tpu.memory_space<vmem_shared>>)
      tpu.yield
    }) : () -> ()
    %barrier3A = arith.constant 0 : index
    tpu.barrier barrier_id(%barrier3A)
    %mul3A_1 = arith.constant 16 : i32
    %mul3A_2 = arith.muli %arg0, %mul3A_1 : i32
    %add3A = arith.addi %mul3A_2, %arg1 : i32
    %mul3A_3 = arith.constant 784 : i32
    %mul3A_4 = arith.muli %add3A, %mul3A_3 : i32
    %sub3A = arith.constant 25000 : i32
    %sub3A_5 = arith.subi %sub3A, %mul3A_4 : i32
    %jit3A = arith.constant 4 : i32
    %div3A = arith.divsi %sub3A_5, %jit3A : i32
    %sign3A = arith.constant 0 : i32
    %sign3A_6 = arith.cmpi sgt, %sub3A_5, %sign3A : i32
    %sign3A_7 = arith.extui %sign3A_6 : i1 to i32
    %sign3A_8 = arith.constant 0 : i32
    %sign3A_9 = arith.cmpi slt, %sub3A_5, %sign3A_8 : i32
    %sign3A_10 = arith.extui %sign3A_9 : i1 to i32
    %sign3A_11 = arith.subi %sign3A_7, %sign3A_10 : i32
    %sign3A_12 = arith.constant 0 : i32
    %sign3A_13 = arith.cmpi sgt, %jit3A, %sign3A_12 : i32
    %sign3A_14 = arith.extui %sign3A_13 : i1 to i32
    %sign3A_15 = arith.constant 0 : i32
    %sign3A_16 = arith.cmpi slt, %jit3A, %sign3A_15 : i32
    %sign3A_17 = arith.extui %sign3A_16 : i1 to i32
    %sign3A_18 = arith.subi %sign3A_14, %sign3A_17 : i32
    %ne3A = arith.cmpi ne, %sign3A_11, %sign3A_18 : i32
    %rem3A = arith.remsi %sub3A_5, %jit3A : i32
    %ne3A_19 = arith.constant 0 : i32
    %ne3A_20 = arith.cmpi ne, %rem3A, %ne3A_19 : i32
    %and3A = arith.andi %ne3A, %ne3A_20 : i1
    %sub3A_21 = arith.constant 1 : i32
    %sub3A_22 = arith.subi %div3A, %sub3A_21 : i32
    %select_n3A = arith.select %and3A, %sub3A_22, %div3A : i32
    %min3A = arith.constant 196 : i32
    %min3A_23 = arith.minsi %min3A, %select_n3A : i32
    %add3A_24 = arith.constant 0 : i32
    %add3A_25 = arith.addi %mul3A_4, %add3A_24 : i32
    %dma_start3A = arith.constant 0 : i32
    %dma_start3A_26 = arith.constant 0 : i32
    %dma_start3A_27 = arith.constant 0 : i32
    %dma_start3A_28 = arith.constant 0 : i32
    %dma_start3A_29 = tpu.memref_slice %arg6[%dma_start3A_26, %dma_start3A_27, %dma_start3A_28] : memref<3x4x128xi32, #tpu.memory_space<vmem>> -> memref<1x4x128xi32, #tpu.memory_space<vmem>>
    %dma_start3A_30 = tpu.memref_squeeze %dma_start3A_29 : memref<1x4x128xi32, #tpu.memory_space<vmem>> -> memref<4x128xi32, #tpu.memory_space<vmem>>
    %dma_start3A_31 = arith.constant 0 : i32
    %dma_start3A_32 = arith.constant 0 : i32
    %dma_start3A_33 = tpu.memref_slice %arg3[%dma_start3A, %dma_start3A_31, %dma_start3A_32] : memref<2x25000x128xi32, #tpu.memory_space<hbm>> -> memref<1x25000x128xi32, #tpu.memory_space<hbm>>
    %dma_start3A_34 = tpu.memref_squeeze %dma_start3A_33 : memref<1x25000x128xi32, #tpu.memory_space<hbm>> -> memref<25000x128xi32, #tpu.memory_space<hbm>>
    %dma_start3A_35 = arith.constant 0 : i32
    %dma_start3A_36 = tpu.memref_slice %dma_start3A_34[%add3A_25, %dma_start3A_35] : memref<25000x128xi32, #tpu.memory_space<hbm>> -> memref<4x128xi32, #tpu.memory_space<hbm>>
    %dma_start3A_37 = arith.constant 0 : i32
    %dma_start3A_38 = arith.constant 0 : i32
    %dma_start3A_39 = tpu.memref_slice %arg6[%dma_start3A_26, %dma_start3A_37, %dma_start3A_38] : memref<3x4x128xi32, #tpu.memory_space<vmem>> -> memref<1x4x128xi32, #tpu.memory_space<vmem>>
    %dma_start3A_40 = tpu.memref_squeeze %dma_start3A_39 : memref<1x4x128xi32, #tpu.memory_space<vmem>> -> memref<4x128xi32, #tpu.memory_space<vmem>>
    %dma_start3A_41 = arith.constant 0 : i32
    %dma_start3A_42 = arith.constant 0 : i32
    %dma_start3A_43 = tpu.memref_slice %arg3[%dma_start3A, %dma_start3A_41, %dma_start3A_42] : memref<2x25000x128xi32, #tpu.memory_space<hbm>> -> memref<1x25000x128xi32, #tpu.memory_space<hbm>>
    %dma_start3A_44 = tpu.memref_squeeze %dma_start3A_43 : memref<1x25000x128xi32, #tpu.memory_space<hbm>> -> memref<25000x128xi32, #tpu.memory_space<hbm>>
    %dma_start3A_45 = arith.constant 0 : i32
    %dma_start3A_46 = tpu.memref_slice %dma_start3A_44[%add3A_25, %dma_start3A_45] : memref<25000x128xi32, #tpu.memory_space<hbm>> -> memref<4x128xi32, #tpu.memory_space<hbm>>
    tpu.enqueue_dma source(%dma_start3A_46 : memref<4x128xi32, #tpu.memory_space<hbm>>) target(%dma_start3A_40 : memref<4x128xi32, #tpu.memory_space<vmem>>) target_semaphore(%arg12 : memref<!tpu.dma_semaphore, #tpu.memory_space<semaphore_mem>>)
    %add3A_47 = arith.constant 0 : i32
    %add3A_48 = arith.addi %mul3A_4, %add3A_47 : i32
    %dma_start3A_49 = arith.constant 1 : i32
    %dma_start3A_50 = arith.constant 0 : i32
    %dma_start3A_51 = arith.constant 0 : i32
    %dma_start3A_52 = arith.constant 0 : i32
    %dma_start3A_53 = tpu.memref_slice %arg7[%dma_start3A_50, %dma_start3A_51, %dma_start3A_52] : memref<3x4x128xi32, #tpu.memory_space<vmem>> -> memref<1x4x128xi32, #tpu.memory_space<vmem>>
    %dma_start3A_54 = tpu.memref_squeeze %dma_start3A_53 : memref<1x4x128xi32, #tpu.memory_space<vmem>> -> memref<4x128xi32, #tpu.memory_space<vmem>>
    %dma_start3A_55 = arith.constant 0 : i32
    %dma_start3A_56 = arith.constant 0 : i32
    %dma_start3A_57 = tpu.memref_slice %arg3[%dma_start3A_49, %dma_start3A_55, %dma_start3A_56] : memref<2x25000x128xi32, #tpu.memory_space<hbm>> -> memref<1x25000x128xi32, #tpu.memory_space<hbm>>
    %dma_start3A_58 = tpu.memref_squeeze %dma_start3A_57 : memref<1x25000x128xi32, #tpu.memory_space<hbm>> -> memref<25000x128xi32, #tpu.memory_space<hbm>>
    %dma_start3A_59 = arith.constant 0 : i32
    %dma_start3A_60 = tpu.memref_slice %dma_start3A_58[%add3A_48, %dma_start3A_59] : memref<25000x128xi32, #tpu.memory_space<hbm>> -> memref<4x128xi32, #tpu.memory_space<hbm>>
    %dma_start3A_61 = arith.constant 0 : i32
    %dma_start3A_62 = arith.constant 0 : i32
    %dma_start3A_63 = tpu.memref_slice %arg7[%dma_start3A_50, %dma_start3A_61, %dma_start3A_62] : memref<3x4x128xi32, #tpu.memory_space<vmem>> -> memref<1x4x128xi32, #tpu.memory_space<vmem>>
    %dma_start3A_64 = tpu.memref_squeeze %dma_start3A_63 : memref<1x4x128xi32, #tpu.memory_space<vmem>> -> memref<4x128xi32, #tpu.memory_space<vmem>>
    %dma_start3A_65 = arith.constant 0 : i32
    %dma_start3A_66 = arith.constant 0 : i32
    %dma_start3A_67 = tpu.memref_slice %arg3[%dma_start3A_49, %dma_start3A_65, %dma_start3A_66] : memref<2x25000x128xi32, #tpu.memory_space<hbm>> -> memref<1x25000x128xi32, #tpu.memory_space<hbm>>
    %dma_start3A_68 = tpu.memref_squeeze %dma_start3A_67 : memref<1x25000x128xi32, #tpu.memory_space<hbm>> -> memref<25000x128xi32, #tpu.memory_space<hbm>>
    %dma_start3A_69 = arith.constant 0 : i32
    %dma_start3A_70 = tpu.memref_slice %dma_start3A_68[%add3A_48, %dma_start3A_69] : memref<25000x128xi32, #tpu.memory_space<hbm>> -> memref<4x128xi32, #tpu.memory_space<hbm>>
    tpu.enqueue_dma source(%dma_start3A_70 : memref<4x128xi32, #tpu.memory_space<hbm>>) target(%dma_start3A_64 : memref<4x128xi32, #tpu.memory_space<vmem>>) target_semaphore(%arg12 : memref<!tpu.dma_semaphore, #tpu.memory_space<semaphore_mem>>)
    %dma_wait3A = arith.constant 0 : i32
    %dma_wait3A_71 = arith.constant 0 : i32
    %dma_wait3A_72 = arith.constant 0 : i32
    %dma_wait3A_73 = arith.constant 0 : i32
    %dma_wait3A_74 = tpu.memref_slice %arg6[%dma_wait3A_71, %dma_wait3A_72, %dma_wait3A_73] : memref<3x4x128xi32, #tpu.memory_space<vmem>> -> memref<1x4x128xi32, #tpu.memory_space<vmem>>
    %dma_wait3A_75 = tpu.memref_squeeze %dma_wait3A_74 : memref<1x4x128xi32, #tpu.memory_space<vmem>> -> memref<4x128xi32, #tpu.memory_space<vmem>>
    %dma_wait3A_76 = arith.constant 0 : i32
    %dma_wait3A_77 = arith.constant 0 : i32
    %dma_wait3A_78 = tpu.memref_slice %arg3[%dma_wait3A, %dma_wait3A_76, %dma_wait3A_77] : memref<2x25000x128xi32, #tpu.memory_space<hbm>> -> memref<1x25000x128xi32, #tpu.memory_space<hbm>>
    %dma_wait3A_79 = tpu.memref_squeeze %dma_wait3A_78 : memref<1x25000x128xi32, #tpu.memory_space<hbm>> -> memref<25000x128xi32, #tpu.memory_space<hbm>>
    %dma_wait3A_80 = arith.constant 0 : i32
    %dma_wait3A_81 = arith.constant 0 : i32
    %dma_wait3A_82 = tpu.memref_slice %dma_wait3A_79[%dma_wait3A_80, %dma_wait3A_81] : memref<25000x128xi32, #tpu.memory_space<hbm>> -> memref<4x128xi32, #tpu.memory_space<hbm>>
    %dma_wait3A_83 = arith.constant 0 : i32
    %dma_wait3A_84 = arith.constant 0 : i32
    %dma_wait3A_85 = tpu.memref_slice %arg6[%dma_wait3A_71, %dma_wait3A_83, %dma_wait3A_84] : memref<3x4x128xi32, #tpu.memory_space<vmem>> -> memref<1x4x128xi32, #tpu.memory_space<vmem>>
    %dma_wait3A_86 = tpu.memref_squeeze %dma_wait3A_85 : memref<1x4x128xi32, #tpu.memory_space<vmem>> -> memref<4x128xi32, #tpu.memory_space<vmem>>
    %dma_wait3A_87 = arith.constant 0 : i32
    %dma_wait3A_88 = arith.constant 0 : i32
    %dma_wait3A_89 = tpu.memref_slice %arg3[%dma_wait3A, %dma_wait3A_87, %dma_wait3A_88] : memref<2x25000x128xi32, #tpu.memory_space<hbm>> -> memref<1x25000x128xi32, #tpu.memory_space<hbm>>
    %dma_wait3A_90 = tpu.memref_squeeze %dma_wait3A_89 : memref<1x25000x128xi32, #tpu.memory_space<hbm>> -> memref<25000x128xi32, #tpu.memory_space<hbm>>
    %dma_wait3A_91 = arith.constant 0 : i32
    %dma_wait3A_92 = arith.constant 0 : i32
    %dma_wait3A_93 = tpu.memref_slice %dma_wait3A_90[%dma_wait3A_91, %dma_wait3A_92] : memref<25000x128xi32, #tpu.memory_space<hbm>> -> memref<4x128xi32, #tpu.memory_space<hbm>>
    tpu.wait_dma2 semaphore(%arg12 : memref<!tpu.dma_semaphore, #tpu.memory_space<semaphore_mem>>) src(%dma_wait3A_93 : memref<4x128xi32, #tpu.memory_space<hbm>>) dst(%dma_wait3A_86 : memref<4x128xi32, #tpu.memory_space<vmem>>)
    %dma_wait3A_94 = arith.constant 0 : i32
    %dma_wait3A_95 = arith.constant 0 : i32
    %dma_wait3A_96 = arith.constant 0 : i32
    %dma_wait3A_97 = arith.constant 0 : i32
    %dma_wait3A_98 = tpu.memref_slice %arg6[%dma_wait3A_95, %dma_wait3A_96, %dma_wait3A_97] : memref<3x4x128xi32, #tpu.memory_space<vmem>> -> memref<1x4x128xi32, #tpu.memory_space<vmem>>
    %dma_wait3A_99 = tpu.memref_squeeze %dma_wait3A_98 : memref<1x4x128xi32, #tpu.memory_space<vmem>> -> memref<4x128xi32, #tpu.memory_space<vmem>>
    %dma_wait3A_100 = arith.constant 0 : i32
    %dma_wait3A_101 = arith.constant 0 : i32
    %dma_wait3A_102 = tpu.memref_slice %arg3[%dma_wait3A_94, %dma_wait3A_100, %dma_wait3A_101] : memref<2x25000x128xi32, #tpu.memory_space<hbm>> -> memref<1x25000x128xi32, #tpu.memory_space<hbm>>
    %dma_wait3A_103 = tpu.memref_squeeze %dma_wait3A_102 : memref<1x25000x128xi32, #tpu.memory_space<hbm>> -> memref<25000x128xi32, #tpu.memory_space<hbm>>
    %dma_wait3A_104 = arith.constant 0 : i32
    %dma_wait3A_105 = arith.constant 0 : i32
    %dma_wait3A_106 = tpu.memref_slice %dma_wait3A_103[%dma_wait3A_104, %dma_wait3A_105] : memref<25000x128xi32, #tpu.memory_space<hbm>> -> memref<4x128xi32, #tpu.memory_space<hbm>>
    %dma_wait3A_107 = arith.constant 0 : i32
    %dma_wait3A_108 = arith.constant 0 : i32
    %dma_wait3A_109 = tpu.memref_slice %arg6[%dma_wait3A_95, %dma_wait3A_107, %dma_wait3A_108] : memref<3x4x128xi32, #tpu.memory_space<vmem>> -> memref<1x4x128xi32, #tpu.memory_space<vmem>>
    %dma_wait3A_110 = tpu.memref_squeeze %dma_wait3A_109 : memref<1x4x128xi32, #tpu.memory_space<vmem>> -> memref<4x128xi32, #tpu.memory_space<vmem>>
    %dma_wait3A_111 = arith.constant 0 : i32
    %dma_wait3A_112 = arith.constant 0 : i32
    %dma_wait3A_113 = tpu.memref_slice %arg3[%dma_wait3A_94, %dma_wait3A_111, %dma_wait3A_112] : memref<2x25000x128xi32, #tpu.memory_space<hbm>> -> memref<1x25000x128xi32, #tpu.memory_space<hbm>>
    %dma_wait3A_114 = tpu.memref_squeeze %dma_wait3A_113 : memref<1x25000x128xi32, #tpu.memory_space<hbm>> -> memref<25000x128xi32, #tpu.memory_space<hbm>>
    %dma_wait3A_115 = arith.constant 0 : i32
    %dma_wait3A_116 = arith.constant 0 : i32
    %dma_wait3A_117 = tpu.memref_slice %dma_wait3A_114[%dma_wait3A_115, %dma_wait3A_116] : memref<25000x128xi32, #tpu.memory_space<hbm>> -> memref<4x128xi32, #tpu.memory_space<hbm>>
    tpu.wait_dma2 semaphore(%arg12 : memref<!tpu.dma_semaphore, #tpu.memory_space<semaphore_mem>>) src(%dma_wait3A_117 : memref<4x128xi32, #tpu.memory_space<hbm>>) dst(%dma_wait3A_110 : memref<4x128xi32, #tpu.memory_space<vmem>>)
    %scan3A = arith.constant 0 : i32
    %scan3A_118 = arith.constant 4 : i32
    %scan3A_119 = arith.addi %scan3A, %scan3A_118 : i32
    %scan3A_120 = arith.constant 1 : i32
    scf.for %scan3A_290 = %scan3A to %scan3A_119 step %scan3A_120  : i32 {
      %mul3A_291 = arith.constant 1 : i32
      %mul3A_292 = arith.muli %scan3A_290, %mul3A_291 : i32
      %add3A_293 = arith.constant 0 : i32
      %add3A_294 = arith.addi %add3A_293, %mul3A_292 : i32
      %dma_start3A_295 = arith.constant 0 : i32
      %dma_start3A_296 = arith.constant 0 : i32
      %dma_start3A_297 = arith.constant 0 : i32
      %dma_start3A_298 = arith.constant 0 : i32
      %dma_start3A_299 = tpu.memref_slice %arg8[%dma_start3A_296, %add3A_294, %dma_start3A_297, %dma_start3A_298] : memref<3x4x128x16xf32, #tpu.memory_space<vmem>> -> memref<1x1x128x16xf32, #tpu.memory_space<vmem>>
      %dma_start3A_300 = tpu.memref_squeeze %dma_start3A_299 : memref<1x1x128x16xf32, #tpu.memory_space<vmem>> -> memref<128x16xf32, #tpu.memory_space<vmem>>
      %dma_start3A_301 = arith.constant 0 : i32
      %dma_start3A_302 = tpu.memref_slice %arg6[%dma_start3A_295, %add3A_294, %dma_start3A_301] : memref<3x4x128xi32, #tpu.memory_space<vmem>> -> memref<1x1x128xi32, #tpu.memory_space<vmem>>
      %dma_start3A_303 = tpu.memref_squeeze %dma_start3A_302 : memref<1x1x128xi32, #tpu.memory_space<vmem>> -> memref<128xi32, #tpu.memory_space<vmem>>
      %dma_start3A_304 = arith.constant 0 : i32
      %dma_start3A_305 = arith.constant 0 : i32
      %dma_start3A_306 = tpu.memref_slice %arg2[%dma_start3A_304, %dma_start3A_305] : memref<100000x16xf32, #tpu.memory_space<hbm>> -> memref<100000x16xf32, #tpu.memory_space<hbm>>
      tpu.enqueue_indirect_dma source(%dma_start3A_306 : memref<100000x16xf32, #tpu.memory_space<hbm>>) target(%dma_start3A_300 : memref<128x16xf32, #tpu.memory_space<vmem>>) offsets(%dma_start3A_303 : memref<128xi32, #tpu.memory_space<vmem>>) semaphore(%arg10 : memref<!tpu.dma_semaphore, #tpu.memory_space<semaphore_mem>>)
    }
    %scan3A_121 = arith.constant 4 : i32
    %add3A_122 = arith.constant 4 : i32
    %add3A_123 = arith.addi %mul3A_4, %add3A_122 : i32
    %dma_start3A_124 = arith.constant 0 : i32
    %dma_start3A_125 = arith.constant 1 : i32
    %dma_start3A_126 = arith.constant 0 : i32
    %dma_start3A_127 = arith.constant 0 : i32
    %dma_start3A_128 = tpu.memref_slice %arg6[%dma_start3A_125, %dma_start3A_126, %dma_start3A_127] : memref<3x4x128xi32, #tpu.memory_space<vmem>> -> memref<1x4x128xi32, #tpu.memory_space<vmem>>
    %dma_start3A_129 = tpu.memref_squeeze %dma_start3A_128 : memref<1x4x128xi32, #tpu.memory_space<vmem>> -> memref<4x128xi32, #tpu.memory_space<vmem>>
    %dma_start3A_130 = arith.constant 0 : i32
    %dma_start3A_131 = arith.constant 0 : i32
    %dma_start3A_132 = tpu.memref_slice %arg3[%dma_start3A_124, %dma_start3A_130, %dma_start3A_131] : memref<2x25000x128xi32, #tpu.memory_space<hbm>> -> memref<1x25000x128xi32, #tpu.memory_space<hbm>>
    %dma_start3A_133 = tpu.memref_squeeze %dma_start3A_132 : memref<1x25000x128xi32, #tpu.memory_space<hbm>> -> memref<25000x128xi32, #tpu.memory_space<hbm>>
    %dma_start3A_134 = arith.constant 0 : i32
    %dma_start3A_135 = tpu.memref_slice %dma_start3A_133[%add3A_123, %dma_start3A_134] : memref<25000x128xi32, #tpu.memory_space<hbm>> -> memref<4x128xi32, #tpu.memory_space<hbm>>
    %dma_start3A_136 = arith.constant 0 : i32
    %dma_start3A_137 = arith.constant 0 : i32
    %dma_start3A_138 = tpu.memref_slice %arg6[%dma_start3A_125, %dma_start3A_136, %dma_start3A_137] : memref<3x4x128xi32, #tpu.memory_space<vmem>> -> memref<1x4x128xi32, #tpu.memory_space<vmem>>
    %dma_start3A_139 = tpu.memref_squeeze %dma_start3A_138 : memref<1x4x128xi32, #tpu.memory_space<vmem>> -> memref<4x128xi32, #tpu.memory_space<vmem>>
    %dma_start3A_140 = arith.constant 0 : i32
    %dma_start3A_141 = arith.constant 0 : i32
    %dma_start3A_142 = tpu.memref_slice %arg3[%dma_start3A_124, %dma_start3A_140, %dma_start3A_141] : memref<2x25000x128xi32, #tpu.memory_space<hbm>> -> memref<1x25000x128xi32, #tpu.memory_space<hbm>>
    %dma_start3A_143 = tpu.memref_squeeze %dma_start3A_142 : memref<1x25000x128xi32, #tpu.memory_space<hbm>> -> memref<25000x128xi32, #tpu.memory_space<hbm>>
    %dma_start3A_144 = arith.constant 0 : i32
    %dma_start3A_145 = tpu.memref_slice %dma_start3A_143[%add3A_123, %dma_start3A_144] : memref<25000x128xi32, #tpu.memory_space<hbm>> -> memref<4x128xi32, #tpu.memory_space<hbm>>
    tpu.enqueue_dma source(%dma_start3A_145 : memref<4x128xi32, #tpu.memory_space<hbm>>) target(%dma_start3A_139 : memref<4x128xi32, #tpu.memory_space<vmem>>) target_semaphore(%arg12 : memref<!tpu.dma_semaphore, #tpu.memory_space<semaphore_mem>>)
    %add3A_146 = arith.constant 4 : i32
    %add3A_147 = arith.addi %mul3A_4, %add3A_146 : i32
    %dma_start3A_148 = arith.constant 1 : i32
    %dma_start3A_149 = arith.constant 1 : i32
    %dma_start3A_150 = arith.constant 0 : i32
    %dma_start3A_151 = arith.constant 0 : i32
    %dma_start3A_152 = tpu.memref_slice %arg7[%dma_start3A_149, %dma_start3A_150, %dma_start3A_151] : memref<3x4x128xi32, #tpu.memory_space<vmem>> -> memref<1x4x128xi32, #tpu.memory_space<vmem>>
    %dma_start3A_153 = tpu.memref_squeeze %dma_start3A_152 : memref<1x4x128xi32, #tpu.memory_space<vmem>> -> memref<4x128xi32, #tpu.memory_space<vmem>>
    %dma_start3A_154 = arith.constant 0 : i32
    %dma_start3A_155 = arith.constant 0 : i32
    %dma_start3A_156 = tpu.memref_slice %arg3[%dma_start3A_148, %dma_start3A_154, %dma_start3A_155] : memref<2x25000x128xi32, #tpu.memory_space<hbm>> -> memref<1x25000x128xi32, #tpu.memory_space<hbm>>
    %dma_start3A_157 = tpu.memref_squeeze %dma_start3A_156 : memref<1x25000x128xi32, #tpu.memory_space<hbm>> -> memref<25000x128xi32, #tpu.memory_space<hbm>>
    %dma_start3A_158 = arith.constant 0 : i32
    %dma_start3A_159 = tpu.memref_slice %dma_start3A_157[%add3A_147, %dma_start3A_158] : memref<25000x128xi32, #tpu.memory_space<hbm>> -> memref<4x128xi32, #tpu.memory_space<hbm>>
    %dma_start3A_160 = arith.constant 0 : i32
    %dma_start3A_161 = arith.constant 0 : i32
    %dma_start3A_162 = tpu.memref_slice %arg7[%dma_start3A_149, %dma_start3A_160, %dma_start3A_161] : memref<3x4x128xi32, #tpu.memory_space<vmem>> -> memref<1x4x128xi32, #tpu.memory_space<vmem>>
    %dma_start3A_163 = tpu.memref_squeeze %dma_start3A_162 : memref<1x4x128xi32, #tpu.memory_space<vmem>> -> memref<4x128xi32, #tpu.memory_space<vmem>>
    %dma_start3A_164 = arith.constant 0 : i32
    %dma_start3A_165 = arith.constant 0 : i32
    %dma_start3A_166 = tpu.memref_slice %arg3[%dma_start3A_148, %dma_start3A_164, %dma_start3A_165] : memref<2x25000x128xi32, #tpu.memory_space<hbm>> -> memref<1x25000x128xi32, #tpu.memory_space<hbm>>
    %dma_start3A_167 = tpu.memref_squeeze %dma_start3A_166 : memref<1x25000x128xi32, #tpu.memory_space<hbm>> -> memref<25000x128xi32, #tpu.memory_space<hbm>>
    %dma_start3A_168 = arith.constant 0 : i32
    %dma_start3A_169 = tpu.memref_slice %dma_start3A_167[%add3A_147, %dma_start3A_168] : memref<25000x128xi32, #tpu.memory_space<hbm>> -> memref<4x128xi32, #tpu.memory_space<hbm>>
    tpu.enqueue_dma source(%dma_start3A_169 : memref<4x128xi32, #tpu.memory_space<hbm>>) target(%dma_start3A_163 : memref<4x128xi32, #tpu.memory_space<vmem>>) target_semaphore(%arg12 : memref<!tpu.dma_semaphore, #tpu.memory_space<semaphore_mem>>)
    %dma_wait3A_170 = arith.constant 0 : i32
    %dma_wait3A_171 = arith.constant 0 : i32
    %dma_wait3A_172 = arith.constant 0 : i32
    %dma_wait3A_173 = arith.constant 0 : i32
    %dma_wait3A_174 = tpu.memref_slice %arg6[%dma_wait3A_171, %dma_wait3A_172, %dma_wait3A_173] : memref<3x4x128xi32, #tpu.memory_space<vmem>> -> memref<1x4x128xi32, #tpu.memory_space<vmem>>
    %dma_wait3A_175 = tpu.memref_squeeze %dma_wait3A_174 : memref<1x4x128xi32, #tpu.memory_space<vmem>> -> memref<4x128xi32, #tpu.memory_space<vmem>>
    %dma_wait3A_176 = arith.constant 0 : i32
    %dma_wait3A_177 = arith.constant 0 : i32
    %dma_wait3A_178 = tpu.memref_slice %arg3[%dma_wait3A_170, %dma_wait3A_176, %dma_wait3A_177] : memref<2x25000x128xi32, #tpu.memory_space<hbm>> -> memref<1x25000x128xi32, #tpu.memory_space<hbm>>
    %dma_wait3A_179 = tpu.memref_squeeze %dma_wait3A_178 : memref<1x25000x128xi32, #tpu.memory_space<hbm>> -> memref<25000x128xi32, #tpu.memory_space<hbm>>
    %dma_wait3A_180 = arith.constant 0 : i32
    %dma_wait3A_181 = arith.constant 0 : i32
    %dma_wait3A_182 = tpu.memref_slice %dma_wait3A_179[%dma_wait3A_180, %dma_wait3A_181] : memref<25000x128xi32, #tpu.memory_space<hbm>> -> memref<4x128xi32, #tpu.memory_space<hbm>>
    %dma_wait3A_183 = arith.constant 0 : i32
    %dma_wait3A_184 = arith.constant 0 : i32
    %dma_wait3A_185 = tpu.memref_slice %arg6[%dma_wait3A_171, %dma_wait3A_183, %dma_wait3A_184] : memref<3x4x128xi32, #tpu.memory_space<vmem>> -> memref<1x4x128xi32, #tpu.memory_space<vmem>>
    %dma_wait3A_186 = tpu.memref_squeeze %dma_wait3A_185 : memref<1x4x128xi32, #tpu.memory_space<vmem>> -> memref<4x128xi32, #tpu.memory_space<vmem>>
    %dma_wait3A_187 = arith.constant 0 : i32
    %dma_wait3A_188 = arith.constant 0 : i32
    %dma_wait3A_189 = tpu.memref_slice %arg3[%dma_wait3A_170, %dma_wait3A_187, %dma_wait3A_188] : memref<2x25000x128xi32, #tpu.memory_space<hbm>> -> memref<1x25000x128xi32, #tpu.memory_space<hbm>>
    %dma_wait3A_190 = tpu.memref_squeeze %dma_wait3A_189 : memref<1x25000x128xi32, #tpu.memory_space<hbm>> -> memref<25000x128xi32, #tpu.memory_space<hbm>>
    %dma_wait3A_191 = arith.constant 0 : i32
    %dma_wait3A_192 = arith.constant 0 : i32
    %dma_wait3A_193 = tpu.memref_slice %dma_wait3A_190[%dma_wait3A_191, %dma_wait3A_192] : memref<25000x128xi32, #tpu.memory_space<hbm>> -> memref<4x128xi32, #tpu.memory_space<hbm>>
    tpu.wait_dma2 semaphore(%arg12 : memref<!tpu.dma_semaphore, #tpu.memory_space<semaphore_mem>>) src(%dma_wait3A_193 : memref<4x128xi32, #tpu.memory_space<hbm>>) dst(%dma_wait3A_186 : memref<4x128xi32, #tpu.memory_space<vmem>>)
    %dma_wait3A_194 = arith.constant 0 : i32
    %dma_wait3A_195 = arith.constant 0 : i32
    %dma_wait3A_196 = arith.constant 0 : i32
    %dma_wait3A_197 = arith.constant 0 : i32
    %dma_wait3A_198 = tpu.memref_slice %arg6[%dma_wait3A_195, %dma_wait3A_196, %dma_wait3A_197] : memref<3x4x128xi32, #tpu.memory_space<vmem>> -> memref<1x4x128xi32, #tpu.memory_space<vmem>>
    %dma_wait3A_199 = tpu.memref_squeeze %dma_wait3A_198 : memref<1x4x128xi32, #tpu.memory_space<vmem>> -> memref<4x128xi32, #tpu.memory_space<vmem>>
    %dma_wait3A_200 = arith.constant 0 : i32
    %dma_wait3A_201 = arith.constant 0 : i32
    %dma_wait3A_202 = tpu.memref_slice %arg3[%dma_wait3A_194, %dma_wait3A_200, %dma_wait3A_201] : memref<2x25000x128xi32, #tpu.memory_space<hbm>> -> memref<1x25000x128xi32, #tpu.memory_space<hbm>>
    %dma_wait3A_203 = tpu.memref_squeeze %dma_wait3A_202 : memref<1x25000x128xi32, #tpu.memory_space<hbm>> -> memref<25000x128xi32, #tpu.memory_space<hbm>>
    %dma_wait3A_204 = arith.constant 0 : i32
    %dma_wait3A_205 = arith.constant 0 : i32
    %dma_wait3A_206 = tpu.memref_slice %dma_wait3A_203[%dma_wait3A_204, %dma_wait3A_205] : memref<25000x128xi32, #tpu.memory_space<hbm>> -> memref<4x128xi32, #tpu.memory_space<hbm>>
    %dma_wait3A_207 = arith.constant 0 : i32
    %dma_wait3A_208 = arith.constant 0 : i32
    %dma_wait3A_209 = tpu.memref_slice %arg6[%dma_wait3A_195, %dma_wait3A_207, %dma_wait3A_208] : memref<3x4x128xi32, #tpu.memory_space<vmem>> -> memref<1x4x128xi32, #tpu.memory_space<vmem>>
    %dma_wait3A_210 = tpu.memref_squeeze %dma_wait3A_209 : memref<1x4x128xi32, #tpu.memory_space<vmem>> -> memref<4x128xi32, #tpu.memory_space<vmem>>
    %dma_wait3A_211 = arith.constant 0 : i32
    %dma_wait3A_212 = arith.constant 0 : i32
    %dma_wait3A_213 = tpu.memref_slice %arg3[%dma_wait3A_194, %dma_wait3A_211, %dma_wait3A_212] : memref<2x25000x128xi32, #tpu.memory_space<hbm>> -> memref<1x25000x128xi32, #tpu.memory_space<hbm>>
    %dma_wait3A_214 = tpu.memref_squeeze %dma_wait3A_213 : memref<1x25000x128xi32, #tpu.memory_space<hbm>> -> memref<25000x128xi32, #tpu.memory_space<hbm>>
    %dma_wait3A_215 = arith.constant 0 : i32
    %dma_wait3A_216 = arith.constant 0 : i32
    %dma_wait3A_217 = tpu.memref_slice %dma_wait3A_214[%dma_wait3A_215, %dma_wait3A_216] : memref<25000x128xi32, #tpu.memory_space<hbm>> -> memref<4x128xi32, #tpu.memory_space<hbm>>
    tpu.wait_dma2 semaphore(%arg12 : memref<!tpu.dma_semaphore, #tpu.memory_space<semaphore_mem>>) src(%dma_wait3A_217 : memref<4x128xi32, #tpu.memory_space<hbm>>) dst(%dma_wait3A_210 : memref<4x128xi32, #tpu.memory_space<vmem>>)
    %scan3A_218 = arith.constant 0 : i32
    %scan3A_219 = arith.constant 4 : i32
    %scan3A_220 = arith.addi %scan3A_218, %scan3A_219 : i32
    %scan3A_221 = arith.constant 1 : i32
    scf.for %scan3A_290 = %scan3A_218 to %scan3A_220 step %scan3A_221  : i32 {
      %mul3A_291 = arith.constant 1 : i32
      %mul3A_292 = arith.muli %scan3A_290, %mul3A_291 : i32
      %add3A_293 = arith.constant 0 : i32
      %add3A_294 = arith.addi %add3A_293, %mul3A_292 : i32
      %dma_start3A_295 = arith.constant 1 : i32
      %dma_start3A_296 = arith.constant 1 : i32
      %dma_start3A_297 = arith.constant 0 : i32
      %dma_start3A_298 = arith.constant 0 : i32
      %dma_start3A_299 = tpu.memref_slice %arg8[%dma_start3A_296, %add3A_294, %dma_start3A_297, %dma_start3A_298] : memref<3x4x128x16xf32, #tpu.memory_space<vmem>> -> memref<1x1x128x16xf32, #tpu.memory_space<vmem>>
      %dma_start3A_300 = tpu.memref_squeeze %dma_start3A_299 : memref<1x1x128x16xf32, #tpu.memory_space<vmem>> -> memref<128x16xf32, #tpu.memory_space<vmem>>
      %dma_start3A_301 = arith.constant 0 : i32
      %dma_start3A_302 = tpu.memref_slice %arg6[%dma_start3A_295, %add3A_294, %dma_start3A_301] : memref<3x4x128xi32, #tpu.memory_space<vmem>> -> memref<1x1x128xi32, #tpu.memory_space<vmem>>
      %dma_start3A_303 = tpu.memref_squeeze %dma_start3A_302 : memref<1x1x128xi32, #tpu.memory_space<vmem>> -> memref<128xi32, #tpu.memory_space<vmem>>
      %dma_start3A_304 = arith.constant 0 : i32
      %dma_start3A_305 = arith.constant 0 : i32
      %dma_start3A_306 = tpu.memref_slice %arg2[%dma_start3A_304, %dma_start3A_305] : memref<100000x16xf32, #tpu.memory_space<hbm>> -> memref<100000x16xf32, #tpu.memory_space<hbm>>
      tpu.enqueue_indirect_dma source(%dma_start3A_306 : memref<100000x16xf32, #tpu.memory_space<hbm>>) target(%dma_start3A_300 : memref<128x16xf32, #tpu.memory_space<vmem>>) offsets(%dma_start3A_303 : memref<128xi32, #tpu.memory_space<vmem>>) semaphore(%arg10 : memref<!tpu.dma_semaphore, #tpu.memory_space<semaphore_mem>>)
    }
    %scan3A_222 = arith.constant 4 : i32
    %add3A_223 = arith.constant 8 : i32
    %add3A_224 = arith.addi %mul3A_4, %add3A_223 : i32
    %dma_start3A_225 = arith.constant 0 : i32
    %dma_start3A_226 = arith.constant 2 : i32
    %dma_start3A_227 = arith.constant 0 : i32
    %dma_start3A_228 = arith.constant 0 : i32
    %dma_start3A_229 = tpu.memref_slice %arg6[%dma_start3A_226, %dma_start3A_227, %dma_start3A_228] : memref<3x4x128xi32, #tpu.memory_space<vmem>> -> memref<1x4x128xi32, #tpu.memory_space<vmem>>
    %dma_start3A_230 = tpu.memref_squeeze %dma_start3A_229 : memref<1x4x128xi32, #tpu.memory_space<vmem>> -> memref<4x128xi32, #tpu.memory_space<vmem>>
    %dma_start3A_231 = arith.constant 0 : i32
    %dma_start3A_232 = arith.constant 0 : i32
    %dma_start3A_233 = tpu.memref_slice %arg3[%dma_start3A_225, %dma_start3A_231, %dma_start3A_232] : memref<2x25000x128xi32, #tpu.memory_space<hbm>> -> memref<1x25000x128xi32, #tpu.memory_space<hbm>>
    %dma_start3A_234 = tpu.memref_squeeze %dma_start3A_233 : memref<1x25000x128xi32, #tpu.memory_space<hbm>> -> memref<25000x128xi32, #tpu.memory_space<hbm>>
    %dma_start3A_235 = arith.constant 0 : i32
    %dma_start3A_236 = tpu.memref_slice %dma_start3A_234[%add3A_224, %dma_start3A_235] : memref<25000x128xi32, #tpu.memory_space<hbm>> -> memref<4x128xi32, #tpu.memory_space<hbm>>
    %dma_start3A_237 = arith.constant 0 : i32
    %dma_start3A_238 = arith.constant 0 : i32
    %dma_start3A_239 = tpu.memref_slice %arg6[%dma_start3A_226, %dma_start3A_237, %dma_start3A_238] : memref<3x4x128xi32, #tpu.memory_space<vmem>> -> memref<1x4x128xi32, #tpu.memory_space<vmem>>
    %dma_start3A_240 = tpu.memref_squeeze %dma_start3A_239 : memref<1x4x128xi32, #tpu.memory_space<vmem>> -> memref<4x128xi32, #tpu.memory_space<vmem>>
    %dma_start3A_241 = arith.constant 0 : i32
    %dma_start3A_242 = arith.constant 0 : i32
    %dma_start3A_243 = tpu.memref_slice %arg3[%dma_start3A_225, %dma_start3A_241, %dma_start3A_242] : memref<2x25000x128xi32, #tpu.memory_space<hbm>> -> memref<1x25000x128xi32, #tpu.memory_space<hbm>>
    %dma_start3A_244 = tpu.memref_squeeze %dma_start3A_243 : memref<1x25000x128xi32, #tpu.memory_space<hbm>> -> memref<25000x128xi32, #tpu.memory_space<hbm>>
    %dma_start3A_245 = arith.constant 0 : i32
    %dma_start3A_246 = tpu.memref_slice %dma_start3A_244[%add3A_224, %dma_start3A_245] : memref<25000x128xi32, #tpu.memory_space<hbm>> -> memref<4x128xi32, #tpu.memory_space<hbm>>
    tpu.enqueue_dma source(%dma_start3A_246 : memref<4x128xi32, #tpu.memory_space<hbm>>) target(%dma_start3A_240 : memref<4x128xi32, #tpu.memory_space<vmem>>) target_semaphore(%arg12 : memref<!tpu.dma_semaphore, #tpu.memory_space<semaphore_mem>>)
    %add3A_247 = arith.constant 8 : i32
    %add3A_248 = arith.addi %mul3A_4, %add3A_247 : i32
    %dma_start3A_249 = arith.constant 1 : i32
    %dma_start3A_250 = arith.constant 2 : i32
    %dma_start3A_251 = arith.constant 0 : i32
    %dma_start3A_252 = arith.constant 0 : i32
    %dma_start3A_253 = tpu.memref_slice %arg7[%dma_start3A_250, %dma_start3A_251, %dma_start3A_252] : memref<3x4x128xi32, #tpu.memory_space<vmem>> -> memref<1x4x128xi32, #tpu.memory_space<vmem>>
    %dma_start3A_254 = tpu.memref_squeeze %dma_start3A_253 : memref<1x4x128xi32, #tpu.memory_space<vmem>> -> memref<4x128xi32, #tpu.memory_space<vmem>>
    %dma_start3A_255 = arith.constant 0 : i32
    %dma_start3A_256 = arith.constant 0 : i32
    %dma_start3A_257 = tpu.memref_slice %arg3[%dma_start3A_249, %dma_start3A_255, %dma_start3A_256] : memref<2x25000x128xi32, #tpu.memory_space<hbm>> -> memref<1x25000x128xi32, #tpu.memory_space<hbm>>
    %dma_start3A_258 = tpu.memref_squeeze %dma_start3A_257 : memref<1x25000x128xi32, #tpu.memory_space<hbm>> -> memref<25000x128xi32, #tpu.memory_space<hbm>>
    %dma_start3A_259 = arith.constant 0 : i32
    %dma_start3A_260 = tpu.memref_slice %dma_start3A_258[%add3A_248, %dma_start3A_259] : memref<25000x128xi32, #tpu.memory_space<hbm>> -> memref<4x128xi32, #tpu.memory_space<hbm>>
    %dma_start3A_261 = arith.constant 0 : i32
    %dma_start3A_262 = arith.constant 0 : i32
    %dma_start3A_263 = tpu.memref_slice %arg7[%dma_start3A_250, %dma_start3A_261, %dma_start3A_262] : memref<3x4x128xi32, #tpu.memory_space<vmem>> -> memref<1x4x128xi32, #tpu.memory_space<vmem>>
    %dma_start3A_264 = tpu.memref_squeeze %dma_start3A_263 : memref<1x4x128xi32, #tpu.memory_space<vmem>> -> memref<4x128xi32, #tpu.memory_space<vmem>>
    %dma_start3A_265 = arith.constant 0 : i32
    %dma_start3A_266 = arith.constant 0 : i32
    %dma_start3A_267 = tpu.memref_slice %arg3[%dma_start3A_249, %dma_start3A_265, %dma_start3A_266] : memref<2x25000x128xi32, #tpu.memory_space<hbm>> -> memref<1x25000x128xi32, #tpu.memory_space<hbm>>
    %dma_start3A_268 = tpu.memref_squeeze %dma_start3A_267 : memref<1x25000x128xi32, #tpu.memory_space<hbm>> -> memref<25000x128xi32, #tpu.memory_space<hbm>>
    %dma_start3A_269 = arith.constant 0 : i32
    %dma_start3A_270 = tpu.memref_slice %dma_start3A_268[%add3A_248, %dma_start3A_269] : memref<25000x128xi32, #tpu.memory_space<hbm>> -> memref<4x128xi32, #tpu.memory_space<hbm>>
    tpu.enqueue_dma source(%dma_start3A_270 : memref<4x128xi32, #tpu.memory_space<hbm>>) target(%dma_start3A_264 : memref<4x128xi32, #tpu.memory_space<vmem>>) target_semaphore(%arg12 : memref<!tpu.dma_semaphore, #tpu.memory_space<semaphore_mem>>)
    %sub3A_271 = arith.constant 0 : i32
    %sub3A_272 = arith.subi %min3A_23, %sub3A_271 : i32
    %sub3A_273 = arith.constant 1 : i32
    %sub3A_274 = arith.constant 1 : i32
    %sub3A_275 = arith.subi %sub3A_273, %sub3A_274 : i32
    %add3A_276 = arith.addi %sub3A_272, %sub3A_275 : i32
    %div3A_277 = arith.constant 1 : i32
    %div3A_278 = arith.divsi %add3A_276, %div3A_277 : i32
    %while3A = arith.constant 1 : i32
    %while3A_279 = arith.constant 0 : i32
    %while3A_280 = arith.constant 0 : i32
    %while3A_281 = arith.subi %div3A_278, %while3A_280 : i32
    %while3A_282 = arith.addi %while3A_280, %while3A_281 : i32
    %while3A_283 = arith.constant 1 : i32
    %while3A_284 = arith.divsi %while3A_281, %while3A_283 : i32
    %while3A_285 = arith.muli %while3A_284, %while3A_283 : i32
    %while3A_286 = arith.addi %while3A_280, %while3A_285 : i32
    %while3A_287 = arith.constant 1 : i32
    scf.for %while3A_290 = %while3A_280 to %while3A_286 step %while3A_287  : i32 {
      %mul3A_291 = arith.muli %while3A_290, %while3A : i32
      %add3A_292 = arith.addi %while3A_279, %mul3A_291 : i32
      %rem3A_293 = arith.constant 3 : i32
      %rem3A_294 = arith.remsi %add3A_292, %rem3A_293 : i32
      %scan3A_295 = arith.constant 0 : i32
      %scan3A_296 = arith.constant 4 : i32
      %scan3A_297 = arith.addi %scan3A_295, %scan3A_296 : i32
      %scan3A_298 = arith.constant 1 : i32
      scf.for %scan3A_319 = %scan3A_295 to %scan3A_297 step %scan3A_298  : i32 {
        %mul3A_320 = arith.constant 1 : i32
        %mul3A_321 = arith.muli %scan3A_319, %mul3A_320 : i32
        %add3A_322 = arith.constant 0 : i32
        %add3A_323 = arith.addi %add3A_322, %mul3A_321 : i32
        %dma_wait3A_324 = arith.constant 0 : i32
        %dma_wait3A_325 = arith.constant 0 : i32
        %dma_wait3A_326 = arith.constant 0 : i32
        %dma_wait3A_327 = tpu.memref_slice %arg8[%rem3A_294, %dma_wait3A_324, %dma_wait3A_325, %dma_wait3A_326] : memref<3x4x128x16xf32, #tpu.memory_space<vmem>> -> memref<1x1x128x16xf32, #tpu.memory_space<vmem>>
        %dma_wait3A_328 = tpu.memref_squeeze %dma_wait3A_327 : memref<1x1x128x16xf32, #tpu.memory_space<vmem>> -> memref<128x16xf32, #tpu.memory_space<vmem>>
        %dma_wait3A_329 = arith.constant 0 : i32
        %dma_wait3A_330 = arith.constant 0 : i32
        %dma_wait3A_331 = tpu.memref_slice %arg2[%dma_wait3A_329, %dma_wait3A_330] : memref<100000x16xf32, #tpu.memory_space<hbm>> -> memref<128x16xf32, #tpu.memory_space<hbm>>
        %dma_wait3A_332 = arith.constant 0 : i32
        %dma_wait3A_333 = arith.constant 0 : i32
        %dma_wait3A_334 = tpu.memref_slice %arg8[%rem3A_294, %dma_wait3A_324, %dma_wait3A_332, %dma_wait3A_333] : memref<3x4x128x16xf32, #tpu.memory_space<vmem>> -> memref<1x1x128x16xf32, #tpu.memory_space<vmem>>
        %dma_wait3A_335 = tpu.memref_squeeze %dma_wait3A_334 : memref<1x1x128x16xf32, #tpu.memory_space<vmem>> -> memref<128x16xf32, #tpu.memory_space<vmem>>
        %dma_wait3A_336 = arith.constant 0 : i32
        %dma_wait3A_337 = arith.constant 0 : i32
        %dma_wait3A_338 = tpu.memref_slice %arg2[%dma_wait3A_336, %dma_wait3A_337] : memref<100000x16xf32, #tpu.memory_space<hbm>> -> memref<128x16xf32, #tpu.memory_space<hbm>>
        tpu.wait_dma2 semaphore(%arg10 : memref<!tpu.dma_semaphore, #tpu.memory_space<semaphore_mem>>) src(%dma_wait3A_338 : memref<128x16xf32, #tpu.memory_space<hbm>>) dst(%dma_wait3A_335 : memref<128x16xf32, #tpu.memory_space<vmem>>)
      }
      %scan3A_299 = arith.constant 4 : i32
      %add3A_300 = arith.constant 2 : i32
      %add3A_301 = arith.addi %add3A_292, %add3A_300 : i32
      %lt3A = arith.cmpi slt, %add3A_301, %min3A_23 : i32
      %convert_element_type3A = arith.extui %lt3A : i1 to i32
      %cond3A = arith.constant 0 : i32
      %cond3A_302 = arith.cmpi ne, %convert_element_type3A, %cond3A : i32
      scf.if %cond3A_302 {
        %dma_wait3A_319 = arith.constant 0 : i32
        %dma_wait3A_320 = arith.constant 0 : i32
        %dma_wait3A_321 = arith.constant 0 : i32
        %dma_wait3A_322 = arith.constant 0 : i32
        %dma_wait3A_323 = tpu.memref_slice %arg6[%dma_wait3A_320, %dma_wait3A_321, %dma_wait3A_322] : memref<3x4x128xi32, #tpu.memory_space<vmem>> -> memref<1x4x128xi32, #tpu.memory_space<vmem>>
        %dma_wait3A_324 = tpu.memref_squeeze %dma_wait3A_323 : memref<1x4x128xi32, #tpu.memory_space<vmem>> -> memref<4x128xi32, #tpu.memory_space<vmem>>
        %dma_wait3A_325 = arith.constant 0 : i32
        %dma_wait3A_326 = arith.constant 0 : i32
        %dma_wait3A_327 = tpu.memref_slice %arg3[%dma_wait3A_319, %dma_wait3A_325, %dma_wait3A_326] : memref<2x25000x128xi32, #tpu.memory_space<hbm>> -> memref<1x25000x128xi32, #tpu.memory_space<hbm>>
        %dma_wait3A_328 = tpu.memref_squeeze %dma_wait3A_327 : memref<1x25000x128xi32, #tpu.memory_space<hbm>> -> memref<25000x128xi32, #tpu.memory_space<hbm>>
        %dma_wait3A_329 = arith.constant 0 : i32
        %dma_wait3A_330 = arith.constant 0 : i32
        %dma_wait3A_331 = tpu.memref_slice %dma_wait3A_328[%dma_wait3A_329, %dma_wait3A_330] : memref<25000x128xi32, #tpu.memory_space<hbm>> -> memref<4x128xi32, #tpu.memory_space<hbm>>
        %dma_wait3A_332 = arith.constant 0 : i32
        %dma_wait3A_333 = arith.constant 0 : i32
        %dma_wait3A_334 = tpu.memref_slice %arg6[%dma_wait3A_320, %dma_wait3A_332, %dma_wait3A_333] : memref<3x4x128xi32, #tpu.memory_space<vmem>> -> memref<1x4x128xi32, #tpu.memory_space<vmem>>
        %dma_wait3A_335 = tpu.memref_squeeze %dma_wait3A_334 : memref<1x4x128xi32, #tpu.memory_space<vmem>> -> memref<4x128xi32, #tpu.memory_space<vmem>>
        %dma_wait3A_336 = arith.constant 0 : i32
        %dma_wait3A_337 = arith.constant 0 : i32
        %dma_wait3A_338 = tpu.memref_slice %arg3[%dma_wait3A_319, %dma_wait3A_336, %dma_wait3A_337] : memref<2x25000x128xi32, #tpu.memory_space<hbm>> -> memref<1x25000x128xi32, #tpu.memory_space<hbm>>
        %dma_wait3A_339 = tpu.memref_squeeze %dma_wait3A_338 : memref<1x25000x128xi32, #tpu.memory_space<hbm>> -> memref<25000x128xi32, #tpu.memory_space<hbm>>
        %dma_wait3A_340 = arith.constant 0 : i32
        %dma_wait3A_341 = arith.constant 0 : i32
        %dma_wait3A_342 = tpu.memref_slice %dma_wait3A_339[%dma_wait3A_340, %dma_wait3A_341] : memref<25000x128xi32, #tpu.memory_space<hbm>> -> memref<4x128xi32, #tpu.memory_space<hbm>>
        tpu.wait_dma2 semaphore(%arg12 : memref<!tpu.dma_semaphore, #tpu.memory_space<semaphore_mem>>) src(%dma_wait3A_342 : memref<4x128xi32, #tpu.memory_space<hbm>>) dst(%dma_wait3A_335 : memref<4x128xi32, #tpu.memory_space<vmem>>)
        %dma_wait3A_343 = arith.constant 0 : i32
        %dma_wait3A_344 = arith.constant 0 : i32
        %dma_wait3A_345 = arith.constant 0 : i32
        %dma_wait3A_346 = arith.constant 0 : i32
        %dma_wait3A_347 = tpu.memref_slice %arg6[%dma_wait3A_344, %dma_wait3A_345, %dma_wait3A_346] : memref<3x4x128xi32, #tpu.memory_space<vmem>> -> memref<1x4x128xi32, #tpu.memory_space<vmem>>
        %dma_wait3A_348 = tpu.memref_squeeze %dma_wait3A_347 : memref<1x4x128xi32, #tpu.memory_space<vmem>> -> memref<4x128xi32, #tpu.memory_space<vmem>>
        %dma_wait3A_349 = arith.constant 0 : i32
        %dma_wait3A_350 = arith.constant 0 : i32
        %dma_wait3A_351 = tpu.memref_slice %arg3[%dma_wait3A_343, %dma_wait3A_349, %dma_wait3A_350] : memref<2x25000x128xi32, #tpu.memory_space<hbm>> -> memref<1x25000x128xi32, #tpu.memory_space<hbm>>
        %dma_wait3A_352 = tpu.memref_squeeze %dma_wait3A_351 : memref<1x25000x128xi32, #tpu.memory_space<hbm>> -> memref<25000x128xi32, #tpu.memory_space<hbm>>
        %dma_wait3A_353 = arith.constant 0 : i32
        %dma_wait3A_354 = arith.constant 0 : i32
        %dma_wait3A_355 = tpu.memref_slice %dma_wait3A_352[%dma_wait3A_353, %dma_wait3A_354] : memref<25000x128xi32, #tpu.memory_space<hbm>> -> memref<4x128xi32, #tpu.memory_space<hbm>>
        %dma_wait3A_356 = arith.constant 0 : i32
        %dma_wait3A_357 = arith.constant 0 : i32
        %dma_wait3A_358 = tpu.memref_slice %arg6[%dma_wait3A_344, %dma_wait3A_356, %dma_wait3A_357] : memref<3x4x128xi32, #tpu.memory_space<vmem>> -> memref<1x4x128xi32, #tpu.memory_space<vmem>>
        %dma_wait3A_359 = tpu.memref_squeeze %dma_wait3A_358 : memref<1x4x128xi32, #tpu.memory_space<vmem>> -> memref<4x128xi32, #tpu.memory_space<vmem>>
        %dma_wait3A_360 = arith.constant 0 : i32
        %dma_wait3A_361 = arith.constant 0 : i32
        %dma_wait3A_362 = tpu.memref_slice %arg3[%dma_wait3A_343, %dma_wait3A_360, %dma_wait3A_361] : memref<2x25000x128xi32, #tpu.memory_space<hbm>> -> memref<1x25000x128xi32, #tpu.memory_space<hbm>>
        %dma_wait3A_363 = tpu.memref_squeeze %dma_wait3A_362 : memref<1x25000x128xi32, #tpu.memory_space<hbm>> -> memref<25000x128xi32, #tpu.memory_space<hbm>>
        %dma_wait3A_364 = arith.constant 0 : i32
        %dma_wait3A_365 = arith.constant 0 : i32
        %dma_wait3A_366 = tpu.memref_slice %dma_wait3A_363[%dma_wait3A_364, %dma_wait3A_365] : memref<25000x128xi32, #tpu.memory_space<hbm>> -> memref<4x128xi32, #tpu.memory_space<hbm>>
        tpu.wait_dma2 semaphore(%arg12 : memref<!tpu.dma_semaphore, #tpu.memory_space<semaphore_mem>>) src(%dma_wait3A_366 : memref<4x128xi32, #tpu.memory_space<hbm>>) dst(%dma_wait3A_359 : memref<4x128xi32, #tpu.memory_space<vmem>>)
        %add3A_367 = arith.constant 2 : i32
        %add3A_368 = arith.addi %add3A_292, %add3A_367 : i32
        %rem3A_369 = arith.constant 3 : i32
        %rem3A_370 = arith.remsi %add3A_368, %rem3A_369 : i32
        %scan3A_371 = arith.constant 0 : i32
        %scan3A_372 = arith.constant 4 : i32
        %scan3A_373 = arith.addi %scan3A_371, %scan3A_372 : i32
        %scan3A_374 = arith.constant 1 : i32
        scf.for %scan3A_376 = %scan3A_371 to %scan3A_373 step %scan3A_374  : i32 {
          %mul3A_377 = arith.constant 1 : i32
          %mul3A_378 = arith.muli %scan3A_376, %mul3A_377 : i32
          %add3A_379 = arith.constant 0 : i32
          %add3A_380 = arith.addi %add3A_379, %mul3A_378 : i32
          %dma_start3A_381 = arith.constant 0 : i32
          %dma_start3A_382 = arith.constant 0 : i32
          %dma_start3A_383 = tpu.memref_slice %arg8[%rem3A_370, %add3A_380, %dma_start3A_381, %dma_start3A_382] : memref<3x4x128x16xf32, #tpu.memory_space<vmem>> -> memref<1x1x128x16xf32, #tpu.memory_space<vmem>>
          %dma_start3A_384 = tpu.memref_squeeze %dma_start3A_383 : memref<1x1x128x16xf32, #tpu.memory_space<vmem>> -> memref<128x16xf32, #tpu.memory_space<vmem>>
          %dma_start3A_385 = arith.constant 0 : i32
          %dma_start3A_386 = tpu.memref_slice %arg6[%rem3A_370, %add3A_380, %dma_start3A_385] : memref<3x4x128xi32, #tpu.memory_space<vmem>> -> memref<1x1x128xi32, #tpu.memory_space<vmem>>
          %dma_start3A_387 = tpu.memref_squeeze %dma_start3A_386 : memref<1x1x128xi32, #tpu.memory_space<vmem>> -> memref<128xi32, #tpu.memory_space<vmem>>
          %dma_start3A_388 = arith.constant 0 : i32
          %dma_start3A_389 = arith.constant 0 : i32
          %dma_start3A_390 = tpu.memref_slice %arg2[%dma_start3A_388, %dma_start3A_389] : memref<100000x16xf32, #tpu.memory_space<hbm>> -> memref<100000x16xf32, #tpu.memory_space<hbm>>
          tpu.enqueue_indirect_dma source(%dma_start3A_390 : memref<100000x16xf32, #tpu.memory_space<hbm>>) target(%dma_start3A_384 : memref<128x16xf32, #tpu.memory_space<vmem>>) offsets(%dma_start3A_387 : memref<128xi32, #tpu.memory_space<vmem>>) semaphore(%arg10 : memref<!tpu.dma_semaphore, #tpu.memory_space<semaphore_mem>>)
        }
        %scan3A_375 = arith.constant 4 : i32
      } else {
      }
      %scan3A_303 = arith.constant 0 : i32
      %scan3A_304 = arith.constant 4 : i32
      %scan3A_305 = arith.addi %scan3A_303, %scan3A_304 : i32
      %scan3A_306 = arith.constant 1 : i32
      scf.for %scan3A_319 = %scan3A_303 to %scan3A_305 step %scan3A_306  : i32 {
        %mul3A_320 = arith.constant 1 : i32
        %mul3A_321 = arith.muli %scan3A_319, %mul3A_320 : i32
        %add3A_322 = arith.constant 0 : i32
        %add3A_323 = arith.addi %add3A_322, %mul3A_321 : i32
        %dma_start3A_324 = arith.constant 0 : i32
        %dma_start3A_325 = arith.constant 0 : i32
        %dma_start3A_326 = tpu.memref_slice %arg8[%rem3A_294, %add3A_323, %dma_start3A_324, %dma_start3A_325] : memref<3x4x128x16xf32, #tpu.memory_space<vmem>> -> memref<1x1x128x16xf32, #tpu.memory_space<vmem>>
        %dma_start3A_327 = tpu.memref_squeeze %dma_start3A_326 : memref<1x1x128x16xf32, #tpu.memory_space<vmem>> -> memref<128x16xf32, #tpu.memory_space<vmem>>
        %dma_start3A_328 = arith.constant 0 : i32
        %dma_start3A_329 = tpu.memref_slice %arg7[%rem3A_294, %add3A_323, %dma_start3A_328] : memref<3x4x128xi32, #tpu.memory_space<vmem>> -> memref<1x1x128xi32, #tpu.memory_space<vmem>>
        %dma_start3A_330 = tpu.memref_squeeze %dma_start3A_329 : memref<1x1x128xi32, #tpu.memory_space<vmem>> -> memref<128xi32, #tpu.memory_space<vmem>>
        %dma_start3A_331 = arith.constant 0 : i32
        %dma_start3A_332 = arith.constant 0 : i32
        %dma_start3A_333 = tpu.memref_slice %arg9[%dma_start3A_331, %dma_start3A_332] : memref<100352x16xf32, #tpu.memory_space<vmem_shared>> -> memref<100352x16xf32, #tpu.memory_space<vmem_shared>>
        tpu.enqueue_indirect_dma source(%dma_start3A_327 : memref<128x16xf32, #tpu.memory_space<vmem>>) target(%dma_start3A_333 : memref<100352x16xf32, #tpu.memory_space<vmem_shared>>) offsets(%dma_start3A_330 : memref<128xi32, #tpu.memory_space<vmem>>) semaphore(%arg11 : memref<!tpu.dma_semaphore, #tpu.memory_space<semaphore_mem>>) {add = true}
      }
      %scan3A_307 = arith.constant 4 : i32
      %scan3A_308 = arith.constant 0 : i32
      %scan3A_309 = arith.constant 4 : i32
      %scan3A_310 = arith.addi %scan3A_308, %scan3A_309 : i32
      %scan3A_311 = arith.constant 1 : i32
      scf.for %scan3A_319 = %scan3A_308 to %scan3A_310 step %scan3A_311  : i32 {
        %mul3A_320 = arith.constant 1 : i32
        %mul3A_321 = arith.muli %scan3A_319, %mul3A_320 : i32
        %add3A_322 = arith.constant 0 : i32
        %add3A_323 = arith.addi %add3A_322, %mul3A_321 : i32
        %dma_wait3A_324 = arith.constant 0 : i32
        %dma_wait3A_325 = arith.constant 0 : i32
        %dma_wait3A_326 = arith.constant 0 : i32
        %dma_wait3A_327 = tpu.memref_slice %arg8[%rem3A_294, %dma_wait3A_324, %dma_wait3A_325, %dma_wait3A_326] : memref<3x4x128x16xf32, #tpu.memory_space<vmem>> -> memref<1x1x128x16xf32, #tpu.memory_space<vmem>>
        %dma_wait3A_328 = tpu.memref_squeeze %dma_wait3A_327 : memref<1x1x128x16xf32, #tpu.memory_space<vmem>> -> memref<128x16xf32, #tpu.memory_space<vmem>>
        %dma_wait3A_329 = arith.constant 0 : i32
        %dma_wait3A_330 = arith.constant 0 : i32
        %dma_wait3A_331 = tpu.memref_slice %arg9[%dma_wait3A_329, %dma_wait3A_330] : memref<100352x16xf32, #tpu.memory_space<vmem_shared>> -> memref<128x16xf32, #tpu.memory_space<vmem_shared>>
        %dma_wait3A_332 = arith.constant 0 : i32
        %dma_wait3A_333 = arith.constant 0 : i32
        %dma_wait3A_334 = tpu.memref_slice %arg9[%dma_wait3A_332, %dma_wait3A_333] : memref<100352x16xf32, #tpu.memory_space<vmem_shared>> -> memref<128x16xf32, #tpu.memory_space<vmem_shared>>
        %dma_wait3A_335 = arith.constant 0 : i32
        %dma_wait3A_336 = arith.constant 0 : i32
        %dma_wait3A_337 = tpu.memref_slice %arg8[%rem3A_294, %dma_wait3A_324, %dma_wait3A_335, %dma_wait3A_336] : memref<3x4x128x16xf32, #tpu.memory_space<vmem>> -> memref<1x1x128x16xf32, #tpu.memory_space<vmem>>
        %dma_wait3A_338 = tpu.memref_squeeze %dma_wait3A_337 : memref<1x1x128x16xf32, #tpu.memory_space<vmem>> -> memref<128x16xf32, #tpu.memory_space<vmem>>
        tpu.wait_dma2 semaphore(%arg11 : memref<!tpu.dma_semaphore, #tpu.memory_space<semaphore_mem>>) src(%dma_wait3A_338 : memref<128x16xf32, #tpu.memory_space<vmem>>) dst(%dma_wait3A_334 : memref<128x16xf32, #tpu.memory_space<vmem_shared>>)
      }
      %scan3A_312 = arith.constant 4 : i32
      %add3A_313 = arith.constant 3 : i32
      %add3A_314 = arith.addi %add3A_292, %add3A_313 : i32
      %lt3A_315 = arith.cmpi slt, %add3A_314, %min3A_23 : i32
      %convert_element_type3A_316 = arith.extui %lt3A_315 : i1 to i32
      %cond3A_317 = arith.constant 0 : i32
      %cond3A_318 = arith.cmpi ne, %convert_element_type3A_316, %cond3A_317 : i32
      scf.if %cond3A_318 {
        %add3A_319 = arith.constant 3 : i32
        %add3A_320 = arith.addi %add3A_292, %add3A_319 : i32
        %mul3A_321 = arith.constant 4 : i32
        %mul3A_322 = arith.muli %add3A_320, %mul3A_321 : i32
        %add3A_323 = arith.addi %mul3A_4, %mul3A_322 : i32
        %dma_start3A_324 = arith.constant 0 : i32
        %dma_start3A_325 = arith.constant 0 : i32
        %dma_start3A_326 = arith.constant 0 : i32
        %dma_start3A_327 = tpu.memref_slice %arg6[%rem3A_294, %dma_start3A_325, %dma_start3A_326] : memref<3x4x128xi32, #tpu.memory_space<vmem>> -> memref<1x4x128xi32, #tpu.memory_space<vmem>>
        %dma_start3A_328 = tpu.memref_squeeze %dma_start3A_327 : memref<1x4x128xi32, #tpu.memory_space<vmem>> -> memref<4x128xi32, #tpu.memory_space<vmem>>
        %dma_start3A_329 = arith.constant 0 : i32
        %dma_start3A_330 = arith.constant 0 : i32
        %dma_start3A_331 = tpu.memref_slice %arg3[%dma_start3A_324, %dma_start3A_329, %dma_start3A_330] : memref<2x25000x128xi32, #tpu.memory_space<hbm>> -> memref<1x25000x128xi32, #tpu.memory_space<hbm>>
        %dma_start3A_332 = tpu.memref_squeeze %dma_start3A_331 : memref<1x25000x128xi32, #tpu.memory_space<hbm>> -> memref<25000x128xi32, #tpu.memory_space<hbm>>
        %dma_start3A_333 = arith.constant 0 : i32
        %dma_start3A_334 = tpu.memref_slice %dma_start3A_332[%add3A_323, %dma_start3A_333] : memref<25000x128xi32, #tpu.memory_space<hbm>> -> memref<4x128xi32, #tpu.memory_space<hbm>>
        %dma_start3A_335 = arith.constant 0 : i32
        %dma_start3A_336 = arith.constant 0 : i32
        %dma_start3A_337 = tpu.memref_slice %arg6[%rem3A_294, %dma_start3A_335, %dma_start3A_336] : memref<3x4x128xi32, #tpu.memory_space<vmem>> -> memref<1x4x128xi32, #tpu.memory_space<vmem>>
        %dma_start3A_338 = tpu.memref_squeeze %dma_start3A_337 : memref<1x4x128xi32, #tpu.memory_space<vmem>> -> memref<4x128xi32, #tpu.memory_space<vmem>>
        %dma_start3A_339 = arith.constant 0 : i32
        %dma_start3A_340 = arith.constant 0 : i32
        %dma_start3A_341 = tpu.memref_slice %arg3[%dma_start3A_324, %dma_start3A_339, %dma_start3A_340] : memref<2x25000x128xi32, #tpu.memory_space<hbm>> -> memref<1x25000x128xi32, #tpu.memory_space<hbm>>
        %dma_start3A_342 = tpu.memref_squeeze %dma_start3A_341 : memref<1x25000x128xi32, #tpu.memory_space<hbm>> -> memref<25000x128xi32, #tpu.memory_space<hbm>>
        %dma_start3A_343 = arith.constant 0 : i32
        %dma_start3A_344 = tpu.memref_slice %dma_start3A_342[%add3A_323, %dma_start3A_343] : memref<25000x128xi32, #tpu.memory_space<hbm>> -> memref<4x128xi32, #tpu.memory_space<hbm>>
        tpu.enqueue_dma source(%dma_start3A_344 : memref<4x128xi32, #tpu.memory_space<hbm>>) target(%dma_start3A_338 : memref<4x128xi32, #tpu.memory_space<vmem>>) target_semaphore(%arg12 : memref<!tpu.dma_semaphore, #tpu.memory_space<semaphore_mem>>)
        %mul3A_345 = arith.constant 4 : i32
        %mul3A_346 = arith.muli %add3A_320, %mul3A_345 : i32
        %add3A_347 = arith.addi %mul3A_4, %mul3A_346 : i32
        %dma_start3A_348 = arith.constant 1 : i32
        %dma_start3A_349 = arith.constant 0 : i32
        %dma_start3A_350 = arith.constant 0 : i32
        %dma_start3A_351 = tpu.memref_slice %arg7[%rem3A_294, %dma_start3A_349, %dma_start3A_350] : memref<3x4x128xi32, #tpu.memory_space<vmem>> -> memref<1x4x128xi32, #tpu.memory_space<vmem>>
        %dma_start3A_352 = tpu.memref_squeeze %dma_start3A_351 : memref<1x4x128xi32, #tpu.memory_space<vmem>> -> memref<4x128xi32, #tpu.memory_space<vmem>>
        %dma_start3A_353 = arith.constant 0 : i32
        %dma_start3A_354 = arith.constant 0 : i32
        %dma_start3A_355 = tpu.memref_slice %arg3[%dma_start3A_348, %dma_start3A_353, %dma_start3A_354] : memref<2x25000x128xi32, #tpu.memory_space<hbm>> -> memref<1x25000x128xi32, #tpu.memory_space<hbm>>
        %dma_start3A_356 = tpu.memref_squeeze %dma_start3A_355 : memref<1x25000x128xi32, #tpu.memory_space<hbm>> -> memref<25000x128xi32, #tpu.memory_space<hbm>>
        %dma_start3A_357 = arith.constant 0 : i32
        %dma_start3A_358 = tpu.memref_slice %dma_start3A_356[%add3A_347, %dma_start3A_357] : memref<25000x128xi32, #tpu.memory_space<hbm>> -> memref<4x128xi32, #tpu.memory_space<hbm>>
        %dma_start3A_359 = arith.constant 0 : i32
        %dma_start3A_360 = arith.constant 0 : i32
        %dma_start3A_361 = tpu.memref_slice %arg7[%rem3A_294, %dma_start3A_359, %dma_start3A_360] : memref<3x4x128xi32, #tpu.memory_space<vmem>> -> memref<1x4x128xi32, #tpu.memory_space<vmem>>
        %dma_start3A_362 = tpu.memref_squeeze %dma_start3A_361 : memref<1x4x128xi32, #tpu.memory_space<vmem>> -> memref<4x128xi32, #tpu.memory_space<vmem>>
        %dma_start3A_363 = arith.constant 0 : i32
        %dma_start3A_364 = arith.constant 0 : i32
        %dma_start3A_365 = tpu.memref_slice %arg3[%dma_start3A_348, %dma_start3A_363, %dma_start3A_364] : memref<2x25000x128xi32, #tpu.memory_space<hbm>> -> memref<1x25000x128xi32, #tpu.memory_space<hbm>>
        %dma_start3A_366 = tpu.memref_squeeze %dma_start3A_365 : memref<1x25000x128xi32, #tpu.memory_space<hbm>> -> memref<25000x128xi32, #tpu.memory_space<hbm>>
        %dma_start3A_367 = arith.constant 0 : i32
        %dma_start3A_368 = tpu.memref_slice %dma_start3A_366[%add3A_347, %dma_start3A_367] : memref<25000x128xi32, #tpu.memory_space<hbm>> -> memref<4x128xi32, #tpu.memory_space<hbm>>
        tpu.enqueue_dma source(%dma_start3A_368 : memref<4x128xi32, #tpu.memory_space<hbm>>) target(%dma_start3A_362 : memref<4x128xi32, #tpu.memory_space<vmem>>) target_semaphore(%arg12 : memref<!tpu.dma_semaphore, #tpu.memory_space<semaphore_mem>>)
      } else {
      }
    }
    %while3A_288 = arith.constant 1 : i32
    scf.for %while3A_290 = %while3A_286 to %while3A_282 step %while3A_288  : i32 {
      %mul3A_291 = arith.muli %while3A_290, %while3A : i32
      %add3A_292 = arith.addi %while3A_279, %mul3A_291 : i32
      %rem3A_293 = arith.constant 3 : i32
      %rem3A_294 = arith.remsi %add3A_292, %rem3A_293 : i32
      %scan3A_295 = arith.constant 0 : i32
      %scan3A_296 = arith.constant 4 : i32
      %scan3A_297 = arith.addi %scan3A_295, %scan3A_296 : i32
      %scan3A_298 = arith.constant 1 : i32
      scf.for %scan3A_319 = %scan3A_295 to %scan3A_297 step %scan3A_298  : i32 {
        %mul3A_320 = arith.constant 1 : i32
        %mul3A_321 = arith.muli %scan3A_319, %mul3A_320 : i32
        %add3A_322 = arith.constant 0 : i32
        %add3A_323 = arith.addi %add3A_322, %mul3A_321 : i32
        %dma_wait3A_324 = arith.constant 0 : i32
        %dma_wait3A_325 = arith.constant 0 : i32
        %dma_wait3A_326 = arith.constant 0 : i32
        %dma_wait3A_327 = tpu.memref_slice %arg8[%rem3A_294, %dma_wait3A_324, %dma_wait3A_325, %dma_wait3A_326] : memref<3x4x128x16xf32, #tpu.memory_space<vmem>> -> memref<1x1x128x16xf32, #tpu.memory_space<vmem>>
        %dma_wait3A_328 = tpu.memref_squeeze %dma_wait3A_327 : memref<1x1x128x16xf32, #tpu.memory_space<vmem>> -> memref<128x16xf32, #tpu.memory_space<vmem>>
        %dma_wait3A_329 = arith.constant 0 : i32
        %dma_wait3A_330 = arith.constant 0 : i32
        %dma_wait3A_331 = tpu.memref_slice %arg2[%dma_wait3A_329, %dma_wait3A_330] : memref<100000x16xf32, #tpu.memory_space<hbm>> -> memref<128x16xf32, #tpu.memory_space<hbm>>
        %dma_wait3A_332 = arith.constant 0 : i32
        %dma_wait3A_333 = arith.constant 0 : i32
        %dma_wait3A_334 = tpu.memref_slice %arg8[%rem3A_294, %dma_wait3A_324, %dma_wait3A_332, %dma_wait3A_333] : memref<3x4x128x16xf32, #tpu.memory_space<vmem>> -> memref<1x1x128x16xf32, #tpu.memory_space<vmem>>
        %dma_wait3A_335 = tpu.memref_squeeze %dma_wait3A_334 : memref<1x1x128x16xf32, #tpu.memory_space<vmem>> -> memref<128x16xf32, #tpu.memory_space<vmem>>
        %dma_wait3A_336 = arith.constant 0 : i32
        %dma_wait3A_337 = arith.constant 0 : i32
        %dma_wait3A_338 = tpu.memref_slice %arg2[%dma_wait3A_336, %dma_wait3A_337] : memref<100000x16xf32, #tpu.memory_space<hbm>> -> memref<128x16xf32, #tpu.memory_space<hbm>>
        tpu.wait_dma2 semaphore(%arg10 : memref<!tpu.dma_semaphore, #tpu.memory_space<semaphore_mem>>) src(%dma_wait3A_338 : memref<128x16xf32, #tpu.memory_space<hbm>>) dst(%dma_wait3A_335 : memref<128x16xf32, #tpu.memory_space<vmem>>)
      }
      %scan3A_299 = arith.constant 4 : i32
      %add3A_300 = arith.constant 2 : i32
      %add3A_301 = arith.addi %add3A_292, %add3A_300 : i32
      %lt3A = arith.cmpi slt, %add3A_301, %min3A_23 : i32
      %convert_element_type3A = arith.extui %lt3A : i1 to i32
      %cond3A = arith.constant 0 : i32
      %cond3A_302 = arith.cmpi ne, %convert_element_type3A, %cond3A : i32
      scf.if %cond3A_302 {
        %dma_wait3A_319 = arith.constant 0 : i32
        %dma_wait3A_320 = arith.constant 0 : i32
        %dma_wait3A_321 = arith.constant 0 : i32
        %dma_wait3A_322 = arith.constant 0 : i32
        %dma_wait3A_323 = tpu.memref_slice %arg6[%dma_wait3A_320, %dma_wait3A_321, %dma_wait3A_322] : memref<3x4x128xi32, #tpu.memory_space<vmem>> -> memref<1x4x128xi32, #tpu.memory_space<vmem>>
        %dma_wait3A_324 = tpu.memref_squeeze %dma_wait3A_323 : memref<1x4x128xi32, #tpu.memory_space<vmem>> -> memref<4x128xi32, #tpu.memory_space<vmem>>
        %dma_wait3A_325 = arith.constant 0 : i32
        %dma_wait3A_326 = arith.constant 0 : i32
        %dma_wait3A_327 = tpu.memref_slice %arg3[%dma_wait3A_319, %dma_wait3A_325, %dma_wait3A_326] : memref<2x25000x128xi32, #tpu.memory_space<hbm>> -> memref<1x25000x128xi32, #tpu.memory_space<hbm>>
        %dma_wait3A_328 = tpu.memref_squeeze %dma_wait3A_327 : memref<1x25000x128xi32, #tpu.memory_space<hbm>> -> memref<25000x128xi32, #tpu.memory_space<hbm>>
        %dma_wait3A_329 = arith.constant 0 : i32
        %dma_wait3A_330 = arith.constant 0 : i32
        %dma_wait3A_331 = tpu.memref_slice %dma_wait3A_328[%dma_wait3A_329, %dma_wait3A_330] : memref<25000x128xi32, #tpu.memory_space<hbm>> -> memref<4x128xi32, #tpu.memory_space<hbm>>
        %dma_wait3A_332 = arith.constant 0 : i32
        %dma_wait3A_333 = arith.constant 0 : i32
        %dma_wait3A_334 = tpu.memref_slice %arg6[%dma_wait3A_320, %dma_wait3A_332, %dma_wait3A_333] : memref<3x4x128xi32, #tpu.memory_space<vmem>> -> memref<1x4x128xi32, #tpu.memory_space<vmem>>
        %dma_wait3A_335 = tpu.memref_squeeze %dma_wait3A_334 : memref<1x4x128xi32, #tpu.memory_space<vmem>> -> memref<4x128xi32, #tpu.memory_space<vmem>>
        %dma_wait3A_336 = arith.constant 0 : i32
        %dma_wait3A_337 = arith.constant 0 : i32
        %dma_wait3A_338 = tpu.memref_slice %arg3[%dma_wait3A_319, %dma_wait3A_336, %dma_wait3A_337] : memref<2x25000x128xi32, #tpu.memory_space<hbm>> -> memref<1x25000x128xi32, #tpu.memory_space<hbm>>
        %dma_wait3A_339 = tpu.memref_squeeze %dma_wait3A_338 : memref<1x25000x128xi32, #tpu.memory_space<hbm>> -> memref<25000x128xi32, #tpu.memory_space<hbm>>
        %dma_wait3A_340 = arith.constant 0 : i32
        %dma_wait3A_341 = arith.constant 0 : i32
        %dma_wait3A_342 = tpu.memref_slice %dma_wait3A_339[%dma_wait3A_340, %dma_wait3A_341] : memref<25000x128xi32, #tpu.memory_space<hbm>> -> memref<4x128xi32, #tpu.memory_space<hbm>>
        tpu.wait_dma2 semaphore(%arg12 : memref<!tpu.dma_semaphore, #tpu.memory_space<semaphore_mem>>) src(%dma_wait3A_342 : memref<4x128xi32, #tpu.memory_space<hbm>>) dst(%dma_wait3A_335 : memref<4x128xi32, #tpu.memory_space<vmem>>)
        %dma_wait3A_343 = arith.constant 0 : i32
        %dma_wait3A_344 = arith.constant 0 : i32
        %dma_wait3A_345 = arith.constant 0 : i32
        %dma_wait3A_346 = arith.constant 0 : i32
        %dma_wait3A_347 = tpu.memref_slice %arg6[%dma_wait3A_344, %dma_wait3A_345, %dma_wait3A_346] : memref<3x4x128xi32, #tpu.memory_space<vmem>> -> memref<1x4x128xi32, #tpu.memory_space<vmem>>
        %dma_wait3A_348 = tpu.memref_squeeze %dma_wait3A_347 : memref<1x4x128xi32, #tpu.memory_space<vmem>> -> memref<4x128xi32, #tpu.memory_space<vmem>>
        %dma_wait3A_349 = arith.constant 0 : i32
        %dma_wait3A_350 = arith.constant 0 : i32
        %dma_wait3A_351 = tpu.memref_slice %arg3[%dma_wait3A_343, %dma_wait3A_349, %dma_wait3A_350] : memref<2x25000x128xi32, #tpu.memory_space<hbm>> -> memref<1x25000x128xi32, #tpu.memory_space<hbm>>
        %dma_wait3A_352 = tpu.memref_squeeze %dma_wait3A_351 : memref<1x25000x128xi32, #tpu.memory_space<hbm>> -> memref<25000x128xi32, #tpu.memory_space<hbm>>
        %dma_wait3A_353 = arith.constant 0 : i32
        %dma_wait3A_354 = arith.constant 0 : i32
        %dma_wait3A_355 = tpu.memref_slice %dma_wait3A_352[%dma_wait3A_353, %dma_wait3A_354] : memref<25000x128xi32, #tpu.memory_space<hbm>> -> memref<4x128xi32, #tpu.memory_space<hbm>>
        %dma_wait3A_356 = arith.constant 0 : i32
        %dma_wait3A_357 = arith.constant 0 : i32
        %dma_wait3A_358 = tpu.memref_slice %arg6[%dma_wait3A_344, %dma_wait3A_356, %dma_wait3A_357] : memref<3x4x128xi32, #tpu.memory_space<vmem>> -> memref<1x4x128xi32, #tpu.memory_space<vmem>>
        %dma_wait3A_359 = tpu.memref_squeeze %dma_wait3A_358 : memref<1x4x128xi32, #tpu.memory_space<vmem>> -> memref<4x128xi32, #tpu.memory_space<vmem>>
        %dma_wait3A_360 = arith.constant 0 : i32
        %dma_wait3A_361 = arith.constant 0 : i32
        %dma_wait3A_362 = tpu.memref_slice %arg3[%dma_wait3A_343, %dma_wait3A_360, %dma_wait3A_361] : memref<2x25000x128xi32, #tpu.memory_space<hbm>> -> memref<1x25000x128xi32, #tpu.memory_space<hbm>>
        %dma_wait3A_363 = tpu.memref_squeeze %dma_wait3A_362 : memref<1x25000x128xi32, #tpu.memory_space<hbm>> -> memref<25000x128xi32, #tpu.memory_space<hbm>>
        %dma_wait3A_364 = arith.constant 0 : i32
        %dma_wait3A_365 = arith.constant 0 : i32
        %dma_wait3A_366 = tpu.memref_slice %dma_wait3A_363[%dma_wait3A_364, %dma_wait3A_365] : memref<25000x128xi32, #tpu.memory_space<hbm>> -> memref<4x128xi32, #tpu.memory_space<hbm>>
        tpu.wait_dma2 semaphore(%arg12 : memref<!tpu.dma_semaphore, #tpu.memory_space<semaphore_mem>>) src(%dma_wait3A_366 : memref<4x128xi32, #tpu.memory_space<hbm>>) dst(%dma_wait3A_359 : memref<4x128xi32, #tpu.memory_space<vmem>>)
        %add3A_367 = arith.constant 2 : i32
        %add3A_368 = arith.addi %add3A_292, %add3A_367 : i32
        %rem3A_369 = arith.constant 3 : i32
        %rem3A_370 = arith.remsi %add3A_368, %rem3A_369 : i32
        %scan3A_371 = arith.constant 0 : i32
        %scan3A_372 = arith.constant 4 : i32
        %scan3A_373 = arith.addi %scan3A_371, %scan3A_372 : i32
        %scan3A_374 = arith.constant 1 : i32
        scf.for %scan3A_376 = %scan3A_371 to %scan3A_373 step %scan3A_374  : i32 {
          %mul3A_377 = arith.constant 1 : i32
          %mul3A_378 = arith.muli %scan3A_376, %mul3A_377 : i32
          %add3A_379 = arith.constant 0 : i32
          %add3A_380 = arith.addi %add3A_379, %mul3A_378 : i32
          %dma_start3A_381 = arith.constant 0 : i32
          %dma_start3A_382 = arith.constant 0 : i32
          %dma_start3A_383 = tpu.memref_slice %arg8[%rem3A_370, %add3A_380, %dma_start3A_381, %dma_start3A_382] : memref<3x4x128x16xf32, #tpu.memory_space<vmem>> -> memref<1x1x128x16xf32, #tpu.memory_space<vmem>>
          %dma_start3A_384 = tpu.memref_squeeze %dma_start3A_383 : memref<1x1x128x16xf32, #tpu.memory_space<vmem>> -> memref<128x16xf32, #tpu.memory_space<vmem>>
          %dma_start3A_385 = arith.constant 0 : i32
          %dma_start3A_386 = tpu.memref_slice %arg6[%rem3A_370, %add3A_380, %dma_start3A_385] : memref<3x4x128xi32, #tpu.memory_space<vmem>> -> memref<1x1x128xi32, #tpu.memory_space<vmem>>
          %dma_start3A_387 = tpu.memref_squeeze %dma_start3A_386 : memref<1x1x128xi32, #tpu.memory_space<vmem>> -> memref<128xi32, #tpu.memory_space<vmem>>
          %dma_start3A_388 = arith.constant 0 : i32
          %dma_start3A_389 = arith.constant 0 : i32
          %dma_start3A_390 = tpu.memref_slice %arg2[%dma_start3A_388, %dma_start3A_389] : memref<100000x16xf32, #tpu.memory_space<hbm>> -> memref<100000x16xf32, #tpu.memory_space<hbm>>
          tpu.enqueue_indirect_dma source(%dma_start3A_390 : memref<100000x16xf32, #tpu.memory_space<hbm>>) target(%dma_start3A_384 : memref<128x16xf32, #tpu.memory_space<vmem>>) offsets(%dma_start3A_387 : memref<128xi32, #tpu.memory_space<vmem>>) semaphore(%arg10 : memref<!tpu.dma_semaphore, #tpu.memory_space<semaphore_mem>>)
        }
        %scan3A_375 = arith.constant 4 : i32
      } else {
      }
      %scan3A_303 = arith.constant 0 : i32
      %scan3A_304 = arith.constant 4 : i32
      %scan3A_305 = arith.addi %scan3A_303, %scan3A_304 : i32
      %scan3A_306 = arith.constant 1 : i32
      scf.for %scan3A_319 = %scan3A_303 to %scan3A_305 step %scan3A_306  : i32 {
        %mul3A_320 = arith.constant 1 : i32
        %mul3A_321 = arith.muli %scan3A_319, %mul3A_320 : i32
        %add3A_322 = arith.constant 0 : i32
        %add3A_323 = arith.addi %add3A_322, %mul3A_321 : i32
        %dma_start3A_324 = arith.constant 0 : i32
        %dma_start3A_325 = arith.constant 0 : i32
        %dma_start3A_326 = tpu.memref_slice %arg8[%rem3A_294, %add3A_323, %dma_start3A_324, %dma_start3A_325] : memref<3x4x128x16xf32, #tpu.memory_space<vmem>> -> memref<1x1x128x16xf32, #tpu.memory_space<vmem>>
        %dma_start3A_327 = tpu.memref_squeeze %dma_start3A_326 : memref<1x1x128x16xf32, #tpu.memory_space<vmem>> -> memref<128x16xf32, #tpu.memory_space<vmem>>
        %dma_start3A_328 = arith.constant 0 : i32
        %dma_start3A_329 = tpu.memref_slice %arg7[%rem3A_294, %add3A_323, %dma_start3A_328] : memref<3x4x128xi32, #tpu.memory_space<vmem>> -> memref<1x1x128xi32, #tpu.memory_space<vmem>>
        %dma_start3A_330 = tpu.memref_squeeze %dma_start3A_329 : memref<1x1x128xi32, #tpu.memory_space<vmem>> -> memref<128xi32, #tpu.memory_space<vmem>>
        %dma_start3A_331 = arith.constant 0 : i32
        %dma_start3A_332 = arith.constant 0 : i32
        %dma_start3A_333 = tpu.memref_slice %arg9[%dma_start3A_331, %dma_start3A_332] : memref<100352x16xf32, #tpu.memory_space<vmem_shared>> -> memref<100352x16xf32, #tpu.memory_space<vmem_shared>>
        tpu.enqueue_indirect_dma source(%dma_start3A_327 : memref<128x16xf32, #tpu.memory_space<vmem>>) target(%dma_start3A_333 : memref<100352x16xf32, #tpu.memory_space<vmem_shared>>) offsets(%dma_start3A_330 : memref<128xi32, #tpu.memory_space<vmem>>) semaphore(%arg11 : memref<!tpu.dma_semaphore, #tpu.memory_space<semaphore_mem>>) {add = true}
      }
      %scan3A_307 = arith.constant 4 : i32
      %scan3A_308 = arith.constant 0 : i32
      %scan3A_309 = arith.constant 4 : i32
      %scan3A_310 = arith.addi %scan3A_308, %scan3A_309 : i32
      %scan3A_311 = arith.constant 1 : i32
      scf.for %scan3A_319 = %scan3A_308 to %scan3A_310 step %scan3A_311  : i32 {
        %mul3A_320 = arith.constant 1 : i32
        %mul3A_321 = arith.muli %scan3A_319, %mul3A_320 : i32
        %add3A_322 = arith.constant 0 : i32
        %add3A_323 = arith.addi %add3A_322, %mul3A_321 : i32
        %dma_wait3A_324 = arith.constant 0 : i32
        %dma_wait3A_325 = arith.constant 0 : i32
        %dma_wait3A_326 = arith.constant 0 : i32
        %dma_wait3A_327 = tpu.memref_slice %arg8[%rem3A_294, %dma_wait3A_324, %dma_wait3A_325, %dma_wait3A_326] : memref<3x4x128x16xf32, #tpu.memory_space<vmem>> -> memref<1x1x128x16xf32, #tpu.memory_space<vmem>>
        %dma_wait3A_328 = tpu.memref_squeeze %dma_wait3A_327 : memref<1x1x128x16xf32, #tpu.memory_space<vmem>> -> memref<128x16xf32, #tpu.memory_space<vmem>>
        %dma_wait3A_329 = arith.constant 0 : i32
        %dma_wait3A_330 = arith.constant 0 : i32
        %dma_wait3A_331 = tpu.memref_slice %arg9[%dma_wait3A_329, %dma_wait3A_330] : memref<100352x16xf32, #tpu.memory_space<vmem_shared>> -> memref<128x16xf32, #tpu.memory_space<vmem_shared>>
        %dma_wait3A_332 = arith.constant 0 : i32
        %dma_wait3A_333 = arith.constant 0 : i32
        %dma_wait3A_334 = tpu.memref_slice %arg9[%dma_wait3A_332, %dma_wait3A_333] : memref<100352x16xf32, #tpu.memory_space<vmem_shared>> -> memref<128x16xf32, #tpu.memory_space<vmem_shared>>
        %dma_wait3A_335 = arith.constant 0 : i32
        %dma_wait3A_336 = arith.constant 0 : i32
        %dma_wait3A_337 = tpu.memref_slice %arg8[%rem3A_294, %dma_wait3A_324, %dma_wait3A_335, %dma_wait3A_336] : memref<3x4x128x16xf32, #tpu.memory_space<vmem>> -> memref<1x1x128x16xf32, #tpu.memory_space<vmem>>
        %dma_wait3A_338 = tpu.memref_squeeze %dma_wait3A_337 : memref<1x1x128x16xf32, #tpu.memory_space<vmem>> -> memref<128x16xf32, #tpu.memory_space<vmem>>
        tpu.wait_dma2 semaphore(%arg11 : memref<!tpu.dma_semaphore, #tpu.memory_space<semaphore_mem>>) src(%dma_wait3A_338 : memref<128x16xf32, #tpu.memory_space<vmem>>) dst(%dma_wait3A_334 : memref<128x16xf32, #tpu.memory_space<vmem_shared>>)
      }
      %scan3A_312 = arith.constant 4 : i32
      %add3A_313 = arith.constant 3 : i32
      %add3A_314 = arith.addi %add3A_292, %add3A_313 : i32
      %lt3A_315 = arith.cmpi slt, %add3A_314, %min3A_23 : i32
      %convert_element_type3A_316 = arith.extui %lt3A_315 : i1 to i32
      %cond3A_317 = arith.constant 0 : i32
      %cond3A_318 = arith.cmpi ne, %convert_element_type3A_316, %cond3A_317 : i32
      scf.if %cond3A_318 {
        %add3A_319 = arith.constant 3 : i32
        %add3A_320 = arith.addi %add3A_292, %add3A_319 : i32
        %mul3A_321 = arith.constant 4 : i32
        %mul3A_322 = arith.muli %add3A_320, %mul3A_321 : i32
        %add3A_323 = arith.addi %mul3A_4, %mul3A_322 : i32
        %dma_start3A_324 = arith.constant 0 : i32
        %dma_start3A_325 = arith.constant 0 : i32
        %dma_start3A_326 = arith.constant 0 : i32
        %dma_start3A_327 = tpu.memref_slice %arg6[%rem3A_294, %dma_start3A_325, %dma_start3A_326] : memref<3x4x128xi32, #tpu.memory_space<vmem>> -> memref<1x4x128xi32, #tpu.memory_space<vmem>>
        %dma_start3A_328 = tpu.memref_squeeze %dma_start3A_327 : memref<1x4x128xi32, #tpu.memory_space<vmem>> -> memref<4x128xi32, #tpu.memory_space<vmem>>
        %dma_start3A_329 = arith.constant 0 : i32
        %dma_start3A_330 = arith.constant 0 : i32
        %dma_start3A_331 = tpu.memref_slice %arg3[%dma_start3A_324, %dma_start3A_329, %dma_start3A_330] : memref<2x25000x128xi32, #tpu.memory_space<hbm>> -> memref<1x25000x128xi32, #tpu.memory_space<hbm>>
        %dma_start3A_332 = tpu.memref_squeeze %dma_start3A_331 : memref<1x25000x128xi32, #tpu.memory_space<hbm>> -> memref<25000x128xi32, #tpu.memory_space<hbm>>
        %dma_start3A_333 = arith.constant 0 : i32
        %dma_start3A_334 = tpu.memref_slice %dma_start3A_332[%add3A_323, %dma_start3A_333] : memref<25000x128xi32, #tpu.memory_space<hbm>> -> memref<4x128xi32, #tpu.memory_space<hbm>>
        %dma_start3A_335 = arith.constant 0 : i32
        %dma_start3A_336 = arith.constant 0 : i32
        %dma_start3A_337 = tpu.memref_slice %arg6[%rem3A_294, %dma_start3A_335, %dma_start3A_336] : memref<3x4x128xi32, #tpu.memory_space<vmem>> -> memref<1x4x128xi32, #tpu.memory_space<vmem>>
        %dma_start3A_338 = tpu.memref_squeeze %dma_start3A_337 : memref<1x4x128xi32, #tpu.memory_space<vmem>> -> memref<4x128xi32, #tpu.memory_space<vmem>>
        %dma_start3A_339 = arith.constant 0 : i32
        %dma_start3A_340 = arith.constant 0 : i32
        %dma_start3A_341 = tpu.memref_slice %arg3[%dma_start3A_324, %dma_start3A_339, %dma_start3A_340] : memref<2x25000x128xi32, #tpu.memory_space<hbm>> -> memref<1x25000x128xi32, #tpu.memory_space<hbm>>
        %dma_start3A_342 = tpu.memref_squeeze %dma_start3A_341 : memref<1x25000x128xi32, #tpu.memory_space<hbm>> -> memref<25000x128xi32, #tpu.memory_space<hbm>>
        %dma_start3A_343 = arith.constant 0 : i32
        %dma_start3A_344 = tpu.memref_slice %dma_start3A_342[%add3A_323, %dma_start3A_343] : memref<25000x128xi32, #tpu.memory_space<hbm>> -> memref<4x128xi32, #tpu.memory_space<hbm>>
        tpu.enqueue_dma source(%dma_start3A_344 : memref<4x128xi32, #tpu.memory_space<hbm>>) target(%dma_start3A_338 : memref<4x128xi32, #tpu.memory_space<vmem>>) target_semaphore(%arg12 : memref<!tpu.dma_semaphore, #tpu.memory_space<semaphore_mem>>)
        %mul3A_345 = arith.constant 4 : i32
        %mul3A_346 = arith.muli %add3A_320, %mul3A_345 : i32
        %add3A_347 = arith.addi %mul3A_4, %mul3A_346 : i32
        %dma_start3A_348 = arith.constant 1 : i32
        %dma_start3A_349 = arith.constant 0 : i32
        %dma_start3A_350 = arith.constant 0 : i32
        %dma_start3A_351 = tpu.memref_slice %arg7[%rem3A_294, %dma_start3A_349, %dma_start3A_350] : memref<3x4x128xi32, #tpu.memory_space<vmem>> -> memref<1x4x128xi32, #tpu.memory_space<vmem>>
        %dma_start3A_352 = tpu.memref_squeeze %dma_start3A_351 : memref<1x4x128xi32, #tpu.memory_space<vmem>> -> memref<4x128xi32, #tpu.memory_space<vmem>>
        %dma_start3A_353 = arith.constant 0 : i32
        %dma_start3A_354 = arith.constant 0 : i32
        %dma_start3A_355 = tpu.memref_slice %arg3[%dma_start3A_348, %dma_start3A_353, %dma_start3A_354] : memref<2x25000x128xi32, #tpu.memory_space<hbm>> -> memref<1x25000x128xi32, #tpu.memory_space<hbm>>
        %dma_start3A_356 = tpu.memref_squeeze %dma_start3A_355 : memref<1x25000x128xi32, #tpu.memory_space<hbm>> -> memref<25000x128xi32, #tpu.memory_space<hbm>>
        %dma_start3A_357 = arith.constant 0 : i32
        %dma_start3A_358 = tpu.memref_slice %dma_start3A_356[%add3A_347, %dma_start3A_357] : memref<25000x128xi32, #tpu.memory_space<hbm>> -> memref<4x128xi32, #tpu.memory_space<hbm>>
        %dma_start3A_359 = arith.constant 0 : i32
        %dma_start3A_360 = arith.constant 0 : i32
        %dma_start3A_361 = tpu.memref_slice %arg7[%rem3A_294, %dma_start3A_359, %dma_start3A_360] : memref<3x4x128xi32, #tpu.memory_space<vmem>> -> memref<1x4x128xi32, #tpu.memory_space<vmem>>
        %dma_start3A_362 = tpu.memref_squeeze %dma_start3A_361 : memref<1x4x128xi32, #tpu.memory_space<vmem>> -> memref<4x128xi32, #tpu.memory_space<vmem>>
        %dma_start3A_363 = arith.constant 0 : i32
        %dma_start3A_364 = arith.constant 0 : i32
        %dma_start3A_365 = tpu.memref_slice %arg3[%dma_start3A_348, %dma_start3A_363, %dma_start3A_364] : memref<2x25000x128xi32, #tpu.memory_space<hbm>> -> memref<1x25000x128xi32, #tpu.memory_space<hbm>>
        %dma_start3A_366 = tpu.memref_squeeze %dma_start3A_365 : memref<1x25000x128xi32, #tpu.memory_space<hbm>> -> memref<25000x128xi32, #tpu.memory_space<hbm>>
        %dma_start3A_367 = arith.constant 0 : i32
        %dma_start3A_368 = tpu.memref_slice %dma_start3A_366[%add3A_347, %dma_start3A_367] : memref<25000x128xi32, #tpu.memory_space<hbm>> -> memref<4x128xi32, #tpu.memory_space<hbm>>
        tpu.enqueue_dma source(%dma_start3A_368 : memref<4x128xi32, #tpu.memory_space<hbm>>) target(%dma_start3A_362 : memref<4x128xi32, #tpu.memory_space<vmem>>) target_semaphore(%arg12 : memref<!tpu.dma_semaphore, #tpu.memory_space<semaphore_mem>>)
      } else {
      }
    }
    %barrier3A_289 = arith.constant 0 : index
    tpu.barrier barrier_id(%barrier3A_289)
    "tpu.region"() ({
      %run_scoped3A = tpu.sem_alloc : memref<!tpu.dma_semaphore, #tpu.memory_space<semaphore_mem>>
      %dma_start3A_290 = arith.constant 0 : i32
      %dma_start3A_291 = arith.constant 0 : i32
      %dma_start3A_292 = tpu.memref_slice %arg5[%arg0, %dma_start3A_290, %dma_start3A_291] : memref<2x100352x16xf32, #tpu.memory_space<hbm>> -> memref<1x100352x16xf32, #tpu.memory_space<hbm>>
      %dma_start3A_293 = tpu.memref_squeeze %dma_start3A_292 : memref<1x100352x16xf32, #tpu.memory_space<hbm>> -> memref<100352x16xf32, #tpu.memory_space<hbm>>
      %dma_start3A_294 = arith.constant 0 : i32
      %dma_start3A_295 = tpu.memref_slice %dma_start3A_293[%mul3A_0, %dma_start3A_294] : memref<100352x16xf32, #tpu.memory_space<hbm>> -> memref<6272x16xf32, #tpu.memory_space<hbm>>
      %dma_start3A_296 = arith.constant 0 : i32
      %dma_start3A_297 = tpu.memref_slice %arg9[%mul3A_0, %dma_start3A_296] : memref<100352x16xf32, #tpu.memory_space<vmem_shared>> -> memref<6272x16xf32, #tpu.memory_space<vmem_shared>>
      tpu.enqueue_dma source(%dma_start3A_297 : memref<6272x16xf32, #tpu.memory_space<vmem_shared>>) target(%dma_start3A_295 : memref<6272x16xf32, #tpu.memory_space<hbm>>) target_semaphore(%run_scoped3A : memref<!tpu.dma_semaphore, #tpu.memory_space<semaphore_mem>>)
      %dma_wait3A_298 = arith.constant 0 : i32
      %dma_wait3A_299 = arith.constant 0 : i32
      %dma_wait3A_300 = tpu.memref_slice %arg5[%arg0, %dma_wait3A_298, %dma_wait3A_299] : memref<2x100352x16xf32, #tpu.memory_space<hbm>> -> memref<1x100352x16xf32, #tpu.memory_space<hbm>>
      %dma_wait3A_301 = tpu.memref_squeeze %dma_wait3A_300 : memref<1x100352x16xf32, #tpu.memory_space<hbm>> -> memref<100352x16xf32, #tpu.memory_space<hbm>>
      %dma_wait3A_302 = arith.constant 0 : i32
      %dma_wait3A_303 = tpu.memref_slice %dma_wait3A_301[%mul3A_0, %dma_wait3A_302] : memref<100352x16xf32, #tpu.memory_space<hbm>> -> memref<6272x16xf32, #tpu.memory_space<hbm>>
      %dma_wait3A_304 = arith.constant 0 : i32
      %dma_wait3A_305 = tpu.memref_slice %arg9[%mul3A_0, %dma_wait3A_304] : memref<100352x16xf32, #tpu.memory_space<vmem_shared>> -> memref<6272x16xf32, #tpu.memory_space<vmem_shared>>
      tpu.wait_dma2 semaphore(%run_scoped3A : memref<!tpu.dma_semaphore, #tpu.memory_space<semaphore_mem>>) src(%dma_wait3A_305 : memref<6272x16xf32, #tpu.memory_space<vmem_shared>>) dst(%dma_wait3A_303 : memref<6272x16xf32, #tpu.memory_space<hbm>>)
      tpu.yield
    }) : () -> ()
    return
  }
}

#map = affine_map<(d0, d1) -> (0, 0)>
#map1 = affine_map<(d0, d1) -> (0, 0, 0)>
module attributes {stable_mosaic.version = 14 : i64} {
  func.func @_sc_agg(%arg0: i32, %arg1: i32, %arg2: memref<100000x16xf32, #tpu.memory_space<hbm>>, %arg3: memref<2x25000x128xi32, #tpu.memory_space<hbm>>, %arg4: memref<6272x16xf32, #tpu.memory_space<hbm>>, %arg5: memref<2x100352x16xf32, #tpu.memory_space<hbm>>, %arg6: memref<3x4x128xi32, #tpu.memory_space<vmem>>, %arg7: memref<3x4x128xi32, #tpu.memory_space<vmem>>, %arg8: memref<3x4x128x16xf32, #tpu.memory_space<vmem>>, %arg9: memref<100352x16xf32, #tpu.memory_space<vmem_shared>>, %arg10: memref<!tpu.dma_semaphore, #tpu.memory_space<semaphore_mem>>, %arg11: memref<!tpu.dma_semaphore, #tpu.memory_space<semaphore_mem>>, %arg12: memref<!tpu.dma_semaphore, #tpu.memory_space<semaphore_mem>>) attributes {dimension_semantics = [#tpu.dimension_semantics<core_parallel>, #tpu.dimension_semantics<subcore_parallel>], iteration_bounds = array<i64: 2, 16>, scalar_prefetch = 0 : i64, scratch_operands = 7 : i64, tpu.core_type = #tpu.core_type<sc_vector_subcore>, window_params = [{transform_indices = #map}, {transform_indices = #map1}, {transform_indices = #map}, {transform_indices = #map1}]} {
    %mul3A = arith.constant 6272 : i32
    %mul3A_0 = arith.muli %arg1, %mul3A : i32
    "tpu.region"() ({
      %run_scoped3A = tpu.sem_alloc : memref<!tpu.dma_semaphore, #tpu.memory_space<semaphore_mem>>
      %dma_start3A_290 = arith.constant 0 : i32
      %dma_start3A_291 = tpu.memref_slice %arg9[%mul3A_0, %dma_start3A_290] : memref<100352x16xf32, #tpu.memory_space<vmem_shared>> -> memref<6272x16xf32, #tpu.memory_space<vmem_shared>>
      tpu.enqueue_dma source(%arg4 : memref<6272x16xf32, #tpu.memory_space<hbm>>) target(%dma_start3A_291 : memref<6272x16xf32, #tpu.memory_space<vmem_shared>>) target_semaphore(%run_scoped3A : memref<!tpu.dma_semaphore, #tpu.memory_space<semaphore_mem>>)
      %dma_wait3A_292 = arith.constant 0 : i32
      %dma_wait3A_293 = tpu.memref_slice %arg9[%mul3A_0, %dma_wait3A_292] : memref<100352x16xf32, #tpu.memory_space<vmem_shared>> -> memref<6272x16xf32, #tpu.memory_space<vmem_shared>>
      tpu.wait_dma2 semaphore(%run_scoped3A : memref<!tpu.dma_semaphore, #tpu.memory_space<semaphore_mem>>) src(%arg4 : memref<6272x16xf32, #tpu.memory_space<hbm>>) dst(%dma_wait3A_293 : memref<6272x16xf32, #tpu.memory_space<vmem_shared>>)
      tpu.yield
    }) : () -> ()
    %barrier3A = arith.constant 0 : index
    tpu.barrier barrier_id(%barrier3A)
    %mul3A_1 = arith.constant 16 : i32
    %mul3A_2 = arith.muli %arg0, %mul3A_1 : i32
    %add3A = arith.addi %mul3A_2, %arg1 : i32
    %mul3A_3 = arith.constant 784 : i32
    %mul3A_4 = arith.muli %add3A, %mul3A_3 : i32
    %sub3A = arith.constant 25000 : i32
    %sub3A_5 = arith.subi %sub3A, %mul3A_4 : i32
    %jit3A = arith.constant 4 : i32
    %div3A = arith.divsi %sub3A_5, %jit3A : i32
    %sign3A = arith.constant 0 : i32
    %sign3A_6 = arith.cmpi sgt, %sub3A_5, %sign3A : i32
    %sign3A_7 = arith.extui %sign3A_6 : i1 to i32
    %sign3A_8 = arith.constant 0 : i32
    %sign3A_9 = arith.cmpi slt, %sub3A_5, %sign3A_8 : i32
    %sign3A_10 = arith.extui %sign3A_9 : i1 to i32
    %sign3A_11 = arith.subi %sign3A_7, %sign3A_10 : i32
    %sign3A_12 = arith.constant 0 : i32
    %sign3A_13 = arith.cmpi sgt, %jit3A, %sign3A_12 : i32
    %sign3A_14 = arith.extui %sign3A_13 : i1 to i32
    %sign3A_15 = arith.constant 0 : i32
    %sign3A_16 = arith.cmpi slt, %jit3A, %sign3A_15 : i32
    %sign3A_17 = arith.extui %sign3A_16 : i1 to i32
    %sign3A_18 = arith.subi %sign3A_14, %sign3A_17 : i32
    %ne3A = arith.cmpi ne, %sign3A_11, %sign3A_18 : i32
    %rem3A = arith.remsi %sub3A_5, %jit3A : i32
    %ne3A_19 = arith.constant 0 : i32
    %ne3A_20 = arith.cmpi ne, %rem3A, %ne3A_19 : i32
    %and3A = arith.andi %ne3A, %ne3A_20 : i1
    %sub3A_21 = arith.constant 1 : i32
    %sub3A_22 = arith.subi %div3A, %sub3A_21 : i32
    %select_n3A = arith.select %and3A, %sub3A_22, %div3A : i32
    %min3A = arith.constant 196 : i32
    %min3A_23 = arith.minsi %min3A, %select_n3A : i32
    %add3A_24 = arith.constant 0 : i32
    %add3A_25 = arith.addi %mul3A_4, %add3A_24 : i32
    %dma_start3A = arith.constant 0 : i32
    %dma_start3A_26 = arith.constant 0 : i32
    %dma_start3A_27 = arith.constant 0 : i32
    %dma_start3A_28 = arith.constant 0 : i32
    %dma_start3A_29 = tpu.memref_slice %arg6[%dma_start3A_26, %dma_start3A_27, %dma_start3A_28] : memref<3x4x128xi32, #tpu.memory_space<vmem>> -> memref<1x4x128xi32, #tpu.memory_space<vmem>>
    %dma_start3A_30 = tpu.memref_squeeze %dma_start3A_29 : memref<1x4x128xi32, #tpu.memory_space<vmem>> -> memref<4x128xi32, #tpu.memory_space<vmem>>
    %dma_start3A_31 = arith.constant 0 : i32
    %dma_start3A_32 = arith.constant 0 : i32
    %dma_start3A_33 = tpu.memref_slice %arg3[%dma_start3A, %dma_start3A_31, %dma_start3A_32] : memref<2x25000x128xi32, #tpu.memory_space<hbm>> -> memref<1x25000x128xi32, #tpu.memory_space<hbm>>
    %dma_start3A_34 = tpu.memref_squeeze %dma_start3A_33 : memref<1x25000x128xi32, #tpu.memory_space<hbm>> -> memref<25000x128xi32, #tpu.memory_space<hbm>>
    %dma_start3A_35 = arith.constant 0 : i32
    %dma_start3A_36 = tpu.memref_slice %dma_start3A_34[%add3A_25, %dma_start3A_35] : memref<25000x128xi32, #tpu.memory_space<hbm>> -> memref<4x128xi32, #tpu.memory_space<hbm>>
    %dma_start3A_37 = arith.constant 0 : i32
    %dma_start3A_38 = arith.constant 0 : i32
    %dma_start3A_39 = tpu.memref_slice %arg6[%dma_start3A_26, %dma_start3A_37, %dma_start3A_38] : memref<3x4x128xi32, #tpu.memory_space<vmem>> -> memref<1x4x128xi32, #tpu.memory_space<vmem>>
    %dma_start3A_40 = tpu.memref_squeeze %dma_start3A_39 : memref<1x4x128xi32, #tpu.memory_space<vmem>> -> memref<4x128xi32, #tpu.memory_space<vmem>>
    %dma_start3A_41 = arith.constant 0 : i32
    %dma_start3A_42 = arith.constant 0 : i32
    %dma_start3A_43 = tpu.memref_slice %arg3[%dma_start3A, %dma_start3A_41, %dma_start3A_42] : memref<2x25000x128xi32, #tpu.memory_space<hbm>> -> memref<1x25000x128xi32, #tpu.memory_space<hbm>>
    %dma_start3A_44 = tpu.memref_squeeze %dma_start3A_43 : memref<1x25000x128xi32, #tpu.memory_space<hbm>> -> memref<25000x128xi32, #tpu.memory_space<hbm>>
    %dma_start3A_45 = arith.constant 0 : i32
    %dma_start3A_46 = tpu.memref_slice %dma_start3A_44[%add3A_25, %dma_start3A_45] : memref<25000x128xi32, #tpu.memory_space<hbm>> -> memref<4x128xi32, #tpu.memory_space<hbm>>
    tpu.enqueue_dma source(%dma_start3A_46 : memref<4x128xi32, #tpu.memory_space<hbm>>) target(%dma_start3A_40 : memref<4x128xi32, #tpu.memory_space<vmem>>) target_semaphore(%arg12 : memref<!tpu.dma_semaphore, #tpu.memory_space<semaphore_mem>>)
    %add3A_47 = arith.constant 0 : i32
    %add3A_48 = arith.addi %mul3A_4, %add3A_47 : i32
    %dma_start3A_49 = arith.constant 1 : i32
    %dma_start3A_50 = arith.constant 0 : i32
    %dma_start3A_51 = arith.constant 0 : i32
    %dma_start3A_52 = arith.constant 0 : i32
    %dma_start3A_53 = tpu.memref_slice %arg7[%dma_start3A_50, %dma_start3A_51, %dma_start3A_52] : memref<3x4x128xi32, #tpu.memory_space<vmem>> -> memref<1x4x128xi32, #tpu.memory_space<vmem>>
    %dma_start3A_54 = tpu.memref_squeeze %dma_start3A_53 : memref<1x4x128xi32, #tpu.memory_space<vmem>> -> memref<4x128xi32, #tpu.memory_space<vmem>>
    %dma_start3A_55 = arith.constant 0 : i32
    %dma_start3A_56 = arith.constant 0 : i32
    %dma_start3A_57 = tpu.memref_slice %arg3[%dma_start3A_49, %dma_start3A_55, %dma_start3A_56] : memref<2x25000x128xi32, #tpu.memory_space<hbm>> -> memref<1x25000x128xi32, #tpu.memory_space<hbm>>
    %dma_start3A_58 = tpu.memref_squeeze %dma_start3A_57 : memref<1x25000x128xi32, #tpu.memory_space<hbm>> -> memref<25000x128xi32, #tpu.memory_space<hbm>>
    %dma_start3A_59 = arith.constant 0 : i32
    %dma_start3A_60 = tpu.memref_slice %dma_start3A_58[%add3A_48, %dma_start3A_59] : memref<25000x128xi32, #tpu.memory_space<hbm>> -> memref<4x128xi32, #tpu.memory_space<hbm>>
    %dma_start3A_61 = arith.constant 0 : i32
    %dma_start3A_62 = arith.constant 0 : i32
    %dma_start3A_63 = tpu.memref_slice %arg7[%dma_start3A_50, %dma_start3A_61, %dma_start3A_62] : memref<3x4x128xi32, #tpu.memory_space<vmem>> -> memref<1x4x128xi32, #tpu.memory_space<vmem>>
    %dma_start3A_64 = tpu.memref_squeeze %dma_start3A_63 : memref<1x4x128xi32, #tpu.memory_space<vmem>> -> memref<4x128xi32, #tpu.memory_space<vmem>>
    %dma_start3A_65 = arith.constant 0 : i32
    %dma_start3A_66 = arith.constant 0 : i32
    %dma_start3A_67 = tpu.memref_slice %arg3[%dma_start3A_49, %dma_start3A_65, %dma_start3A_66] : memref<2x25000x128xi32, #tpu.memory_space<hbm>> -> memref<1x25000x128xi32, #tpu.memory_space<hbm>>
    %dma_start3A_68 = tpu.memref_squeeze %dma_start3A_67 : memref<1x25000x128xi32, #tpu.memory_space<hbm>> -> memref<25000x128xi32, #tpu.memory_space<hbm>>
    %dma_start3A_69 = arith.constant 0 : i32
    %dma_start3A_70 = tpu.memref_slice %dma_start3A_68[%add3A_48, %dma_start3A_69] : memref<25000x128xi32, #tpu.memory_space<hbm>> -> memref<4x128xi32, #tpu.memory_space<hbm>>
    tpu.enqueue_dma source(%dma_start3A_70 : memref<4x128xi32, #tpu.memory_space<hbm>>) target(%dma_start3A_64 : memref<4x128xi32, #tpu.memory_space<vmem>>) target_semaphore(%arg12 : memref<!tpu.dma_semaphore, #tpu.memory_space<semaphore_mem>>)
    %dma_wait3A = arith.constant 0 : i32
    %dma_wait3A_71 = arith.constant 0 : i32
    %dma_wait3A_72 = arith.constant 0 : i32
    %dma_wait3A_73 = arith.constant 0 : i32
    %dma_wait3A_74 = tpu.memref_slice %arg6[%dma_wait3A_71, %dma_wait3A_72, %dma_wait3A_73] : memref<3x4x128xi32, #tpu.memory_space<vmem>> -> memref<1x4x128xi32, #tpu.memory_space<vmem>>
    %dma_wait3A_75 = tpu.memref_squeeze %dma_wait3A_74 : memref<1x4x128xi32, #tpu.memory_space<vmem>> -> memref<4x128xi32, #tpu.memory_space<vmem>>
    %dma_wait3A_76 = arith.constant 0 : i32
    %dma_wait3A_77 = arith.constant 0 : i32
    %dma_wait3A_78 = tpu.memref_slice %arg3[%dma_wait3A, %dma_wait3A_76, %dma_wait3A_77] : memref<2x25000x128xi32, #tpu.memory_space<hbm>> -> memref<1x25000x128xi32, #tpu.memory_space<hbm>>
    %dma_wait3A_79 = tpu.memref_squeeze %dma_wait3A_78 : memref<1x25000x128xi32, #tpu.memory_space<hbm>> -> memref<25000x128xi32, #tpu.memory_space<hbm>>
    %dma_wait3A_80 = arith.constant 0 : i32
    %dma_wait3A_81 = arith.constant 0 : i32
    %dma_wait3A_82 = tpu.memref_slice %dma_wait3A_79[%dma_wait3A_80, %dma_wait3A_81] : memref<25000x128xi32, #tpu.memory_space<hbm>> -> memref<4x128xi32, #tpu.memory_space<hbm>>
    %dma_wait3A_83 = arith.constant 0 : i32
    %dma_wait3A_84 = arith.constant 0 : i32
    %dma_wait3A_85 = tpu.memref_slice %arg6[%dma_wait3A_71, %dma_wait3A_83, %dma_wait3A_84] : memref<3x4x128xi32, #tpu.memory_space<vmem>> -> memref<1x4x128xi32, #tpu.memory_space<vmem>>
    %dma_wait3A_86 = tpu.memref_squeeze %dma_wait3A_85 : memref<1x4x128xi32, #tpu.memory_space<vmem>> -> memref<4x128xi32, #tpu.memory_space<vmem>>
    %dma_wait3A_87 = arith.constant 0 : i32
    %dma_wait3A_88 = arith.constant 0 : i32
    %dma_wait3A_89 = tpu.memref_slice %arg3[%dma_wait3A, %dma_wait3A_87, %dma_wait3A_88] : memref<2x25000x128xi32, #tpu.memory_space<hbm>> -> memref<1x25000x128xi32, #tpu.memory_space<hbm>>
    %dma_wait3A_90 = tpu.memref_squeeze %dma_wait3A_89 : memref<1x25000x128xi32, #tpu.memory_space<hbm>> -> memref<25000x128xi32, #tpu.memory_space<hbm>>
    %dma_wait3A_91 = arith.constant 0 : i32
    %dma_wait3A_92 = arith.constant 0 : i32
    %dma_wait3A_93 = tpu.memref_slice %dma_wait3A_90[%dma_wait3A_91, %dma_wait3A_92] : memref<25000x128xi32, #tpu.memory_space<hbm>> -> memref<4x128xi32, #tpu.memory_space<hbm>>
    tpu.wait_dma2 semaphore(%arg12 : memref<!tpu.dma_semaphore, #tpu.memory_space<semaphore_mem>>) src(%dma_wait3A_93 : memref<4x128xi32, #tpu.memory_space<hbm>>) dst(%dma_wait3A_86 : memref<4x128xi32, #tpu.memory_space<vmem>>)
    %dma_wait3A_94 = arith.constant 0 : i32
    %dma_wait3A_95 = arith.constant 0 : i32
    %dma_wait3A_96 = arith.constant 0 : i32
    %dma_wait3A_97 = arith.constant 0 : i32
    %dma_wait3A_98 = tpu.memref_slice %arg6[%dma_wait3A_95, %dma_wait3A_96, %dma_wait3A_97] : memref<3x4x128xi32, #tpu.memory_space<vmem>> -> memref<1x4x128xi32, #tpu.memory_space<vmem>>
    %dma_wait3A_99 = tpu.memref_squeeze %dma_wait3A_98 : memref<1x4x128xi32, #tpu.memory_space<vmem>> -> memref<4x128xi32, #tpu.memory_space<vmem>>
    %dma_wait3A_100 = arith.constant 0 : i32
    %dma_wait3A_101 = arith.constant 0 : i32
    %dma_wait3A_102 = tpu.memref_slice %arg3[%dma_wait3A_94, %dma_wait3A_100, %dma_wait3A_101] : memref<2x25000x128xi32, #tpu.memory_space<hbm>> -> memref<1x25000x128xi32, #tpu.memory_space<hbm>>
    %dma_wait3A_103 = tpu.memref_squeeze %dma_wait3A_102 : memref<1x25000x128xi32, #tpu.memory_space<hbm>> -> memref<25000x128xi32, #tpu.memory_space<hbm>>
    %dma_wait3A_104 = arith.constant 0 : i32
    %dma_wait3A_105 = arith.constant 0 : i32
    %dma_wait3A_106 = tpu.memref_slice %dma_wait3A_103[%dma_wait3A_104, %dma_wait3A_105] : memref<25000x128xi32, #tpu.memory_space<hbm>> -> memref<4x128xi32, #tpu.memory_space<hbm>>
    %dma_wait3A_107 = arith.constant 0 : i32
    %dma_wait3A_108 = arith.constant 0 : i32
    %dma_wait3A_109 = tpu.memref_slice %arg6[%dma_wait3A_95, %dma_wait3A_107, %dma_wait3A_108] : memref<3x4x128xi32, #tpu.memory_space<vmem>> -> memref<1x4x128xi32, #tpu.memory_space<vmem>>
    %dma_wait3A_110 = tpu.memref_squeeze %dma_wait3A_109 : memref<1x4x128xi32, #tpu.memory_space<vmem>> -> memref<4x128xi32, #tpu.memory_space<vmem>>
    %dma_wait3A_111 = arith.constant 0 : i32
    %dma_wait3A_112 = arith.constant 0 : i32
    %dma_wait3A_113 = tpu.memref_slice %arg3[%dma_wait3A_94, %dma_wait3A_111, %dma_wait3A_112] : memref<2x25000x128xi32, #tpu.memory_space<hbm>> -> memref<1x25000x128xi32, #tpu.memory_space<hbm>>
    %dma_wait3A_114 = tpu.memref_squeeze %dma_wait3A_113 : memref<1x25000x128xi32, #tpu.memory_space<hbm>> -> memref<25000x128xi32, #tpu.memory_space<hbm>>
    %dma_wait3A_115 = arith.constant 0 : i32
    %dma_wait3A_116 = arith.constant 0 : i32
    %dma_wait3A_117 = tpu.memref_slice %dma_wait3A_114[%dma_wait3A_115, %dma_wait3A_116] : memref<25000x128xi32, #tpu.memory_space<hbm>> -> memref<4x128xi32, #tpu.memory_space<hbm>>
    tpu.wait_dma2 semaphore(%arg12 : memref<!tpu.dma_semaphore, #tpu.memory_space<semaphore_mem>>) src(%dma_wait3A_117 : memref<4x128xi32, #tpu.memory_space<hbm>>) dst(%dma_wait3A_110 : memref<4x128xi32, #tpu.memory_space<vmem>>)
    %scan3A = arith.constant 0 : i32
    %scan3A_118 = arith.constant 4 : i32
    %scan3A_119 = arith.addi %scan3A, %scan3A_118 : i32
    %scan3A_120 = arith.constant 1 : i32
    scf.for %scan3A_290 = %scan3A to %scan3A_119 step %scan3A_120  : i32 {
      %mul3A_291 = arith.constant 1 : i32
      %mul3A_292 = arith.muli %scan3A_290, %mul3A_291 : i32
      %add3A_293 = arith.constant 0 : i32
      %add3A_294 = arith.addi %add3A_293, %mul3A_292 : i32
      %dma_start3A_295 = arith.constant 0 : i32
      %dma_start3A_296 = arith.constant 0 : i32
      %dma_start3A_297 = arith.constant 0 : i32
      %dma_start3A_298 = arith.constant 0 : i32
      %dma_start3A_299 = tpu.memref_slice %arg8[%dma_start3A_296, %add3A_294, %dma_start3A_297, %dma_start3A_298] : memref<3x4x128x16xf32, #tpu.memory_space<vmem>> -> memref<1x1x128x16xf32, #tpu.memory_space<vmem>>
      %dma_start3A_300 = tpu.memref_squeeze %dma_start3A_299 : memref<1x1x128x16xf32, #tpu.memory_space<vmem>> -> memref<128x16xf32, #tpu.memory_space<vmem>>
      %dma_start3A_301 = arith.constant 0 : i32
      %dma_start3A_302 = tpu.memref_slice %arg6[%dma_start3A_295, %add3A_294, %dma_start3A_301] : memref<3x4x128xi32, #tpu.memory_space<vmem>> -> memref<1x1x128xi32, #tpu.memory_space<vmem>>
      %dma_start3A_303 = tpu.memref_squeeze %dma_start3A_302 : memref<1x1x128xi32, #tpu.memory_space<vmem>> -> memref<128xi32, #tpu.memory_space<vmem>>
      %dma_start3A_304 = arith.constant 0 : i32
      %dma_start3A_305 = arith.constant 0 : i32
      %dma_start3A_306 = tpu.memref_slice %arg2[%dma_start3A_304, %dma_start3A_305] : memref<100000x16xf32, #tpu.memory_space<hbm>> -> memref<100000x16xf32, #tpu.memory_space<hbm>>
      tpu.enqueue_indirect_dma source(%dma_start3A_306 : memref<100000x16xf32, #tpu.memory_space<hbm>>) target(%dma_start3A_300 : memref<128x16xf32, #tpu.memory_space<vmem>>) offsets(%dma_start3A_303 : memref<128xi32, #tpu.memory_space<vmem>>) semaphore(%arg10 : memref<!tpu.dma_semaphore, #tpu.memory_space<semaphore_mem>>)
    }
    %scan3A_121 = arith.constant 4 : i32
    %add3A_122 = arith.constant 4 : i32
    %add3A_123 = arith.addi %mul3A_4, %add3A_122 : i32
    %dma_start3A_124 = arith.constant 0 : i32
    %dma_start3A_125 = arith.constant 1 : i32
    %dma_start3A_126 = arith.constant 0 : i32
    %dma_start3A_127 = arith.constant 0 : i32
    %dma_start3A_128 = tpu.memref_slice %arg6[%dma_start3A_125, %dma_start3A_126, %dma_start3A_127] : memref<3x4x128xi32, #tpu.memory_space<vmem>> -> memref<1x4x128xi32, #tpu.memory_space<vmem>>
    %dma_start3A_129 = tpu.memref_squeeze %dma_start3A_128 : memref<1x4x128xi32, #tpu.memory_space<vmem>> -> memref<4x128xi32, #tpu.memory_space<vmem>>
    %dma_start3A_130 = arith.constant 0 : i32
    %dma_start3A_131 = arith.constant 0 : i32
    %dma_start3A_132 = tpu.memref_slice %arg3[%dma_start3A_124, %dma_start3A_130, %dma_start3A_131] : memref<2x25000x128xi32, #tpu.memory_space<hbm>> -> memref<1x25000x128xi32, #tpu.memory_space<hbm>>
    %dma_start3A_133 = tpu.memref_squeeze %dma_start3A_132 : memref<1x25000x128xi32, #tpu.memory_space<hbm>> -> memref<25000x128xi32, #tpu.memory_space<hbm>>
    %dma_start3A_134 = arith.constant 0 : i32
    %dma_start3A_135 = tpu.memref_slice %dma_start3A_133[%add3A_123, %dma_start3A_134] : memref<25000x128xi32, #tpu.memory_space<hbm>> -> memref<4x128xi32, #tpu.memory_space<hbm>>
    %dma_start3A_136 = arith.constant 0 : i32
    %dma_start3A_137 = arith.constant 0 : i32
    %dma_start3A_138 = tpu.memref_slice %arg6[%dma_start3A_125, %dma_start3A_136, %dma_start3A_137] : memref<3x4x128xi32, #tpu.memory_space<vmem>> -> memref<1x4x128xi32, #tpu.memory_space<vmem>>
    %dma_start3A_139 = tpu.memref_squeeze %dma_start3A_138 : memref<1x4x128xi32, #tpu.memory_space<vmem>> -> memref<4x128xi32, #tpu.memory_space<vmem>>
    %dma_start3A_140 = arith.constant 0 : i32
    %dma_start3A_141 = arith.constant 0 : i32
    %dma_start3A_142 = tpu.memref_slice %arg3[%dma_start3A_124, %dma_start3A_140, %dma_start3A_141] : memref<2x25000x128xi32, #tpu.memory_space<hbm>> -> memref<1x25000x128xi32, #tpu.memory_space<hbm>>
    %dma_start3A_143 = tpu.memref_squeeze %dma_start3A_142 : memref<1x25000x128xi32, #tpu.memory_space<hbm>> -> memref<25000x128xi32, #tpu.memory_space<hbm>>
    %dma_start3A_144 = arith.constant 0 : i32
    %dma_start3A_145 = tpu.memref_slice %dma_start3A_143[%add3A_123, %dma_start3A_144] : memref<25000x128xi32, #tpu.memory_space<hbm>> -> memref<4x128xi32, #tpu.memory_space<hbm>>
    tpu.enqueue_dma source(%dma_start3A_145 : memref<4x128xi32, #tpu.memory_space<hbm>>) target(%dma_start3A_139 : memref<4x128xi32, #tpu.memory_space<vmem>>) target_semaphore(%arg12 : memref<!tpu.dma_semaphore, #tpu.memory_space<semaphore_mem>>)
    %add3A_146 = arith.constant 4 : i32
    %add3A_147 = arith.addi %mul3A_4, %add3A_146 : i32
    %dma_start3A_148 = arith.constant 1 : i32
    %dma_start3A_149 = arith.constant 1 : i32
    %dma_start3A_150 = arith.constant 0 : i32
    %dma_start3A_151 = arith.constant 0 : i32
    %dma_start3A_152 = tpu.memref_slice %arg7[%dma_start3A_149, %dma_start3A_150, %dma_start3A_151] : memref<3x4x128xi32, #tpu.memory_space<vmem>> -> memref<1x4x128xi32, #tpu.memory_space<vmem>>
    %dma_start3A_153 = tpu.memref_squeeze %dma_start3A_152 : memref<1x4x128xi32, #tpu.memory_space<vmem>> -> memref<4x128xi32, #tpu.memory_space<vmem>>
    %dma_start3A_154 = arith.constant 0 : i32
    %dma_start3A_155 = arith.constant 0 : i32
    %dma_start3A_156 = tpu.memref_slice %arg3[%dma_start3A_148, %dma_start3A_154, %dma_start3A_155] : memref<2x25000x128xi32, #tpu.memory_space<hbm>> -> memref<1x25000x128xi32, #tpu.memory_space<hbm>>
    %dma_start3A_157 = tpu.memref_squeeze %dma_start3A_156 : memref<1x25000x128xi32, #tpu.memory_space<hbm>> -> memref<25000x128xi32, #tpu.memory_space<hbm>>
    %dma_start3A_158 = arith.constant 0 : i32
    %dma_start3A_159 = tpu.memref_slice %dma_start3A_157[%add3A_147, %dma_start3A_158] : memref<25000x128xi32, #tpu.memory_space<hbm>> -> memref<4x128xi32, #tpu.memory_space<hbm>>
    %dma_start3A_160 = arith.constant 0 : i32
    %dma_start3A_161 = arith.constant 0 : i32
    %dma_start3A_162 = tpu.memref_slice %arg7[%dma_start3A_149, %dma_start3A_160, %dma_start3A_161] : memref<3x4x128xi32, #tpu.memory_space<vmem>> -> memref<1x4x128xi32, #tpu.memory_space<vmem>>
    %dma_start3A_163 = tpu.memref_squeeze %dma_start3A_162 : memref<1x4x128xi32, #tpu.memory_space<vmem>> -> memref<4x128xi32, #tpu.memory_space<vmem>>
    %dma_start3A_164 = arith.constant 0 : i32
    %dma_start3A_165 = arith.constant 0 : i32
    %dma_start3A_166 = tpu.memref_slice %arg3[%dma_start3A_148, %dma_start3A_164, %dma_start3A_165] : memref<2x25000x128xi32, #tpu.memory_space<hbm>> -> memref<1x25000x128xi32, #tpu.memory_space<hbm>>
    %dma_start3A_167 = tpu.memref_squeeze %dma_start3A_166 : memref<1x25000x128xi32, #tpu.memory_space<hbm>> -> memref<25000x128xi32, #tpu.memory_space<hbm>>
    %dma_start3A_168 = arith.constant 0 : i32
    %dma_start3A_169 = tpu.memref_slice %dma_start3A_167[%add3A_147, %dma_start3A_168] : memref<25000x128xi32, #tpu.memory_space<hbm>> -> memref<4x128xi32, #tpu.memory_space<hbm>>
    tpu.enqueue_dma source(%dma_start3A_169 : memref<4x128xi32, #tpu.memory_space<hbm>>) target(%dma_start3A_163 : memref<4x128xi32, #tpu.memory_space<vmem>>) target_semaphore(%arg12 : memref<!tpu.dma_semaphore, #tpu.memory_space<semaphore_mem>>)
    %dma_wait3A_170 = arith.constant 0 : i32
    %dma_wait3A_171 = arith.constant 0 : i32
    %dma_wait3A_172 = arith.constant 0 : i32
    %dma_wait3A_173 = arith.constant 0 : i32
    %dma_wait3A_174 = tpu.memref_slice %arg6[%dma_wait3A_171, %dma_wait3A_172, %dma_wait3A_173] : memref<3x4x128xi32, #tpu.memory_space<vmem>> -> memref<1x4x128xi32, #tpu.memory_space<vmem>>
    %dma_wait3A_175 = tpu.memref_squeeze %dma_wait3A_174 : memref<1x4x128xi32, #tpu.memory_space<vmem>> -> memref<4x128xi32, #tpu.memory_space<vmem>>
    %dma_wait3A_176 = arith.constant 0 : i32
    %dma_wait3A_177 = arith.constant 0 : i32
    %dma_wait3A_178 = tpu.memref_slice %arg3[%dma_wait3A_170, %dma_wait3A_176, %dma_wait3A_177] : memref<2x25000x128xi32, #tpu.memory_space<hbm>> -> memref<1x25000x128xi32, #tpu.memory_space<hbm>>
    %dma_wait3A_179 = tpu.memref_squeeze %dma_wait3A_178 : memref<1x25000x128xi32, #tpu.memory_space<hbm>> -> memref<25000x128xi32, #tpu.memory_space<hbm>>
    %dma_wait3A_180 = arith.constant 0 : i32
    %dma_wait3A_181 = arith.constant 0 : i32
    %dma_wait3A_182 = tpu.memref_slice %dma_wait3A_179[%dma_wait3A_180, %dma_wait3A_181] : memref<25000x128xi32, #tpu.memory_space<hbm>> -> memref<4x128xi32, #tpu.memory_space<hbm>>
    %dma_wait3A_183 = arith.constant 0 : i32
    %dma_wait3A_184 = arith.constant 0 : i32
    %dma_wait3A_185 = tpu.memref_slice %arg6[%dma_wait3A_171, %dma_wait3A_183, %dma_wait3A_184] : memref<3x4x128xi32, #tpu.memory_space<vmem>> -> memref<1x4x128xi32, #tpu.memory_space<vmem>>
    %dma_wait3A_186 = tpu.memref_squeeze %dma_wait3A_185 : memref<1x4x128xi32, #tpu.memory_space<vmem>> -> memref<4x128xi32, #tpu.memory_space<vmem>>
    %dma_wait3A_187 = arith.constant 0 : i32
    %dma_wait3A_188 = arith.constant 0 : i32
    %dma_wait3A_189 = tpu.memref_slice %arg3[%dma_wait3A_170, %dma_wait3A_187, %dma_wait3A_188] : memref<2x25000x128xi32, #tpu.memory_space<hbm>> -> memref<1x25000x128xi32, #tpu.memory_space<hbm>>
    %dma_wait3A_190 = tpu.memref_squeeze %dma_wait3A_189 : memref<1x25000x128xi32, #tpu.memory_space<hbm>> -> memref<25000x128xi32, #tpu.memory_space<hbm>>
    %dma_wait3A_191 = arith.constant 0 : i32
    %dma_wait3A_192 = arith.constant 0 : i32
    %dma_wait3A_193 = tpu.memref_slice %dma_wait3A_190[%dma_wait3A_191, %dma_wait3A_192] : memref<25000x128xi32, #tpu.memory_space<hbm>> -> memref<4x128xi32, #tpu.memory_space<hbm>>
    tpu.wait_dma2 semaphore(%arg12 : memref<!tpu.dma_semaphore, #tpu.memory_space<semaphore_mem>>) src(%dma_wait3A_193 : memref<4x128xi32, #tpu.memory_space<hbm>>) dst(%dma_wait3A_186 : memref<4x128xi32, #tpu.memory_space<vmem>>)
    %dma_wait3A_194 = arith.constant 0 : i32
    %dma_wait3A_195 = arith.constant 0 : i32
    %dma_wait3A_196 = arith.constant 0 : i32
    %dma_wait3A_197 = arith.constant 0 : i32
    %dma_wait3A_198 = tpu.memref_slice %arg6[%dma_wait3A_195, %dma_wait3A_196, %dma_wait3A_197] : memref<3x4x128xi32, #tpu.memory_space<vmem>> -> memref<1x4x128xi32, #tpu.memory_space<vmem>>
    %dma_wait3A_199 = tpu.memref_squeeze %dma_wait3A_198 : memref<1x4x128xi32, #tpu.memory_space<vmem>> -> memref<4x128xi32, #tpu.memory_space<vmem>>
    %dma_wait3A_200 = arith.constant 0 : i32
    %dma_wait3A_201 = arith.constant 0 : i32
    %dma_wait3A_202 = tpu.memref_slice %arg3[%dma_wait3A_194, %dma_wait3A_200, %dma_wait3A_201] : memref<2x25000x128xi32, #tpu.memory_space<hbm>> -> memref<1x25000x128xi32, #tpu.memory_space<hbm>>
    %dma_wait3A_203 = tpu.memref_squeeze %dma_wait3A_202 : memref<1x25000x128xi32, #tpu.memory_space<hbm>> -> memref<25000x128xi32, #tpu.memory_space<hbm>>
    %dma_wait3A_204 = arith.constant 0 : i32
    %dma_wait3A_205 = arith.constant 0 : i32
    %dma_wait3A_206 = tpu.memref_slice %dma_wait3A_203[%dma_wait3A_204, %dma_wait3A_205] : memref<25000x128xi32, #tpu.memory_space<hbm>> -> memref<4x128xi32, #tpu.memory_space<hbm>>
    %dma_wait3A_207 = arith.constant 0 : i32
    %dma_wait3A_208 = arith.constant 0 : i32
    %dma_wait3A_209 = tpu.memref_slice %arg6[%dma_wait3A_195, %dma_wait3A_207, %dma_wait3A_208] : memref<3x4x128xi32, #tpu.memory_space<vmem>> -> memref<1x4x128xi32, #tpu.memory_space<vmem>>
    %dma_wait3A_210 = tpu.memref_squeeze %dma_wait3A_209 : memref<1x4x128xi32, #tpu.memory_space<vmem>> -> memref<4x128xi32, #tpu.memory_space<vmem>>
    %dma_wait3A_211 = arith.constant 0 : i32
    %dma_wait3A_212 = arith.constant 0 : i32
    %dma_wait3A_213 = tpu.memref_slice %arg3[%dma_wait3A_194, %dma_wait3A_211, %dma_wait3A_212] : memref<2x25000x128xi32, #tpu.memory_space<hbm>> -> memref<1x25000x128xi32, #tpu.memory_space<hbm>>
    %dma_wait3A_214 = tpu.memref_squeeze %dma_wait3A_213 : memref<1x25000x128xi32, #tpu.memory_space<hbm>> -> memref<25000x128xi32, #tpu.memory_space<hbm>>
    %dma_wait3A_215 = arith.constant 0 : i32
    %dma_wait3A_216 = arith.constant 0 : i32
    %dma_wait3A_217 = tpu.memref_slice %dma_wait3A_214[%dma_wait3A_215, %dma_wait3A_216] : memref<25000x128xi32, #tpu.memory_space<hbm>> -> memref<4x128xi32, #tpu.memory_space<hbm>>
    tpu.wait_dma2 semaphore(%arg12 : memref<!tpu.dma_semaphore, #tpu.memory_space<semaphore_mem>>) src(%dma_wait3A_217 : memref<4x128xi32, #tpu.memory_space<hbm>>) dst(%dma_wait3A_210 : memref<4x128xi32, #tpu.memory_space<vmem>>)
    %scan3A_218 = arith.constant 0 : i32
    %scan3A_219 = arith.constant 4 : i32
    %scan3A_220 = arith.addi %scan3A_218, %scan3A_219 : i32
    %scan3A_221 = arith.constant 1 : i32
    scf.for %scan3A_290 = %scan3A_218 to %scan3A_220 step %scan3A_221  : i32 {
      %mul3A_291 = arith.constant 1 : i32
      %mul3A_292 = arith.muli %scan3A_290, %mul3A_291 : i32
      %add3A_293 = arith.constant 0 : i32
      %add3A_294 = arith.addi %add3A_293, %mul3A_292 : i32
      %dma_start3A_295 = arith.constant 1 : i32
      %dma_start3A_296 = arith.constant 1 : i32
      %dma_start3A_297 = arith.constant 0 : i32
      %dma_start3A_298 = arith.constant 0 : i32
      %dma_start3A_299 = tpu.memref_slice %arg8[%dma_start3A_296, %add3A_294, %dma_start3A_297, %dma_start3A_298] : memref<3x4x128x16xf32, #tpu.memory_space<vmem>> -> memref<1x1x128x16xf32, #tpu.memory_space<vmem>>
      %dma_start3A_300 = tpu.memref_squeeze %dma_start3A_299 : memref<1x1x128x16xf32, #tpu.memory_space<vmem>> -> memref<128x16xf32, #tpu.memory_space<vmem>>
      %dma_start3A_301 = arith.constant 0 : i32
      %dma_start3A_302 = tpu.memref_slice %arg6[%dma_start3A_295, %add3A_294, %dma_start3A_301] : memref<3x4x128xi32, #tpu.memory_space<vmem>> -> memref<1x1x128xi32, #tpu.memory_space<vmem>>
      %dma_start3A_303 = tpu.memref_squeeze %dma_start3A_302 : memref<1x1x128xi32, #tpu.memory_space<vmem>> -> memref<128xi32, #tpu.memory_space<vmem>>
      %dma_start3A_304 = arith.constant 0 : i32
      %dma_start3A_305 = arith.constant 0 : i32
      %dma_start3A_306 = tpu.memref_slice %arg2[%dma_start3A_304, %dma_start3A_305] : memref<100000x16xf32, #tpu.memory_space<hbm>> -> memref<100000x16xf32, #tpu.memory_space<hbm>>
      tpu.enqueue_indirect_dma source(%dma_start3A_306 : memref<100000x16xf32, #tpu.memory_space<hbm>>) target(%dma_start3A_300 : memref<128x16xf32, #tpu.memory_space<vmem>>) offsets(%dma_start3A_303 : memref<128xi32, #tpu.memory_space<vmem>>) semaphore(%arg10 : memref<!tpu.dma_semaphore, #tpu.memory_space<semaphore_mem>>)
    }
    %scan3A_222 = arith.constant 4 : i32
    %add3A_223 = arith.constant 8 : i32
    %add3A_224 = arith.addi %mul3A_4, %add3A_223 : i32
    %dma_start3A_225 = arith.constant 0 : i32
    %dma_start3A_226 = arith.constant 2 : i32
    %dma_start3A_227 = arith.constant 0 : i32
    %dma_start3A_228 = arith.constant 0 : i32
    %dma_start3A_229 = tpu.memref_slice %arg6[%dma_start3A_226, %dma_start3A_227, %dma_start3A_228] : memref<3x4x128xi32, #tpu.memory_space<vmem>> -> memref<1x4x128xi32, #tpu.memory_space<vmem>>
    %dma_start3A_230 = tpu.memref_squeeze %dma_start3A_229 : memref<1x4x128xi32, #tpu.memory_space<vmem>> -> memref<4x128xi32, #tpu.memory_space<vmem>>
    %dma_start3A_231 = arith.constant 0 : i32
    %dma_start3A_232 = arith.constant 0 : i32
    %dma_start3A_233 = tpu.memref_slice %arg3[%dma_start3A_225, %dma_start3A_231, %dma_start3A_232] : memref<2x25000x128xi32, #tpu.memory_space<hbm>> -> memref<1x25000x128xi32, #tpu.memory_space<hbm>>
    %dma_start3A_234 = tpu.memref_squeeze %dma_start3A_233 : memref<1x25000x128xi32, #tpu.memory_space<hbm>> -> memref<25000x128xi32, #tpu.memory_space<hbm>>
    %dma_start3A_235 = arith.constant 0 : i32
    %dma_start3A_236 = tpu.memref_slice %dma_start3A_234[%add3A_224, %dma_start3A_235] : memref<25000x128xi32, #tpu.memory_space<hbm>> -> memref<4x128xi32, #tpu.memory_space<hbm>>
    %dma_start3A_237 = arith.constant 0 : i32
    %dma_start3A_238 = arith.constant 0 : i32
    %dma_start3A_239 = tpu.memref_slice %arg6[%dma_start3A_226, %dma_start3A_237, %dma_start3A_238] : memref<3x4x128xi32, #tpu.memory_space<vmem>> -> memref<1x4x128xi32, #tpu.memory_space<vmem>>
    %dma_start3A_240 = tpu.memref_squeeze %dma_start3A_239 : memref<1x4x128xi32, #tpu.memory_space<vmem>> -> memref<4x128xi32, #tpu.memory_space<vmem>>
    %dma_start3A_241 = arith.constant 0 : i32
    %dma_start3A_242 = arith.constant 0 : i32
    %dma_start3A_243 = tpu.memref_slice %arg3[%dma_start3A_225, %dma_start3A_241, %dma_start3A_242] : memref<2x25000x128xi32, #tpu.memory_space<hbm>> -> memref<1x25000x128xi32, #tpu.memory_space<hbm>>
    %dma_start3A_244 = tpu.memref_squeeze %dma_start3A_243 : memref<1x25000x128xi32, #tpu.memory_space<hbm>> -> memref<25000x128xi32, #tpu.memory_space<hbm>>
    %dma_start3A_245 = arith.constant 0 : i32
    %dma_start3A_246 = tpu.memref_slice %dma_start3A_244[%add3A_224, %dma_start3A_245] : memref<25000x128xi32, #tpu.memory_space<hbm>> -> memref<4x128xi32, #tpu.memory_space<hbm>>
    tpu.enqueue_dma source(%dma_start3A_246 : memref<4x128xi32, #tpu.memory_space<hbm>>) target(%dma_start3A_240 : memref<4x128xi32, #tpu.memory_space<vmem>>) target_semaphore(%arg12 : memref<!tpu.dma_semaphore, #tpu.memory_space<semaphore_mem>>)
    %add3A_247 = arith.constant 8 : i32
    %add3A_248 = arith.addi %mul3A_4, %add3A_247 : i32
    %dma_start3A_249 = arith.constant 1 : i32
    %dma_start3A_250 = arith.constant 2 : i32
    %dma_start3A_251 = arith.constant 0 : i32
    %dma_start3A_252 = arith.constant 0 : i32
    %dma_start3A_253 = tpu.memref_slice %arg7[%dma_start3A_250, %dma_start3A_251, %dma_start3A_252] : memref<3x4x128xi32, #tpu.memory_space<vmem>> -> memref<1x4x128xi32, #tpu.memory_space<vmem>>
    %dma_start3A_254 = tpu.memref_squeeze %dma_start3A_253 : memref<1x4x128xi32, #tpu.memory_space<vmem>> -> memref<4x128xi32, #tpu.memory_space<vmem>>
    %dma_start3A_255 = arith.constant 0 : i32
    %dma_start3A_256 = arith.constant 0 : i32
    %dma_start3A_257 = tpu.memref_slice %arg3[%dma_start3A_249, %dma_start3A_255, %dma_start3A_256] : memref<2x25000x128xi32, #tpu.memory_space<hbm>> -> memref<1x25000x128xi32, #tpu.memory_space<hbm>>
    %dma_start3A_258 = tpu.memref_squeeze %dma_start3A_257 : memref<1x25000x128xi32, #tpu.memory_space<hbm>> -> memref<25000x128xi32, #tpu.memory_space<hbm>>
    %dma_start3A_259 = arith.constant 0 : i32
    %dma_start3A_260 = tpu.memref_slice %dma_start3A_258[%add3A_248, %dma_start3A_259] : memref<25000x128xi32, #tpu.memory_space<hbm>> -> memref<4x128xi32, #tpu.memory_space<hbm>>
    %dma_start3A_261 = arith.constant 0 : i32
    %dma_start3A_262 = arith.constant 0 : i32
    %dma_start3A_263 = tpu.memref_slice %arg7[%dma_start3A_250, %dma_start3A_261, %dma_start3A_262] : memref<3x4x128xi32, #tpu.memory_space<vmem>> -> memref<1x4x128xi32, #tpu.memory_space<vmem>>
    %dma_start3A_264 = tpu.memref_squeeze %dma_start3A_263 : memref<1x4x128xi32, #tpu.memory_space<vmem>> -> memref<4x128xi32, #tpu.memory_space<vmem>>
    %dma_start3A_265 = arith.constant 0 : i32
    %dma_start3A_266 = arith.constant 0 : i32
    %dma_start3A_267 = tpu.memref_slice %arg3[%dma_start3A_249, %dma_start3A_265, %dma_start3A_266] : memref<2x25000x128xi32, #tpu.memory_space<hbm>> -> memref<1x25000x128xi32, #tpu.memory_space<hbm>>
    %dma_start3A_268 = tpu.memref_squeeze %dma_start3A_267 : memref<1x25000x128xi32, #tpu.memory_space<hbm>> -> memref<25000x128xi32, #tpu.memory_space<hbm>>
    %dma_start3A_269 = arith.constant 0 : i32
    %dma_start3A_270 = tpu.memref_slice %dma_start3A_268[%add3A_248, %dma_start3A_269] : memref<25000x128xi32, #tpu.memory_space<hbm>> -> memref<4x128xi32, #tpu.memory_space<hbm>>
    tpu.enqueue_dma source(%dma_start3A_270 : memref<4x128xi32, #tpu.memory_space<hbm>>) target(%dma_start3A_264 : memref<4x128xi32, #tpu.memory_space<vmem>>) target_semaphore(%arg12 : memref<!tpu.dma_semaphore, #tpu.memory_space<semaphore_mem>>)
    %sub3A_271 = arith.constant 0 : i32
    %sub3A_272 = arith.subi %min3A_23, %sub3A_271 : i32
    %sub3A_273 = arith.constant 1 : i32
    %sub3A_274 = arith.constant 1 : i32
    %sub3A_275 = arith.subi %sub3A_273, %sub3A_274 : i32
    %add3A_276 = arith.addi %sub3A_272, %sub3A_275 : i32
    %div3A_277 = arith.constant 1 : i32
    %div3A_278 = arith.divsi %add3A_276, %div3A_277 : i32
    %while3A = arith.constant 1 : i32
    %while3A_279 = arith.constant 0 : i32
    %while3A_280 = arith.constant 0 : i32
    %while3A_281 = arith.subi %div3A_278, %while3A_280 : i32
    %while3A_282 = arith.addi %while3A_280, %while3A_281 : i32
    %while3A_283 = arith.constant 1 : i32
    %while3A_284 = arith.divsi %while3A_281, %while3A_283 : i32
    %while3A_285 = arith.muli %while3A_284, %while3A_283 : i32
    %while3A_286 = arith.addi %while3A_280, %while3A_285 : i32
    %while3A_287 = arith.constant 1 : i32
    scf.for %while3A_290 = %while3A_280 to %while3A_286 step %while3A_287  : i32 {
      %mul3A_291 = arith.muli %while3A_290, %while3A : i32
      %add3A_292 = arith.addi %while3A_279, %mul3A_291 : i32
      %rem3A_293 = arith.constant 3 : i32
      %rem3A_294 = arith.remsi %add3A_292, %rem3A_293 : i32
      %scan3A_295 = arith.constant 0 : i32
      %scan3A_296 = arith.constant 4 : i32
      %scan3A_297 = arith.addi %scan3A_295, %scan3A_296 : i32
      %scan3A_298 = arith.constant 1 : i32
      scf.for %scan3A_319 = %scan3A_295 to %scan3A_297 step %scan3A_298  : i32 {
        %mul3A_320 = arith.constant 1 : i32
        %mul3A_321 = arith.muli %scan3A_319, %mul3A_320 : i32
        %add3A_322 = arith.constant 0 : i32
        %add3A_323 = arith.addi %add3A_322, %mul3A_321 : i32
        %dma_wait3A_324 = arith.constant 0 : i32
        %dma_wait3A_325 = arith.constant 0 : i32
        %dma_wait3A_326 = arith.constant 0 : i32
        %dma_wait3A_327 = tpu.memref_slice %arg8[%rem3A_294, %dma_wait3A_324, %dma_wait3A_325, %dma_wait3A_326] : memref<3x4x128x16xf32, #tpu.memory_space<vmem>> -> memref<1x1x128x16xf32, #tpu.memory_space<vmem>>
        %dma_wait3A_328 = tpu.memref_squeeze %dma_wait3A_327 : memref<1x1x128x16xf32, #tpu.memory_space<vmem>> -> memref<128x16xf32, #tpu.memory_space<vmem>>
        %dma_wait3A_329 = arith.constant 0 : i32
        %dma_wait3A_330 = arith.constant 0 : i32
        %dma_wait3A_331 = tpu.memref_slice %arg2[%dma_wait3A_329, %dma_wait3A_330] : memref<100000x16xf32, #tpu.memory_space<hbm>> -> memref<128x16xf32, #tpu.memory_space<hbm>>
        %dma_wait3A_332 = arith.constant 0 : i32
        %dma_wait3A_333 = arith.constant 0 : i32
        %dma_wait3A_334 = tpu.memref_slice %arg8[%rem3A_294, %dma_wait3A_324, %dma_wait3A_332, %dma_wait3A_333] : memref<3x4x128x16xf32, #tpu.memory_space<vmem>> -> memref<1x1x128x16xf32, #tpu.memory_space<vmem>>
        %dma_wait3A_335 = tpu.memref_squeeze %dma_wait3A_334 : memref<1x1x128x16xf32, #tpu.memory_space<vmem>> -> memref<128x16xf32, #tpu.memory_space<vmem>>
        %dma_wait3A_336 = arith.constant 0 : i32
        %dma_wait3A_337 = arith.constant 0 : i32
        %dma_wait3A_338 = tpu.memref_slice %arg2[%dma_wait3A_336, %dma_wait3A_337] : memref<100000x16xf32, #tpu.memory_space<hbm>> -> memref<128x16xf32, #tpu.memory_space<hbm>>
        tpu.wait_dma2 semaphore(%arg10 : memref<!tpu.dma_semaphore, #tpu.memory_space<semaphore_mem>>) src(%dma_wait3A_338 : memref<128x16xf32, #tpu.memory_space<hbm>>) dst(%dma_wait3A_335 : memref<128x16xf32, #tpu.memory_space<vmem>>)
      }
      %scan3A_299 = arith.constant 4 : i32
      %add3A_300 = arith.constant 2 : i32
      %add3A_301 = arith.addi %add3A_292, %add3A_300 : i32
      %lt3A = arith.cmpi slt, %add3A_301, %min3A_23 : i32
      %convert_element_type3A = arith.extui %lt3A : i1 to i32
      %cond3A = arith.constant 0 : i32
      %cond3A_302 = arith.cmpi ne, %convert_element_type3A, %cond3A : i32
      scf.if %cond3A_302 {
        %dma_wait3A_319 = arith.constant 0 : i32
        %dma_wait3A_320 = arith.constant 0 : i32
        %dma_wait3A_321 = arith.constant 0 : i32
        %dma_wait3A_322 = arith.constant 0 : i32
        %dma_wait3A_323 = tpu.memref_slice %arg6[%dma_wait3A_320, %dma_wait3A_321, %dma_wait3A_322] : memref<3x4x128xi32, #tpu.memory_space<vmem>> -> memref<1x4x128xi32, #tpu.memory_space<vmem>>
        %dma_wait3A_324 = tpu.memref_squeeze %dma_wait3A_323 : memref<1x4x128xi32, #tpu.memory_space<vmem>> -> memref<4x128xi32, #tpu.memory_space<vmem>>
        %dma_wait3A_325 = arith.constant 0 : i32
        %dma_wait3A_326 = arith.constant 0 : i32
        %dma_wait3A_327 = tpu.memref_slice %arg3[%dma_wait3A_319, %dma_wait3A_325, %dma_wait3A_326] : memref<2x25000x128xi32, #tpu.memory_space<hbm>> -> memref<1x25000x128xi32, #tpu.memory_space<hbm>>
        %dma_wait3A_328 = tpu.memref_squeeze %dma_wait3A_327 : memref<1x25000x128xi32, #tpu.memory_space<hbm>> -> memref<25000x128xi32, #tpu.memory_space<hbm>>
        %dma_wait3A_329 = arith.constant 0 : i32
        %dma_wait3A_330 = arith.constant 0 : i32
        %dma_wait3A_331 = tpu.memref_slice %dma_wait3A_328[%dma_wait3A_329, %dma_wait3A_330] : memref<25000x128xi32, #tpu.memory_space<hbm>> -> memref<4x128xi32, #tpu.memory_space<hbm>>
        %dma_wait3A_332 = arith.constant 0 : i32
        %dma_wait3A_333 = arith.constant 0 : i32
        %dma_wait3A_334 = tpu.memref_slice %arg6[%dma_wait3A_320, %dma_wait3A_332, %dma_wait3A_333] : memref<3x4x128xi32, #tpu.memory_space<vmem>> -> memref<1x4x128xi32, #tpu.memory_space<vmem>>
        %dma_wait3A_335 = tpu.memref_squeeze %dma_wait3A_334 : memref<1x4x128xi32, #tpu.memory_space<vmem>> -> memref<4x128xi32, #tpu.memory_space<vmem>>
        %dma_wait3A_336 = arith.constant 0 : i32
        %dma_wait3A_337 = arith.constant 0 : i32
        %dma_wait3A_338 = tpu.memref_slice %arg3[%dma_wait3A_319, %dma_wait3A_336, %dma_wait3A_337] : memref<2x25000x128xi32, #tpu.memory_space<hbm>> -> memref<1x25000x128xi32, #tpu.memory_space<hbm>>
        %dma_wait3A_339 = tpu.memref_squeeze %dma_wait3A_338 : memref<1x25000x128xi32, #tpu.memory_space<hbm>> -> memref<25000x128xi32, #tpu.memory_space<hbm>>
        %dma_wait3A_340 = arith.constant 0 : i32
        %dma_wait3A_341 = arith.constant 0 : i32
        %dma_wait3A_342 = tpu.memref_slice %dma_wait3A_339[%dma_wait3A_340, %dma_wait3A_341] : memref<25000x128xi32, #tpu.memory_space<hbm>> -> memref<4x128xi32, #tpu.memory_space<hbm>>
        tpu.wait_dma2 semaphore(%arg12 : memref<!tpu.dma_semaphore, #tpu.memory_space<semaphore_mem>>) src(%dma_wait3A_342 : memref<4x128xi32, #tpu.memory_space<hbm>>) dst(%dma_wait3A_335 : memref<4x128xi32, #tpu.memory_space<vmem>>)
        %dma_wait3A_343 = arith.constant 0 : i32
        %dma_wait3A_344 = arith.constant 0 : i32
        %dma_wait3A_345 = arith.constant 0 : i32
        %dma_wait3A_346 = arith.constant 0 : i32
        %dma_wait3A_347 = tpu.memref_slice %arg6[%dma_wait3A_344, %dma_wait3A_345, %dma_wait3A_346] : memref<3x4x128xi32, #tpu.memory_space<vmem>> -> memref<1x4x128xi32, #tpu.memory_space<vmem>>
        %dma_wait3A_348 = tpu.memref_squeeze %dma_wait3A_347 : memref<1x4x128xi32, #tpu.memory_space<vmem>> -> memref<4x128xi32, #tpu.memory_space<vmem>>
        %dma_wait3A_349 = arith.constant 0 : i32
        %dma_wait3A_350 = arith.constant 0 : i32
        %dma_wait3A_351 = tpu.memref_slice %arg3[%dma_wait3A_343, %dma_wait3A_349, %dma_wait3A_350] : memref<2x25000x128xi32, #tpu.memory_space<hbm>> -> memref<1x25000x128xi32, #tpu.memory_space<hbm>>
        %dma_wait3A_352 = tpu.memref_squeeze %dma_wait3A_351 : memref<1x25000x128xi32, #tpu.memory_space<hbm>> -> memref<25000x128xi32, #tpu.memory_space<hbm>>
        %dma_wait3A_353 = arith.constant 0 : i32
        %dma_wait3A_354 = arith.constant 0 : i32
        %dma_wait3A_355 = tpu.memref_slice %dma_wait3A_352[%dma_wait3A_353, %dma_wait3A_354] : memref<25000x128xi32, #tpu.memory_space<hbm>> -> memref<4x128xi32, #tpu.memory_space<hbm>>
        %dma_wait3A_356 = arith.constant 0 : i32
        %dma_wait3A_357 = arith.constant 0 : i32
        %dma_wait3A_358 = tpu.memref_slice %arg6[%dma_wait3A_344, %dma_wait3A_356, %dma_wait3A_357] : memref<3x4x128xi32, #tpu.memory_space<vmem>> -> memref<1x4x128xi32, #tpu.memory_space<vmem>>
        %dma_wait3A_359 = tpu.memref_squeeze %dma_wait3A_358 : memref<1x4x128xi32, #tpu.memory_space<vmem>> -> memref<4x128xi32, #tpu.memory_space<vmem>>
        %dma_wait3A_360 = arith.constant 0 : i32
        %dma_wait3A_361 = arith.constant 0 : i32
        %dma_wait3A_362 = tpu.memref_slice %arg3[%dma_wait3A_343, %dma_wait3A_360, %dma_wait3A_361] : memref<2x25000x128xi32, #tpu.memory_space<hbm>> -> memref<1x25000x128xi32, #tpu.memory_space<hbm>>
        %dma_wait3A_363 = tpu.memref_squeeze %dma_wait3A_362 : memref<1x25000x128xi32, #tpu.memory_space<hbm>> -> memref<25000x128xi32, #tpu.memory_space<hbm>>
        %dma_wait3A_364 = arith.constant 0 : i32
        %dma_wait3A_365 = arith.constant 0 : i32
        %dma_wait3A_366 = tpu.memref_slice %dma_wait3A_363[%dma_wait3A_364, %dma_wait3A_365] : memref<25000x128xi32, #tpu.memory_space<hbm>> -> memref<4x128xi32, #tpu.memory_space<hbm>>
        tpu.wait_dma2 semaphore(%arg12 : memref<!tpu.dma_semaphore, #tpu.memory_space<semaphore_mem>>) src(%dma_wait3A_366 : memref<4x128xi32, #tpu.memory_space<hbm>>) dst(%dma_wait3A_359 : memref<4x128xi32, #tpu.memory_space<vmem>>)
        %add3A_367 = arith.constant 2 : i32
        %add3A_368 = arith.addi %add3A_292, %add3A_367 : i32
        %rem3A_369 = arith.constant 3 : i32
        %rem3A_370 = arith.remsi %add3A_368, %rem3A_369 : i32
        %scan3A_371 = arith.constant 0 : i32
        %scan3A_372 = arith.constant 4 : i32
        %scan3A_373 = arith.addi %scan3A_371, %scan3A_372 : i32
        %scan3A_374 = arith.constant 1 : i32
        scf.for %scan3A_376 = %scan3A_371 to %scan3A_373 step %scan3A_374  : i32 {
          %mul3A_377 = arith.constant 1 : i32
          %mul3A_378 = arith.muli %scan3A_376, %mul3A_377 : i32
          %add3A_379 = arith.constant 0 : i32
          %add3A_380 = arith.addi %add3A_379, %mul3A_378 : i32
          %dma_start3A_381 = arith.constant 0 : i32
          %dma_start3A_382 = arith.constant 0 : i32
          %dma_start3A_383 = tpu.memref_slice %arg8[%rem3A_370, %add3A_380, %dma_start3A_381, %dma_start3A_382] : memref<3x4x128x16xf32, #tpu.memory_space<vmem>> -> memref<1x1x128x16xf32, #tpu.memory_space<vmem>>
          %dma_start3A_384 = tpu.memref_squeeze %dma_start3A_383 : memref<1x1x128x16xf32, #tpu.memory_space<vmem>> -> memref<128x16xf32, #tpu.memory_space<vmem>>
          %dma_start3A_385 = arith.constant 0 : i32
          %dma_start3A_386 = tpu.memref_slice %arg6[%rem3A_370, %add3A_380, %dma_start3A_385] : memref<3x4x128xi32, #tpu.memory_space<vmem>> -> memref<1x1x128xi32, #tpu.memory_space<vmem>>
          %dma_start3A_387 = tpu.memref_squeeze %dma_start3A_386 : memref<1x1x128xi32, #tpu.memory_space<vmem>> -> memref<128xi32, #tpu.memory_space<vmem>>
          %dma_start3A_388 = arith.constant 0 : i32
          %dma_start3A_389 = arith.constant 0 : i32
          %dma_start3A_390 = tpu.memref_slice %arg2[%dma_start3A_388, %dma_start3A_389] : memref<100000x16xf32, #tpu.memory_space<hbm>> -> memref<100000x16xf32, #tpu.memory_space<hbm>>
          tpu.enqueue_indirect_dma source(%dma_start3A_390 : memref<100000x16xf32, #tpu.memory_space<hbm>>) target(%dma_start3A_384 : memref<128x16xf32, #tpu.memory_space<vmem>>) offsets(%dma_start3A_387 : memref<128xi32, #tpu.memory_space<vmem>>) semaphore(%arg10 : memref<!tpu.dma_semaphore, #tpu.memory_space<semaphore_mem>>)
        }
        %scan3A_375 = arith.constant 4 : i32
      } else {
      }
      %scan3A_303 = arith.constant 0 : i32
      %scan3A_304 = arith.constant 4 : i32
      %scan3A_305 = arith.addi %scan3A_303, %scan3A_304 : i32
      %scan3A_306 = arith.constant 1 : i32
      scf.for %scan3A_319 = %scan3A_303 to %scan3A_305 step %scan3A_306  : i32 {
        %mul3A_320 = arith.constant 1 : i32
        %mul3A_321 = arith.muli %scan3A_319, %mul3A_320 : i32
        %add3A_322 = arith.constant 0 : i32
        %add3A_323 = arith.addi %add3A_322, %mul3A_321 : i32
        %dma_start3A_324 = arith.constant 0 : i32
        %dma_start3A_325 = arith.constant 0 : i32
        %dma_start3A_326 = tpu.memref_slice %arg8[%rem3A_294, %add3A_323, %dma_start3A_324, %dma_start3A_325] : memref<3x4x128x16xf32, #tpu.memory_space<vmem>> -> memref<1x1x128x16xf32, #tpu.memory_space<vmem>>
        %dma_start3A_327 = tpu.memref_squeeze %dma_start3A_326 : memref<1x1x128x16xf32, #tpu.memory_space<vmem>> -> memref<128x16xf32, #tpu.memory_space<vmem>>
        %dma_start3A_328 = arith.constant 0 : i32
        %dma_start3A_329 = tpu.memref_slice %arg7[%rem3A_294, %add3A_323, %dma_start3A_328] : memref<3x4x128xi32, #tpu.memory_space<vmem>> -> memref<1x1x128xi32, #tpu.memory_space<vmem>>
        %dma_start3A_330 = tpu.memref_squeeze %dma_start3A_329 : memref<1x1x128xi32, #tpu.memory_space<vmem>> -> memref<128xi32, #tpu.memory_space<vmem>>
        %dma_start3A_331 = arith.constant 0 : i32
        %dma_start3A_332 = arith.constant 0 : i32
        %dma_start3A_333 = tpu.memref_slice %arg9[%dma_start3A_331, %dma_start3A_332] : memref<100352x16xf32, #tpu.memory_space<vmem_shared>> -> memref<100352x16xf32, #tpu.memory_space<vmem_shared>>
        tpu.enqueue_indirect_dma source(%dma_start3A_327 : memref<128x16xf32, #tpu.memory_space<vmem>>) target(%dma_start3A_333 : memref<100352x16xf32, #tpu.memory_space<vmem_shared>>) offsets(%dma_start3A_330 : memref<128xi32, #tpu.memory_space<vmem>>) semaphore(%arg11 : memref<!tpu.dma_semaphore, #tpu.memory_space<semaphore_mem>>) {add = true}
      }
      %scan3A_307 = arith.constant 4 : i32
      %scan3A_308 = arith.constant 0 : i32
      %scan3A_309 = arith.constant 4 : i32
      %scan3A_310 = arith.addi %scan3A_308, %scan3A_309 : i32
      %scan3A_311 = arith.constant 1 : i32
      scf.for %scan3A_319 = %scan3A_308 to %scan3A_310 step %scan3A_311  : i32 {
        %mul3A_320 = arith.constant 1 : i32
        %mul3A_321 = arith.muli %scan3A_319, %mul3A_320 : i32
        %add3A_322 = arith.constant 0 : i32
        %add3A_323 = arith.addi %add3A_322, %mul3A_321 : i32
        %dma_wait3A_324 = arith.constant 0 : i32
        %dma_wait3A_325 = arith.constant 0 : i32
        %dma_wait3A_326 = arith.constant 0 : i32
        %dma_wait3A_327 = tpu.memref_slice %arg8[%rem3A_294, %dma_wait3A_324, %dma_wait3A_325, %dma_wait3A_326] : memref<3x4x128x16xf32, #tpu.memory_space<vmem>> -> memref<1x1x128x16xf32, #tpu.memory_space<vmem>>
        %dma_wait3A_328 = tpu.memref_squeeze %dma_wait3A_327 : memref<1x1x128x16xf32, #tpu.memory_space<vmem>> -> memref<128x16xf32, #tpu.memory_space<vmem>>
        %dma_wait3A_329 = arith.constant 0 : i32
        %dma_wait3A_330 = arith.constant 0 : i32
        %dma_wait3A_331 = tpu.memref_slice %arg9[%dma_wait3A_329, %dma_wait3A_330] : memref<100352x16xf32, #tpu.memory_space<vmem_shared>> -> memref<128x16xf32, #tpu.memory_space<vmem_shared>>
        %dma_wait3A_332 = arith.constant 0 : i32
        %dma_wait3A_333 = arith.constant 0 : i32
        %dma_wait3A_334 = tpu.memref_slice %arg9[%dma_wait3A_332, %dma_wait3A_333] : memref<100352x16xf32, #tpu.memory_space<vmem_shared>> -> memref<128x16xf32, #tpu.memory_space<vmem_shared>>
        %dma_wait3A_335 = arith.constant 0 : i32
        %dma_wait3A_336 = arith.constant 0 : i32
        %dma_wait3A_337 = tpu.memref_slice %arg8[%rem3A_294, %dma_wait3A_324, %dma_wait3A_335, %dma_wait3A_336] : memref<3x4x128x16xf32, #tpu.memory_space<vmem>> -> memref<1x1x128x16xf32, #tpu.memory_space<vmem>>
        %dma_wait3A_338 = tpu.memref_squeeze %dma_wait3A_337 : memref<1x1x128x16xf32, #tpu.memory_space<vmem>> -> memref<128x16xf32, #tpu.memory_space<vmem>>
        tpu.wait_dma2 semaphore(%arg11 : memref<!tpu.dma_semaphore, #tpu.memory_space<semaphore_mem>>) src(%dma_wait3A_338 : memref<128x16xf32, #tpu.memory_space<vmem>>) dst(%dma_wait3A_334 : memref<128x16xf32, #tpu.memory_space<vmem_shared>>)
      }
      %scan3A_312 = arith.constant 4 : i32
      %add3A_313 = arith.constant 3 : i32
      %add3A_314 = arith.addi %add3A_292, %add3A_313 : i32
      %lt3A_315 = arith.cmpi slt, %add3A_314, %min3A_23 : i32
      %convert_element_type3A_316 = arith.extui %lt3A_315 : i1 to i32
      %cond3A_317 = arith.constant 0 : i32
      %cond3A_318 = arith.cmpi ne, %convert_element_type3A_316, %cond3A_317 : i32
      scf.if %cond3A_318 {
        %add3A_319 = arith.constant 3 : i32
        %add3A_320 = arith.addi %add3A_292, %add3A_319 : i32
        %mul3A_321 = arith.constant 4 : i32
        %mul3A_322 = arith.muli %add3A_320, %mul3A_321 : i32
        %add3A_323 = arith.addi %mul3A_4, %mul3A_322 : i32
        %dma_start3A_324 = arith.constant 0 : i32
        %dma_start3A_325 = arith.constant 0 : i32
        %dma_start3A_326 = arith.constant 0 : i32
        %dma_start3A_327 = tpu.memref_slice %arg6[%rem3A_294, %dma_start3A_325, %dma_start3A_326] : memref<3x4x128xi32, #tpu.memory_space<vmem>> -> memref<1x4x128xi32, #tpu.memory_space<vmem>>
        %dma_start3A_328 = tpu.memref_squeeze %dma_start3A_327 : memref<1x4x128xi32, #tpu.memory_space<vmem>> -> memref<4x128xi32, #tpu.memory_space<vmem>>
        %dma_start3A_329 = arith.constant 0 : i32
        %dma_start3A_330 = arith.constant 0 : i32
        %dma_start3A_331 = tpu.memref_slice %arg3[%dma_start3A_324, %dma_start3A_329, %dma_start3A_330] : memref<2x25000x128xi32, #tpu.memory_space<hbm>> -> memref<1x25000x128xi32, #tpu.memory_space<hbm>>
        %dma_start3A_332 = tpu.memref_squeeze %dma_start3A_331 : memref<1x25000x128xi32, #tpu.memory_space<hbm>> -> memref<25000x128xi32, #tpu.memory_space<hbm>>
        %dma_start3A_333 = arith.constant 0 : i32
        %dma_start3A_334 = tpu.memref_slice %dma_start3A_332[%add3A_323, %dma_start3A_333] : memref<25000x128xi32, #tpu.memory_space<hbm>> -> memref<4x128xi32, #tpu.memory_space<hbm>>
        %dma_start3A_335 = arith.constant 0 : i32
        %dma_start3A_336 = arith.constant 0 : i32
        %dma_start3A_337 = tpu.memref_slice %arg6[%rem3A_294, %dma_start3A_335, %dma_start3A_336] : memref<3x4x128xi32, #tpu.memory_space<vmem>> -> memref<1x4x128xi32, #tpu.memory_space<vmem>>
        %dma_start3A_338 = tpu.memref_squeeze %dma_start3A_337 : memref<1x4x128xi32, #tpu.memory_space<vmem>> -> memref<4x128xi32, #tpu.memory_space<vmem>>
        %dma_start3A_339 = arith.constant 0 : i32
        %dma_start3A_340 = arith.constant 0 : i32
        %dma_start3A_341 = tpu.memref_slice %arg3[%dma_start3A_324, %dma_start3A_339, %dma_start3A_340] : memref<2x25000x128xi32, #tpu.memory_space<hbm>> -> memref<1x25000x128xi32, #tpu.memory_space<hbm>>
        %dma_start3A_342 = tpu.memref_squeeze %dma_start3A_341 : memref<1x25000x128xi32, #tpu.memory_space<hbm>> -> memref<25000x128xi32, #tpu.memory_space<hbm>>
        %dma_start3A_343 = arith.constant 0 : i32
        %dma_start3A_344 = tpu.memref_slice %dma_start3A_342[%add3A_323, %dma_start3A_343] : memref<25000x128xi32, #tpu.memory_space<hbm>> -> memref<4x128xi32, #tpu.memory_space<hbm>>
        tpu.enqueue_dma source(%dma_start3A_344 : memref<4x128xi32, #tpu.memory_space<hbm>>) target(%dma_start3A_338 : memref<4x128xi32, #tpu.memory_space<vmem>>) target_semaphore(%arg12 : memref<!tpu.dma_semaphore, #tpu.memory_space<semaphore_mem>>)
        %mul3A_345 = arith.constant 4 : i32
        %mul3A_346 = arith.muli %add3A_320, %mul3A_345 : i32
        %add3A_347 = arith.addi %mul3A_4, %mul3A_346 : i32
        %dma_start3A_348 = arith.constant 1 : i32
        %dma_start3A_349 = arith.constant 0 : i32
        %dma_start3A_350 = arith.constant 0 : i32
        %dma_start3A_351 = tpu.memref_slice %arg7[%rem3A_294, %dma_start3A_349, %dma_start3A_350] : memref<3x4x128xi32, #tpu.memory_space<vmem>> -> memref<1x4x128xi32, #tpu.memory_space<vmem>>
        %dma_start3A_352 = tpu.memref_squeeze %dma_start3A_351 : memref<1x4x128xi32, #tpu.memory_space<vmem>> -> memref<4x128xi32, #tpu.memory_space<vmem>>
        %dma_start3A_353 = arith.constant 0 : i32
        %dma_start3A_354 = arith.constant 0 : i32
        %dma_start3A_355 = tpu.memref_slice %arg3[%dma_start3A_348, %dma_start3A_353, %dma_start3A_354] : memref<2x25000x128xi32, #tpu.memory_space<hbm>> -> memref<1x25000x128xi32, #tpu.memory_space<hbm>>
        %dma_start3A_356 = tpu.memref_squeeze %dma_start3A_355 : memref<1x25000x128xi32, #tpu.memory_space<hbm>> -> memref<25000x128xi32, #tpu.memory_space<hbm>>
        %dma_start3A_357 = arith.constant 0 : i32
        %dma_start3A_358 = tpu.memref_slice %dma_start3A_356[%add3A_347, %dma_start3A_357] : memref<25000x128xi32, #tpu.memory_space<hbm>> -> memref<4x128xi32, #tpu.memory_space<hbm>>
        %dma_start3A_359 = arith.constant 0 : i32
        %dma_start3A_360 = arith.constant 0 : i32
        %dma_start3A_361 = tpu.memref_slice %arg7[%rem3A_294, %dma_start3A_359, %dma_start3A_360] : memref<3x4x128xi32, #tpu.memory_space<vmem>> -> memref<1x4x128xi32, #tpu.memory_space<vmem>>
        %dma_start3A_362 = tpu.memref_squeeze %dma_start3A_361 : memref<1x4x128xi32, #tpu.memory_space<vmem>> -> memref<4x128xi32, #tpu.memory_space<vmem>>
        %dma_start3A_363 = arith.constant 0 : i32
        %dma_start3A_364 = arith.constant 0 : i32
        %dma_start3A_365 = tpu.memref_slice %arg3[%dma_start3A_348, %dma_start3A_363, %dma_start3A_364] : memref<2x25000x128xi32, #tpu.memory_space<hbm>> -> memref<1x25000x128xi32, #tpu.memory_space<hbm>>
        %dma_start3A_366 = tpu.memref_squeeze %dma_start3A_365 : memref<1x25000x128xi32, #tpu.memory_space<hbm>> -> memref<25000x128xi32, #tpu.memory_space<hbm>>
        %dma_start3A_367 = arith.constant 0 : i32
        %dma_start3A_368 = tpu.memref_slice %dma_start3A_366[%add3A_347, %dma_start3A_367] : memref<25000x128xi32, #tpu.memory_space<hbm>> -> memref<4x128xi32, #tpu.memory_space<hbm>>
        tpu.enqueue_dma source(%dma_start3A_368 : memref<4x128xi32, #tpu.memory_space<hbm>>) target(%dma_start3A_362 : memref<4x128xi32, #tpu.memory_space<vmem>>) target_semaphore(%arg12 : memref<!tpu.dma_semaphore, #tpu.memory_space<semaphore_mem>>)
      } else {
      }
    }
    %while3A_288 = arith.constant 1 : i32
    scf.for %while3A_290 = %while3A_286 to %while3A_282 step %while3A_288  : i32 {
      %mul3A_291 = arith.muli %while3A_290, %while3A : i32
      %add3A_292 = arith.addi %while3A_279, %mul3A_291 : i32
      %rem3A_293 = arith.constant 3 : i32
      %rem3A_294 = arith.remsi %add3A_292, %rem3A_293 : i32
      %scan3A_295 = arith.constant 0 : i32
      %scan3A_296 = arith.constant 4 : i32
      %scan3A_297 = arith.addi %scan3A_295, %scan3A_296 : i32
      %scan3A_298 = arith.constant 1 : i32
      scf.for %scan3A_319 = %scan3A_295 to %scan3A_297 step %scan3A_298  : i32 {
        %mul3A_320 = arith.constant 1 : i32
        %mul3A_321 = arith.muli %scan3A_319, %mul3A_320 : i32
        %add3A_322 = arith.constant 0 : i32
        %add3A_323 = arith.addi %add3A_322, %mul3A_321 : i32
        %dma_wait3A_324 = arith.constant 0 : i32
        %dma_wait3A_325 = arith.constant 0 : i32
        %dma_wait3A_326 = arith.constant 0 : i32
        %dma_wait3A_327 = tpu.memref_slice %arg8[%rem3A_294, %dma_wait3A_324, %dma_wait3A_325, %dma_wait3A_326] : memref<3x4x128x16xf32, #tpu.memory_space<vmem>> -> memref<1x1x128x16xf32, #tpu.memory_space<vmem>>
        %dma_wait3A_328 = tpu.memref_squeeze %dma_wait3A_327 : memref<1x1x128x16xf32, #tpu.memory_space<vmem>> -> memref<128x16xf32, #tpu.memory_space<vmem>>
        %dma_wait3A_329 = arith.constant 0 : i32
        %dma_wait3A_330 = arith.constant 0 : i32
        %dma_wait3A_331 = tpu.memref_slice %arg2[%dma_wait3A_329, %dma_wait3A_330] : memref<100000x16xf32, #tpu.memory_space<hbm>> -> memref<128x16xf32, #tpu.memory_space<hbm>>
        %dma_wait3A_332 = arith.constant 0 : i32
        %dma_wait3A_333 = arith.constant 0 : i32
        %dma_wait3A_334 = tpu.memref_slice %arg8[%rem3A_294, %dma_wait3A_324, %dma_wait3A_332, %dma_wait3A_333] : memref<3x4x128x16xf32, #tpu.memory_space<vmem>> -> memref<1x1x128x16xf32, #tpu.memory_space<vmem>>
        %dma_wait3A_335 = tpu.memref_squeeze %dma_wait3A_334 : memref<1x1x128x16xf32, #tpu.memory_space<vmem>> -> memref<128x16xf32, #tpu.memory_space<vmem>>
        %dma_wait3A_336 = arith.constant 0 : i32
        %dma_wait3A_337 = arith.constant 0 : i32
        %dma_wait3A_338 = tpu.memref_slice %arg2[%dma_wait3A_336, %dma_wait3A_337] : memref<100000x16xf32, #tpu.memory_space<hbm>> -> memref<128x16xf32, #tpu.memory_space<hbm>>
        tpu.wait_dma2 semaphore(%arg10 : memref<!tpu.dma_semaphore, #tpu.memory_space<semaphore_mem>>) src(%dma_wait3A_338 : memref<128x16xf32, #tpu.memory_space<hbm>>) dst(%dma_wait3A_335 : memref<128x16xf32, #tpu.memory_space<vmem>>)
      }
      %scan3A_299 = arith.constant 4 : i32
      %add3A_300 = arith.constant 2 : i32
      %add3A_301 = arith.addi %add3A_292, %add3A_300 : i32
      %lt3A = arith.cmpi slt, %add3A_301, %min3A_23 : i32
      %convert_element_type3A = arith.extui %lt3A : i1 to i32
      %cond3A = arith.constant 0 : i32
      %cond3A_302 = arith.cmpi ne, %convert_element_type3A, %cond3A : i32
      scf.if %cond3A_302 {
        %dma_wait3A_319 = arith.constant 0 : i32
        %dma_wait3A_320 = arith.constant 0 : i32
        %dma_wait3A_321 = arith.constant 0 : i32
        %dma_wait3A_322 = arith.constant 0 : i32
        %dma_wait3A_323 = tpu.memref_slice %arg6[%dma_wait3A_320, %dma_wait3A_321, %dma_wait3A_322] : memref<3x4x128xi32, #tpu.memory_space<vmem>> -> memref<1x4x128xi32, #tpu.memory_space<vmem>>
        %dma_wait3A_324 = tpu.memref_squeeze %dma_wait3A_323 : memref<1x4x128xi32, #tpu.memory_space<vmem>> -> memref<4x128xi32, #tpu.memory_space<vmem>>
        %dma_wait3A_325 = arith.constant 0 : i32
        %dma_wait3A_326 = arith.constant 0 : i32
        %dma_wait3A_327 = tpu.memref_slice %arg3[%dma_wait3A_319, %dma_wait3A_325, %dma_wait3A_326] : memref<2x25000x128xi32, #tpu.memory_space<hbm>> -> memref<1x25000x128xi32, #tpu.memory_space<hbm>>
        %dma_wait3A_328 = tpu.memref_squeeze %dma_wait3A_327 : memref<1x25000x128xi32, #tpu.memory_space<hbm>> -> memref<25000x128xi32, #tpu.memory_space<hbm>>
        %dma_wait3A_329 = arith.constant 0 : i32
        %dma_wait3A_330 = arith.constant 0 : i32
        %dma_wait3A_331 = tpu.memref_slice %dma_wait3A_328[%dma_wait3A_329, %dma_wait3A_330] : memref<25000x128xi32, #tpu.memory_space<hbm>> -> memref<4x128xi32, #tpu.memory_space<hbm>>
        %dma_wait3A_332 = arith.constant 0 : i32
        %dma_wait3A_333 = arith.constant 0 : i32
        %dma_wait3A_334 = tpu.memref_slice %arg6[%dma_wait3A_320, %dma_wait3A_332, %dma_wait3A_333] : memref<3x4x128xi32, #tpu.memory_space<vmem>> -> memref<1x4x128xi32, #tpu.memory_space<vmem>>
        %dma_wait3A_335 = tpu.memref_squeeze %dma_wait3A_334 : memref<1x4x128xi32, #tpu.memory_space<vmem>> -> memref<4x128xi32, #tpu.memory_space<vmem>>
        %dma_wait3A_336 = arith.constant 0 : i32
        %dma_wait3A_337 = arith.constant 0 : i32
        %dma_wait3A_338 = tpu.memref_slice %arg3[%dma_wait3A_319, %dma_wait3A_336, %dma_wait3A_337] : memref<2x25000x128xi32, #tpu.memory_space<hbm>> -> memref<1x25000x128xi32, #tpu.memory_space<hbm>>
        %dma_wait3A_339 = tpu.memref_squeeze %dma_wait3A_338 : memref<1x25000x128xi32, #tpu.memory_space<hbm>> -> memref<25000x128xi32, #tpu.memory_space<hbm>>
        %dma_wait3A_340 = arith.constant 0 : i32
        %dma_wait3A_341 = arith.constant 0 : i32
        %dma_wait3A_342 = tpu.memref_slice %dma_wait3A_339[%dma_wait3A_340, %dma_wait3A_341] : memref<25000x128xi32, #tpu.memory_space<hbm>> -> memref<4x128xi32, #tpu.memory_space<hbm>>
        tpu.wait_dma2 semaphore(%arg12 : memref<!tpu.dma_semaphore, #tpu.memory_space<semaphore_mem>>) src(%dma_wait3A_342 : memref<4x128xi32, #tpu.memory_space<hbm>>) dst(%dma_wait3A_335 : memref<4x128xi32, #tpu.memory_space<vmem>>)
        %dma_wait3A_343 = arith.constant 0 : i32
        %dma_wait3A_344 = arith.constant 0 : i32
        %dma_wait3A_345 = arith.constant 0 : i32
        %dma_wait3A_346 = arith.constant 0 : i32
        %dma_wait3A_347 = tpu.memref_slice %arg6[%dma_wait3A_344, %dma_wait3A_345, %dma_wait3A_346] : memref<3x4x128xi32, #tpu.memory_space<vmem>> -> memref<1x4x128xi32, #tpu.memory_space<vmem>>
        %dma_wait3A_348 = tpu.memref_squeeze %dma_wait3A_347 : memref<1x4x128xi32, #tpu.memory_space<vmem>> -> memref<4x128xi32, #tpu.memory_space<vmem>>
        %dma_wait3A_349 = arith.constant 0 : i32
        %dma_wait3A_350 = arith.constant 0 : i32
        %dma_wait3A_351 = tpu.memref_slice %arg3[%dma_wait3A_343, %dma_wait3A_349, %dma_wait3A_350] : memref<2x25000x128xi32, #tpu.memory_space<hbm>> -> memref<1x25000x128xi32, #tpu.memory_space<hbm>>
        %dma_wait3A_352 = tpu.memref_squeeze %dma_wait3A_351 : memref<1x25000x128xi32, #tpu.memory_space<hbm>> -> memref<25000x128xi32, #tpu.memory_space<hbm>>
        %dma_wait3A_353 = arith.constant 0 : i32
        %dma_wait3A_354 = arith.constant 0 : i32
        %dma_wait3A_355 = tpu.memref_slice %dma_wait3A_352[%dma_wait3A_353, %dma_wait3A_354] : memref<25000x128xi32, #tpu.memory_space<hbm>> -> memref<4x128xi32, #tpu.memory_space<hbm>>
        %dma_wait3A_356 = arith.constant 0 : i32
        %dma_wait3A_357 = arith.constant 0 : i32
        %dma_wait3A_358 = tpu.memref_slice %arg6[%dma_wait3A_344, %dma_wait3A_356, %dma_wait3A_357] : memref<3x4x128xi32, #tpu.memory_space<vmem>> -> memref<1x4x128xi32, #tpu.memory_space<vmem>>
        %dma_wait3A_359 = tpu.memref_squeeze %dma_wait3A_358 : memref<1x4x128xi32, #tpu.memory_space<vmem>> -> memref<4x128xi32, #tpu.memory_space<vmem>>
        %dma_wait3A_360 = arith.constant 0 : i32
        %dma_wait3A_361 = arith.constant 0 : i32
        %dma_wait3A_362 = tpu.memref_slice %arg3[%dma_wait3A_343, %dma_wait3A_360, %dma_wait3A_361] : memref<2x25000x128xi32, #tpu.memory_space<hbm>> -> memref<1x25000x128xi32, #tpu.memory_space<hbm>>
        %dma_wait3A_363 = tpu.memref_squeeze %dma_wait3A_362 : memref<1x25000x128xi32, #tpu.memory_space<hbm>> -> memref<25000x128xi32, #tpu.memory_space<hbm>>
        %dma_wait3A_364 = arith.constant 0 : i32
        %dma_wait3A_365 = arith.constant 0 : i32
        %dma_wait3A_366 = tpu.memref_slice %dma_wait3A_363[%dma_wait3A_364, %dma_wait3A_365] : memref<25000x128xi32, #tpu.memory_space<hbm>> -> memref<4x128xi32, #tpu.memory_space<hbm>>
        tpu.wait_dma2 semaphore(%arg12 : memref<!tpu.dma_semaphore, #tpu.memory_space<semaphore_mem>>) src(%dma_wait3A_366 : memref<4x128xi32, #tpu.memory_space<hbm>>) dst(%dma_wait3A_359 : memref<4x128xi32, #tpu.memory_space<vmem>>)
        %add3A_367 = arith.constant 2 : i32
        %add3A_368 = arith.addi %add3A_292, %add3A_367 : i32
        %rem3A_369 = arith.constant 3 : i32
        %rem3A_370 = arith.remsi %add3A_368, %rem3A_369 : i32
        %scan3A_371 = arith.constant 0 : i32
        %scan3A_372 = arith.constant 4 : i32
        %scan3A_373 = arith.addi %scan3A_371, %scan3A_372 : i32
        %scan3A_374 = arith.constant 1 : i32
        scf.for %scan3A_376 = %scan3A_371 to %scan3A_373 step %scan3A_374  : i32 {
          %mul3A_377 = arith.constant 1 : i32
          %mul3A_378 = arith.muli %scan3A_376, %mul3A_377 : i32
          %add3A_379 = arith.constant 0 : i32
          %add3A_380 = arith.addi %add3A_379, %mul3A_378 : i32
          %dma_start3A_381 = arith.constant 0 : i32
          %dma_start3A_382 = arith.constant 0 : i32
          %dma_start3A_383 = tpu.memref_slice %arg8[%rem3A_370, %add3A_380, %dma_start3A_381, %dma_start3A_382] : memref<3x4x128x16xf32, #tpu.memory_space<vmem>> -> memref<1x1x128x16xf32, #tpu.memory_space<vmem>>
          %dma_start3A_384 = tpu.memref_squeeze %dma_start3A_383 : memref<1x1x128x16xf32, #tpu.memory_space<vmem>> -> memref<128x16xf32, #tpu.memory_space<vmem>>
          %dma_start3A_385 = arith.constant 0 : i32
          %dma_start3A_386 = tpu.memref_slice %arg6[%rem3A_370, %add3A_380, %dma_start3A_385] : memref<3x4x128xi32, #tpu.memory_space<vmem>> -> memref<1x1x128xi32, #tpu.memory_space<vmem>>
          %dma_start3A_387 = tpu.memref_squeeze %dma_start3A_386 : memref<1x1x128xi32, #tpu.memory_space<vmem>> -> memref<128xi32, #tpu.memory_space<vmem>>
          %dma_start3A_388 = arith.constant 0 : i32
          %dma_start3A_389 = arith.constant 0 : i32
          %dma_start3A_390 = tpu.memref_slice %arg2[%dma_start3A_388, %dma_start3A_389] : memref<100000x16xf32, #tpu.memory_space<hbm>> -> memref<100000x16xf32, #tpu.memory_space<hbm>>
          tpu.enqueue_indirect_dma source(%dma_start3A_390 : memref<100000x16xf32, #tpu.memory_space<hbm>>) target(%dma_start3A_384 : memref<128x16xf32, #tpu.memory_space<vmem>>) offsets(%dma_start3A_387 : memref<128xi32, #tpu.memory_space<vmem>>) semaphore(%arg10 : memref<!tpu.dma_semaphore, #tpu.memory_space<semaphore_mem>>)
        }
        %scan3A_375 = arith.constant 4 : i32
      } else {
      }
      %scan3A_303 = arith.constant 0 : i32
      %scan3A_304 = arith.constant 4 : i32
      %scan3A_305 = arith.addi %scan3A_303, %scan3A_304 : i32
      %scan3A_306 = arith.constant 1 : i32
      scf.for %scan3A_319 = %scan3A_303 to %scan3A_305 step %scan3A_306  : i32 {
        %mul3A_320 = arith.constant 1 : i32
        %mul3A_321 = arith.muli %scan3A_319, %mul3A_320 : i32
        %add3A_322 = arith.constant 0 : i32
        %add3A_323 = arith.addi %add3A_322, %mul3A_321 : i32
        %dma_start3A_324 = arith.constant 0 : i32
        %dma_start3A_325 = arith.constant 0 : i32
        %dma_start3A_326 = tpu.memref_slice %arg8[%rem3A_294, %add3A_323, %dma_start3A_324, %dma_start3A_325] : memref<3x4x128x16xf32, #tpu.memory_space<vmem>> -> memref<1x1x128x16xf32, #tpu.memory_space<vmem>>
        %dma_start3A_327 = tpu.memref_squeeze %dma_start3A_326 : memref<1x1x128x16xf32, #tpu.memory_space<vmem>> -> memref<128x16xf32, #tpu.memory_space<vmem>>
        %dma_start3A_328 = arith.constant 0 : i32
        %dma_start3A_329 = tpu.memref_slice %arg7[%rem3A_294, %add3A_323, %dma_start3A_328] : memref<3x4x128xi32, #tpu.memory_space<vmem>> -> memref<1x1x128xi32, #tpu.memory_space<vmem>>
        %dma_start3A_330 = tpu.memref_squeeze %dma_start3A_329 : memref<1x1x128xi32, #tpu.memory_space<vmem>> -> memref<128xi32, #tpu.memory_space<vmem>>
        %dma_start3A_331 = arith.constant 0 : i32
        %dma_start3A_332 = arith.constant 0 : i32
        %dma_start3A_333 = tpu.memref_slice %arg9[%dma_start3A_331, %dma_start3A_332] : memref<100352x16xf32, #tpu.memory_space<vmem_shared>> -> memref<100352x16xf32, #tpu.memory_space<vmem_shared>>
        tpu.enqueue_indirect_dma source(%dma_start3A_327 : memref<128x16xf32, #tpu.memory_space<vmem>>) target(%dma_start3A_333 : memref<100352x16xf32, #tpu.memory_space<vmem_shared>>) offsets(%dma_start3A_330 : memref<128xi32, #tpu.memory_space<vmem>>) semaphore(%arg11 : memref<!tpu.dma_semaphore, #tpu.memory_space<semaphore_mem>>) {add = true}
      }
      %scan3A_307 = arith.constant 4 : i32
      %scan3A_308 = arith.constant 0 : i32
      %scan3A_309 = arith.constant 4 : i32
      %scan3A_310 = arith.addi %scan3A_308, %scan3A_309 : i32
      %scan3A_311 = arith.constant 1 : i32
      scf.for %scan3A_319 = %scan3A_308 to %scan3A_310 step %scan3A_311  : i32 {
        %mul3A_320 = arith.constant 1 : i32
        %mul3A_321 = arith.muli %scan3A_319, %mul3A_320 : i32
        %add3A_322 = arith.constant 0 : i32
        %add3A_323 = arith.addi %add3A_322, %mul3A_321 : i32
        %dma_wait3A_324 = arith.constant 0 : i32
        %dma_wait3A_325 = arith.constant 0 : i32
        %dma_wait3A_326 = arith.constant 0 : i32
        %dma_wait3A_327 = tpu.memref_slice %arg8[%rem3A_294, %dma_wait3A_324, %dma_wait3A_325, %dma_wait3A_326] : memref<3x4x128x16xf32, #tpu.memory_space<vmem>> -> memref<1x1x128x16xf32, #tpu.memory_space<vmem>>
        %dma_wait3A_328 = tpu.memref_squeeze %dma_wait3A_327 : memref<1x1x128x16xf32, #tpu.memory_space<vmem>> -> memref<128x16xf32, #tpu.memory_space<vmem>>
        %dma_wait3A_329 = arith.constant 0 : i32
        %dma_wait3A_330 = arith.constant 0 : i32
        %dma_wait3A_331 = tpu.memref_slice %arg9[%dma_wait3A_329, %dma_wait3A_330] : memref<100352x16xf32, #tpu.memory_space<vmem_shared>> -> memref<128x16xf32, #tpu.memory_space<vmem_shared>>
        %dma_wait3A_332 = arith.constant 0 : i32
        %dma_wait3A_333 = arith.constant 0 : i32
        %dma_wait3A_334 = tpu.memref_slice %arg9[%dma_wait3A_332, %dma_wait3A_333] : memref<100352x16xf32, #tpu.memory_space<vmem_shared>> -> memref<128x16xf32, #tpu.memory_space<vmem_shared>>
        %dma_wait3A_335 = arith.constant 0 : i32
        %dma_wait3A_336 = arith.constant 0 : i32
        %dma_wait3A_337 = tpu.memref_slice %arg8[%rem3A_294, %dma_wait3A_324, %dma_wait3A_335, %dma_wait3A_336] : memref<3x4x128x16xf32, #tpu.memory_space<vmem>> -> memref<1x1x128x16xf32, #tpu.memory_space<vmem>>
        %dma_wait3A_338 = tpu.memref_squeeze %dma_wait3A_337 : memref<1x1x128x16xf32, #tpu.memory_space<vmem>> -> memref<128x16xf32, #tpu.memory_space<vmem>>
        tpu.wait_dma2 semaphore(%arg11 : memref<!tpu.dma_semaphore, #tpu.memory_space<semaphore_mem>>) src(%dma_wait3A_338 : memref<128x16xf32, #tpu.memory_space<vmem>>) dst(%dma_wait3A_334 : memref<128x16xf32, #tpu.memory_space<vmem_shared>>)
      }
      %scan3A_312 = arith.constant 4 : i32
      %add3A_313 = arith.constant 3 : i32
      %add3A_314 = arith.addi %add3A_292, %add3A_313 : i32
      %lt3A_315 = arith.cmpi slt, %add3A_314, %min3A_23 : i32
      %convert_element_type3A_316 = arith.extui %lt3A_315 : i1 to i32
      %cond3A_317 = arith.constant 0 : i32
      %cond3A_318 = arith.cmpi ne, %convert_element_type3A_316, %cond3A_317 : i32
      scf.if %cond3A_318 {
        %add3A_319 = arith.constant 3 : i32
        %add3A_320 = arith.addi %add3A_292, %add3A_319 : i32
        %mul3A_321 = arith.constant 4 : i32
        %mul3A_322 = arith.muli %add3A_320, %mul3A_321 : i32
        %add3A_323 = arith.addi %mul3A_4, %mul3A_322 : i32
        %dma_start3A_324 = arith.constant 0 : i32
        %dma_start3A_325 = arith.constant 0 : i32
        %dma_start3A_326 = arith.constant 0 : i32
        %dma_start3A_327 = tpu.memref_slice %arg6[%rem3A_294, %dma_start3A_325, %dma_start3A_326] : memref<3x4x128xi32, #tpu.memory_space<vmem>> -> memref<1x4x128xi32, #tpu.memory_space<vmem>>
        %dma_start3A_328 = tpu.memref_squeeze %dma_start3A_327 : memref<1x4x128xi32, #tpu.memory_space<vmem>> -> memref<4x128xi32, #tpu.memory_space<vmem>>
        %dma_start3A_329 = arith.constant 0 : i32
        %dma_start3A_330 = arith.constant 0 : i32
        %dma_start3A_331 = tpu.memref_slice %arg3[%dma_start3A_324, %dma_start3A_329, %dma_start3A_330] : memref<2x25000x128xi32, #tpu.memory_space<hbm>> -> memref<1x25000x128xi32, #tpu.memory_space<hbm>>
        %dma_start3A_332 = tpu.memref_squeeze %dma_start3A_331 : memref<1x25000x128xi32, #tpu.memory_space<hbm>> -> memref<25000x128xi32, #tpu.memory_space<hbm>>
        %dma_start3A_333 = arith.constant 0 : i32
        %dma_start3A_334 = tpu.memref_slice %dma_start3A_332[%add3A_323, %dma_start3A_333] : memref<25000x128xi32, #tpu.memory_space<hbm>> -> memref<4x128xi32, #tpu.memory_space<hbm>>
        %dma_start3A_335 = arith.constant 0 : i32
        %dma_start3A_336 = arith.constant 0 : i32
        %dma_start3A_337 = tpu.memref_slice %arg6[%rem3A_294, %dma_start3A_335, %dma_start3A_336] : memref<3x4x128xi32, #tpu.memory_space<vmem>> -> memref<1x4x128xi32, #tpu.memory_space<vmem>>
        %dma_start3A_338 = tpu.memref_squeeze %dma_start3A_337 : memref<1x4x128xi32, #tpu.memory_space<vmem>> -> memref<4x128xi32, #tpu.memory_space<vmem>>
        %dma_start3A_339 = arith.constant 0 : i32
        %dma_start3A_340 = arith.constant 0 : i32
        %dma_start3A_341 = tpu.memref_slice %arg3[%dma_start3A_324, %dma_start3A_339, %dma_start3A_340] : memref<2x25000x128xi32, #tpu.memory_space<hbm>> -> memref<1x25000x128xi32, #tpu.memory_space<hbm>>
        %dma_start3A_342 = tpu.memref_squeeze %dma_start3A_341 : memref<1x25000x128xi32, #tpu.memory_space<hbm>> -> memref<25000x128xi32, #tpu.memory_space<hbm>>
        %dma_start3A_343 = arith.constant 0 : i32
        %dma_start3A_344 = tpu.memref_slice %dma_start3A_342[%add3A_323, %dma_start3A_343] : memref<25000x128xi32, #tpu.memory_space<hbm>> -> memref<4x128xi32, #tpu.memory_space<hbm>>
        tpu.enqueue_dma source(%dma_start3A_344 : memref<4x128xi32, #tpu.memory_space<hbm>>) target(%dma_start3A_338 : memref<4x128xi32, #tpu.memory_space<vmem>>) target_semaphore(%arg12 : memref<!tpu.dma_semaphore, #tpu.memory_space<semaphore_mem>>)
        %mul3A_345 = arith.constant 4 : i32
        %mul3A_346 = arith.muli %add3A_320, %mul3A_345 : i32
        %add3A_347 = arith.addi %mul3A_4, %mul3A_346 : i32
        %dma_start3A_348 = arith.constant 1 : i32
        %dma_start3A_349 = arith.constant 0 : i32
        %dma_start3A_350 = arith.constant 0 : i32
        %dma_start3A_351 = tpu.memref_slice %arg7[%rem3A_294, %dma_start3A_349, %dma_start3A_350] : memref<3x4x128xi32, #tpu.memory_space<vmem>> -> memref<1x4x128xi32, #tpu.memory_space<vmem>>
        %dma_start3A_352 = tpu.memref_squeeze %dma_start3A_351 : memref<1x4x128xi32, #tpu.memory_space<vmem>> -> memref<4x128xi32, #tpu.memory_space<vmem>>
        %dma_start3A_353 = arith.constant 0 : i32
        %dma_start3A_354 = arith.constant 0 : i32
        %dma_start3A_355 = tpu.memref_slice %arg3[%dma_start3A_348, %dma_start3A_353, %dma_start3A_354] : memref<2x25000x128xi32, #tpu.memory_space<hbm>> -> memref<1x25000x128xi32, #tpu.memory_space<hbm>>
        %dma_start3A_356 = tpu.memref_squeeze %dma_start3A_355 : memref<1x25000x128xi32, #tpu.memory_space<hbm>> -> memref<25000x128xi32, #tpu.memory_space<hbm>>
        %dma_start3A_357 = arith.constant 0 : i32
        %dma_start3A_358 = tpu.memref_slice %dma_start3A_356[%add3A_347, %dma_start3A_357] : memref<25000x128xi32, #tpu.memory_space<hbm>> -> memref<4x128xi32, #tpu.memory_space<hbm>>
        %dma_start3A_359 = arith.constant 0 : i32
        %dma_start3A_360 = arith.constant 0 : i32
        %dma_start3A_361 = tpu.memref_slice %arg7[%rem3A_294, %dma_start3A_359, %dma_start3A_360] : memref<3x4x128xi32, #tpu.memory_space<vmem>> -> memref<1x4x128xi32, #tpu.memory_space<vmem>>
        %dma_start3A_362 = tpu.memref_squeeze %dma_start3A_361 : memref<1x4x128xi32, #tpu.memory_space<vmem>> -> memref<4x128xi32, #tpu.memory_space<vmem>>
        %dma_start3A_363 = arith.constant 0 : i32
        %dma_start3A_364 = arith.constant 0 : i32
        %dma_start3A_365 = tpu.memref_slice %arg3[%dma_start3A_348, %dma_start3A_363, %dma_start3A_364] : memref<2x25000x128xi32, #tpu.memory_space<hbm>> -> memref<1x25000x128xi32, #tpu.memory_space<hbm>>
        %dma_start3A_366 = tpu.memref_squeeze %dma_start3A_365 : memref<1x25000x128xi32, #tpu.memory_space<hbm>> -> memref<25000x128xi32, #tpu.memory_space<hbm>>
        %dma_start3A_367 = arith.constant 0 : i32
        %dma_start3A_368 = tpu.memref_slice %dma_start3A_366[%add3A_347, %dma_start3A_367] : memref<25000x128xi32, #tpu.memory_space<hbm>> -> memref<4x128xi32, #tpu.memory_space<hbm>>
        tpu.enqueue_dma source(%dma_start3A_368 : memref<4x128xi32, #tpu.memory_space<hbm>>) target(%dma_start3A_362 : memref<4x128xi32, #tpu.memory_space<vmem>>) target_semaphore(%arg12 : memref<!tpu.dma_semaphore, #tpu.memory_space<semaphore_mem>>)
      } else {
      }
    }
    %barrier3A_289 = arith.constant 0 : index
    tpu.barrier barrier_id(%barrier3A_289)
    "tpu.region"() ({
      %run_scoped3A = tpu.sem_alloc : memref<!tpu.dma_semaphore, #tpu.memory_space<semaphore_mem>>
      %dma_start3A_290 = arith.constant 0 : i32
      %dma_start3A_291 = arith.constant 0 : i32
      %dma_start3A_292 = tpu.memref_slice %arg5[%arg0, %dma_start3A_290, %dma_start3A_291] : memref<2x100352x16xf32, #tpu.memory_space<hbm>> -> memref<1x100352x16xf32, #tpu.memory_space<hbm>>
      %dma_start3A_293 = tpu.memref_squeeze %dma_start3A_292 : memref<1x100352x16xf32, #tpu.memory_space<hbm>> -> memref<100352x16xf32, #tpu.memory_space<hbm>>
      %dma_start3A_294 = arith.constant 0 : i32
      %dma_start3A_295 = tpu.memref_slice %dma_start3A_293[%mul3A_0, %dma_start3A_294] : memref<100352x16xf32, #tpu.memory_space<hbm>> -> memref<6272x16xf32, #tpu.memory_space<hbm>>
      %dma_start3A_296 = arith.constant 0 : i32
      %dma_start3A_297 = tpu.memref_slice %arg9[%mul3A_0, %dma_start3A_296] : memref<100352x16xf32, #tpu.memory_space<vmem_shared>> -> memref<6272x16xf32, #tpu.memory_space<vmem_shared>>
      tpu.enqueue_dma source(%dma_start3A_297 : memref<6272x16xf32, #tpu.memory_space<vmem_shared>>) target(%dma_start3A_295 : memref<6272x16xf32, #tpu.memory_space<hbm>>) target_semaphore(%run_scoped3A : memref<!tpu.dma_semaphore, #tpu.memory_space<semaphore_mem>>)
      %dma_wait3A_298 = arith.constant 0 : i32
      %dma_wait3A_299 = arith.constant 0 : i32
      %dma_wait3A_300 = tpu.memref_slice %arg5[%arg0, %dma_wait3A_298, %dma_wait3A_299] : memref<2x100352x16xf32, #tpu.memory_space<hbm>> -> memref<1x100352x16xf32, #tpu.memory_space<hbm>>
      %dma_wait3A_301 = tpu.memref_squeeze %dma_wait3A_300 : memref<1x100352x16xf32, #tpu.memory_space<hbm>> -> memref<100352x16xf32, #tpu.memory_space<hbm>>
      %dma_wait3A_302 = arith.constant 0 : i32
      %dma_wait3A_303 = tpu.memref_slice %dma_wait3A_301[%mul3A_0, %dma_wait3A_302] : memref<100352x16xf32, #tpu.memory_space<hbm>> -> memref<6272x16xf32, #tpu.memory_space<hbm>>
      %dma_wait3A_304 = arith.constant 0 : i32
      %dma_wait3A_305 = tpu.memref_slice %arg9[%mul3A_0, %dma_wait3A_304] : memref<100352x16xf32, #tpu.memory_space<vmem_shared>> -> memref<6272x16xf32, #tpu.memory_space<vmem_shared>>
      tpu.wait_dma2 semaphore(%run_scoped3A : memref<!tpu.dma_semaphore, #tpu.memory_space<semaphore_mem>>) src(%dma_wait3A_305 : memref<6272x16xf32, #tpu.memory_space<vmem_shared>>) dst(%dma_wait3A_303 : memref<6272x16xf32, #tpu.memory_space<hbm>>)
      tpu.yield
    }) : () -> ()
    return
  }
}

module attributes {stable_mosaic.version = 14 : i64} {
  func.func @_mlp_body(%arg0: i32, %arg1: memref<512x8xf32, #tpu.memory_space<vmem>>, %arg2: memref<1x128xf32, #tpu.memory_space<vmem>>, %arg3: memref<1x128xf32, #tpu.memory_space<vmem>>, %arg4: memref<1x128xf32, #tpu.memory_space<vmem>>, %arg5: memref<128x128xf32, #tpu.memory_space<vmem>>, %arg6: memref<1x128xf32, #tpu.memory_space<vmem>>, %arg7: memref<1x128xf32, #tpu.memory_space<vmem>>, %arg8: memref<128x128xf32, #tpu.memory_space<vmem>>, %arg9: memref<1x128xf32, #tpu.memory_space<vmem>>, %arg10: memref<1x128xf32, #tpu.memory_space<vmem>>, %arg11: memref<512x128xf32, #tpu.memory_space<vmem>>) attributes {dimension_semantics = [#tpu.dimension_semantics<arbitrary>], iteration_bounds = array<i64: 25>, scalar_prefetch = 0 : i64, scratch_operands = 0 : i64, tpu.core_type = #tpu.core_type<tc>, window_params = [{transform_indices = @transform_0, window_bounds = array<i64: 512, 8>}, {pipeline_mode = #tpu.pipeline_mode<synchronous>, transform_indices = @transform_1, window_bounds = array<i64: 1, 128>}, {pipeline_mode = #tpu.pipeline_mode<synchronous>, transform_indices = @transform_2, window_bounds = array<i64: 1, 128>}, {pipeline_mode = #tpu.pipeline_mode<synchronous>, transform_indices = @transform_3, window_bounds = array<i64: 1, 128>}, {pipeline_mode = #tpu.pipeline_mode<synchronous>, transform_indices = @transform_4, window_bounds = array<i64: 128, 128>}, {pipeline_mode = #tpu.pipeline_mode<synchronous>, transform_indices = @transform_5, window_bounds = array<i64: 1, 128>}, {pipeline_mode = #tpu.pipeline_mode<synchronous>, transform_indices = @transform_6, window_bounds = array<i64: 1, 128>}, {pipeline_mode = #tpu.pipeline_mode<synchronous>, transform_indices = @transform_7, window_bounds = array<i64: 128, 128>}, {pipeline_mode = #tpu.pipeline_mode<synchronous>, transform_indices = @transform_8, window_bounds = array<i64: 1, 128>}, {pipeline_mode = #tpu.pipeline_mode<synchronous>, transform_indices = @transform_9, window_bounds = array<i64: 1, 128>}, {transform_indices = @transform_10, window_bounds = array<i64: 512, 128>}]} {
    %get3A = arith.constant 0 : index
    %get3A_0 = arith.constant 0 : index
    %get3A_1 = vector.load %arg1[%get3A, %get3A_0] : memref<512x8xf32, #tpu.memory_space<vmem>>, vector<512x8xf32>
    %slice3A = vector.extract_strided_slice %get3A_1 {offsets = [0, 0], sizes = [512, 1], strides = [1, 1]} : vector<512x8xf32> to vector<512x1xf32>
    %slice3A_2 = vector.extract_strided_slice %get3A_1 {offsets = [0, 1], sizes = [512, 1], strides = [1, 1]} : vector<512x8xf32> to vector<512x1xf32>
    %slice3A_3 = vector.extract_strided_slice %get3A_1 {offsets = [0, 2], sizes = [512, 1], strides = [1, 1]} : vector<512x8xf32> to vector<512x1xf32>
    %slice3A_4 = vector.extract_strided_slice %get3A_1 {offsets = [0, 3], sizes = [512, 1], strides = [1, 1]} : vector<512x8xf32> to vector<512x1xf32>
    %slice3A_5 = vector.extract_strided_slice %get3A_1 {offsets = [0, 4], sizes = [512, 1], strides = [1, 1]} : vector<512x8xf32> to vector<512x1xf32>
    %slice3A_6 = vector.extract_strided_slice %get3A_1 {offsets = [0, 5], sizes = [512, 1], strides = [1, 1]} : vector<512x8xf32> to vector<512x1xf32>
    %slice3A_7 = vector.extract_strided_slice %get3A_1 {offsets = [0, 6], sizes = [512, 1], strides = [1, 1]} : vector<512x8xf32> to vector<512x1xf32>
    %slice3A_8 = vector.extract_strided_slice %get3A_1 {offsets = [0, 7], sizes = [512, 1], strides = [1, 1]} : vector<512x8xf32> to vector<512x1xf32>
    %concatenate3A = tpu.concatenate %slice3A, %slice3A_2, %slice3A_3, %slice3A_4, %slice3A_5, %slice3A_6, %slice3A_7, %slice3A_8 in 0 : vector<512x1xf32>, vector<512x1xf32>, vector<512x1xf32>, vector<512x1xf32>, vector<512x1xf32>, vector<512x1xf32>, vector<512x1xf32>, vector<512x1xf32> -> vector<4096x1xf32>
    %get3A_9 = arith.constant 0 : index
    %get3A_10 = arith.constant 0 : index
    %get3A_11 = vector.load %arg2[%get3A_9, %get3A_10] : memref<1x128xf32, #tpu.memory_space<vmem>>, vector<1x128xf32>
    %mul3A = vector.broadcast %concatenate3A : vector<4096x1xf32> to vector<4096x128xf32>
    %mul3A_12 = vector.broadcast %get3A_11 : vector<1x128xf32> to vector<4096x128xf32>
    %mul3A_13 = arith.mulf %mul3A, %mul3A_12 : vector<4096x128xf32>
    %get3A_14 = arith.constant 0 : index
    %get3A_15 = arith.constant 0 : index
    %get3A_16 = vector.load %arg3[%get3A_14, %get3A_15] : memref<1x128xf32, #tpu.memory_space<vmem>>, vector<1x128xf32>
    %add3A = vector.broadcast %get3A_16 : vector<1x128xf32> to vector<4096x128xf32>
    %add3A_17 = arith.addf %mul3A_13, %add3A : vector<4096x128xf32>
    %max3A = arith.constant 0.000000e+00 : f32
    %max3A_18 = vector.broadcast %max3A : f32 to vector<4096x128xf32>
    %max3A_19 = arith.maximumf %add3A_17, %max3A_18 : vector<4096x128xf32>
    %get3A_20 = arith.constant 0 : index
    %get3A_21 = arith.constant 0 : index
    %get3A_22 = vector.load %arg4[%get3A_20, %get3A_21] : memref<1x128xf32, #tpu.memory_space<vmem>>, vector<1x128xf32>
    %add3A_23 = vector.broadcast %get3A_22 : vector<1x128xf32> to vector<4096x128xf32>
    %add3A_24 = arith.addf %max3A_19, %add3A_23 : vector<4096x128xf32>
    %get3A_25 = arith.constant 0 : index
    %get3A_26 = arith.constant 0 : index
    %get3A_27 = vector.load %arg5[%get3A_25, %get3A_26] : memref<128x128xf32, #tpu.memory_space<vmem>>, vector<128x128xf32>
    %dot_general3A = arith.constant dense<0.000000e+00> : vector<4096x128xf32>
    %dot_general3A_28 = tpu.matmul %add3A_24, %get3A_27, %dot_general3A {dimension_numbers = #tpu.dot_dimension_numbers<[1], [0], [0], [1], [0, 0, 1, 1], [], []>, transpose_lhs_hint = false} : vector<4096x128xf32>, vector<128x128xf32>, vector<4096x128xf32> -> vector<4096x128xf32>
    %get3A_29 = arith.constant 0 : index
    %get3A_30 = arith.constant 0 : index
    %get3A_31 = vector.load %arg6[%get3A_29, %get3A_30] : memref<1x128xf32, #tpu.memory_space<vmem>>, vector<1x128xf32>
    %add3A_32 = vector.broadcast %get3A_31 : vector<1x128xf32> to vector<4096x128xf32>
    %add3A_33 = arith.addf %dot_general3A_28, %add3A_32 : vector<4096x128xf32>
    %max3A_34 = arith.constant 0.000000e+00 : f32
    %max3A_35 = vector.broadcast %max3A_34 : f32 to vector<4096x128xf32>
    %max3A_36 = arith.maximumf %add3A_33, %max3A_35 : vector<4096x128xf32>
    %get3A_37 = arith.constant 0 : index
    %get3A_38 = arith.constant 0 : index
    %get3A_39 = vector.load %arg7[%get3A_37, %get3A_38] : memref<1x128xf32, #tpu.memory_space<vmem>>, vector<1x128xf32>
    %add3A_40 = vector.broadcast %get3A_39 : vector<1x128xf32> to vector<4096x128xf32>
    %add3A_41 = arith.addf %max3A_36, %add3A_40 : vector<4096x128xf32>
    %get3A_42 = arith.constant 0 : index
    %get3A_43 = arith.constant 0 : index
    %get3A_44 = vector.load %arg8[%get3A_42, %get3A_43] : memref<128x128xf32, #tpu.memory_space<vmem>>, vector<128x128xf32>
    %dot_general3A_45 = arith.constant dense<0.000000e+00> : vector<4096x128xf32>
    %dot_general3A_46 = tpu.matmul %add3A_41, %get3A_44, %dot_general3A_45 {dimension_numbers = #tpu.dot_dimension_numbers<[1], [0], [0], [1], [0, 0, 1, 1], [], []>, transpose_lhs_hint = false} : vector<4096x128xf32>, vector<128x128xf32>, vector<4096x128xf32> -> vector<4096x128xf32>
    %get3A_47 = arith.constant 0 : index
    %get3A_48 = arith.constant 0 : index
    %get3A_49 = vector.load %arg9[%get3A_47, %get3A_48] : memref<1x128xf32, #tpu.memory_space<vmem>>, vector<1x128xf32>
    %add3A_50 = vector.broadcast %get3A_49 : vector<1x128xf32> to vector<4096x128xf32>
    %add3A_51 = arith.addf %dot_general3A_46, %add3A_50 : vector<4096x128xf32>
    %max3A_52 = arith.constant 0.000000e+00 : f32
    %max3A_53 = vector.broadcast %max3A_52 : f32 to vector<4096x128xf32>
    %max3A_54 = arith.maximumf %add3A_51, %max3A_53 : vector<4096x128xf32>
    %get3A_55 = arith.constant 0 : index
    %get3A_56 = arith.constant 0 : index
    %get3A_57 = vector.load %arg10[%get3A_55, %get3A_56] : memref<1x128xf32, #tpu.memory_space<vmem>>, vector<1x128xf32>
    %add3A_58 = vector.broadcast %get3A_57 : vector<1x128xf32> to vector<4096x128xf32>
    %add3A_59 = arith.addf %max3A_54, %add3A_58 : vector<4096x128xf32>
    %iota3A = tpu.iota {dimensions = array<i32: 1>} : vector<4096x16xi32>
    %slice3A_60 = vector.extract_strided_slice %add3A_59 {offsets = [0, 0], sizes = [4096, 16], strides = [1, 1]} : vector<4096x128xf32> to vector<4096x16xf32>
    %eq3A = arith.constant 10 : i32
    %eq3A_61 = vector.broadcast %eq3A : i32 to vector<4096x16xi32>
    %eq3A_62 = arith.cmpi eq, %iota3A, %eq3A_61 : vector<4096x16xi32>
    %jit3A = arith.constant 1.000000e+00 : f32
    %jit3A_63 = arith.constant 0.000000e+00 : f32
    %broadcast_in_dim3A = vector.broadcast %jit3A : f32 to vector<4096x16xf32>
    %broadcast_in_dim3A_64 = vector.broadcast %jit3A_63 : f32 to vector<4096x16xf32>
    %select_n3A = arith.select %eq3A_62, %broadcast_in_dim3A, %broadcast_in_dim3A_64 : vector<4096x16xi1>, vector<4096x16xf32>
    %add3A_65 = arith.addf %slice3A_60, %select_n3A : vector<4096x16xf32>
    %slice3A_66 = vector.extract_strided_slice %add3A_65 {offsets = [0, 0], sizes = [512, 16], strides = [1, 1]} : vector<4096x16xf32> to vector<512x16xf32>
    %slice3A_67 = vector.extract_strided_slice %add3A_65 {offsets = [512, 0], sizes = [512, 16], strides = [1, 1]} : vector<4096x16xf32> to vector<512x16xf32>
    %slice3A_68 = vector.extract_strided_slice %add3A_65 {offsets = [1024, 0], sizes = [512, 16], strides = [1, 1]} : vector<4096x16xf32> to vector<512x16xf32>
    %slice3A_69 = vector.extract_strided_slice %add3A_65 {offsets = [1536, 0], sizes = [512, 16], strides = [1, 1]} : vector<4096x16xf32> to vector<512x16xf32>
    %slice3A_70 = vector.extract_strided_slice %add3A_65 {offsets = [2048, 0], sizes = [512, 16], strides = [1, 1]} : vector<4096x16xf32> to vector<512x16xf32>
    %slice3A_71 = vector.extract_strided_slice %add3A_65 {offsets = [2560, 0], sizes = [512, 16], strides = [1, 1]} : vector<4096x16xf32> to vector<512x16xf32>
    %slice3A_72 = vector.extract_strided_slice %add3A_65 {offsets = [3072, 0], sizes = [512, 16], strides = [1, 1]} : vector<4096x16xf32> to vector<512x16xf32>
    %slice3A_73 = vector.extract_strided_slice %add3A_65 {offsets = [3584, 0], sizes = [512, 16], strides = [1, 1]} : vector<4096x16xf32> to vector<512x16xf32>
    %concatenate3A_74 = tpu.concatenate %slice3A_66, %slice3A_67, %slice3A_68, %slice3A_69, %slice3A_70, %slice3A_71, %slice3A_72, %slice3A_73 in 1 : vector<512x16xf32>, vector<512x16xf32>, vector<512x16xf32>, vector<512x16xf32>, vector<512x16xf32>, vector<512x16xf32>, vector<512x16xf32>, vector<512x16xf32> -> vector<512x128xf32>
    %swap3A = arith.constant 0 : index
    %swap3A_75 = arith.constant 0 : index
    %swap3A_76 = vector.load %arg11[%swap3A, %swap3A_75] : memref<512x128xf32, #tpu.memory_space<vmem>>, vector<512x128xf32>
    tpu.vector_store %arg11[%swap3A, %swap3A_75], %concatenate3A_74 {strides = array<i32>} : memref<512x128xf32, #tpu.memory_space<vmem>>, vector<512x128xf32>,
    return
  }
  func.func @transform_0(%arg0: i32) -> (i32, i32) {
    %c0_i32 = arith.constant 0 : i32
    %c0_i32_0 = arith.constant 0 : i32
    return %arg0, %c0_i32 : i32, i32
  }
  func.func @transform_1(%arg0: i32) -> (i32, i32) {
    %c0_i32 = arith.constant 0 : i32
    %c0_i32_0 = arith.constant 0 : i32
    %c0_i32_1 = arith.constant 0 : i32
    return %c0_i32, %c0_i32_0 : i32, i32
  }
  func.func @transform_2(%arg0: i32) -> (i32, i32) {
    %c0_i32 = arith.constant 0 : i32
    %c0_i32_0 = arith.constant 0 : i32
    %c0_i32_1 = arith.constant 0 : i32
    return %c0_i32, %c0_i32_0 : i32, i32
  }
  func.func @transform_3(%arg0: i32) -> (i32, i32) {
    %c0_i32 = arith.constant 0 : i32
    %c0_i32_0 = arith.constant 0 : i32
    %c0_i32_1 = arith.constant 0 : i32
    return %c0_i32, %c0_i32_0 : i32, i32
  }
  func.func @transform_4(%arg0: i32) -> (i32, i32) {
    %c0_i32 = arith.constant 0 : i32
    %c0_i32_0 = arith.constant 0 : i32
    %c0_i32_1 = arith.constant 0 : i32
    return %c0_i32, %c0_i32_0 : i32, i32
  }
  func.func @transform_5(%arg0: i32) -> (i32, i32) {
    %c0_i32 = arith.constant 0 : i32
    %c0_i32_0 = arith.constant 0 : i32
    %c0_i32_1 = arith.constant 0 : i32
    return %c0_i32, %c0_i32_0 : i32, i32
  }
  func.func @transform_6(%arg0: i32) -> (i32, i32) {
    %c0_i32 = arith.constant 0 : i32
    %c0_i32_0 = arith.constant 0 : i32
    %c0_i32_1 = arith.constant 0 : i32
    return %c0_i32, %c0_i32_0 : i32, i32
  }
  func.func @transform_7(%arg0: i32) -> (i32, i32) {
    %c0_i32 = arith.constant 0 : i32
    %c0_i32_0 = arith.constant 0 : i32
    %c0_i32_1 = arith.constant 0 : i32
    return %c0_i32, %c0_i32_0 : i32, i32
  }
  func.func @transform_8(%arg0: i32) -> (i32, i32) {
    %c0_i32 = arith.constant 0 : i32
    %c0_i32_0 = arith.constant 0 : i32
    %c0_i32_1 = arith.constant 0 : i32
    return %c0_i32, %c0_i32_0 : i32, i32
  }
  func.func @transform_9(%arg0: i32) -> (i32, i32) {
    %c0_i32 = arith.constant 0 : i32
    %c0_i32_0 = arith.constant 0 : i32
    %c0_i32_1 = arith.constant 0 : i32
    return %c0_i32, %c0_i32_0 : i32, i32
  }
  func.func @transform_10(%arg0: i32) -> (i32, i32) {
    %c0_i32 = arith.constant 0 : i32
    %c0_i32_0 = arith.constant 0 : i32
    return %arg0, %c0_i32 : i32, i32
  }
}

module attributes {stable_mosaic.version = 14 : i64} {
  func.func @_l1_body(%arg0: i32, %arg1: memref<2x512x128xf32, #tpu.memory_space<vmem>>, %arg2: memref<512x128xf32, #tpu.memory_space<vmem>>, %arg3: memref<16x128xf32, #tpu.memory_space<vmem>>, %arg4: memref<1x128xf32, #tpu.memory_space<vmem>>, %arg5: memref<16x128xf32, #tpu.memory_space<vmem>>, %arg6: memref<1x128xf32, #tpu.memory_space<vmem>>, %arg7: memref<128x16xf32, #tpu.memory_space<vmem>>, %arg8: memref<512x128xf32, #tpu.memory_space<vmem>>, %arg9: memref<512x128xf32, #tpu.memory_space<vmem>>, %arg10: memref<512x128xf32, #tpu.memory_space<vmem>>, %arg11: memref<512x128xf32, #tpu.memory_space<vmem>>) attributes {dimension_semantics = [#tpu.dimension_semantics<arbitrary>], iteration_bounds = array<i64: 25>, scalar_prefetch = 0 : i64, scratch_operands = 0 : i64, tpu.core_type = #tpu.core_type<tc>, window_params = [{transform_indices = @transform_0, window_bounds = array<i64: 2, 512, 128>}, {transform_indices = @transform_1, window_bounds = array<i64: 512, 128>}, {pipeline_mode = #tpu.pipeline_mode<synchronous>, transform_indices = @transform_2, window_bounds = array<i64: 16, 128>}, {pipeline_mode = #tpu.pipeline_mode<synchronous>, transform_indices = @transform_3, window_bounds = array<i64: 1, 128>}, {pipeline_mode = #tpu.pipeline_mode<synchronous>, transform_indices = @transform_4, window_bounds = array<i64: 16, 128>}, {pipeline_mode = #tpu.pipeline_mode<synchronous>, transform_indices = @transform_5, window_bounds = array<i64: 1, 128>}, {pipeline_mode = #tpu.pipeline_mode<synchronous>, transform_indices = @transform_6, window_bounds = array<i64: 128, 16>}, {transform_indices = @transform_7, window_bounds = array<i64: 512, 128>}, {transform_indices = @transform_8, window_bounds = array<i64: 512, 128>}, {transform_indices = @transform_9, window_bounds = array<i64: 512, 128>}, {transform_indices = @transform_10, window_bounds = array<i64: 512, 128>}]} {
    %get3A = arith.constant 0 : index
    %get3A_0 = arith.constant 0 : index
    %get3A_1 = arith.constant 0 : index
    %get3A_2 = vector.load %arg1[%get3A, %get3A_0, %get3A_1] : memref<2x512x128xf32, #tpu.memory_space<vmem>>, vector<2x512x128xf32>
    %slice3A = vector.extract_strided_slice %get3A_2 {offsets = [0, 0, 0], sizes = [1, 512, 128], strides = [1, 1, 1]} : vector<2x512x128xf32> to vector<1x512x128xf32>
    %squeeze3A = vector.shape_cast %slice3A : vector<1x512x128xf32> to vector<512x128xf32>
    %slice3A_3 = vector.extract_strided_slice %get3A_2 {offsets = [1, 0, 0], sizes = [1, 512, 128], strides = [1, 1, 1]} : vector<2x512x128xf32> to vector<1x512x128xf32>
    %squeeze3A_4 = vector.shape_cast %slice3A_3 : vector<1x512x128xf32> to vector<512x128xf32>
    %add3A = arith.addf %squeeze3A, %squeeze3A_4 : vector<512x128xf32>
    %slice3A_5 = vector.extract_strided_slice %add3A {offsets = [0, 0], sizes = [512, 16], strides = [1, 1]} : vector<512x128xf32> to vector<512x16xf32>
    %slice3A_6 = vector.extract_strided_slice %add3A {offsets = [0, 16], sizes = [512, 16], strides = [1, 1]} : vector<512x128xf32> to vector<512x16xf32>
    %slice3A_7 = vector.extract_strided_slice %add3A {offsets = [0, 32], sizes = [512, 16], strides = [1, 1]} : vector<512x128xf32> to vector<512x16xf32>
    %slice3A_8 = vector.extract_strided_slice %add3A {offsets = [0, 48], sizes = [512, 16], strides = [1, 1]} : vector<512x128xf32> to vector<512x16xf32>
    %slice3A_9 = vector.extract_strided_slice %add3A {offsets = [0, 64], sizes = [512, 16], strides = [1, 1]} : vector<512x128xf32> to vector<512x16xf32>
    %slice3A_10 = vector.extract_strided_slice %add3A {offsets = [0, 80], sizes = [512, 16], strides = [1, 1]} : vector<512x128xf32> to vector<512x16xf32>
    %slice3A_11 = vector.extract_strided_slice %add3A {offsets = [0, 96], sizes = [512, 16], strides = [1, 1]} : vector<512x128xf32> to vector<512x16xf32>
    %slice3A_12 = vector.extract_strided_slice %add3A {offsets = [0, 112], sizes = [512, 16], strides = [1, 1]} : vector<512x128xf32> to vector<512x16xf32>
    %concatenate3A = tpu.concatenate %slice3A_5, %slice3A_6, %slice3A_7, %slice3A_8, %slice3A_9, %slice3A_10, %slice3A_11, %slice3A_12 in 0 : vector<512x16xf32>, vector<512x16xf32>, vector<512x16xf32>, vector<512x16xf32>, vector<512x16xf32>, vector<512x16xf32>, vector<512x16xf32>, vector<512x16xf32> -> vector<4096x16xf32>
    %slice3A_13 = vector.extract_strided_slice %concatenate3A {offsets = [0, 10], sizes = [4096, 1], strides = [1, 1]} : vector<4096x16xf32> to vector<4096x1xf32>
    %max3A = arith.constant 1.000000e+00 : f32
    %max3A_14 = vector.broadcast %max3A : f32 to vector<4096x1xf32>
    %max3A_15 = arith.maximumf %slice3A_13, %max3A_14 : vector<4096x1xf32>
    %div3A = arith.constant 1.000000e+00 : f32
    %div3A_16 = vector.broadcast %div3A : f32 to vector<4096x1xf32>
    %div3A_17 = arith.divf %div3A_16, %max3A_15 : vector<4096x1xf32>
    %get3A_18 = arith.constant 0 : index
    %get3A_19 = arith.constant 0 : index
    %get3A_20 = vector.load %arg2[%get3A_18, %get3A_19] : memref<512x128xf32, #tpu.memory_space<vmem>>, vector<512x128xf32>
    %slice3A_21 = vector.extract_strided_slice %get3A_20 {offsets = [0, 0], sizes = [512, 16], strides = [1, 1]} : vector<512x128xf32> to vector<512x16xf32>
    %slice3A_22 = vector.extract_strided_slice %get3A_20 {offsets = [0, 16], sizes = [512, 16], strides = [1, 1]} : vector<512x128xf32> to vector<512x16xf32>
    %slice3A_23 = vector.extract_strided_slice %get3A_20 {offsets = [0, 32], sizes = [512, 16], strides = [1, 1]} : vector<512x128xf32> to vector<512x16xf32>
    %slice3A_24 = vector.extract_strided_slice %get3A_20 {offsets = [0, 48], sizes = [512, 16], strides = [1, 1]} : vector<512x128xf32> to vector<512x16xf32>
    %slice3A_25 = vector.extract_strided_slice %get3A_20 {offsets = [0, 64], sizes = [512, 16], strides = [1, 1]} : vector<512x128xf32> to vector<512x16xf32>
    %slice3A_26 = vector.extract_strided_slice %get3A_20 {offsets = [0, 80], sizes = [512, 16], strides = [1, 1]} : vector<512x128xf32> to vector<512x16xf32>
    %slice3A_27 = vector.extract_strided_slice %get3A_20 {offsets = [0, 96], sizes = [512, 16], strides = [1, 1]} : vector<512x128xf32> to vector<512x16xf32>
    %slice3A_28 = vector.extract_strided_slice %get3A_20 {offsets = [0, 112], sizes = [512, 16], strides = [1, 1]} : vector<512x128xf32> to vector<512x16xf32>
    %concatenate3A_29 = tpu.concatenate %slice3A_21, %slice3A_22, %slice3A_23, %slice3A_24, %slice3A_25, %slice3A_26, %slice3A_27, %slice3A_28 in 0 : vector<512x16xf32>, vector<512x16xf32>, vector<512x16xf32>, vector<512x16xf32>, vector<512x16xf32>, vector<512x16xf32>, vector<512x16xf32>, vector<512x16xf32> -> vector<4096x16xf32>
    %mul3A = vector.broadcast %div3A_17 : vector<4096x1xf32> to vector<4096x16xf32>
    %mul3A_30 = arith.mulf %concatenate3A, %mul3A : vector<4096x16xf32>
    %get3A_31 = arith.constant 0 : index
    %get3A_32 = arith.constant 0 : index
    %get3A_33 = vector.load %arg3[%get3A_31, %get3A_32] : memref<16x128xf32, #tpu.memory_space<vmem>>, vector<16x128xf32>
    %dot_general3A = arith.constant dense<0.000000e+00> : vector<4096x128xf32>
    %dot_general3A_34 = tpu.matmul %mul3A_30, %get3A_33, %dot_general3A {dimension_numbers = #tpu.dot_dimension_numbers<[1], [0], [0], [1], [0, 0, 1, 1], [], []>, transpose_lhs_hint = false} : vector<4096x16xf32>, vector<16x128xf32>, vector<4096x128xf32> -> vector<4096x128xf32>
    %get3A_35 = arith.constant 0 : index
    %get3A_36 = arith.constant 0 : index
    %get3A_37 = vector.load %arg4[%get3A_35, %get3A_36] : memref<1x128xf32, #tpu.memory_space<vmem>>, vector<1x128xf32>
    %add3A_38 = vector.broadcast %get3A_37 : vector<1x128xf32> to vector<4096x128xf32>
    %add3A_39 = arith.addf %dot_general3A_34, %add3A_38 : vector<4096x128xf32>
    %get3A_40 = arith.constant 0 : index
    %get3A_41 = arith.constant 0 : index
    %get3A_42 = vector.load %arg5[%get3A_40, %get3A_41] : memref<16x128xf32, #tpu.memory_space<vmem>>, vector<16x128xf32>
    %dot_general3A_43 = arith.constant dense<0.000000e+00> : vector<4096x128xf32>
    %dot_general3A_44 = tpu.matmul %concatenate3A_29, %get3A_42, %dot_general3A_43 {dimension_numbers = #tpu.dot_dimension_numbers<[1], [0], [0], [1], [0, 0, 1, 1], [], []>, transpose_lhs_hint = false} : vector<4096x16xf32>, vector<16x128xf32>, vector<4096x128xf32> -> vector<4096x128xf32>
    %add3A_45 = arith.addf %add3A_39, %dot_general3A_44 : vector<4096x128xf32>
    %max3A_46 = arith.constant 0.000000e+00 : f32
    %max3A_47 = vector.broadcast %max3A_46 : f32 to vector<4096x128xf32>
    %max3A_48 = arith.maximumf %add3A_45, %max3A_47 : vector<4096x128xf32>
    %get3A_49 = arith.constant 0 : index
    %get3A_50 = arith.constant 0 : index
    %get3A_51 = vector.load %arg6[%get3A_49, %get3A_50] : memref<1x128xf32, #tpu.memory_space<vmem>>, vector<1x128xf32>
    %add3A_52 = vector.broadcast %get3A_51 : vector<1x128xf32> to vector<4096x128xf32>
    %add3A_53 = arith.addf %max3A_48, %add3A_52 : vector<4096x128xf32>
    %get3A_54 = arith.constant 0 : index
    %get3A_55 = arith.constant 0 : index
    %get3A_56 = vector.load %arg7[%get3A_54, %get3A_55] : memref<128x16xf32, #tpu.memory_space<vmem>>, vector<128x16xf32>
    %dot_general3A_57 = arith.constant dense<0.000000e+00> : vector<4096x16xf32>
    %dot_general3A_58 = tpu.matmul %add3A_53, %get3A_56, %dot_general3A_57 {dimension_numbers = #tpu.dot_dimension_numbers<[1], [0], [0], [1], [0, 0, 1, 1], [], []>, transpose_lhs_hint = false} : vector<4096x128xf32>, vector<128x16xf32>, vector<4096x16xf32> -> vector<4096x16xf32>
    %slice3A_59 = vector.extract_strided_slice %dot_general3A_58 {offsets = [0, 0], sizes = [512, 16], strides = [1, 1]} : vector<4096x16xf32> to vector<512x16xf32>
    %slice3A_60 = vector.extract_strided_slice %dot_general3A_58 {offsets = [512, 0], sizes = [512, 16], strides = [1, 1]} : vector<4096x16xf32> to vector<512x16xf32>
    %slice3A_61 = vector.extract_strided_slice %dot_general3A_58 {offsets = [1024, 0], sizes = [512, 16], strides = [1, 1]} : vector<4096x16xf32> to vector<512x16xf32>
    %slice3A_62 = vector.extract_strided_slice %dot_general3A_58 {offsets = [1536, 0], sizes = [512, 16], strides = [1, 1]} : vector<4096x16xf32> to vector<512x16xf32>
    %slice3A_63 = vector.extract_strided_slice %dot_general3A_58 {offsets = [2048, 0], sizes = [512, 16], strides = [1, 1]} : vector<4096x16xf32> to vector<512x16xf32>
    %slice3A_64 = vector.extract_strided_slice %dot_general3A_58 {offsets = [2560, 0], sizes = [512, 16], strides = [1, 1]} : vector<4096x16xf32> to vector<512x16xf32>
    %slice3A_65 = vector.extract_strided_slice %dot_general3A_58 {offsets = [3072, 0], sizes = [512, 16], strides = [1, 1]} : vector<4096x16xf32> to vector<512x16xf32>
    %slice3A_66 = vector.extract_strided_slice %dot_general3A_58 {offsets = [3584, 0], sizes = [512, 16], strides = [1, 1]} : vector<4096x16xf32> to vector<512x16xf32>
    %concatenate3A_67 = tpu.concatenate %slice3A_59, %slice3A_60, %slice3A_61, %slice3A_62, %slice3A_63, %slice3A_64, %slice3A_65, %slice3A_66 in 1 : vector<512x16xf32>, vector<512x16xf32>, vector<512x16xf32>, vector<512x16xf32>, vector<512x16xf32>, vector<512x16xf32>, vector<512x16xf32>, vector<512x16xf32> -> vector<512x128xf32>
    %swap3A = arith.constant 0 : index
    %swap3A_68 = arith.constant 0 : index
    %swap3A_69 = vector.load %arg8[%swap3A, %swap3A_68] : memref<512x128xf32, #tpu.memory_space<vmem>>, vector<512x128xf32>
    tpu.vector_store %arg8[%swap3A, %swap3A_68], %concatenate3A_67 {strides = array<i32>} : memref<512x128xf32, #tpu.memory_space<vmem>>, vector<512x128xf32>,
    %slice3A_70 = vector.extract_strided_slice %add3A_53 {offsets = [0, 0], sizes = [4096, 16], strides = [1, 1]} : vector<4096x128xf32> to vector<4096x16xf32>
    %slice3A_71 = vector.extract_strided_slice %slice3A_70 {offsets = [0, 0], sizes = [512, 16], strides = [1, 1]} : vector<4096x16xf32> to vector<512x16xf32>
    %slice3A_72 = vector.extract_strided_slice %slice3A_70 {offsets = [512, 0], sizes = [512, 16], strides = [1, 1]} : vector<4096x16xf32> to vector<512x16xf32>
    %slice3A_73 = vector.extract_strided_slice %slice3A_70 {offsets = [1024, 0], sizes = [512, 16], strides = [1, 1]} : vector<4096x16xf32> to vector<512x16xf32>
    %slice3A_74 = vector.extract_strided_slice %slice3A_70 {offsets = [1536, 0], sizes = [512, 16], strides = [1, 1]} : vector<4096x16xf32> to vector<512x16xf32>
    %slice3A_75 = vector.extract_strided_slice %slice3A_70 {offsets = [2048, 0], sizes = [512, 16], strides = [1, 1]} : vector<4096x16xf32> to vector<512x16xf32>
    %slice3A_76 = vector.extract_strided_slice %slice3A_70 {offsets = [2560, 0], sizes = [512, 16], strides = [1, 1]} : vector<4096x16xf32> to vector<512x16xf32>
    %slice3A_77 = vector.extract_strided_slice %slice3A_70 {offsets = [3072, 0], sizes = [512, 16], strides = [1, 1]} : vector<4096x16xf32> to vector<512x16xf32>
    %slice3A_78 = vector.extract_strided_slice %slice3A_70 {offsets = [3584, 0], sizes = [512, 16], strides = [1, 1]} : vector<4096x16xf32> to vector<512x16xf32>
    %concatenate3A_79 = tpu.concatenate %slice3A_71, %slice3A_72, %slice3A_73, %slice3A_74, %slice3A_75, %slice3A_76, %slice3A_77, %slice3A_78 in 1 : vector<512x16xf32>, vector<512x16xf32>, vector<512x16xf32>, vector<512x16xf32>, vector<512x16xf32>, vector<512x16xf32>, vector<512x16xf32>, vector<512x16xf32> -> vector<512x128xf32>
    %swap3A_80 = arith.constant 0 : index
    %swap3A_81 = arith.constant 0 : index
    %swap3A_82 = vector.load %arg9[%swap3A_80, %swap3A_81] : memref<512x128xf32, #tpu.memory_space<vmem>>, vector<512x128xf32>
    tpu.vector_store %arg9[%swap3A_80, %swap3A_81], %concatenate3A_79 {strides = array<i32>} : memref<512x128xf32, #tpu.memory_space<vmem>>, vector<512x128xf32>,
    %slice3A_83 = vector.extract_strided_slice %add3A_53 {offsets = [0, 16], sizes = [4096, 16], strides = [1, 1]} : vector<4096x128xf32> to vector<4096x16xf32>
    %slice3A_84 = vector.extract_strided_slice %slice3A_83 {offsets = [0, 0], sizes = [512, 16], strides = [1, 1]} : vector<4096x16xf32> to vector<512x16xf32>
    %slice3A_85 = vector.extract_strided_slice %slice3A_83 {offsets = [512, 0], sizes = [512, 16], strides = [1, 1]} : vector<4096x16xf32> to vector<512x16xf32>
    %slice3A_86 = vector.extract_strided_slice %slice3A_83 {offsets = [1024, 0], sizes = [512, 16], strides = [1, 1]} : vector<4096x16xf32> to vector<512x16xf32>
    %slice3A_87 = vector.extract_strided_slice %slice3A_83 {offsets = [1536, 0], sizes = [512, 16], strides = [1, 1]} : vector<4096x16xf32> to vector<512x16xf32>
    %slice3A_88 = vector.extract_strided_slice %slice3A_83 {offsets = [2048, 0], sizes = [512, 16], strides = [1, 1]} : vector<4096x16xf32> to vector<512x16xf32>
    %slice3A_89 = vector.extract_strided_slice %slice3A_83 {offsets = [2560, 0], sizes = [512, 16], strides = [1, 1]} : vector<4096x16xf32> to vector<512x16xf32>
    %slice3A_90 = vector.extract_strided_slice %slice3A_83 {offsets = [3072, 0], sizes = [512, 16], strides = [1, 1]} : vector<4096x16xf32> to vector<512x16xf32>
    %slice3A_91 = vector.extract_strided_slice %slice3A_83 {offsets = [3584, 0], sizes = [512, 16], strides = [1, 1]} : vector<4096x16xf32> to vector<512x16xf32>
    %concatenate3A_92 = tpu.concatenate %slice3A_84, %slice3A_85, %slice3A_86, %slice3A_87, %slice3A_88, %slice3A_89, %slice3A_90, %slice3A_91 in 1 : vector<512x16xf32>, vector<512x16xf32>, vector<512x16xf32>, vector<512x16xf32>, vector<512x16xf32>, vector<512x16xf32>, vector<512x16xf32>, vector<512x16xf32> -> vector<512x128xf32>
    %swap3A_93 = arith.constant 0 : index
    %swap3A_94 = arith.constant 0 : index
    %swap3A_95 = vector.load %arg10[%swap3A_93, %swap3A_94] : memref<512x128xf32, #tpu.memory_space<vmem>>, vector<512x128xf32>
    tpu.vector_store %arg10[%swap3A_93, %swap3A_94], %concatenate3A_92 {strides = array<i32>} : memref<512x128xf32, #tpu.memory_space<vmem>>, vector<512x128xf32>,
    %broadcast_in_dim3A = vector.shape_cast %div3A_17 : vector<4096x1xf32> to vector<4096x1xf32>
    %broadcast_in_dim3A_96 = vector.broadcast %broadcast_in_dim3A : vector<4096x1xf32> to vector<4096x16xf32>
    %slice3A_97 = vector.extract_strided_slice %broadcast_in_dim3A_96 {offsets = [0, 0], sizes = [512, 16], strides = [1, 1]} : vector<4096x16xf32> to vector<512x16xf32>
    %slice3A_98 = vector.extract_strided_slice %broadcast_in_dim3A_96 {offsets = [512, 0], sizes = [512, 16], strides = [1, 1]} : vector<4096x16xf32> to vector<512x16xf32>
    %slice3A_99 = vector.extract_strided_slice %broadcast_in_dim3A_96 {offsets = [1024, 0], sizes = [512, 16], strides = [1, 1]} : vector<4096x16xf32> to vector<512x16xf32>
    %slice3A_100 = vector.extract_strided_slice %broadcast_in_dim3A_96 {offsets = [1536, 0], sizes = [512, 16], strides = [1, 1]} : vector<4096x16xf32> to vector<512x16xf32>
    %slice3A_101 = vector.extract_strided_slice %broadcast_in_dim3A_96 {offsets = [2048, 0], sizes = [512, 16], strides = [1, 1]} : vector<4096x16xf32> to vector<512x16xf32>
    %slice3A_102 = vector.extract_strided_slice %broadcast_in_dim3A_96 {offsets = [2560, 0], sizes = [512, 16], strides = [1, 1]} : vector<4096x16xf32> to vector<512x16xf32>
    %slice3A_103 = vector.extract_strided_slice %broadcast_in_dim3A_96 {offsets = [3072, 0], sizes = [512, 16], strides = [1, 1]} : vector<4096x16xf32> to vector<512x16xf32>
    %slice3A_104 = vector.extract_strided_slice %broadcast_in_dim3A_96 {offsets = [3584, 0], sizes = [512, 16], strides = [1, 1]} : vector<4096x16xf32> to vector<512x16xf32>
    %concatenate3A_105 = tpu.concatenate %slice3A_97, %slice3A_98, %slice3A_99, %slice3A_100, %slice3A_101, %slice3A_102, %slice3A_103, %slice3A_104 in 1 : vector<512x16xf32>, vector<512x16xf32>, vector<512x16xf32>, vector<512x16xf32>, vector<512x16xf32>, vector<512x16xf32>, vector<512x16xf32>, vector<512x16xf32> -> vector<512x128xf32>
    %swap3A_106 = arith.constant 0 : index
    %swap3A_107 = arith.constant 0 : index
    %swap3A_108 = vector.load %arg11[%swap3A_106, %swap3A_107] : memref<512x128xf32, #tpu.memory_space<vmem>>, vector<512x128xf32>
    tpu.vector_store %arg11[%swap3A_106, %swap3A_107], %concatenate3A_105 {strides = array<i32>} : memref<512x128xf32, #tpu.memory_space<vmem>>, vector<512x128xf32>,
    return
  }
  func.func @transform_0(%arg0: i32) -> (i32, i32, i32) {
    %c0_i32 = arith.constant 0 : i32
    %c0_i32_0 = arith.constant 0 : i32
    %c0_i32_1 = arith.constant 0 : i32
    return %c0_i32, %arg0, %c0_i32_0 : i32, i32, i32
  }
  func.func @transform_1(%arg0: i32) -> (i32, i32) {
    %c0_i32 = arith.constant 0 : i32
    %c0_i32_0 = arith.constant 0 : i32
    return %arg0, %c0_i32 : i32, i32
  }
  func.func @transform_2(%arg0: i32) -> (i32, i32) {
    %c0_i32 = arith.constant 0 : i32
    %c0_i32_0 = arith.constant 0 : i32
    %c0_i32_1 = arith.constant 0 : i32
    return %c0_i32, %c0_i32_0 : i32, i32
  }
  func.func @transform_3(%arg0: i32) -> (i32, i32) {
    %c0_i32 = arith.constant 0 : i32
    %c0_i32_0 = arith.constant 0 : i32
    %c0_i32_1 = arith.constant 0 : i32
    return %c0_i32, %c0_i32_0 : i32, i32
  }
  func.func @transform_4(%arg0: i32) -> (i32, i32) {
    %c0_i32 = arith.constant 0 : i32
    %c0_i32_0 = arith.constant 0 : i32
    %c0_i32_1 = arith.constant 0 : i32
    return %c0_i32, %c0_i32_0 : i32, i32
  }
  func.func @transform_5(%arg0: i32) -> (i32, i32) {
    %c0_i32 = arith.constant 0 : i32
    %c0_i32_0 = arith.constant 0 : i32
    %c0_i32_1 = arith.constant 0 : i32
    return %c0_i32, %c0_i32_0 : i32, i32
  }
  func.func @transform_6(%arg0: i32) -> (i32, i32) {
    %c0_i32 = arith.constant 0 : i32
    %c0_i32_0 = arith.constant 0 : i32
    %c0_i32_1 = arith.constant 0 : i32
    return %c0_i32, %c0_i32_0 : i32, i32
  }
  func.func @transform_7(%arg0: i32) -> (i32, i32) {
    %c0_i32 = arith.constant 0 : i32
    %c0_i32_0 = arith.constant 0 : i32
    return %arg0, %c0_i32 : i32, i32
  }
  func.func @transform_8(%arg0: i32) -> (i32, i32) {
    %c0_i32 = arith.constant 0 : i32
    %c0_i32_0 = arith.constant 0 : i32
    return %arg0, %c0_i32 : i32, i32
  }
  func.func @transform_9(%arg0: i32) -> (i32, i32) {
    %c0_i32 = arith.constant 0 : i32
    %c0_i32_0 = arith.constant 0 : i32
    return %arg0, %c0_i32 : i32, i32
  }
  func.func @transform_10(%arg0: i32) -> (i32, i32) {
    %c0_i32 = arith.constant 0 : i32
    %c0_i32_0 = arith.constant 0 : i32
    return %arg0, %c0_i32 : i32, i32
  }
}

module attributes {stable_mosaic.version = 14 : i64} {
  func.func @_l2_body(%arg0: i32, %arg1: memref<2x512x128xf32, #tpu.memory_space<vmem>>, %arg2: memref<512x128xf32, #tpu.memory_space<vmem>>, %arg3: memref<512x128xf32, #tpu.memory_space<vmem>>, %arg4: memref<512x128xf32, #tpu.memory_space<vmem>>, %arg5: memref<1x16xf32, #tpu.memory_space<vmem>>, %arg6: memref<32x16xf32, #tpu.memory_space<vmem>>, %arg7: memref<1x16xf32, #tpu.memory_space<vmem>>, %arg8: memref<16x16xf32, #tpu.memory_space<vmem>>, %arg9: memref<512x128xf32, #tpu.memory_space<vmem>>, %arg10: memref<512x128xf32, #tpu.memory_space<vmem>>) attributes {dimension_semantics = [#tpu.dimension_semantics<arbitrary>], iteration_bounds = array<i64: 25>, scalar_prefetch = 0 : i64, scratch_operands = 0 : i64, tpu.core_type = #tpu.core_type<tc>, window_params = [{transform_indices = @transform_0, window_bounds = array<i64: 2, 512, 128>}, {transform_indices = @transform_1, window_bounds = array<i64: 512, 128>}, {transform_indices = @transform_2, window_bounds = array<i64: 512, 128>}, {transform_indices = @transform_3, window_bounds = array<i64: 512, 128>}, {pipeline_mode = #tpu.pipeline_mode<synchronous>, transform_indices = @transform_4, window_bounds = array<i64: 1, 16>}, {pipeline_mode = #tpu.pipeline_mode<synchronous>, transform_indices = @transform_5, window_bounds = array<i64: 32, 16>}, {pipeline_mode = #tpu.pipeline_mode<synchronous>, transform_indices = @transform_6, window_bounds = array<i64: 1, 16>}, {pipeline_mode = #tpu.pipeline_mode<synchronous>, transform_indices = @transform_7, window_bounds = array<i64: 16, 16>}, {transform_indices = @transform_8, window_bounds = array<i64: 512, 128>}, {transform_indices = @transform_9, window_bounds = array<i64: 512, 128>}]} {
    %get3A = arith.constant 0 : index
    %get3A_0 = arith.constant 0 : index
    %get3A_1 = arith.constant 0 : index
    %get3A_2 = vector.load %arg1[%get3A, %get3A_0, %get3A_1] : memref<2x512x128xf32, #tpu.memory_space<vmem>>, vector<2x512x128xf32>
    %slice3A = vector.extract_strided_slice %get3A_2 {offsets = [0, 0, 0], sizes = [1, 512, 128], strides = [1, 1, 1]} : vector<2x512x128xf32> to vector<1x512x128xf32>
    %squeeze3A = vector.shape_cast %slice3A : vector<1x512x128xf32> to vector<512x128xf32>
    %slice3A_3 = vector.extract_strided_slice %get3A_2 {offsets = [1, 0, 0], sizes = [1, 512, 128], strides = [1, 1, 1]} : vector<2x512x128xf32> to vector<1x512x128xf32>
    %squeeze3A_4 = vector.shape_cast %slice3A_3 : vector<1x512x128xf32> to vector<512x128xf32>
    %add3A = arith.addf %squeeze3A, %squeeze3A_4 : vector<512x128xf32>
    %get3A_5 = arith.constant 0 : index
    %get3A_6 = arith.constant 0 : index
    %get3A_7 = vector.load %arg4[%get3A_5, %get3A_6] : memref<512x128xf32, #tpu.memory_space<vmem>>, vector<512x128xf32>
    %mul3A = arith.mulf %add3A, %get3A_7 : vector<512x128xf32>
    %slice3A_8 = vector.extract_strided_slice %mul3A {offsets = [0, 0], sizes = [512, 16], strides = [1, 1]} : vector<512x128xf32> to vector<512x16xf32>
    %slice3A_9 = vector.extract_strided_slice %mul3A {offsets = [0, 16], sizes = [512, 16], strides = [1, 1]} : vector<512x128xf32> to vector<512x16xf32>
    %slice3A_10 = vector.extract_strided_slice %mul3A {offsets = [0, 32], sizes = [512, 16], strides = [1, 1]} : vector<512x128xf32> to vector<512x16xf32>
    %slice3A_11 = vector.extract_strided_slice %mul3A {offsets = [0, 48], sizes = [512, 16], strides = [1, 1]} : vector<512x128xf32> to vector<512x16xf32>
    %slice3A_12 = vector.extract_strided_slice %mul3A {offsets = [0, 64], sizes = [512, 16], strides = [1, 1]} : vector<512x128xf32> to vector<512x16xf32>
    %slice3A_13 = vector.extract_strided_slice %mul3A {offsets = [0, 80], sizes = [512, 16], strides = [1, 1]} : vector<512x128xf32> to vector<512x16xf32>
    %slice3A_14 = vector.extract_strided_slice %mul3A {offsets = [0, 96], sizes = [512, 16], strides = [1, 1]} : vector<512x128xf32> to vector<512x16xf32>
    %slice3A_15 = vector.extract_strided_slice %mul3A {offsets = [0, 112], sizes = [512, 16], strides = [1, 1]} : vector<512x128xf32> to vector<512x16xf32>
    %concatenate3A = tpu.concatenate %slice3A_8, %slice3A_9, %slice3A_10, %slice3A_11, %slice3A_12, %slice3A_13, %slice3A_14, %slice3A_15 in 0 : vector<512x16xf32>, vector<512x16xf32>, vector<512x16xf32>, vector<512x16xf32>, vector<512x16xf32>, vector<512x16xf32>, vector<512x16xf32>, vector<512x16xf32> -> vector<4096x16xf32>
    %get3A_16 = arith.constant 0 : index
    %get3A_17 = arith.constant 0 : index
    %get3A_18 = vector.load %arg2[%get3A_16, %get3A_17] : memref<512x128xf32, #tpu.memory_space<vmem>>, vector<512x128xf32>
    %slice3A_19 = vector.extract_strided_slice %get3A_18 {offsets = [0, 0], sizes = [512, 16], strides = [1, 1]} : vector<512x128xf32> to vector<512x16xf32>
    %slice3A_20 = vector.extract_strided_slice %get3A_18 {offsets = [0, 16], sizes = [512, 16], strides = [1, 1]} : vector<512x128xf32> to vector<512x16xf32>
    %slice3A_21 = vector.extract_strided_slice %get3A_18 {offsets = [0, 32], sizes = [512, 16], strides = [1, 1]} : vector<512x128xf32> to vector<512x16xf32>
    %slice3A_22 = vector.extract_strided_slice %get3A_18 {offsets = [0, 48], sizes = [512, 16], strides = [1, 1]} : vector<512x128xf32> to vector<512x16xf32>
    %slice3A_23 = vector.extract_strided_slice %get3A_18 {offsets = [0, 64], sizes = [512, 16], strides = [1, 1]} : vector<512x128xf32> to vector<512x16xf32>
    %slice3A_24 = vector.extract_strided_slice %get3A_18 {offsets = [0, 80], sizes = [512, 16], strides = [1, 1]} : vector<512x128xf32> to vector<512x16xf32>
    %slice3A_25 = vector.extract_strided_slice %get3A_18 {offsets = [0, 96], sizes = [512, 16], strides = [1, 1]} : vector<512x128xf32> to vector<512x16xf32>
    %slice3A_26 = vector.extract_strided_slice %get3A_18 {offsets = [0, 112], sizes = [512, 16], strides = [1, 1]} : vector<512x128xf32> to vector<512x16xf32>
    %concatenate3A_27 = tpu.concatenate %slice3A_19, %slice3A_20, %slice3A_21, %slice3A_22, %slice3A_23, %slice3A_24, %slice3A_25, %slice3A_26 in 0 : vector<512x16xf32>, vector<512x16xf32>, vector<512x16xf32>, vector<512x16xf32>, vector<512x16xf32>, vector<512x16xf32>, vector<512x16xf32>, vector<512x16xf32> -> vector<4096x16xf32>
    %get3A_28 = arith.constant 0 : index
    %get3A_29 = arith.constant 0 : index
    %get3A_30 = vector.load %arg3[%get3A_28, %get3A_29] : memref<512x128xf32, #tpu.memory_space<vmem>>, vector<512x128xf32>
    %slice3A_31 = vector.extract_strided_slice %get3A_30 {offsets = [0, 0], sizes = [512, 16], strides = [1, 1]} : vector<512x128xf32> to vector<512x16xf32>
    %slice3A_32 = vector.extract_strided_slice %get3A_30 {offsets = [0, 16], sizes = [512, 16], strides = [1, 1]} : vector<512x128xf32> to vector<512x16xf32>
    %slice3A_33 = vector.extract_strided_slice %get3A_30 {offsets = [0, 32], sizes = [512, 16], strides = [1, 1]} : vector<512x128xf32> to vector<512x16xf32>
    %slice3A_34 = vector.extract_strided_slice %get3A_30 {offsets = [0, 48], sizes = [512, 16], strides = [1, 1]} : vector<512x128xf32> to vector<512x16xf32>
    %slice3A_35 = vector.extract_strided_slice %get3A_30 {offsets = [0, 64], sizes = [512, 16], strides = [1, 1]} : vector<512x128xf32> to vector<512x16xf32>
    %slice3A_36 = vector.extract_strided_slice %get3A_30 {offsets = [0, 80], sizes = [512, 16], strides = [1, 1]} : vector<512x128xf32> to vector<512x16xf32>
    %slice3A_37 = vector.extract_strided_slice %get3A_30 {offsets = [0, 96], sizes = [512, 16], strides = [1, 1]} : vector<512x128xf32> to vector<512x16xf32>
    %slice3A_38 = vector.extract_strided_slice %get3A_30 {offsets = [0, 112], sizes = [512, 16], strides = [1, 1]} : vector<512x128xf32> to vector<512x16xf32>
    %concatenate3A_39 = tpu.concatenate %slice3A_31, %slice3A_32, %slice3A_33, %slice3A_34, %slice3A_35, %slice3A_36, %slice3A_37, %slice3A_38 in 0 : vector<512x16xf32>, vector<512x16xf32>, vector<512x16xf32>, vector<512x16xf32>, vector<512x16xf32>, vector<512x16xf32>, vector<512x16xf32>, vector<512x16xf32> -> vector<4096x16xf32>
    %concatenate3A_40 = tpu.concatenate %concatenate3A_27, %concatenate3A_39 in 1 : vector<4096x16xf32>, vector<4096x16xf32> -> vector<4096x32xf32>
    %get3A_41 = arith.constant 0 : index
    %get3A_42 = arith.constant 0 : index
    %get3A_43 = vector.load %arg5[%get3A_41, %get3A_42] : memref<1x16xf32, #tpu.memory_space<vmem>>, vector<1x16xf32>
    %add3A_44 = vector.broadcast %get3A_43 : vector<1x16xf32> to vector<4096x16xf32>
    %add3A_45 = arith.addf %concatenate3A, %add3A_44 : vector<4096x16xf32>
    %get3A_46 = arith.constant 0 : index
    %get3A_47 = arith.constant 0 : index
    %get3A_48 = vector.load %arg6[%get3A_46, %get3A_47] : memref<32x16xf32, #tpu.memory_space<vmem>>, vector<32x16xf32>
    %dot_general3A = arith.constant dense<0.000000e+00> : vector<4096x16xf32>
    %dot_general3A_49 = tpu.matmul %concatenate3A_40, %get3A_48, %dot_general3A {dimension_numbers = #tpu.dot_dimension_numbers<[1], [0], [0], [1], [0, 0, 1, 1], [], []>, transpose_lhs_hint = false} : vector<4096x32xf32>, vector<32x16xf32>, vector<4096x16xf32> -> vector<4096x16xf32>
    %add3A_50 = arith.addf %add3A_45, %dot_general3A_49 : vector<4096x16xf32>
    %max3A = arith.constant 0.000000e+00 : f32
    %max3A_51 = vector.broadcast %max3A : f32 to vector<4096x16xf32>
    %max3A_52 = arith.maximumf %add3A_50, %max3A_51 : vector<4096x16xf32>
    %get3A_53 = arith.constant 0 : index
    %get3A_54 = arith.constant 0 : index
    %get3A_55 = vector.load %arg7[%get3A_53, %get3A_54] : memref<1x16xf32, #tpu.memory_space<vmem>>, vector<1x16xf32>
    %add3A_56 = vector.broadcast %get3A_55 : vector<1x16xf32> to vector<4096x16xf32>
    %add3A_57 = arith.addf %max3A_52, %add3A_56 : vector<4096x16xf32>
    %get3A_58 = arith.constant 0 : index
    %get3A_59 = arith.constant 0 : index
    %get3A_60 = vector.load %arg8[%get3A_58, %get3A_59] : memref<16x16xf32, #tpu.memory_space<vmem>>, vector<16x16xf32>
    %dot_general3A_61 = arith.constant dense<0.000000e+00> : vector<4096x16xf32>
    %dot_general3A_62 = tpu.matmul %add3A_57, %get3A_60, %dot_general3A_61 {dimension_numbers = #tpu.dot_dimension_numbers<[1], [0], [0], [1], [0, 0, 1, 1], [], []>, transpose_lhs_hint = false} : vector<4096x16xf32>, vector<16x16xf32>, vector<4096x16xf32> -> vector<4096x16xf32>
    %slice3A_63 = vector.extract_strided_slice %dot_general3A_62 {offsets = [0, 0], sizes = [512, 16], strides = [1, 1]} : vector<4096x16xf32> to vector<512x16xf32>
    %slice3A_64 = vector.extract_strided_slice %dot_general3A_62 {offsets = [512, 0], sizes = [512, 16], strides = [1, 1]} : vector<4096x16xf32> to vector<512x16xf32>
    %slice3A_65 = vector.extract_strided_slice %dot_general3A_62 {offsets = [1024, 0], sizes = [512, 16], strides = [1, 1]} : vector<4096x16xf32> to vector<512x16xf32>
    %slice3A_66 = vector.extract_strided_slice %dot_general3A_62 {offsets = [1536, 0], sizes = [512, 16], strides = [1, 1]} : vector<4096x16xf32> to vector<512x16xf32>
    %slice3A_67 = vector.extract_strided_slice %dot_general3A_62 {offsets = [2048, 0], sizes = [512, 16], strides = [1, 1]} : vector<4096x16xf32> to vector<512x16xf32>
    %slice3A_68 = vector.extract_strided_slice %dot_general3A_62 {offsets = [2560, 0], sizes = [512, 16], strides = [1, 1]} : vector<4096x16xf32> to vector<512x16xf32>
    %slice3A_69 = vector.extract_strided_slice %dot_general3A_62 {offsets = [3072, 0], sizes = [512, 16], strides = [1, 1]} : vector<4096x16xf32> to vector<512x16xf32>
    %slice3A_70 = vector.extract_strided_slice %dot_general3A_62 {offsets = [3584, 0], sizes = [512, 16], strides = [1, 1]} : vector<4096x16xf32> to vector<512x16xf32>
    %concatenate3A_71 = tpu.concatenate %slice3A_63, %slice3A_64, %slice3A_65, %slice3A_66, %slice3A_67, %slice3A_68, %slice3A_69, %slice3A_70 in 1 : vector<512x16xf32>, vector<512x16xf32>, vector<512x16xf32>, vector<512x16xf32>, vector<512x16xf32>, vector<512x16xf32>, vector<512x16xf32>, vector<512x16xf32> -> vector<512x128xf32>
    %swap3A = arith.constant 0 : index
    %swap3A_72 = arith.constant 0 : index
    %swap3A_73 = vector.load %arg9[%swap3A, %swap3A_72] : memref<512x128xf32, #tpu.memory_space<vmem>>, vector<512x128xf32>
    tpu.vector_store %arg9[%swap3A, %swap3A_72], %concatenate3A_71 {strides = array<i32>} : memref<512x128xf32, #tpu.memory_space<vmem>>, vector<512x128xf32>,
    %slice3A_74 = vector.extract_strided_slice %add3A_57 {offsets = [0, 0], sizes = [512, 16], strides = [1, 1]} : vector<4096x16xf32> to vector<512x16xf32>
    %slice3A_75 = vector.extract_strided_slice %add3A_57 {offsets = [512, 0], sizes = [512, 16], strides = [1, 1]} : vector<4096x16xf32> to vector<512x16xf32>
    %slice3A_76 = vector.extract_strided_slice %add3A_57 {offsets = [1024, 0], sizes = [512, 16], strides = [1, 1]} : vector<4096x16xf32> to vector<512x16xf32>
    %slice3A_77 = vector.extract_strided_slice %add3A_57 {offsets = [1536, 0], sizes = [512, 16], strides = [1, 1]} : vector<4096x16xf32> to vector<512x16xf32>
    %slice3A_78 = vector.extract_strided_slice %add3A_57 {offsets = [2048, 0], sizes = [512, 16], strides = [1, 1]} : vector<4096x16xf32> to vector<512x16xf32>
    %slice3A_79 = vector.extract_strided_slice %add3A_57 {offsets = [2560, 0], sizes = [512, 16], strides = [1, 1]} : vector<4096x16xf32> to vector<512x16xf32>
    %slice3A_80 = vector.extract_strided_slice %add3A_57 {offsets = [3072, 0], sizes = [512, 16], strides = [1, 1]} : vector<4096x16xf32> to vector<512x16xf32>
    %slice3A_81 = vector.extract_strided_slice %add3A_57 {offsets = [3584, 0], sizes = [512, 16], strides = [1, 1]} : vector<4096x16xf32> to vector<512x16xf32>
    %concatenate3A_82 = tpu.concatenate %slice3A_74, %slice3A_75, %slice3A_76, %slice3A_77, %slice3A_78, %slice3A_79, %slice3A_80, %slice3A_81 in 1 : vector<512x16xf32>, vector<512x16xf32>, vector<512x16xf32>, vector<512x16xf32>, vector<512x16xf32>, vector<512x16xf32>, vector<512x16xf32>, vector<512x16xf32> -> vector<512x128xf32>
    %swap3A_83 = arith.constant 0 : index
    %swap3A_84 = arith.constant 0 : index
    %swap3A_85 = vector.load %arg10[%swap3A_83, %swap3A_84] : memref<512x128xf32, #tpu.memory_space<vmem>>, vector<512x128xf32>
    tpu.vector_store %arg10[%swap3A_83, %swap3A_84], %concatenate3A_82 {strides = array<i32>} : memref<512x128xf32, #tpu.memory_space<vmem>>, vector<512x128xf32>,
    return
  }
  func.func @transform_0(%arg0: i32) -> (i32, i32, i32) {
    %c0_i32 = arith.constant 0 : i32
    %c0_i32_0 = arith.constant 0 : i32
    %c0_i32_1 = arith.constant 0 : i32
    return %c0_i32, %arg0, %c0_i32_0 : i32, i32, i32
  }
  func.func @transform_1(%arg0: i32) -> (i32, i32) {
    %c0_i32 = arith.constant 0 : i32
    %c0_i32_0 = arith.constant 0 : i32
    return %arg0, %c0_i32 : i32, i32
  }
  func.func @transform_2(%arg0: i32) -> (i32, i32) {
    %c0_i32 = arith.constant 0 : i32
    %c0_i32_0 = arith.constant 0 : i32
    return %arg0, %c0_i32 : i32, i32
  }
  func.func @transform_3(%arg0: i32) -> (i32, i32) {
    %c0_i32 = arith.constant 0 : i32
    %c0_i32_0 = arith.constant 0 : i32
    return %arg0, %c0_i32 : i32, i32
  }
  func.func @transform_4(%arg0: i32) -> (i32, i32) {
    %c0_i32 = arith.constant 0 : i32
    %c0_i32_0 = arith.constant 0 : i32
    %c0_i32_1 = arith.constant 0 : i32
    return %c0_i32, %c0_i32_0 : i32, i32
  }
  func.func @transform_5(%arg0: i32) -> (i32, i32) {
    %c0_i32 = arith.constant 0 : i32
    %c0_i32_0 = arith.constant 0 : i32
    %c0_i32_1 = arith.constant 0 : i32
    return %c0_i32, %c0_i32_0 : i32, i32
  }
  func.func @transform_6(%arg0: i32) -> (i32, i32) {
    %c0_i32 = arith.constant 0 : i32
    %c0_i32_0 = arith.constant 0 : i32
    %c0_i32_1 = arith.constant 0 : i32
    return %c0_i32, %c0_i32_0 : i32, i32
  }
  func.func @transform_7(%arg0: i32) -> (i32, i32) {
    %c0_i32 = arith.constant 0 : i32
    %c0_i32_0 = arith.constant 0 : i32
    %c0_i32_1 = arith.constant 0 : i32
    return %c0_i32, %c0_i32_0 : i32, i32
  }
  func.func @transform_8(%arg0: i32) -> (i32, i32) {
    %c0_i32 = arith.constant 0 : i32
    %c0_i32_0 = arith.constant 0 : i32
    return %arg0, %c0_i32 : i32, i32
  }
  func.func @transform_9(%arg0: i32) -> (i32, i32) {
    %c0_i32 = arith.constant 0 : i32
    %c0_i32_0 = arith.constant 0 : i32
    return %arg0, %c0_i32 : i32, i32
  }
}

module attributes {stable_mosaic.version = 14 : i64} {
  func.func @_l3_body(%arg0: i32, %arg1: memref<2x512x128xf32, #tpu.memory_space<vmem>>, %arg2: memref<512x128xf32, #tpu.memory_space<vmem>>, %arg3: memref<512x128xf32, #tpu.memory_space<vmem>>, %arg4: memref<1x16xf32, #tpu.memory_space<vmem>>, %arg5: memref<16x16xf32, #tpu.memory_space<vmem>>, %arg6: memref<1x16xf32, #tpu.memory_space<vmem>>, %arg7: memref<512x128xf32, #tpu.memory_space<vmem>>) attributes {dimension_semantics = [#tpu.dimension_semantics<arbitrary>], iteration_bounds = array<i64: 25>, scalar_prefetch = 0 : i64, scratch_operands = 0 : i64, tpu.core_type = #tpu.core_type<tc>, window_params = [{transform_indices = @transform_0, window_bounds = array<i64: 2, 512, 128>}, {transform_indices = @transform_1, window_bounds = array<i64: 512, 128>}, {transform_indices = @transform_2, window_bounds = array<i64: 512, 128>}, {pipeline_mode = #tpu.pipeline_mode<synchronous>, transform_indices = @transform_3, window_bounds = array<i64: 1, 16>}, {pipeline_mode = #tpu.pipeline_mode<synchronous>, transform_indices = @transform_4, window_bounds = array<i64: 16, 16>}, {pipeline_mode = #tpu.pipeline_mode<synchronous>, transform_indices = @transform_5, window_bounds = array<i64: 1, 16>}, {transform_indices = @transform_6, window_bounds = array<i64: 512, 128>}]} {
    %get3A = arith.constant 0 : index
    %get3A_0 = arith.constant 0 : index
    %get3A_1 = arith.constant 0 : index
    %get3A_2 = vector.load %arg1[%get3A, %get3A_0, %get3A_1] : memref<2x512x128xf32, #tpu.memory_space<vmem>>, vector<2x512x128xf32>
    %slice3A = vector.extract_strided_slice %get3A_2 {offsets = [0, 0, 0], sizes = [1, 512, 128], strides = [1, 1, 1]} : vector<2x512x128xf32> to vector<1x512x128xf32>
    %squeeze3A = vector.shape_cast %slice3A : vector<1x512x128xf32> to vector<512x128xf32>
    %slice3A_3 = vector.extract_strided_slice %get3A_2 {offsets = [1, 0, 0], sizes = [1, 512, 128], strides = [1, 1, 1]} : vector<2x512x128xf32> to vector<1x512x128xf32>
    %squeeze3A_4 = vector.shape_cast %slice3A_3 : vector<1x512x128xf32> to vector<512x128xf32>
    %add3A = arith.addf %squeeze3A, %squeeze3A_4 : vector<512x128xf32>
    %get3A_5 = arith.constant 0 : index
    %get3A_6 = arith.constant 0 : index
    %get3A_7 = vector.load %arg3[%get3A_5, %get3A_6] : memref<512x128xf32, #tpu.memory_space<vmem>>, vector<512x128xf32>
    %mul3A = arith.mulf %add3A, %get3A_7 : vector<512x128xf32>
    %slice3A_8 = vector.extract_strided_slice %mul3A {offsets = [0, 0], sizes = [512, 16], strides = [1, 1]} : vector<512x128xf32> to vector<512x16xf32>
    %slice3A_9 = vector.extract_strided_slice %mul3A {offsets = [0, 16], sizes = [512, 16], strides = [1, 1]} : vector<512x128xf32> to vector<512x16xf32>
    %slice3A_10 = vector.extract_strided_slice %mul3A {offsets = [0, 32], sizes = [512, 16], strides = [1, 1]} : vector<512x128xf32> to vector<512x16xf32>
    %slice3A_11 = vector.extract_strided_slice %mul3A {offsets = [0, 48], sizes = [512, 16], strides = [1, 1]} : vector<512x128xf32> to vector<512x16xf32>
    %slice3A_12 = vector.extract_strided_slice %mul3A {offsets = [0, 64], sizes = [512, 16], strides = [1, 1]} : vector<512x128xf32> to vector<512x16xf32>
    %slice3A_13 = vector.extract_strided_slice %mul3A {offsets = [0, 80], sizes = [512, 16], strides = [1, 1]} : vector<512x128xf32> to vector<512x16xf32>
    %slice3A_14 = vector.extract_strided_slice %mul3A {offsets = [0, 96], sizes = [512, 16], strides = [1, 1]} : vector<512x128xf32> to vector<512x16xf32>
    %slice3A_15 = vector.extract_strided_slice %mul3A {offsets = [0, 112], sizes = [512, 16], strides = [1, 1]} : vector<512x128xf32> to vector<512x16xf32>
    %concatenate3A = tpu.concatenate %slice3A_8, %slice3A_9, %slice3A_10, %slice3A_11, %slice3A_12, %slice3A_13, %slice3A_14, %slice3A_15 in 0 : vector<512x16xf32>, vector<512x16xf32>, vector<512x16xf32>, vector<512x16xf32>, vector<512x16xf32>, vector<512x16xf32>, vector<512x16xf32>, vector<512x16xf32> -> vector<4096x16xf32>
    %get3A_16 = arith.constant 0 : index
    %get3A_17 = arith.constant 0 : index
    %get3A_18 = vector.load %arg4[%get3A_16, %get3A_17] : memref<1x16xf32, #tpu.memory_space<vmem>>, vector<1x16xf32>
    %add3A_19 = vector.broadcast %get3A_18 : vector<1x16xf32> to vector<4096x16xf32>
    %add3A_20 = arith.addf %concatenate3A, %add3A_19 : vector<4096x16xf32>
    %get3A_21 = arith.constant 0 : index
    %get3A_22 = arith.constant 0 : index
    %get3A_23 = vector.load %arg2[%get3A_21, %get3A_22] : memref<512x128xf32, #tpu.memory_space<vmem>>, vector<512x128xf32>
    %slice3A_24 = vector.extract_strided_slice %get3A_23 {offsets = [0, 0], sizes = [512, 16], strides = [1, 1]} : vector<512x128xf32> to vector<512x16xf32>
    %slice3A_25 = vector.extract_strided_slice %get3A_23 {offsets = [0, 16], sizes = [512, 16], strides = [1, 1]} : vector<512x128xf32> to vector<512x16xf32>
    %slice3A_26 = vector.extract_strided_slice %get3A_23 {offsets = [0, 32], sizes = [512, 16], strides = [1, 1]} : vector<512x128xf32> to vector<512x16xf32>
    %slice3A_27 = vector.extract_strided_slice %get3A_23 {offsets = [0, 48], sizes = [512, 16], strides = [1, 1]} : vector<512x128xf32> to vector<512x16xf32>
    %slice3A_28 = vector.extract_strided_slice %get3A_23 {offsets = [0, 64], sizes = [512, 16], strides = [1, 1]} : vector<512x128xf32> to vector<512x16xf32>
    %slice3A_29 = vector.extract_strided_slice %get3A_23 {offsets = [0, 80], sizes = [512, 16], strides = [1, 1]} : vector<512x128xf32> to vector<512x16xf32>
    %slice3A_30 = vector.extract_strided_slice %get3A_23 {offsets = [0, 96], sizes = [512, 16], strides = [1, 1]} : vector<512x128xf32> to vector<512x16xf32>
    %slice3A_31 = vector.extract_strided_slice %get3A_23 {offsets = [0, 112], sizes = [512, 16], strides = [1, 1]} : vector<512x128xf32> to vector<512x16xf32>
    %concatenate3A_32 = tpu.concatenate %slice3A_24, %slice3A_25, %slice3A_26, %slice3A_27, %slice3A_28, %slice3A_29, %slice3A_30, %slice3A_31 in 0 : vector<512x16xf32>, vector<512x16xf32>, vector<512x16xf32>, vector<512x16xf32>, vector<512x16xf32>, vector<512x16xf32>, vector<512x16xf32>, vector<512x16xf32> -> vector<4096x16xf32>
    %get3A_33 = arith.constant 0 : index
    %get3A_34 = arith.constant 0 : index
    %get3A_35 = vector.load %arg5[%get3A_33, %get3A_34] : memref<16x16xf32, #tpu.memory_space<vmem>>, vector<16x16xf32>
    %dot_general3A = arith.constant dense<0.000000e+00> : vector<4096x16xf32>
    %dot_general3A_36 = tpu.matmul %concatenate3A_32, %get3A_35, %dot_general3A {dimension_numbers = #tpu.dot_dimension_numbers<[1], [0], [0], [1], [0, 0, 1, 1], [], []>, transpose_lhs_hint = false} : vector<4096x16xf32>, vector<16x16xf32>, vector<4096x16xf32> -> vector<4096x16xf32>
    %add3A_37 = arith.addf %add3A_20, %dot_general3A_36 : vector<4096x16xf32>
    %max3A = arith.constant 0.000000e+00 : f32
    %max3A_38 = vector.broadcast %max3A : f32 to vector<4096x16xf32>
    %max3A_39 = arith.maximumf %add3A_37, %max3A_38 : vector<4096x16xf32>
    %get3A_40 = arith.constant 0 : index
    %get3A_41 = arith.constant 0 : index
    %get3A_42 = vector.load %arg6[%get3A_40, %get3A_41] : memref<1x16xf32, #tpu.memory_space<vmem>>, vector<1x16xf32>
    %add3A_43 = vector.broadcast %get3A_42 : vector<1x16xf32> to vector<4096x16xf32>
    %add3A_44 = arith.addf %max3A_39, %add3A_43 : vector<4096x16xf32>
    %slice3A_45 = vector.extract_strided_slice %add3A_44 {offsets = [0, 0], sizes = [512, 16], strides = [1, 1]} : vector<4096x16xf32> to vector<512x16xf32>
    %slice3A_46 = vector.extract_strided_slice %add3A_44 {offsets = [512, 0], sizes = [512, 16], strides = [1, 1]} : vector<4096x16xf32> to vector<512x16xf32>
    %slice3A_47 = vector.extract_strided_slice %add3A_44 {offsets = [1024, 0], sizes = [512, 16], strides = [1, 1]} : vector<4096x16xf32> to vector<512x16xf32>
    %slice3A_48 = vector.extract_strided_slice %add3A_44 {offsets = [1536, 0], sizes = [512, 16], strides = [1, 1]} : vector<4096x16xf32> to vector<512x16xf32>
    %slice3A_49 = vector.extract_strided_slice %add3A_44 {offsets = [2048, 0], sizes = [512, 16], strides = [1, 1]} : vector<4096x16xf32> to vector<512x16xf32>
    %slice3A_50 = vector.extract_strided_slice %add3A_44 {offsets = [2560, 0], sizes = [512, 16], strides = [1, 1]} : vector<4096x16xf32> to vector<512x16xf32>
    %slice3A_51 = vector.extract_strided_slice %add3A_44 {offsets = [3072, 0], sizes = [512, 16], strides = [1, 1]} : vector<4096x16xf32> to vector<512x16xf32>
    %slice3A_52 = vector.extract_strided_slice %add3A_44 {offsets = [3584, 0], sizes = [512, 16], strides = [1, 1]} : vector<4096x16xf32> to vector<512x16xf32>
    %concatenate3A_53 = tpu.concatenate %slice3A_45, %slice3A_46, %slice3A_47, %slice3A_48, %slice3A_49, %slice3A_50, %slice3A_51, %slice3A_52 in 1 : vector<512x16xf32>, vector<512x16xf32>, vector<512x16xf32>, vector<512x16xf32>, vector<512x16xf32>, vector<512x16xf32>, vector<512x16xf32>, vector<512x16xf32> -> vector<512x128xf32>
    %swap3A = arith.constant 0 : index
    %swap3A_54 = arith.constant 0 : index
    %swap3A_55 = vector.load %arg7[%swap3A, %swap3A_54] : memref<512x128xf32, #tpu.memory_space<vmem>>, vector<512x128xf32>
    tpu.vector_store %arg7[%swap3A, %swap3A_54], %concatenate3A_53 {strides = array<i32>} : memref<512x128xf32, #tpu.memory_space<vmem>>, vector<512x128xf32>,
    return
  }
  func.func @transform_0(%arg0: i32) -> (i32, i32, i32) {
    %c0_i32 = arith.constant 0 : i32
    %c0_i32_0 = arith.constant 0 : i32
    %c0_i32_1 = arith.constant 0 : i32
    return %c0_i32, %arg0, %c0_i32_0 : i32, i32, i32
  }
  func.func @transform_1(%arg0: i32) -> (i32, i32) {
    %c0_i32 = arith.constant 0 : i32
    %c0_i32_0 = arith.constant 0 : i32
    return %arg0, %c0_i32 : i32, i32
  }
  func.func @transform_2(%arg0: i32) -> (i32, i32) {
    %c0_i32 = arith.constant 0 : i32
    %c0_i32_0 = arith.constant 0 : i32
    return %arg0, %c0_i32 : i32, i32
  }
  func.func @transform_3(%arg0: i32) -> (i32, i32) {
    %c0_i32 = arith.constant 0 : i32
    %c0_i32_0 = arith.constant 0 : i32
    %c0_i32_1 = arith.constant 0 : i32
    return %c0_i32, %c0_i32_0 : i32, i32
  }
  func.func @transform_4(%arg0: i32) -> (i32, i32) {
    %c0_i32 = arith.constant 0 : i32
    %c0_i32_0 = arith.constant 0 : i32
    %c0_i32_1 = arith.constant 0 : i32
    return %c0_i32, %c0_i32_0 : i32, i32
  }
  func.func @transform_5(%arg0: i32) -> (i32, i32) {
    %c0_i32 = arith.constant 0 : i32
    %c0_i32_0 = arith.constant 0 : i32
    %c0_i32_1 = arith.constant 0 : i32
    return %c0_i32, %c0_i32_0 : i32, i32
  }
  func.func @transform_6(%arg0: i32) -> (i32, i32) {
    %c0_i32 = arith.constant 0 : i32
    %c0_i32_0 = arith.constant 0 : i32
    return %arg0, %c0_i32 : i32, i32
  }
}

module attributes {stable_mosaic.version = 14 : i64} {
  func.func @_l4_body(%arg0: i32, %arg1: memref<2x512x128xf32, #tpu.memory_space<vmem>>, %arg2: memref<512x128xf32, #tpu.memory_space<vmem>>, %arg3: memref<512x128xf32, #tpu.memory_space<vmem>>, %arg4: memref<16x128xf32, #tpu.memory_space<vmem>>, %arg5: memref<1x128xf32, #tpu.memory_space<vmem>>, %arg6: memref<16x128xf32, #tpu.memory_space<vmem>>, %arg7: memref<512x8x128xf32, #tpu.memory_space<vmem>>) attributes {dimension_semantics = [#tpu.dimension_semantics<arbitrary>], iteration_bounds = array<i64: 25>, scalar_prefetch = 0 : i64, scratch_operands = 0 : i64, tpu.core_type = #tpu.core_type<tc>, window_params = [{transform_indices = @transform_0, window_bounds = array<i64: 2, 512, 128>}, {transform_indices = @transform_1, window_bounds = array<i64: 512, 128>}, {transform_indices = @transform_2, window_bounds = array<i64: 512, 128>}, {pipeline_mode = #tpu.pipeline_mode<synchronous>, transform_indices = @transform_3, window_bounds = array<i64: 16, 128>}, {pipeline_mode = #tpu.pipeline_mode<synchronous>, transform_indices = @transform_4, window_bounds = array<i64: 1, 128>}, {pipeline_mode = #tpu.pipeline_mode<synchronous>, transform_indices = @transform_5, window_bounds = array<i64: 16, 128>}, {transform_indices = @transform_6, window_bounds = array<i64: 512, 8, 128>}]} {
    %get3A = arith.constant 0 : index
    %get3A_0 = arith.constant 0 : index
    %get3A_1 = arith.constant 0 : index
    %get3A_2 = vector.load %arg1[%get3A, %get3A_0, %get3A_1] : memref<2x512x128xf32, #tpu.memory_space<vmem>>, vector<2x512x128xf32>
    %slice3A = vector.extract_strided_slice %get3A_2 {offsets = [0, 0, 0], sizes = [1, 512, 128], strides = [1, 1, 1]} : vector<2x512x128xf32> to vector<1x512x128xf32>
    %squeeze3A = vector.shape_cast %slice3A : vector<1x512x128xf32> to vector<512x128xf32>
    %slice3A_3 = vector.extract_strided_slice %get3A_2 {offsets = [1, 0, 0], sizes = [1, 512, 128], strides = [1, 1, 1]} : vector<2x512x128xf32> to vector<1x512x128xf32>
    %squeeze3A_4 = vector.shape_cast %slice3A_3 : vector<1x512x128xf32> to vector<512x128xf32>
    %add3A = arith.addf %squeeze3A, %squeeze3A_4 : vector<512x128xf32>
    %get3A_5 = arith.constant 0 : index
    %get3A_6 = arith.constant 0 : index
    %get3A_7 = vector.load %arg3[%get3A_5, %get3A_6] : memref<512x128xf32, #tpu.memory_space<vmem>>, vector<512x128xf32>
    %mul3A = arith.mulf %add3A, %get3A_7 : vector<512x128xf32>
    %slice3A_8 = vector.extract_strided_slice %mul3A {offsets = [0, 0], sizes = [512, 16], strides = [1, 1]} : vector<512x128xf32> to vector<512x16xf32>
    %slice3A_9 = vector.extract_strided_slice %mul3A {offsets = [0, 16], sizes = [512, 16], strides = [1, 1]} : vector<512x128xf32> to vector<512x16xf32>
    %slice3A_10 = vector.extract_strided_slice %mul3A {offsets = [0, 32], sizes = [512, 16], strides = [1, 1]} : vector<512x128xf32> to vector<512x16xf32>
    %slice3A_11 = vector.extract_strided_slice %mul3A {offsets = [0, 48], sizes = [512, 16], strides = [1, 1]} : vector<512x128xf32> to vector<512x16xf32>
    %slice3A_12 = vector.extract_strided_slice %mul3A {offsets = [0, 64], sizes = [512, 16], strides = [1, 1]} : vector<512x128xf32> to vector<512x16xf32>
    %slice3A_13 = vector.extract_strided_slice %mul3A {offsets = [0, 80], sizes = [512, 16], strides = [1, 1]} : vector<512x128xf32> to vector<512x16xf32>
    %slice3A_14 = vector.extract_strided_slice %mul3A {offsets = [0, 96], sizes = [512, 16], strides = [1, 1]} : vector<512x128xf32> to vector<512x16xf32>
    %slice3A_15 = vector.extract_strided_slice %mul3A {offsets = [0, 112], sizes = [512, 16], strides = [1, 1]} : vector<512x128xf32> to vector<512x16xf32>
    %concatenate3A = tpu.concatenate %slice3A_8, %slice3A_9, %slice3A_10, %slice3A_11, %slice3A_12, %slice3A_13, %slice3A_14, %slice3A_15 in 0 : vector<512x16xf32>, vector<512x16xf32>, vector<512x16xf32>, vector<512x16xf32>, vector<512x16xf32>, vector<512x16xf32>, vector<512x16xf32>, vector<512x16xf32> -> vector<4096x16xf32>
    %get3A_16 = arith.constant 0 : index
    %get3A_17 = arith.constant 0 : index
    %get3A_18 = vector.load %arg4[%get3A_16, %get3A_17] : memref<16x128xf32, #tpu.memory_space<vmem>>, vector<16x128xf32>
    %dot_general3A = arith.constant dense<0.000000e+00> : vector<4096x128xf32>
    %dot_general3A_19 = tpu.matmul %concatenate3A, %get3A_18, %dot_general3A {dimension_numbers = #tpu.dot_dimension_numbers<[1], [0], [0], [1], [0, 0, 1, 1], [], []>, transpose_lhs_hint = false} : vector<4096x16xf32>, vector<16x128xf32>, vector<4096x128xf32> -> vector<4096x128xf32>
    %get3A_20 = arith.constant 0 : index
    %get3A_21 = arith.constant 0 : index
    %get3A_22 = vector.load %arg5[%get3A_20, %get3A_21] : memref<1x128xf32, #tpu.memory_space<vmem>>, vector<1x128xf32>
    %add3A_23 = vector.broadcast %get3A_22 : vector<1x128xf32> to vector<4096x128xf32>
    %add3A_24 = arith.addf %dot_general3A_19, %add3A_23 : vector<4096x128xf32>
    %get3A_25 = arith.constant 0 : index
    %get3A_26 = arith.constant 0 : index
    %get3A_27 = vector.load %arg2[%get3A_25, %get3A_26] : memref<512x128xf32, #tpu.memory_space<vmem>>, vector<512x128xf32>
    %slice3A_28 = vector.extract_strided_slice %get3A_27 {offsets = [0, 0], sizes = [512, 16], strides = [1, 1]} : vector<512x128xf32> to vector<512x16xf32>
    %slice3A_29 = vector.extract_strided_slice %get3A_27 {offsets = [0, 16], sizes = [512, 16], strides = [1, 1]} : vector<512x128xf32> to vector<512x16xf32>
    %slice3A_30 = vector.extract_strided_slice %get3A_27 {offsets = [0, 32], sizes = [512, 16], strides = [1, 1]} : vector<512x128xf32> to vector<512x16xf32>
    %slice3A_31 = vector.extract_strided_slice %get3A_27 {offsets = [0, 48], sizes = [512, 16], strides = [1, 1]} : vector<512x128xf32> to vector<512x16xf32>
    %slice3A_32 = vector.extract_strided_slice %get3A_27 {offsets = [0, 64], sizes = [512, 16], strides = [1, 1]} : vector<512x128xf32> to vector<512x16xf32>
    %slice3A_33 = vector.extract_strided_slice %get3A_27 {offsets = [0, 80], sizes = [512, 16], strides = [1, 1]} : vector<512x128xf32> to vector<512x16xf32>
    %slice3A_34 = vector.extract_strided_slice %get3A_27 {offsets = [0, 96], sizes = [512, 16], strides = [1, 1]} : vector<512x128xf32> to vector<512x16xf32>
    %slice3A_35 = vector.extract_strided_slice %get3A_27 {offsets = [0, 112], sizes = [512, 16], strides = [1, 1]} : vector<512x128xf32> to vector<512x16xf32>
    %concatenate3A_36 = tpu.concatenate %slice3A_28, %slice3A_29, %slice3A_30, %slice3A_31, %slice3A_32, %slice3A_33, %slice3A_34, %slice3A_35 in 0 : vector<512x16xf32>, vector<512x16xf32>, vector<512x16xf32>, vector<512x16xf32>, vector<512x16xf32>, vector<512x16xf32>, vector<512x16xf32>, vector<512x16xf32> -> vector<4096x16xf32>
    %get3A_37 = arith.constant 0 : index
    %get3A_38 = arith.constant 0 : index
    %get3A_39 = vector.load %arg6[%get3A_37, %get3A_38] : memref<16x128xf32, #tpu.memory_space<vmem>>, vector<16x128xf32>
    %dot_general3A_40 = arith.constant dense<0.000000e+00> : vector<4096x128xf32>
    %dot_general3A_41 = tpu.matmul %concatenate3A_36, %get3A_39, %dot_general3A_40 {dimension_numbers = #tpu.dot_dimension_numbers<[1], [0], [0], [1], [0, 0, 1, 1], [], []>, transpose_lhs_hint = false} : vector<4096x16xf32>, vector<16x128xf32>, vector<4096x128xf32> -> vector<4096x128xf32>
    %add3A_42 = arith.addf %add3A_24, %dot_general3A_41 : vector<4096x128xf32>
    %slice3A_43 = vector.extract_strided_slice %add3A_42 {offsets = [0, 0], sizes = [512, 128], strides = [1, 1]} : vector<4096x128xf32> to vector<512x128xf32>
    %broadcast_in_dim3A = vector.shape_cast %slice3A_43 : vector<512x128xf32> to vector<512x1x128xf32>
    %slice3A_44 = vector.extract_strided_slice %add3A_42 {offsets = [512, 0], sizes = [512, 128], strides = [1, 1]} : vector<4096x128xf32> to vector<512x128xf32>
    %broadcast_in_dim3A_45 = vector.shape_cast %slice3A_44 : vector<512x128xf32> to vector<512x1x128xf32>
    %slice3A_46 = vector.extract_strided_slice %add3A_42 {offsets = [1024, 0], sizes = [512, 128], strides = [1, 1]} : vector<4096x128xf32> to vector<512x128xf32>
    %broadcast_in_dim3A_47 = vector.shape_cast %slice3A_46 : vector<512x128xf32> to vector<512x1x128xf32>
    %slice3A_48 = vector.extract_strided_slice %add3A_42 {offsets = [1536, 0], sizes = [512, 128], strides = [1, 1]} : vector<4096x128xf32> to vector<512x128xf32>
    %broadcast_in_dim3A_49 = vector.shape_cast %slice3A_48 : vector<512x128xf32> to vector<512x1x128xf32>
    %slice3A_50 = vector.extract_strided_slice %add3A_42 {offsets = [2048, 0], sizes = [512, 128], strides = [1, 1]} : vector<4096x128xf32> to vector<512x128xf32>
    %broadcast_in_dim3A_51 = vector.shape_cast %slice3A_50 : vector<512x128xf32> to vector<512x1x128xf32>
    %slice3A_52 = vector.extract_strided_slice %add3A_42 {offsets = [2560, 0], sizes = [512, 128], strides = [1, 1]} : vector<4096x128xf32> to vector<512x128xf32>
    %broadcast_in_dim3A_53 = vector.shape_cast %slice3A_52 : vector<512x128xf32> to vector<512x1x128xf32>
    %slice3A_54 = vector.extract_strided_slice %add3A_42 {offsets = [3072, 0], sizes = [512, 128], strides = [1, 1]} : vector<4096x128xf32> to vector<512x128xf32>
    %broadcast_in_dim3A_55 = vector.shape_cast %slice3A_54 : vector<512x128xf32> to vector<512x1x128xf32>
    %slice3A_56 = vector.extract_strided_slice %add3A_42 {offsets = [3584, 0], sizes = [512, 128], strides = [1, 1]} : vector<4096x128xf32> to vector<512x128xf32>
    %broadcast_in_dim3A_57 = vector.shape_cast %slice3A_56 : vector<512x128xf32> to vector<512x1x128xf32>
    %concatenate3A_58 = tpu.concatenate %broadcast_in_dim3A, %broadcast_in_dim3A_45, %broadcast_in_dim3A_47, %broadcast_in_dim3A_49, %broadcast_in_dim3A_51, %broadcast_in_dim3A_53, %broadcast_in_dim3A_55, %broadcast_in_dim3A_57 in 1 : vector<512x1x128xf32>, vector<512x1x128xf32>, vector<512x1x128xf32>, vector<512x1x128xf32>, vector<512x1x128xf32>, vector<512x1x128xf32>, vector<512x1x128xf32>, vector<512x1x128xf32> -> vector<512x8x128xf32>
    %swap3A = arith.constant 0 : index
    %swap3A_59 = arith.constant 0 : index
    %swap3A_60 = arith.constant 0 : index
    %swap3A_61 = vector.load %arg7[%swap3A, %swap3A_59, %swap3A_60] : memref<512x8x128xf32, #tpu.memory_space<vmem>>, vector<512x8x128xf32>
    tpu.vector_store %arg7[%swap3A, %swap3A_59, %swap3A_60], %concatenate3A_58 {strides = array<i32>} : memref<512x8x128xf32, #tpu.memory_space<vmem>>, vector<512x8x128xf32>,
    return
  }
  func.func @transform_0(%arg0: i32) -> (i32, i32, i32) {
    %c0_i32 = arith.constant 0 : i32
    %c0_i32_0 = arith.constant 0 : i32
    %c0_i32_1 = arith.constant 0 : i32
    return %c0_i32, %arg0, %c0_i32_0 : i32, i32, i32
  }
  func.func @transform_1(%arg0: i32) -> (i32, i32) {
    %c0_i32 = arith.constant 0 : i32
    %c0_i32_0 = arith.constant 0 : i32
    return %arg0, %c0_i32 : i32, i32
  }
  func.func @transform_2(%arg0: i32) -> (i32, i32) {
    %c0_i32 = arith.constant 0 : i32
    %c0_i32_0 = arith.constant 0 : i32
    return %arg0, %c0_i32 : i32, i32
  }
  func.func @transform_3(%arg0: i32) -> (i32, i32) {
    %c0_i32 = arith.constant 0 : i32
    %c0_i32_0 = arith.constant 0 : i32
    %c0_i32_1 = arith.constant 0 : i32
    return %c0_i32, %c0_i32_0 : i32, i32
  }
  func.func @transform_4(%arg0: i32) -> (i32, i32) {
    %c0_i32 = arith.constant 0 : i32
    %c0_i32_0 = arith.constant 0 : i32
    %c0_i32_1 = arith.constant 0 : i32
    return %c0_i32, %c0_i32_0 : i32, i32
  }
  func.func @transform_5(%arg0: i32) -> (i32, i32) {
    %c0_i32 = arith.constant 0 : i32
    %c0_i32_0 = arith.constant 0 : i32
    %c0_i32_1 = arith.constant 0 : i32
    return %c0_i32, %c0_i32_0 : i32, i32
  }
  func.func @transform_6(%arg0: i32) -> (i32, i32, i32) {
    %c0_i32 = arith.constant 0 : i32
    %c0_i32_0 = arith.constant 0 : i32
    %c0_i32_1 = arith.constant 0 : i32
    return %arg0, %c0_i32, %c0_i32_0 : i32, i32, i32
  }
}

</mosaic_0001>

<sc_bundles>
// kernel: kernel.11.cloned.1.call-start
scs
__scs_entry_jumppad:
0x0: {  	(pc) =	sbr.rel $0x88, $3  }
0x1: {  	(tag) =	ssettag $0x0;
	lr =	simm.s32 $0x1  }
0x2: {  	[smem:$0x3F8D] =	sst lr;
	_ =	strace $0xD0000000  }
0x3: {  	_ = 	snop  }
0x4: {  	_ = 	snop  }
0x5: {  	_ = 	snop  }
0x6: {  	_ = 	snop  }
0x7: {  	_ = 	snop  }
__scs_overlays_trampoline_lowered:
0x8: {  	[smem:$0x3F9C] =	sst s0  }
0x9: {  	[smem:$0x3F9D] =	sst s1  }
0xa: {  	[smem:$0x3F9E] =	sst s2  }
0xb: {  	[smem:$0x3F9F] =	sst s3  }
0xc: {  	[smem:$0x3FA0] =	sst s4  }
0xd: {  	[smem:$0x3FA1] =	sst s5  }
0xe: {  	[smem:$0x3FA2] =	sst s6  }
0xf: {  	[smem:$0x3FA3] =	sst s7  }
0x10: {  	[smem:$0x3FA4] =	sst s8  }
0x11: {  	[smem:$0x3FA5] =	sst s9;
	s0 =	simm.s32 @!p0 $0x0  }
0x12: {  	s1 =	sld [smem:$0x3F8B];
	s0 =	simm.s32 @p0 $0x1  }
0x13: {  	[smem:$0x3FA6] =	sst s0;
	s0 =	simm.s32 @!p1 $0x0  }
0x14: {  	s2 =	sld [smem:$0x3F8A];
	s0 =	simm.s32 @p1 $0x1  }
0x15: {  	[smem:$0x3FA7] =	sst s0;
	s0 =	simm.s32 @!p2 $0x0  }
0x16: {  	s3 =	sld [smem:$0x3FDB];
	s0 =	simm.s32 @p2 $0x1  }
0x17: {  	s4 =	simm.s32 $0x1BF5;
	[smem:$0x3FA9] =	sst s0  }
0x18: {  	s0 =	sld [smem:$0x3F8C];
	_ =	swait.ge [sflag:s4], $0x0  }
0x19: {  	s7 =	sld [smem:$0x3F8D]  }
0x1a: {  	s8 =	sadd.s32 $0xFFFFE003, lr  }
0x1b: {  	s9 =	sadd.s32 $0xFFFFFEF7, lr;
	s5 =	simm.s32 $0xFFFFFFFF;
	p2 =	slt.u32 s8, $0xFFFFF086  }
0x1c: {  	p1 =	slt.u32 s9, $0xF7A;
	s5 =	simm.s32 @!p2 $0x0  }
0x1d: {  	s5 =	simm.s32 @p1 $0x1;
	p0 =	seq.s32 s7, s2  }
0x1e: {  	s7 =	smul.u32 @!p0 $0xF7A, s2;
	p2 =	seq.s32 @!p0 s5, $0x0  }
0x1f: {  	s9 =	smul.u32 $0xF7A, s1;
	s8 =	simm.s32 @!p0 $0x1BF5;
	p2 =	por !p2, p0  }
0x20: {  	[sflag:s8] =	ssyncset.s32 @!p0 $0xFFFFF086;
	s6 =	sadd.s32 @!p0 s3, s7;
	s7 =	simm.s32 @!p0 $0x108  }
0x21: {  	s3 =	sadd.s32 s3, s9;
	s6 =	sadd.s32 @!p0 $0x88, s6;
	s7 =	simm.s32 @p2 $0x1082  }
0x22: {  	[simem:s7], [sflag:s8] =	dma.local @!p0 [hbm:s6], $0xF7A  }
0x23: {  	s9 =	sor.u32 $0xD0000000, s2;
	s6 =	simm.s32 $0x108;
	_ =	swait.ge @!p0 [sflag:s8], $0x0  }
0x24: {  	s3 =	sadd.s32 $0x88, s3;
	s6 =	simm.s32 @!p1 $0x1082;
	[sflag:s4] =	ssyncset.s32 $0xFFFFF086  }
0x25: {  	[simem:s6], [sflag:s4] =	dma.local [hbm:s3], $0xF7A  }
0x26: {  	[smem:$0x3F8D] =	sst s1;
	(tag) =	ssettag s2;
	_ =	strace s9  }
0x27: {  	s1 =	sld [smem:$0x3F9D]  }
0x28: {  	s2 =	sld [smem:$0x3F9E]  }
0x29: {  	s4 =	sld [smem:$0x3FA0]  }
0x2a: {  	p0 =	seq.s32 s5, $0x0;
	s5 =	sld [smem:$0x3FA1]  }
0x2b: {  	s6 =	sld [smem:$0x3FA2]  }
0x2c: {  	s7 =	sld [smem:$0x3FA3]  }
0x2d: {  	s3 =	simm.s32 $0x108;
	s8 =	sld [smem:$0x3FA4]  }
0x2e: {  	s3 =	simm.s32 @!p0 $0x1082;
	s9 =	sld [smem:$0x3FA5]  }
0x2f: {  	lr =	sadd.s32 s0, s3;
	s0 =	sld [smem:$0x3F9C]  }
0x30: {  	s3 =	sld [smem:$0x3F9F]  }
0x31: {  	[smem:$0x3FA8] =	sst s10  }
0x32: {  	s10 =	sld [smem:$0x3FA6];
	_ =	sdelay $0x3  }
0x33: {  	p0 =	seq.s32 s10, $0x1;
	s10 =	sld [smem:$0x3FA8];
	_ =	sdelay $0x3  }
0x34: {  	[smem:$0x3FA8] =	sst s10  }
0x35: {  	s10 =	sld [smem:$0x3FA7];
	_ =	sdelay $0x3  }
0x36: {  	p1 =	seq.s32 s10, $0x1;
	s10 =	sld [smem:$0x3FA8];
	_ =	sdelay $0x3  }
0x37: {  	[smem:$0x3FA8] =	sst s10  }
0x38: {  	s10 =	sld [smem:$0x3FA9]  }
0x39: {  	_ = 	snop;
	(pc) =	sbr.ind lr, $3  }
0x3a: {  	_ = 	snop  }
0x3b: {  	_ = 	snop  }
0x3c: {  	p2 =	seq.s32 s10, $0x1;
	s10 =	sld [smem:$0x3FA8]  }
0x3d: {  	_ =	shalt  }
0x3e: {  	_ =	shalt  }
0x3f: {  	_ =	shalt  }
0x40: {  	_ =	shalt  }
0x41: {  	_ =	shalt  }
0x42: {  	_ =	shalt  }
0x43: {  	_ =	shalt  }
0x44: {  	_ =	shalt  }
0x45: {  	_ =	shalt  }
0x46: {  	_ =	shalt  }
0x47: {  	_ =	shalt  }
0x48: {  	_ =	shalt  }
0x49: {  	_ =	shalt  }
0x4a: {  	_ =	shalt  }
0x4b: {  	_ =	shalt  }
0x4c: {  	_ =	shalt  }
0x4d: {  	_ =	shalt  }
0x4e: {  	_ =	shalt  }
0x4f: {  	_ =	shalt  }
0x50: {  	_ =	shalt  }
0x51: {  	_ =	shalt  }
0x52: {  	_ =	shalt  }
0x53: {  	_ =	shalt  }
0x54: {  	_ =	shalt  }
0x55: {  	_ =	shalt  }
0x56: {  	_ =	shalt  }
0x57: {  	_ =	shalt  }
0x58: {  	_ =	shalt  }
0x59: {  	_ =	shalt  }
0x5a: {  	_ =	shalt  }
0x5b: {  	_ =	shalt  }
0x5c: {  	_ =	shalt  }
0x5d: {  	_ =	shalt  }
0x5e: {  	_ =	shalt  }
0x5f: {  	_ =	shalt  }
0x60: {  	_ =	shalt  }
0x61: {  	_ =	shalt  }
0x62: {  	_ =	shalt  }
0x63: {  	_ =	shalt  }
0x64: {  	_ =	shalt  }
0x65: {  	_ =	shalt  }
0x66: {  	_ =	shalt  }
0x67: {  	_ =	shalt  }
0x68: {  	_ =	shalt  }
0x69: {  	_ =	shalt  }
0x6a: {  	_ =	shalt  }
0x6b: {  	_ =	shalt  }
0x6c: {  	_ =	shalt  }
0x6d: {  	_ =	shalt  }
0x6e: {  	_ =	shalt  }
0x6f: {  	_ =	shalt  }
0x70: {  	_ =	shalt  }
0x71: {  	_ =	shalt  }
0x72: {  	_ =	shalt  }
0x73: {  	_ =	shalt  }
0x74: {  	_ =	shalt  }
0x75: {  	_ =	shalt  }
0x76: {  	_ =	shalt  }
0x77: {  	_ =	shalt  }
0x78: {  	_ =	shalt  }
0x79: {  	_ =	shalt  }
0x7a: {  	_ =	shalt  }
0x7b: {  	_ =	shalt  }
0x7c: {  	_ =	shalt  }
0x7d: {  	_ =	shalt  }
0x7e: {  	_ =	shalt  }
0x7f: {  	_ =	shalt  }
0x80: {  	_ =	shalt  }
0x81: {  	_ =	shalt  }
0x82: {  	_ =	shalt  }
0x83: {  	_ =	shalt  }
0x84: {  	_ =	shalt  }
0x85: {  	_ =	shalt  }
0x86: {  	_ =	shalt  }
0x87: {  	_ =	shalt  }
.Lfunc_end0:
.L_simem_size_0:
called_computation_lowered:
.L_overlay_start_0:
0x88: {  	s2 =	sld [smem:$0x3FD9]  }
0x89: {  	s3 =	sld [smem:$0x3FFE];
	_ =	sdelay $0x1  }
0x8a: {  	s1 =	srdreg.scid  }
0x8b: {  	s0 =	sand.u32 $0x1, s1  }
0x8c: {  	s17 =	sshll.u32 s0, $0xA;
	s2 =	sadd.s32 s3, s2  }
0x8d: {  	s2 =	sadd.s32 s2, s17  }
0x8e: {  	[smem:$0x3FB4] =	sst s2  }
0x8f: {  	_ = 	snop  }
0x90: {  	s2 =	sld [smem:$0x3FD0];
	(tm) =	ssettm $0x1  }
0x91: {  	s18 =	sld [smem:$0x3FFB];
	_ =	sdelay $0x3  }
0x92: {  	_ =	strace s18  }
0x93: {  	s3 =	sld [smem:$0x3FFC];
	_ =	sdelay $0x3  }
0x94: {  	_ =	strace s3  }
0x95: {  	s3 =	sld [smem:$0x3FFD];
	_ =	sdelay $0x3  }
0x96: {  	_ =	strace s3  }
0x97: {  	_ =	strace $0x8FFFFFFF  }
0x98: {  	s19 =	sld [smem:$0x3FDB];
	_ =	sdelay $0x1  }
0x99: {  	s4 =	simm.s32 $_scs_section_size  }
0x9a: {  	s5 =	simm.s32 $_size__tile_overlayer_lowered;
	s6 =	simm.s32 $_tile_overlayer_lowered  }
0x9b: {  	s22 =	simm.s32 $0x1BFF;
	s21 =	sshll.u32 s6, $0x1;
	s3 =	sadd.s32 s4, s19  }
0x9c: {  	s7 =	simm.s32 $0x0;
	s20 =	sshll.u32 s5, $0x1;
	s5 =	sadd.s32 s21, s3  }
0x9d: {  	[timem:s7], [sflag:s22] =	dma.local [hbm:s5], s20  }
0x9e: {  	_ =	swait.ge [sflag:s22], s20  }
0x9f: {  	s4 =	ssub.s32 $0x0, s20;
	[sflag:s22] =	ssyncset.done $0x0  }
0xa0: {  	[sflag:s22] =	ssyncadd.s32 s4;
	_ =	sdelay $0x1  }
0xa1: {  	s23 =	simm.s32 $0x1B8B  }
0xa2: {  	_ =	swait.ge [sflag:s23], $0x1  }
0xa3: {  	[sflag:s23] =	ssyncset.done $0x0  }
0xa4: {  	s25 =	simm.s32 $0x1B8E;
	s24 =	sld [smem:$0x3FFE];
	[sflag:s23] =	ssyncadd.s32 $0xFFFFFFFF  }
0xa5: {  	s26 =	simm.s32 $execute0_lowered;
	[smem:$0x3FD2] =	sst s25  }
0xa6: {  	s5 =	sshll.u32 s26, $0x1;
	_ =	strace $0x80000046;
	[dreg:$0x1] =	wrdreg $0xFFFFFFFF  }
0xa7: {  	s28 =	simm.s32 $_size_execute0_lowered;
	s3 =	sadd.s32 s3, s5;
	[dreg:$0x0] =	wrdreg $0x0  }
0xa8: {  	s5 =	sshll.u32 s28, $0x1;
	[dreg:$0x2] =	wrdreg s3  }
0xa9: {  	[dreg:$0x3] =	wrdreg s5  }
0xaa: {  	[dreg:$0x4] =	wrdreg $0xC0  }
0xab: {  	_ =	task [dreg:s7], $0x5FFFF  }
0xac: {  	[dreg:$0x1] =	wrdreg $0xFFFFFFFF  }
0xad: {  	[dreg:$0x0] =	wrdreg $0x60  }
0xae: {  	[dreg:$0x2] =	wrdreg s24  }
0xaf: {  	[dreg:$0x3] =	wrdreg s2  }
0xb0: {  	[dreg:$0x4] =	wrdreg $0x6C000  }
0xb1: {  	[dreg:$0x5] =	wrdreg $0x9  }
0xb2: {  	_ =	task.clear_ibuf [dreg:s7], $0x6FFFF;
	_ =	strace $0x90000046  }
0xb3: {  	s29 =	simm.s32 $0x9;
	_ =	strace $0x80000048  }
0xb4: {  	_ =	swait.ge [sflag:s29], $0x1  }
0xb5: {  	[sflag:s29] =	ssyncadd.s32 $0xFFFFFFFF  }
0xb6: {  	_ =	strace $0x90000048  }
0xb7: {  	_ =	sfence  }
0xb8: {  	s30 =	sld [smem:$0x0];
	_ =	sdelay $0x2  }
0xb9: {  	s31 =	sshll.u32 s1, $0xD;
	s1 =	sshrl.u32 s1, $0x2  }
0xba: {  	s3 =	sand.u32 $0x4000, s31;
	s1 =	sadd.s32 s1, s30  }
0xbb: {  	s0 =	sor.u32 s3, s0;
	s1 =	sshll.u32 s1, $0x11  }
0xbc: {  	s0 =	sor.u32 s1, s0  }
0xbd: {  	s0 =	sadd.s32 $0x8F2B, s0  }
0xbe: {  	[sflag:s0] =	ssyncadd.remote.s32 $0x1  }
0xbf: {  	_ =	sfence.sel $0xFFFF  }
0xc0: {  	[dreg:$0x0] =	wrdreg $0xFFFFFFFF;
	(pc) =	sbr.abs _section_cstart, $3  }
0xc1: {  	[dreg:$0x1] =	wrdreg $0xFFFFFFFF  }
0xc2: {  	_ =	task.clear_ibuf [dreg:s7], $0x2FFFF;
	_ =	strace $0x9FFFFFFF  }
0xc3: {  	(tm) =	ssettm $0x7FFFFFFF  }
tec
execute0_lowered:
.L_overlay_start_1:
0x0: {  	(tag) =	ssettag $0x1  }
0x1: {  	s0 =	rddreg [dreg:$0x0]  }
0x2: {  	s3 =	rddreg [dreg:$0x1]  }
0x3: {  	s1 =	rddreg [dreg:$0x2];
	s2 =	simm.s32 $0x0;
	s4 =	srdreg.scid  }
0x4: {  	s5 =	stileid.u32;
	s29 =	simm.s32 $0x200;
	s30 =	simm.s32 $0x1  }
0x5: {  	s31 =	simm.s32 $0x2;
	[smem:$0x7FF] =	sst s2;
	s14 =	smul.u32 $0x18800, s5  }
0x6: {  	s12 =	sand.u32 $0x1, s4;
	s11 =	sadd.s32 $0x32A00, s0;
	s13 =	smul.u32 $0xFFFFFCF0, s5  }
0x7: {  	s21 =	sshll.u32 s5, $0x6;
	_ =	strace $0x80000047;
	s6 =	smul.u32 $0x31000, s12  }
0x8: {  	s4 =	sshll.u32 s12, $0x4;
	s7 =	ssub.s32 $0x2, s12;
	s17 =	smul.u32 $0xFFFFCF00, s12  }
0x9: {  	[dreg:$0x5] =	wrdreg s11;
	s18 =	smul.u32 $0x188000, s12;
	s8 =	sor.u32 s5, s4  }
0xa: {  	s4 =	sadd.s32 $0x1C00, s0;
	s9 =	sshrl.u32 s7, $0x1;
	s16 =	sadd.s32 s14, s1  }
0xb: {  	s10 =	smul.u32 $0xFFFFFCF0, s8;
	s0 =	sadd.s32 s6, s0;
	s15 =	ssub.s32 s7, s9  }
0xc: {  	s19 =	smul.u32 $0x3100, s8;
	s6 =	sor.u32 $0x1C04, s21;
	s9 =	sadd.s32 $0x61A80, s3  }
0xd: {  	s17 =	sadd.s32 s17, s13;
	s18 =	sadd.s32 s14, s18;
	s21 =	simm.s32 $0x80  }
0xe: {  	s17 =	sadd.s32 $0x61A8, s17;
	s0 =	sadd.s32 $0x35C00, s0;
	s18 =	sor.u32 $0x600, s18  }
0xf: {  	s28 =	smax.u32 s15, $0x1;
	s20 =	sadd.s32 $0x61A8, s10;
	s23 =	sadd.s32 s3, s19  }
0x10: {  	s24 =	sor.u32 $0x40, s19;
	s25 =	sor.u32 $0x80, s19;
	[dreg:$0xb] =	wrdreg s28  }
0x11: {  	s17 =	sshrl.u32 s17, $0x2;
	s15 =	sshrl.u32 s18, $0x3;
	[dreg:$0x6] =	wrdreg s23  }
0x12: {  	s18 =	simm.s32 $0x4;
	s19 =	sadd.s32 s19, s9;
	[dreg:$0x7] =	wrdreg s24  }
0x13: {  	s22 =	sshrl.u32 s20, $0x2;
	s5 =	sadd.s32 s3, s24;
	[dreg:$0x8] =	wrdreg s25  }
0x14: {  	s26 =	sadd.s32 s3, s25;
	s20 =	sshrl.u32 s14, $0x3;
	s17 =	smin.u32 s17, $0xC4  }
0x15: {  	s25 =	sadd.s32 s15, s3;
	s7 =	smin.u32 s22, $0xC4;
	[dreg:$0x9] =	wrdreg s5  }
0x16: {  	[dreg:$0xa] =	wrdreg s26;
	s17 =	sshll.u32 s17, $0xB;
	s24 =	sadd.s32 s20, s0  }
0x17: {  	s0 =	simm.s32 $0x0;
	[dreg:$0x4] =	wrdreg s17;
	s17 =	sshrl.u32 s16, $0x3  }
.LBB2_1:
0x18: {  	s3 =	rddreg [dreg:$0x5]  }
0x19: {  	[spmem:s17], [sflag:s6] =	dma.local [hbm:s3], $0x3100  }
0x1a: {  	_ =	swait.ge [sflag:s18], $0x3100  }
0x1b: {  	[sflag:s18] =	ssyncset.done $0x0  }
0x1c: {  	[sflag:s18] =	ssyncadd.s32 $0xFFFFCF00  }
0x1d: {  	[bflag:$0x0] =	sbarrier.arrive $0xFFFF  }
0x1e: {  	s22 =	rddreg [dreg:$0x6]  }
0x1f: {  	[tilespmem:s2], [sflag:$0x3] =	stream.linear.gather [hbm4b:s22+s2], $0x200, $0x38;
	[tilespmem:$0x1F400] =	vst v63  }
0x20: {  	s23 =	simm.s32 $0x600;
	s3 =	simm.s32 $0x3  }
0x21: {  	[tilespmem:s23], [sflag:$0x3] =	stream.linear.gather [hbm4b:s19+s2], $0x200, $0x38;
	[tilespmem:$0x1F400] =	vst v63  }
0x22: {  	_ =	swait.ge [sflag:s3], $0x200  }
0x23: {  	[sflag:s3] =	ssyncset.done $0x0  }
0x24: {  	[sflag:s3] =	ssyncadd.s32 $0xFFFFFE00  }
0x25: {  	_ =	swait.ge [sflag:s3], $0x200  }
0x26: {  	[sflag:s3] =	ssyncset.done $0x0  }
0x27: {  	s20 =	simm.s32 $0xC00;
	[sflag:s3] =	ssyncadd.s32 $0xFFFFFE00  }
0x28: {  	[tilespmem:s20], [sflag:$0x1] =	stream.indirect.gather [hbm4b:s4+s21], $0x10, s2, s21, $0xb8;
	[tilespmem:$0x1F400] =	vst v63  }
0x29: {  	s5 =	simm.s32 $0x1400  }
0x2a: {  	[tilespmem:s5], [sflag:$0x1] =	stream.indirect.gather [hbm4b:s4+s21], $0x10, s21, s21, $0xb8;
	[tilespmem:$0x1F400] =	vst v63  }
0x2b: {  	s26 =	simm.s32 $0x100;
	s8 =	simm.s32 $0x1C00  }
0x2c: {  	[tilespmem:s8], [sflag:$0x1] =	stream.indirect.gather [hbm4b:s4+s21], $0x10, s26, s21, $0xb8;
	[tilespmem:$0x1F400] =	vst v63  }
0x2d: {  	s10 =	simm.s32 $0x180;
	s11 =	simm.s32 $0x2400;
	s12 =	rddreg [dreg:$0x9]  }
0x2e: {  	[tilespmem:s11], [sflag:$0x1] =	stream.indirect.gather [hbm4b:s4+s21], $0x10, s10, s21, $0xb8;
	[tilespmem:$0x1F400] =	vst v63  }
0x2f: {  	s13 =	rddreg [dreg:$0x7]  }
0x30: {  	[tilespmem:s29], [sflag:$0x3] =	stream.linear.gather [hbm4b:s12+s2], $0x200, $0x38;
	[tilespmem:$0x1F400] =	vst v63  }
0x31: {  	s14 =	simm.s32 $0x800;
	s16 =	sadd.s32 s13, s9  }
0x32: {  	[tilespmem:s14], [sflag:$0x3] =	stream.linear.gather [hbm4b:s16+s2], $0x200, $0x38;
	[tilespmem:$0x1F400] =	vst v63  }
0x33: {  	_ =	swait.ge [sflag:s3], $0x200  }
0x34: {  	[sflag:s3] =	ssyncset.done $0x0  }
0x35: {  	[sflag:s3] =	ssyncadd.s32 $0xFFFFFE00  }
0x36: {  	_ =	swait.ge [sflag:s3], $0x200  }
0x37: {  	[sflag:s3] =	ssyncset.done $0x0  }
0x38: {  	s22 =	simm.s32 $0x2C00;
	[sflag:s3] =	ssyncadd.s32 $0xFFFFFE00  }
0x39: {  	[tilespmem:s22], [sflag:$0x1] =	stream.indirect.gather [hbm4b:s4+s21], $0x10, s29, s21, $0xb8;
	[tilespmem:$0x1F400] =	vst v63  }
0x3a: {  	s23 =	simm.s32 $0x280;
	s26 =	simm.s32 $0x3400  }
0x3b: {  	[tilespmem:s26], [sflag:$0x1] =	stream.indirect.gather [hbm4b:s4+s21], $0x10, s23, s21, $0xb8;
	[tilespmem:$0x1F400] =	vst v63  }
0x3c: {  	s10 =	simm.s32 $0x300;
	s11 =	simm.s32 $0x3C00  }
0x3d: {  	[tilespmem:s11], [sflag:$0x1] =	stream.indirect.gather [hbm4b:s4+s21], $0x10, s10, s21, $0xb8;
	[tilespmem:$0x1F400] =	vst v63  }
0x3e: {  	s13 =	simm.s32 $0x4400;
	s12 =	simm.s32 $0x380;
	s14 =	rddreg [dreg:$0xa]  }
0x3f: {  	[tilespmem:s13], [sflag:$0x1] =	stream.indirect.gather [hbm4b:s4+s21], $0x10, s12, s21, $0xb8;
	[tilespmem:$0x1F400] =	vst v63  }
0x40: {  	s28 =	simm.s32 $0x0;
	s16 =	simm.s32 $0x400;
	s22 =	rddreg [dreg:$0x8]  }
0x41: {  	[tilespmem:s16], [sflag:$0x3] =	stream.linear.gather [hbm4b:s14+s2], $0x200, $0x38;
	[tilespmem:$0x1F400] =	vst v63  }
0x42: {  	s23 =	sadd.s32 s22, s9;
	s26 =	simm.s32 $0xA00;
	s22 =	sadd.s32 s9, s15  }
0x43: {  	[tilespmem:s26], [sflag:$0x3] =	stream.linear.gather [hbm4b:s23+s2], $0x200, $0x38;
	[tilespmem:$0x1F400] =	vst v63  }
0x44: {  	s16 =	smov.u32 s25;
	s23 =	simm.s32 $0x2;
	s26 =	simm.s32 $0x0  }
.LBB2_2:
0x45: {  	_ =	swait.ge [sflag:s30], $0x800  }
0x46: {  	[sflag:s30] =	ssyncset.done $0x0  }
0x47: {  	[sflag:s30] =	ssyncadd.s32 $0xFFFFF800  }
0x48: {  	_ =	swait.ge [sflag:s30], $0x800  }
0x49: {  	[sflag:s30] =	ssyncset.done $0x0  }
0x4a: {  	[sflag:s30] =	ssyncadd.s32 $0xFFFFF800  }
0x4b: {  	_ =	swait.ge [sflag:s30], $0x800  }
0x4c: {  	[sflag:s30] =	ssyncset.done $0x0  }
0x4d: {  	[sflag:s30] =	ssyncadd.s32 $0xFFFFF800  }
0x4e: {  	s8 =	sadd.s32 $0xFFFFFFFF, s3;
	_ =	swait.ge [sflag:s30], $0x800  }
0x4f: {  	s5 =	smulhi.u32 $0xAAAAAAAB, s23;
	p0 =	sge.u32 s8, s7;
	[sflag:s30] =	ssyncset.done $0x0  }
0x50: {  	s8 =	simm.s32 @!p0 $0x3;
	[sflag:s30] =	ssyncadd.s32 $0xFFFFF800  }
0x51: {  	s13 =	smulhi.u32 $0xAAAAAAAB, s28;
	s5 =	sshrl.u32 s5, $0x1;
	_ =	swait.ge @!p0 [sflag:s8], $0x200  }
0x52: {  	s12 =	smul.u32 $0xFFFFE800, s5;
	[sflag:s8] =	ssyncset.done @!p0 $0x0  }
0x53: {  	s5 =	smul.u32 $0xFFFE8000, s5;
	[sflag:s8] =	ssyncadd.s32 @!p0 $0xFFFFFE00  }
0x54: {  	s13 =	sshrl.u32 s13, $0x1;
	s10 =	sshra.s32 @!p0 s26, $0x2;
	_ =	swait.ge @!p0 [sflag:s8], $0x200  }
0x55: {  	s12 =	sshra.s32 s12, $0x2;
	s5 =	sshra.s32 @!p0 s5, $0x2;
	[sflag:s8] =	ssyncset.done @!p0 $0x0  }
0x56: {  	s5 =	sadd.s32 @!p0 s5, s20;
	[sflag:s8] =	ssyncadd.s32 @!p0 $0xFFFFFE00;
	s8 =	sadd.s32 @!p0 s10, s12  }
0x57: {  	s11 =	simm.s32 @!p0 $0x80;
	s10 =	sadd.s32 @!p0 $0x4000, s5;
	s12 =	sadd.s32 @!p0 $0x400, s8  }
0x58: {  	[tilespmem:s10], [sflag:$0x1] =	stream.indirect.gather @!p0 [hbm4b:s4+s11], $0x10, s12, s11, $0xb8;
	[tilespmem:$0x1F400] =	vst v63  }
0x59: {  	s14 =	sadd.s32 @!p0 $0x480, s8;
	s10 =	smul.u32 $0xFFFFE800, s13;
	s12 =	sadd.s32 @!p0 $0x4800, s5  }
0x5a: {  	[tilespmem:s12], [sflag:$0x1] =	stream.indirect.gather @!p0 [hbm4b:s4+s11], $0x10, s14, s11, $0xb8;
	[tilespmem:$0x1F400] =	vst v63  }
0x5b: {  	s12 =	smul.u32 $0x18000, s13;
	s13 =	sadd.s32 @!p0 $0x5000, s5;
	s14 =	sadd.s32 @!p0 $0x500, s8  }
0x5c: {  	[tilespmem:s13], [sflag:$0x1] =	stream.indirect.gather @!p0 [hbm4b:s4+s11], $0x10, s14, s11, $0xb8;
	[tilespmem:$0x1F400] =	vst v63  }
0x5d: {  	s5 =	sadd.s32 @!p0 $0x5800, s5;
	s8 =	sadd.s32 @!p0 $0x580, s8;
	s12 =	ssub.s32 $0x6000, s12  }
0x5e: {  	[tilespmem:s5], [sflag:$0x1] =	stream.indirect.gather @!p0 [hbm4b:s4+s11], $0x10, s8, s11, $0xb8;
	[tilespmem:$0x1F400] =	vst v63  }
0x5f: {  	s12 =	sshra.s32 s12, $0x2;
	s5 =	sshra.s32 s10, $0x2  }
0x60: {  	s13 =	sshra.s32 s26, $0x2;
	s8 =	sadd.s32 s12, s20;
	s10 =	sadd.s32 $0x600, s5  }
0x61: {  	s14 =	sadd.s32 $0xFFFFE800, s8;
	s11 =	sadd.s32 s13, s10  }
0x62: {  	[spmem:s1] =	stream.indirect.scatter.add.f32 [tilespmem:s14], [sflag:$0x2], $0x10, s11, s21, $0xb8;
	[tilespmem:$0x1F400] =	vst v63  }
0x63: {  	s13 =	sadd.s32 $0xFFFFF000, s8;
	s14 =	sadd.s32 $0x80, s11  }
0x64: {  	[spmem:s1] =	stream.indirect.scatter.add.f32 [tilespmem:s13], [sflag:$0x2], $0x10, s14, s21, $0xb8;
	[tilespmem:$0x1F400] =	vst v63  }
0x65: {  	s13 =	sadd.s32 $0xFFFFF800, s8;
	s14 =	sadd.s32 $0x100, s11  }
0x66: {  	[spmem:s1] =	stream.indirect.scatter.add.f32 [tilespmem:s13], [sflag:$0x2], $0x10, s14, s21, $0xb8;
	[tilespmem:$0x1F400] =	vst v63  }
0x67: {  	s11 =	sadd.s32 $0x180, s11  }
0x68: {  	[spmem:s1] =	stream.indirect.scatter.add.f32 [tilespmem:s8], [sflag:$0x2], $0x10, s11, s21, $0xb8;
	[tilespmem:$0x1F400] =	vst v63  }
0x69: {  	_ =	swait.ge [sflag:s31], $0x800  }
0x6a: {  	[sflag:s31] =	ssyncset.done $0x0  }
0x6b: {  	[sflag:s31] =	ssyncadd.s32 $0xFFFFF800  }
0x6c: {  	_ =	swait.ge [sflag:s31], $0x800  }
0x6d: {  	[sflag:s31] =	ssyncset.done $0x0  }
0x6e: {  	[sflag:s31] =	ssyncadd.s32 $0xFFFFF800  }
0x6f: {  	_ =	swait.ge [sflag:s31], $0x800  }
0x70: {  	[sflag:s31] =	ssyncset.done $0x0  }
0x71: {  	[sflag:s31] =	ssyncadd.s32 $0xFFFFF800  }
0x72: {  	p0 =	sge.u32 s3, s7;
	_ =	swait.ge [sflag:s31], $0x800  }
0x73: {  	s8 =	sshra.s32 @!p0 s26, $0x2;
	[sflag:s31] =	ssyncset.done $0x0  }
0x74: {  	s11 =	simm.s32 @!p0 $0x0;
	s5 =	sadd.s32 @!p0 s8, s5;
	[sflag:s31] =	ssyncadd.s32 $0xFFFFF800  }
0x75: {  	[tilespmem:s5], [sflag:$0x3] =	stream.linear.gather @!p0 [hbm4b:s16+s11], $0x200, $0x38;
	[tilespmem:$0x1F400] =	vst v63  }
0x76: {  	s26 =	sadd.s32 $0x800, s26;
	s14 =	rddreg [dreg:$0x4];
	s5 =	sadd.s32 @!p0 s8, s10  }
0x77: {  	[tilespmem:s5], [sflag:$0x3] =	stream.linear.gather @!p0 [hbm4b:s22+s11], $0x200, $0x38;
	[tilespmem:$0x1F400] =	vst v63  }
0x78: {  	p0 =	sne.s32 s14, s26  }
.Ltmp0:
0x79: {  	_ = 	snop;
	(pc) =	sbr.rel @p0 .LBB2_2-.Ltmp0, $3  }
0x7a: {  	_ =	sdelay $0x1  }
0x7b: {  	s28 =	sadd.s32 $0x1, s28;
	s23 =	sadd.s32 $0x1, s23;
	s3 =	sadd.s32 $0x1, s3  }
0x7c: {  	s20 =	sadd.s32 $0x2000, s20;
	s16 =	sadd.s32 $0x40, s16;
	s22 =	sadd.s32 $0x40, s22  }
0x7d: {  	[bflag:$0x0] =	sbarrier.arrive $0xFFFF  }
0x7e: {  	[hbm:s24], [sflag:s6] =	dma.local [spmem:s17], $0x3100  }
0x7f: {  	_ =	swait.ge [sflag:s18], $0x3100  }
0x80: {  	s0 =	sadd.s32 $0x1, s0;
	s3 =	rddreg [dreg:$0xb]  }
0x81: {  	p0 =	sne.s32 s0, s3  }
.Ltmp1:
0x82: {  	_ = 	snop;
	(pc) =	sbr.rel @p0 .LBB2_1-.Ltmp1, $3  }
0x83: {  	_ =	sdelay $0x1  }
0x84: {  	[sflag:s18] =	ssyncset.done $0x0  }
0x85: {  	[sflag:s18] =	ssyncadd.s32 $0xFFFFCF00  }
0x86: {  	_ =	sfence.sel $0x180000  }
0x87: {  	[bflag:$0x0] =	sbarrier.arrive $0xFFFF  }
0x88: {  	_ =	strace $0x90000047  }
0x89: {  	s0 =	stileid.u32;
	[bflag:$0x2] =	sbarrier.arrive $0xFFFF  }
0x8a: {  	p0 =	sne.s32 s0, $0x0;
	s0 =	rddreg [dreg:$0x3]  }
0x8b: {  	s0 =	sadd.s32 @!p0 $0x100000, s0  }
0x8c: {  	[sflag:s0] =	ssyncadd.tile.s32 @!p0 $0x1;
	_ =	shalt  }
.Lfunc_end2:
_tile_overlayer_lowered:
.L_overlay_start_2:
0x8d: {  	(tag) =	ssettag $0x2  }
0x8e: {  	s0 =	rddreg [dreg:$0x0];
	s2 =	stileid.u32  }
0x8f: {  	s1 =	rddreg [dreg:$0x1];
	p0 =	sne.s32 s2, $0x0  }
0x90: {  	s3 =	rddreg [dreg:$0x2];
	[bflag:$0x3] =	sbarrier.arrive $0xFFFF;
	s2 =	simm.s32 @!p0 $0x1C04  }
0x91: {  	[timem:s3], [sflag:s2] =	dma.local @!p0 [hbm:s0], s1  }
0x92: {  	s0 =	simm.s32 @!p0 $0x4  }
0x93: {  	_ =	swait.ge @!p0 [sflag:s0], s1  }
0x94: {  	s1 =	ssub.s32 @!p0 $0x0, s1;
	[sflag:s0] =	ssyncset.done @!p0 $0x0  }
0x95: {  	[sflag:s0] =	ssyncadd.s32 @!p0 s1  }
0x96: {  	[bflag:$0x3] =	sbarrier.arrive $0xFFFF  }
0x97: {  	_ =	shalt  }

// kernel: kernel.14.cloned.1.call-start
scs
__scs_entry_jumppad:
0x0: {  	(pc) =	sbr.rel $0x88, $3  }
0x1: {  	(tag) =	ssettag $0x0;
	lr =	simm.s32 $0x1  }
0x2: {  	[smem:$0x3F8D] =	sst lr;
	_ =	strace $0xD0000000  }
0x3: {  	_ = 	snop  }
0x4: {  	_ = 	snop  }
0x5: {  	_ = 	snop  }
0x6: {  	_ = 	snop  }
0x7: {  	_ = 	snop  }
__scs_overlays_trampoline_lowered:
0x8: {  	[smem:$0x3F9C] =	sst s0  }
0x9: {  	[smem:$0x3F9D] =	sst s1  }
0xa: {  	[smem:$0x3F9E] =	sst s2  }
0xb: {  	[smem:$0x3F9F] =	sst s3  }
0xc: {  	[smem:$0x3FA0] =	sst s4  }
0xd: {  	[smem:$0x3FA1] =	sst s5  }
0xe: {  	[smem:$0x3FA2] =	sst s6  }
0xf: {  	[smem:$0x3FA3] =	sst s7  }
0x10: {  	[smem:$0x3FA4] =	sst s8  }
0x11: {  	[smem:$0x3FA5] =	sst s9;
	s0 =	simm.s32 @!p0 $0x0  }
0x12: {  	s1 =	sld [smem:$0x3F8B];
	s0 =	simm.s32 @p0 $0x1  }
0x13: {  	[smem:$0x3FA6] =	sst s0;
	s0 =	simm.s32 @!p1 $0x0  }
0x14: {  	s2 =	sld [smem:$0x3F8A];
	s0 =	simm.s32 @p1 $0x1  }
0x15: {  	[smem:$0x3FA7] =	sst s0;
	s0 =	simm.s32 @!p2 $0x0  }
0x16: {  	s3 =	sld [smem:$0x3FDB];
	s0 =	simm.s32 @p2 $0x1  }
0x17: {  	s4 =	simm.s32 $0x1BF5;
	[smem:$0x3FA9] =	sst s0  }
0x18: {  	s0 =	sld [smem:$0x3F8C];
	_ =	swait.ge [sflag:s4], $0x0  }
0x19: {  	s7 =	sld [smem:$0x3F8D]  }
0x1a: {  	s8 =	sadd.s32 $0xFFFFE003, lr  }
0x1b: {  	s9 =	sadd.s32 $0xFFFFFEF7, lr;
	s5 =	simm.s32 $0xFFFFFFFF;
	p2 =	slt.u32 s8, $0xFFFFF086  }
0x1c: {  	p1 =	slt.u32 s9, $0xF7A;
	s5 =	simm.s32 @!p2 $0x0  }
0x1d: {  	s5 =	simm.s32 @p1 $0x1;
	p0 =	seq.s32 s7, s2  }
0x1e: {  	s7 =	smul.u32 @!p0 $0xF7A, s2;
	p2 =	seq.s32 @!p0 s5, $0x0  }
0x1f: {  	s9 =	smul.u32 $0xF7A, s1;
	s8 =	simm.s32 @!p0 $0x1BF5;
	p2 =	por !p2, p0  }
0x20: {  	[sflag:s8] =	ssyncset.s32 @!p0 $0xFFFFF086;
	s6 =	sadd.s32 @!p0 s3, s7;
	s7 =	simm.s32 @!p0 $0x108  }
0x21: {  	s3 =	sadd.s32 s3, s9;
	s6 =	sadd.s32 @!p0 $0x88, s6;
	s7 =	simm.s32 @p2 $0x1082  }
0x22: {  	[simem:s7], [sflag:s8] =	dma.local @!p0 [hbm:s6], $0xF7A  }
0x23: {  	s9 =	sor.u32 $0xD0000000, s2;
	s6 =	simm.s32 $0x108;
	_ =	swait.ge @!p0 [sflag:s8], $0x0  }
0x24: {  	s3 =	sadd.s32 $0x88, s3;
	s6 =	simm.s32 @!p1 $0x1082;
	[sflag:s4] =	ssyncset.s32 $0xFFFFF086  }
0x25: {  	[simem:s6], [sflag:s4] =	dma.local [hbm:s3], $0xF7A  }
0x26: {  	[smem:$0x3F8D] =	sst s1;
	(tag) =	ssettag s2;
	_ =	strace s9  }
0x27: {  	s1 =	sld [smem:$0x3F9D]  }
0x28: {  	s2 =	sld [smem:$0x3F9E]  }
0x29: {  	s4 =	sld [smem:$0x3FA0]  }
0x2a: {  	p0 =	seq.s32 s5, $0x0;
	s5 =	sld [smem:$0x3FA1]  }
0x2b: {  	s6 =	sld [smem:$0x3FA2]  }
0x2c: {  	s7 =	sld [smem:$0x3FA3]  }
0x2d: {  	s3 =	simm.s32 $0x108;
	s8 =	sld [smem:$0x3FA4]  }
0x2e: {  	s3 =	simm.s32 @!p0 $0x1082;
	s9 =	sld [smem:$0x3FA5]  }
0x2f: {  	lr =	sadd.s32 s0, s3;
	s0 =	sld [smem:$0x3F9C]  }
0x30: {  	s3 =	sld [smem:$0x3F9F]  }
0x31: {  	[smem:$0x3FA8] =	sst s10  }
0x32: {  	s10 =	sld [smem:$0x3FA6];
	_ =	sdelay $0x3  }
0x33: {  	p0 =	seq.s32 s10, $0x1;
	s10 =	sld [smem:$0x3FA8];
	_ =	sdelay $0x3  }
0x34: {  	[smem:$0x3FA8] =	sst s10  }
0x35: {  	s10 =	sld [smem:$0x3FA7];
	_ =	sdelay $0x3  }
0x36: {  	p1 =	seq.s32 s10, $0x1;
	s10 =	sld [smem:$0x3FA8];
	_ =	sdelay $0x3  }
0x37: {  	[smem:$0x3FA8] =	sst s10  }
0x38: {  	s10 =	sld [smem:$0x3FA9]  }
0x39: {  	_ = 	snop;
	(pc) =	sbr.ind lr, $3  }
0x3a: {  	_ = 	snop  }
0x3b: {  	_ = 	snop  }
0x3c: {  	p2 =	seq.s32 s10, $0x1;
	s10 =	sld [smem:$0x3FA8]  }
0x3d: {  	_ =	shalt  }
0x3e: {  	_ =	shalt  }
0x3f: {  	_ =	shalt  }
0x40: {  	_ =	shalt  }
0x41: {  	_ =	shalt  }
0x42: {  	_ =	shalt  }
0x43: {  	_ =	shalt  }
0x44: {  	_ =	shalt  }
0x45: {  	_ =	shalt  }
0x46: {  	_ =	shalt  }
0x47: {  	_ =	shalt  }
0x48: {  	_ =	shalt  }
0x49: {  	_ =	shalt  }
0x4a: {  	_ =	shalt  }
0x4b: {  	_ =	shalt  }
0x4c: {  	_ =	shalt  }
0x4d: {  	_ =	shalt  }
0x4e: {  	_ =	shalt  }
0x4f: {  	_ =	shalt  }
0x50: {  	_ =	shalt  }
0x51: {  	_ =	shalt  }
0x52: {  	_ =	shalt  }
0x53: {  	_ =	shalt  }
0x54: {  	_ =	shalt  }
0x55: {  	_ =	shalt  }
0x56: {  	_ =	shalt  }
0x57: {  	_ =	shalt  }
0x58: {  	_ =	shalt  }
0x59: {  	_ =	shalt  }
0x5a: {  	_ =	shalt  }
0x5b: {  	_ =	shalt  }
0x5c: {  	_ =	shalt  }
0x5d: {  	_ =	shalt  }
0x5e: {  	_ =	shalt  }
0x5f: {  	_ =	shalt  }
0x60: {  	_ =	shalt  }
0x61: {  	_ =	shalt  }
0x62: {  	_ =	shalt  }
0x63: {  	_ =	shalt  }
0x64: {  	_ =	shalt  }
0x65: {  	_ =	shalt  }
0x66: {  	_ =	shalt  }
0x67: {  	_ =	shalt  }
0x68: {  	_ =	shalt  }
0x69: {  	_ =	shalt  }
0x6a: {  	_ =	shalt  }
0x6b: {  	_ =	shalt  }
0x6c: {  	_ =	shalt  }
0x6d: {  	_ =	shalt  }
0x6e: {  	_ =	shalt  }
0x6f: {  	_ =	shalt  }
0x70: {  	_ =	shalt  }
0x71: {  	_ =	shalt  }
0x72: {  	_ =	shalt  }
0x73: {  	_ =	shalt  }
0x74: {  	_ =	shalt  }
0x75: {  	_ =	shalt  }
0x76: {  	_ =	shalt  }
0x77: {  	_ =	shalt  }
0x78: {  	_ =	shalt  }
0x79: {  	_ =	shalt  }
0x7a: {  	_ =	shalt  }
0x7b: {  	_ =	shalt  }
0x7c: {  	_ =	shalt  }
0x7d: {  	_ =	shalt  }
0x7e: {  	_ =	shalt  }
0x7f: {  	_ =	shalt  }
0x80: {  	_ =	shalt  }
0x81: {  	_ =	shalt  }
0x82: {  	_ =	shalt  }
0x83: {  	_ =	shalt  }
0x84: {  	_ =	shalt  }
0x85: {  	_ =	shalt  }
0x86: {  	_ =	shalt  }
0x87: {  	_ =	shalt  }
.Lfunc_end0:
.L_simem_size_0:
called_computation.1_lowered:
.L_overlay_start_0:
0x88: {  	s2 =	sld [smem:$0x3FD9]  }
0x89: {  	s3 =	sld [smem:$0x3FFE];
	_ =	sdelay $0x1  }
0x8a: {  	s1 =	srdreg.scid  }
0x8b: {  	s0 =	sand.u32 $0x1, s1  }
0x8c: {  	s17 =	sshll.u32 s0, $0xA;
	s2 =	sadd.s32 s3, s2  }
0x8d: {  	s2 =	sadd.s32 s2, s17  }
0x8e: {  	[smem:$0x3FB4] =	sst s2  }
0x8f: {  	_ = 	snop  }
0x90: {  	s2 =	sld [smem:$0x3FD0];
	(tm) =	ssettm $0x1  }
0x91: {  	s18 =	sld [smem:$0x3FFB];
	_ =	sdelay $0x3  }
0x92: {  	_ =	strace s18  }
0x93: {  	s3 =	sld [smem:$0x3FFC];
	_ =	sdelay $0x3  }
0x94: {  	_ =	strace s3  }
0x95: {  	s3 =	sld [smem:$0x3FFD];
	_ =	sdelay $0x3  }
0x96: {  	_ =	strace s3  }
0x97: {  	_ =	strace $0x8FFFFFFF  }
0x98: {  	s19 =	sld [smem:$0x3FDB];
	_ =	sdelay $0x1  }
0x99: {  	s4 =	simm.s32 $_scs_section_size  }
0x9a: {  	s5 =	simm.s32 $_size__tile_overlayer_lowered;
	s6 =	simm.s32 $_tile_overlayer_lowered  }
0x9b: {  	s22 =	simm.s32 $0x1BFF;
	s21 =	sshll.u32 s6, $0x1;
	s3 =	sadd.s32 s4, s19  }
0x9c: {  	s7 =	simm.s32 $0x0;
	s20 =	sshll.u32 s5, $0x1;
	s5 =	sadd.s32 s21, s3  }
0x9d: {  	[timem:s7], [sflag:s22] =	dma.local [hbm:s5], s20  }
0x9e: {  	_ =	swait.ge [sflag:s22], s20  }
0x9f: {  	s4 =	ssub.s32 $0x0, s20;
	[sflag:s22] =	ssyncset.done $0x0  }
0xa0: {  	[sflag:s22] =	ssyncadd.s32 s4;
	_ =	sdelay $0x1  }
0xa1: {  	s23 =	simm.s32 $0x1B8B  }
0xa2: {  	_ =	swait.ge [sflag:s23], $0x1  }
0xa3: {  	[sflag:s23] =	ssyncset.done $0x0  }
0xa4: {  	s25 =	simm.s32 $0x1B8E;
	s24 =	sld [smem:$0x3FFE];
	[sflag:s23] =	ssyncadd.s32 $0xFFFFFFFF  }
0xa5: {  	s26 =	simm.s32 $execute0_lowered;
	[smem:$0x3FD2] =	sst s25  }
0xa6: {  	s5 =	sshll.u32 s26, $0x1;
	_ =	strace $0x80000049;
	[dreg:$0x1] =	wrdreg $0xFFFFFFFF  }
0xa7: {  	s28 =	simm.s32 $_size_execute0_lowered;
	s3 =	sadd.s32 s3, s5;
	[dreg:$0x0] =	wrdreg $0x0  }
0xa8: {  	s5 =	sshll.u32 s28, $0x1;
	[dreg:$0x2] =	wrdreg s3  }
0xa9: {  	[dreg:$0x3] =	wrdreg s5  }
0xaa: {  	[dreg:$0x4] =	wrdreg $0xC0  }
0xab: {  	_ =	task [dreg:s7], $0x5FFFF  }
0xac: {  	[dreg:$0x1] =	wrdreg $0xFFFFFFFF  }
0xad: {  	[dreg:$0x0] =	wrdreg $0x60  }
0xae: {  	[dreg:$0x2] =	wrdreg s24  }
0xaf: {  	[dreg:$0x3] =	wrdreg s2  }
0xb0: {  	[dreg:$0x4] =	wrdreg $0x6C000  }
0xb1: {  	[dreg:$0x5] =	wrdreg $0x9  }
0xb2: {  	_ =	task.clear_ibuf [dreg:s7], $0x6FFFF;
	_ =	strace $0x90000049  }
0xb3: {  	s29 =	simm.s32 $0x9;
	_ =	strace $0x8000004B  }
0xb4: {  	_ =	swait.ge [sflag:s29], $0x1  }
0xb5: {  	[sflag:s29] =	ssyncadd.s32 $0xFFFFFFFF  }
0xb6: {  	_ =	strace $0x9000004B  }
0xb7: {  	_ =	sfence  }
0xb8: {  	s30 =	sld [smem:$0x0];
	_ =	sdelay $0x2  }
0xb9: {  	s31 =	sshll.u32 s1, $0xD;
	s1 =	sshrl.u32 s1, $0x2  }
0xba: {  	s3 =	sand.u32 $0x4000, s31;
	s1 =	sadd.s32 s1, s30  }
0xbb: {  	s0 =	sor.u32 s3, s0;
	s1 =	sshll.u32 s1, $0x11  }
0xbc: {  	s0 =	sor.u32 s1, s0  }
0xbd: {  	s0 =	sadd.s32 $0x8F2B, s0  }
0xbe: {  	[sflag:s0] =	ssyncadd.remote.s32 $0x1  }
0xbf: {  	_ =	sfence.sel $0xFFFF  }
0xc0: {  	[dreg:$0x0] =	wrdreg $0xFFFFFFFF;
	(pc) =	sbr.abs _section_cstart, $3  }
0xc1: {  	[dreg:$0x1] =	wrdreg $0xFFFFFFFF  }
0xc2: {  	_ =	task.clear_ibuf [dreg:s7], $0x2FFFF;
	_ =	strace $0x9FFFFFFF  }
0xc3: {  	(tm) =	ssettm $0x7FFFFFFF  }
tec
execute0_lowered:
.L_overlay_start_1:
0x0: {  	(tag) =	ssettag $0x1  }
0x1: {  	s0 =	rddreg [dreg:$0x0]  }
0x2: {  	s3 =	rddreg [dreg:$0x1]  }
0x3: {  	s1 =	rddreg [dreg:$0x2];
	s2 =	simm.s32 $0x0;
	s4 =	srdreg.scid  }
0x4: {  	s5 =	stileid.u32;
	s29 =	simm.s32 $0x200;
	s30 =	simm.s32 $0x1  }
0x5: {  	s31 =	simm.s32 $0x2;
	[smem:$0x7FF] =	sst s2;
	s14 =	smul.u32 $0x18800, s5  }
0x6: {  	s12 =	sand.u32 $0x1, s4;
	s11 =	sadd.s32 $0x32A00, s0;
	s13 =	smul.u32 $0xFFFFFCF0, s5  }
0x7: {  	s21 =	sshll.u32 s5, $0x6;
	_ =	strace $0x8000004A;
	s6 =	smul.u32 $0x31000, s12  }
0x8: {  	s4 =	sshll.u32 s12, $0x4;
	s7 =	ssub.s32 $0x2, s12;
	s17 =	smul.u32 $0xFFFFCF00, s12  }
0x9: {  	[dreg:$0x5] =	wrdreg s11;
	s18 =	smul.u32 $0x188000, s12;
	s8 =	sor.u32 s5, s4  }
0xa: {  	s4 =	sadd.s32 $0x1C00, s0;
	s9 =	sshrl.u32 s7, $0x1;
	s16 =	sadd.s32 s14, s1  }
0xb: {  	s10 =	smul.u32 $0xFFFFFCF0, s8;
	s0 =	sadd.s32 s6, s0;
	s15 =	ssub.s32 s7, s9  }
0xc: {  	s19 =	smul.u32 $0x3100, s8;
	s6 =	sor.u32 $0x1C04, s21;
	s9 =	sadd.s32 $0x61A80, s3  }
0xd: {  	s17 =	sadd.s32 s17, s13;
	s18 =	sadd.s32 s14, s18;
	s21 =	simm.s32 $0x80  }
0xe: {  	s17 =	sadd.s32 $0x61A8, s17;
	s0 =	sadd.s32 $0xC8A00, s0;
	s18 =	sor.u32 $0x600, s18  }
0xf: {  	s28 =	smax.u32 s15, $0x1;
	s20 =	sadd.s32 $0x61A8, s10;
	s23 =	sadd.s32 s3, s19  }
0x10: {  	s24 =	sor.u32 $0x40, s19;
	s25 =	sor.u32 $0x80, s19;
	[dreg:$0xb] =	wrdreg s28  }
0x11: {  	s17 =	sshrl.u32 s17, $0x2;
	s15 =	sshrl.u32 s18, $0x3;
	[dreg:$0x6] =	wrdreg s23  }
0x12: {  	s18 =	simm.s32 $0x4;
	s19 =	sadd.s32 s19, s9;
	[dreg:$0x7] =	wrdreg s24  }
0x13: {  	s22 =	sshrl.u32 s20, $0x2;
	s5 =	sadd.s32 s3, s24;
	[dreg:$0x8] =	wrdreg s25  }
0x14: {  	s26 =	sadd.s32 s3, s25;
	s20 =	sshrl.u32 s14, $0x3;
	s17 =	smin.u32 s17, $0xC4  }
0x15: {  	s25 =	sadd.s32 s15, s3;
	s7 =	smin.u32 s22, $0xC4;
	[dreg:$0x9] =	wrdreg s5  }
0x16: {  	[dreg:$0xa] =	wrdreg s26;
	s17 =	sshll.u32 s17, $0xB;
	s24 =	sadd.s32 s20, s0  }
0x17: {  	s0 =	simm.s32 $0x0;
	[dreg:$0x4] =	wrdreg s17;
	s17 =	sshrl.u32 s16, $0x3  }
.LBB2_1:
0x18: {  	s3 =	rddreg [dreg:$0x5]  }
0x19: {  	[spmem:s17], [sflag:s6] =	dma.local [hbm:s3], $0x3100  }
0x1a: {  	_ =	swait.ge [sflag:s18], $0x3100  }
0x1b: {  	[sflag:s18] =	ssyncset.done $0x0  }
0x1c: {  	[sflag:s18] =	ssyncadd.s32 $0xFFFFCF00  }
0x1d: {  	[bflag:$0x0] =	sbarrier.arrive $0xFFFF  }
0x1e: {  	s22 =	rddreg [dreg:$0x6]  }
0x1f: {  	[tilespmem:s2], [sflag:$0x3] =	stream.linear.gather [hbm4b:s22+s2], $0x200, $0x38;
	[tilespmem:$0x1F400] =	vst v63  }
0x20: {  	s23 =	simm.s32 $0x600;
	s3 =	simm.s32 $0x3  }
0x21: {  	[tilespmem:s23], [sflag:$0x3] =	stream.linear.gather [hbm4b:s19+s2], $0x200, $0x38;
	[tilespmem:$0x1F400] =	vst v63  }
0x22: {  	_ =	swait.ge [sflag:s3], $0x200  }
0x23: {  	[sflag:s3] =	ssyncset.done $0x0  }
0x24: {  	[sflag:s3] =	ssyncadd.s32 $0xFFFFFE00  }
0x25: {  	_ =	swait.ge [sflag:s3], $0x200  }
0x26: {  	[sflag:s3] =	ssyncset.done $0x0  }
0x27: {  	s20 =	simm.s32 $0xC00;
	[sflag:s3] =	ssyncadd.s32 $0xFFFFFE00  }
0x28: {  	[tilespmem:s20], [sflag:$0x1] =	stream.indirect.gather [hbm4b:s4+s21], $0x10, s2, s21, $0xb8;
	[tilespmem:$0x1F400] =	vst v63  }
0x29: {  	s5 =	simm.s32 $0x1400  }
0x2a: {  	[tilespmem:s5], [sflag:$0x1] =	stream.indirect.gather [hbm4b:s4+s21], $0x10, s21, s21, $0xb8;
	[tilespmem:$0x1F400] =	vst v63  }
0x2b: {  	s26 =	simm.s32 $0x100;
	s8 =	simm.s32 $0x1C00  }
0x2c: {  	[tilespmem:s8], [sflag:$0x1] =	stream.indirect.gather [hbm4b:s4+s21], $0x10, s26, s21, $0xb8;
	[tilespmem:$0x1F400] =	vst v63  }
0x2d: {  	s10 =	simm.s32 $0x180;
	s11 =	simm.s32 $0x2400;
	s12 =	rddreg [dreg:$0x9]  }
0x2e: {  	[tilespmem:s11], [sflag:$0x1] =	stream.indirect.gather [hbm4b:s4+s21], $0x10, s10, s21, $0xb8;
	[tilespmem:$0x1F400] =	vst v63  }
0x2f: {  	s13 =	rddreg [dreg:$0x7]  }
0x30: {  	[tilespmem:s29], [sflag:$0x3] =	stream.linear.gather [hbm4b:s12+s2], $0x200, $0x38;
	[tilespmem:$0x1F400] =	vst v63  }
0x31: {  	s14 =	simm.s32 $0x800;
	s16 =	sadd.s32 s13, s9  }
0x32: {  	[tilespmem:s14], [sflag:$0x3] =	stream.linear.gather [hbm4b:s16+s2], $0x200, $0x38;
	[tilespmem:$0x1F400] =	vst v63  }
0x33: {  	_ =	swait.ge [sflag:s3], $0x200  }
0x34: {  	[sflag:s3] =	ssyncset.done $0x0  }
0x35: {  	[sflag:s3] =	ssyncadd.s32 $0xFFFFFE00  }
0x36: {  	_ =	swait.ge [sflag:s3], $0x200  }
0x37: {  	[sflag:s3] =	ssyncset.done $0x0  }
0x38: {  	s22 =	simm.s32 $0x2C00;
	[sflag:s3] =	ssyncadd.s32 $0xFFFFFE00  }
0x39: {  	[tilespmem:s22], [sflag:$0x1] =	stream.indirect.gather [hbm4b:s4+s21], $0x10, s29, s21, $0xb8;
	[tilespmem:$0x1F400] =	vst v63  }
0x3a: {  	s23 =	simm.s32 $0x280;
	s26 =	simm.s32 $0x3400  }
0x3b: {  	[tilespmem:s26], [sflag:$0x1] =	stream.indirect.gather [hbm4b:s4+s21], $0x10, s23, s21, $0xb8;
	[tilespmem:$0x1F400] =	vst v63  }
0x3c: {  	s10 =	simm.s32 $0x300;
	s11 =	simm.s32 $0x3C00  }
0x3d: {  	[tilespmem:s11], [sflag:$0x1] =	stream.indirect.gather [hbm4b:s4+s21], $0x10, s10, s21, $0xb8;
	[tilespmem:$0x1F400] =	vst v63  }
0x3e: {  	s13 =	simm.s32 $0x4400;
	s12 =	simm.s32 $0x380;
	s14 =	rddreg [dreg:$0xa]  }
0x3f: {  	[tilespmem:s13], [sflag:$0x1] =	stream.indirect.gather [hbm4b:s4+s21], $0x10, s12, s21, $0xb8;
	[tilespmem:$0x1F400] =	vst v63  }
0x40: {  	s28 =	simm.s32 $0x0;
	s16 =	simm.s32 $0x400;
	s22 =	rddreg [dreg:$0x8]  }
0x41: {  	[tilespmem:s16], [sflag:$0x3] =	stream.linear.gather [hbm4b:s14+s2], $0x200, $0x38;
	[tilespmem:$0x1F400] =	vst v63  }
0x42: {  	s23 =	sadd.s32 s22, s9;
	s26 =	simm.s32 $0xA00;
	s22 =	sadd.s32 s9, s15  }
0x43: {  	[tilespmem:s26], [sflag:$0x3] =	stream.linear.gather [hbm4b:s23+s2], $0x200, $0x38;
	[tilespmem:$0x1F400] =	vst v63  }
0x44: {  	s16 =	smov.u32 s25;
	s23 =	simm.s32 $0x2;
	s26 =	simm.s32 $0x0  }
.LBB2_2:
0x45: {  	_ =	swait.ge [sflag:s30], $0x800  }
0x46: {  	[sflag:s30] =	ssyncset.done $0x0  }
0x47: {  	[sflag:s30] =	ssyncadd.s32 $0xFFFFF800  }
0x48: {  	_ =	swait.ge [sflag:s30], $0x800  }
0x49: {  	[sflag:s30] =	ssyncset.done $0x0  }
0x4a: {  	[sflag:s30] =	ssyncadd.s32 $0xFFFFF800  }
0x4b: {  	_ =	swait.ge [sflag:s30], $0x800  }
0x4c: {  	[sflag:s30] =	ssyncset.done $0x0  }
0x4d: {  	[sflag:s30] =	ssyncadd.s32 $0xFFFFF800  }
0x4e: {  	s8 =	sadd.s32 $0xFFFFFFFF, s3;
	_ =	swait.ge [sflag:s30], $0x800  }
0x4f: {  	s5 =	smulhi.u32 $0xAAAAAAAB, s23;
	p0 =	sge.u32 s8, s7;
	[sflag:s30] =	ssyncset.done $0x0  }
0x50: {  	s8 =	simm.s32 @!p0 $0x3;
	[sflag:s30] =	ssyncadd.s32 $0xFFFFF800  }
0x51: {  	s13 =	smulhi.u32 $0xAAAAAAAB, s28;
	s5 =	sshrl.u32 s5, $0x1;
	_ =	swait.ge @!p0 [sflag:s8], $0x200  }
0x52: {  	s12 =	smul.u32 $0xFFFFE800, s5;
	[sflag:s8] =	ssyncset.done @!p0 $0x0  }
0x53: {  	s5 =	smul.u32 $0xFFFE8000, s5;
	[sflag:s8] =	ssyncadd.s32 @!p0 $0xFFFFFE00  }
0x54: {  	s13 =	sshrl.u32 s13, $0x1;
	s10 =	sshra.s32 @!p0 s26, $0x2;
	_ =	swait.ge @!p0 [sflag:s8], $0x200  }
0x55: {  	s12 =	sshra.s32 s12, $0x2;
	s5 =	sshra.s32 @!p0 s5, $0x2;
	[sflag:s8] =	ssyncset.done @!p0 $0x0  }
0x56: {  	s5 =	sadd.s32 @!p0 s5, s20;
	[sflag:s8] =	ssyncadd.s32 @!p0 $0xFFFFFE00;
	s8 =	sadd.s32 @!p0 s10, s12  }
0x57: {  	s11 =	simm.s32 @!p0 $0x80;
	s10 =	sadd.s32 @!p0 $0x4000, s5;
	s12 =	sadd.s32 @!p0 $0x400, s8  }
0x58: {  	[tilespmem:s10], [sflag:$0x1] =	stream.indirect.gather @!p0 [hbm4b:s4+s11], $0x10, s12, s11, $0xb8;
	[tilespmem:$0x1F400] =	vst v63  }
0x59: {  	s14 =	sadd.s32 @!p0 $0x480, s8;
	s10 =	smul.u32 $0xFFFFE800, s13;
	s12 =	sadd.s32 @!p0 $0x4800, s5  }
0x5a: {  	[tilespmem:s12], [sflag:$0x1] =	stream.indirect.gather @!p0 [hbm4b:s4+s11], $0x10, s14, s11, $0xb8;
	[tilespmem:$0x1F400] =	vst v63  }
0x5b: {  	s12 =	smul.u32 $0x18000, s13;
	s13 =	sadd.s32 @!p0 $0x5000, s5;
	s14 =	sadd.s32 @!p0 $0x500, s8  }
0x5c: {  	[tilespmem:s13], [sflag:$0x1] =	stream.indirect.gather @!p0 [hbm4b:s4+s11], $0x10, s14, s11, $0xb8;
	[tilespmem:$0x1F400] =	vst v63  }
0x5d: {  	s5 =	sadd.s32 @!p0 $0x5800, s5;
	s8 =	sadd.s32 @!p0 $0x580, s8;
	s12 =	ssub.s32 $0x6000, s12  }
0x5e: {  	[tilespmem:s5], [sflag:$0x1] =	stream.indirect.gather @!p0 [hbm4b:s4+s11], $0x10, s8, s11, $0xb8;
	[tilespmem:$0x1F400] =	vst v63  }
0x5f: {  	s12 =	sshra.s32 s12, $0x2;
	s5 =	sshra.s32 s10, $0x2  }
0x60: {  	s13 =	sshra.s32 s26, $0x2;
	s8 =	sadd.s32 s12, s20;
	s10 =	sadd.s32 $0x600, s5  }
0x61: {  	s14 =	sadd.s32 $0xFFFFE800, s8;
	s11 =	sadd.s32 s13, s10  }
0x62: {  	[spmem:s1] =	stream.indirect.scatter.add.f32 [tilespmem:s14], [sflag:$0x2], $0x10, s11, s21, $0xb8;
	[tilespmem:$0x1F400] =	vst v63  }
0x63: {  	s13 =	sadd.s32 $0xFFFFF000, s8;
	s14 =	sadd.s32 $0x80, s11  }
0x64: {  	[spmem:s1] =	stream.indirect.scatter.add.f32 [tilespmem:s13], [sflag:$0x2], $0x10, s14, s21, $0xb8;
	[tilespmem:$0x1F400] =	vst v63  }
0x65: {  	s13 =	sadd.s32 $0xFFFFF800, s8;
	s14 =	sadd.s32 $0x100, s11  }
0x66: {  	[spmem:s1] =	stream.indirect.scatter.add.f32 [tilespmem:s13], [sflag:$0x2], $0x10, s14, s21, $0xb8;
	[tilespmem:$0x1F400] =	vst v63  }
0x67: {  	s11 =	sadd.s32 $0x180, s11  }
0x68: {  	[spmem:s1] =	stream.indirect.scatter.add.f32 [tilespmem:s8], [sflag:$0x2], $0x10, s11, s21, $0xb8;
	[tilespmem:$0x1F400] =	vst v63  }
0x69: {  	_ =	swait.ge [sflag:s31], $0x800  }
0x6a: {  	[sflag:s31] =	ssyncset.done $0x0  }
0x6b: {  	[sflag:s31] =	ssyncadd.s32 $0xFFFFF800  }
0x6c: {  	_ =	swait.ge [sflag:s31], $0x800  }
0x6d: {  	[sflag:s31] =	ssyncset.done $0x0  }
0x6e: {  	[sflag:s31] =	ssyncadd.s32 $0xFFFFF800  }
0x6f: {  	_ =	swait.ge [sflag:s31], $0x800  }
0x70: {  	[sflag:s31] =	ssyncset.done $0x0  }
0x71: {  	[sflag:s31] =	ssyncadd.s32 $0xFFFFF800  }
0x72: {  	p0 =	sge.u32 s3, s7;
	_ =	swait.ge [sflag:s31], $0x800  }
0x73: {  	s8 =	sshra.s32 @!p0 s26, $0x2;
	[sflag:s31] =	ssyncset.done $0x0  }
0x74: {  	s11 =	simm.s32 @!p0 $0x0;
	s5 =	sadd.s32 @!p0 s8, s5;
	[sflag:s31] =	ssyncadd.s32 $0xFFFFF800  }
0x75: {  	[tilespmem:s5], [sflag:$0x3] =	stream.linear.gather @!p0 [hbm4b:s16+s11], $0x200, $0x38;
	[tilespmem:$0x1F400] =	vst v63  }
0x76: {  	s26 =	sadd.s32 $0x800, s26;
	s14 =	rddreg [dreg:$0x4];
	s5 =	sadd.s32 @!p0 s8, s10  }
0x77: {  	[tilespmem:s5], [sflag:$0x3] =	stream.linear.gather @!p0 [hbm4b:s22+s11], $0x200, $0x38;
	[tilespmem:$0x1F400] =	vst v63  }
0x78: {  	p0 =	sne.s32 s14, s26  }
.Ltmp0:
0x79: {  	_ = 	snop;
	(pc) =	sbr.rel @p0 .LBB2_2-.Ltmp0, $3  }
0x7a: {  	_ =	sdelay $0x1  }
0x7b: {  	s28 =	sadd.s32 $0x1, s28;
	s23 =	sadd.s32 $0x1, s23;
	s3 =	sadd.s32 $0x1, s3  }
0x7c: {  	s20 =	sadd.s32 $0x2000, s20;
	s16 =	sadd.s32 $0x40, s16;
	s22 =	sadd.s32 $0x40, s22  }
0x7d: {  	[bflag:$0x0] =	sbarrier.arrive $0xFFFF  }
0x7e: {  	[hbm:s24], [sflag:s6] =	dma.local [spmem:s17], $0x3100  }
0x7f: {  	_ =	swait.ge [sflag:s18], $0x3100  }
0x80: {  	s0 =	sadd.s32 $0x1, s0;
	s3 =	rddreg [dreg:$0xb]  }
0x81: {  	p0 =	sne.s32 s0, s3  }
.Ltmp1:
0x82: {  	_ = 	snop;
	(pc) =	sbr.rel @p0 .LBB2_1-.Ltmp1, $3  }
0x83: {  	_ =	sdelay $0x1  }
0x84: {  	[sflag:s18] =	ssyncset.done $0x0  }
0x85: {  	[sflag:s18] =	ssyncadd.s32 $0xFFFFCF00  }
0x86: {  	_ =	sfence.sel $0x180000  }
0x87: {  	[bflag:$0x0] =	sbarrier.arrive $0xFFFF  }
0x88: {  	_ =	strace $0x9000004A  }
0x89: {  	s0 =	stileid.u32;
	[bflag:$0x2] =	sbarrier.arrive $0xFFFF  }
0x8a: {  	p0 =	sne.s32 s0, $0x0;
	s0 =	rddreg [dreg:$0x3]  }
0x8b: {  	s0 =	sadd.s32 @!p0 $0x100000, s0  }
0x8c: {  	[sflag:s0] =	ssyncadd.tile.s32 @!p0 $0x1;
	_ =	shalt  }
.Lfunc_end2:
_tile_overlayer_lowered:
.L_overlay_start_2:
0x8d: {  	(tag) =	ssettag $0x2  }
0x8e: {  	s0 =	rddreg [dreg:$0x0];
	s2 =	stileid.u32  }
0x8f: {  	s1 =	rddreg [dreg:$0x1];
	p0 =	sne.s32 s2, $0x0  }
0x90: {  	s3 =	rddreg [dreg:$0x2];
	[bflag:$0x3] =	sbarrier.arrive $0xFFFF;
	s2 =	simm.s32 @!p0 $0x1C04  }
0x91: {  	[timem:s3], [sflag:s2] =	dma.local @!p0 [hbm:s0], s1  }
0x92: {  	s0 =	simm.s32 @!p0 $0x4  }
0x93: {  	_ =	swait.ge @!p0 [sflag:s0], s1  }
0x94: {  	s1 =	ssub.s32 @!p0 $0x0, s1;
	[sflag:s0] =	ssyncset.done @!p0 $0x0  }
0x95: {  	[sflag:s0] =	ssyncadd.s32 @!p0 s1  }
0x96: {  	[bflag:$0x3] =	sbarrier.arrive $0xFFFF  }
0x97: {  	_ =	shalt  }

// kernel: kernel.17.cloned.1.call-start
scs
__scs_entry_jumppad:
0x0: {  	(pc) =	sbr.rel $0x88, $3  }
0x1: {  	(tag) =	ssettag $0x0;
	lr =	simm.s32 $0x1  }
0x2: {  	[smem:$0x3F8D] =	sst lr;
	_ =	strace $0xD0000000  }
0x3: {  	_ = 	snop  }
0x4: {  	_ = 	snop  }
0x5: {  	_ = 	snop  }
0x6: {  	_ = 	snop  }
0x7: {  	_ = 	snop  }
__scs_overlays_trampoline_lowered:
0x8: {  	[smem:$0x3F9C] =	sst s0  }
0x9: {  	[smem:$0x3F9D] =	sst s1  }
0xa: {  	[smem:$0x3F9E] =	sst s2  }
0xb: {  	[smem:$0x3F9F] =	sst s3  }
0xc: {  	[smem:$0x3FA0] =	sst s4  }
0xd: {  	[smem:$0x3FA1] =	sst s5  }
0xe: {  	[smem:$0x3FA2] =	sst s6  }
0xf: {  	[smem:$0x3FA3] =	sst s7  }
0x10: {  	[smem:$0x3FA4] =	sst s8  }
0x11: {  	[smem:$0x3FA5] =	sst s9;
	s0 =	simm.s32 @!p0 $0x0  }
0x12: {  	s1 =	sld [smem:$0x3F8B];
	s0 =	simm.s32 @p0 $0x1  }
0x13: {  	[smem:$0x3FA6] =	sst s0;
	s0 =	simm.s32 @!p1 $0x0  }
0x14: {  	s2 =	sld [smem:$0x3F8A];
	s0 =	simm.s32 @p1 $0x1  }
0x15: {  	[smem:$0x3FA7] =	sst s0;
	s0 =	simm.s32 @!p2 $0x0  }
0x16: {  	s3 =	sld [smem:$0x3FDB];
	s0 =	simm.s32 @p2 $0x1  }
0x17: {  	s4 =	simm.s32 $0x1BF5;
	[smem:$0x3FA9] =	sst s0  }
0x18: {  	s0 =	sld [smem:$0x3F8C];
	_ =	swait.ge [sflag:s4], $0x0  }
0x19: {  	s7 =	sld [smem:$0x3F8D]  }
0x1a: {  	s8 =	sadd.s32 $0xFFFFE003, lr  }
0x1b: {  	s9 =	sadd.s32 $0xFFFFFEF7, lr;
	s5 =	simm.s32 $0xFFFFFFFF;
	p2 =	slt.u32 s8, $0xFFFFF086  }
0x1c: {  	p1 =	slt.u32 s9, $0xF7A;
	s5 =	simm.s32 @!p2 $0x0  }
0x1d: {  	s5 =	simm.s32 @p1 $0x1;
	p0 =	seq.s32 s7, s2  }
0x1e: {  	s7 =	smul.u32 @!p0 $0xF7A, s2;
	p2 =	seq.s32 @!p0 s5, $0x0  }
0x1f: {  	s9 =	smul.u32 $0xF7A, s1;
	s8 =	simm.s32 @!p0 $0x1BF5;
	p2 =	por !p2, p0  }
0x20: {  	[sflag:s8] =	ssyncset.s32 @!p0 $0xFFFFF086;
	s6 =	sadd.s32 @!p0 s3, s7;
	s7 =	simm.s32 @!p0 $0x108  }
0x21: {  	s3 =	sadd.s32 s3, s9;
	s6 =	sadd.s32 @!p0 $0x88, s6;
	s7 =	simm.s32 @p2 $0x1082  }
0x22: {  	[simem:s7], [sflag:s8] =	dma.local @!p0 [hbm:s6], $0xF7A  }
0x23: {  	s9 =	sor.u32 $0xD0000000, s2;
	s6 =	simm.s32 $0x108;
	_ =	swait.ge @!p0 [sflag:s8], $0x0  }
0x24: {  	s3 =	sadd.s32 $0x88, s3;
	s6 =	simm.s32 @!p1 $0x1082;
	[sflag:s4] =	ssyncset.s32 $0xFFFFF086  }
0x25: {  	[simem:s6], [sflag:s4] =	dma.local [hbm:s3], $0xF7A  }
0x26: {  	[smem:$0x3F8D] =	sst s1;
	(tag) =	ssettag s2;
	_ =	strace s9  }
0x27: {  	s1 =	sld [smem:$0x3F9D]  }
0x28: {  	s2 =	sld [smem:$0x3F9E]  }
0x29: {  	s4 =	sld [smem:$0x3FA0]  }
0x2a: {  	p0 =	seq.s32 s5, $0x0;
	s5 =	sld [smem:$0x3FA1]  }
0x2b: {  	s6 =	sld [smem:$0x3FA2]  }
0x2c: {  	s7 =	sld [smem:$0x3FA3]  }
0x2d: {  	s3 =	simm.s32 $0x108;
	s8 =	sld [smem:$0x3FA4]  }
0x2e: {  	s3 =	simm.s32 @!p0 $0x1082;
	s9 =	sld [smem:$0x3FA5]  }
0x2f: {  	lr =	sadd.s32 s0, s3;
	s0 =	sld [smem:$0x3F9C]  }
0x30: {  	s3 =	sld [smem:$0x3F9F]  }
0x31: {  	[smem:$0x3FA8] =	sst s10  }
0x32: {  	s10 =	sld [smem:$0x3FA6];
	_ =	sdelay $0x3  }
0x33: {  	p0 =	seq.s32 s10, $0x1;
	s10 =	sld [smem:$0x3FA8];
	_ =	sdelay $0x3  }
0x34: {  	[smem:$0x3FA8] =	sst s10  }
0x35: {  	s10 =	sld [smem:$0x3FA7];
	_ =	sdelay $0x3  }
0x36: {  	p1 =	seq.s32 s10, $0x1;
	s10 =	sld [smem:$0x3FA8];
	_ =	sdelay $0x3  }
0x37: {  	[smem:$0x3FA8] =	sst s10  }
0x38: {  	s10 =	sld [smem:$0x3FA9]  }
0x39: {  	_ = 	snop;
	(pc) =	sbr.ind lr, $3  }
0x3a: {  	_ = 	snop  }
0x3b: {  	_ = 	snop  }
0x3c: {  	p2 =	seq.s32 s10, $0x1;
	s10 =	sld [smem:$0x3FA8]  }
0x3d: {  	_ =	shalt  }
0x3e: {  	_ =	shalt  }
0x3f: {  	_ =	shalt  }
0x40: {  	_ =	shalt  }
0x41: {  	_ =	shalt  }
0x42: {  	_ =	shalt  }
0x43: {  	_ =	shalt  }
0x44: {  	_ =	shalt  }
0x45: {  	_ =	shalt  }
0x46: {  	_ =	shalt  }
0x47: {  	_ =	shalt  }
0x48: {  	_ =	shalt  }
0x49: {  	_ =	shalt  }
0x4a: {  	_ =	shalt  }
0x4b: {  	_ =	shalt  }
0x4c: {  	_ =	shalt  }
0x4d: {  	_ =	shalt  }
0x4e: {  	_ =	shalt  }
0x4f: {  	_ =	shalt  }
0x50: {  	_ =	shalt  }
0x51: {  	_ =	shalt  }
0x52: {  	_ =	shalt  }
0x53: {  	_ =	shalt  }
0x54: {  	_ =	shalt  }
0x55: {  	_ =	shalt  }
0x56: {  	_ =	shalt  }
0x57: {  	_ =	shalt  }
0x58: {  	_ =	shalt  }
0x59: {  	_ =	shalt  }
0x5a: {  	_ =	shalt  }
0x5b: {  	_ =	shalt  }
0x5c: {  	_ =	shalt  }
0x5d: {  	_ =	shalt  }
0x5e: {  	_ =	shalt  }
0x5f: {  	_ =	shalt  }
0x60: {  	_ =	shalt  }
0x61: {  	_ =	shalt  }
0x62: {  	_ =	shalt  }
0x63: {  	_ =	shalt  }
0x64: {  	_ =	shalt  }
0x65: {  	_ =	shalt  }
0x66: {  	_ =	shalt  }
0x67: {  	_ =	shalt  }
0x68: {  	_ =	shalt  }
0x69: {  	_ =	shalt  }
0x6a: {  	_ =	shalt  }
0x6b: {  	_ =	shalt  }
0x6c: {  	_ =	shalt  }
0x6d: {  	_ =	shalt  }
0x6e: {  	_ =	shalt  }
0x6f: {  	_ =	shalt  }
0x70: {  	_ =	shalt  }
0x71: {  	_ =	shalt  }
0x72: {  	_ =	shalt  }
0x73: {  	_ =	shalt  }
0x74: {  	_ =	shalt  }
0x75: {  	_ =	shalt  }
0x76: {  	_ =	shalt  }
0x77: {  	_ =	shalt  }
0x78: {  	_ =	shalt  }
0x79: {  	_ =	shalt  }
0x7a: {  	_ =	shalt  }
0x7b: {  	_ =	shalt  }
0x7c: {  	_ =	shalt  }
0x7d: {  	_ =	shalt  }
0x7e: {  	_ =	shalt  }
0x7f: {  	_ =	shalt  }
0x80: {  	_ =	shalt  }
0x81: {  	_ =	shalt  }
0x82: {  	_ =	shalt  }
0x83: {  	_ =	shalt  }
0x84: {  	_ =	shalt  }
0x85: {  	_ =	shalt  }
0x86: {  	_ =	shalt  }
0x87: {  	_ =	shalt  }
.Lfunc_end0:
.L_simem_size_0:
called_computation.2_lowered:
.L_overlay_start_0:
0x88: {  	s2 =	sld [smem:$0x3FD9]  }
0x89: {  	s3 =	sld [smem:$0x3FFE];
	_ =	sdelay $0x1  }
0x8a: {  	s1 =	srdreg.scid  }
0x8b: {  	s0 =	sand.u32 $0x1, s1  }
0x8c: {  	s17 =	sshll.u32 s0, $0xA;
	s2 =	sadd.s32 s3, s2  }
0x8d: {  	s2 =	sadd.s32 s2, s17  }
0x8e: {  	[smem:$0x3FB4] =	sst s2  }
0x8f: {  	_ = 	snop  }
0x90: {  	s2 =	sld [smem:$0x3FD0];
	(tm) =	ssettm $0x1  }
0x91: {  	s18 =	sld [smem:$0x3FFB];
	_ =	sdelay $0x3  }
0x92: {  	_ =	strace s18  }
0x93: {  	s3 =	sld [smem:$0x3FFC];
	_ =	sdelay $0x3  }
0x94: {  	_ =	strace s3  }
0x95: {  	s3 =	sld [smem:$0x3FFD];
	_ =	sdelay $0x3  }
0x96: {  	_ =	strace s3  }
0x97: {  	_ =	strace $0x8FFFFFFF  }
0x98: {  	s19 =	sld [smem:$0x3FDB];
	_ =	sdelay $0x1  }
0x99: {  	s4 =	simm.s32 $_scs_section_size  }
0x9a: {  	s5 =	simm.s32 $_size__tile_overlayer_lowered;
	s6 =	simm.s32 $_tile_overlayer_lowered  }
0x9b: {  	s22 =	simm.s32 $0x1BFF;
	s21 =	sshll.u32 s6, $0x1;
	s3 =	sadd.s32 s4, s19  }
0x9c: {  	s7 =	simm.s32 $0x0;
	s20 =	sshll.u32 s5, $0x1;
	s5 =	sadd.s32 s21, s3  }
0x9d: {  	[timem:s7], [sflag:s22] =	dma.local [hbm:s5], s20  }
0x9e: {  	_ =	swait.ge [sflag:s22], s20  }
0x9f: {  	s4 =	ssub.s32 $0x0, s20;
	[sflag:s22] =	ssyncset.done $0x0  }
0xa0: {  	[sflag:s22] =	ssyncadd.s32 s4;
	_ =	sdelay $0x1  }
0xa1: {  	s23 =	simm.s32 $0x1B8B  }
0xa2: {  	_ =	swait.ge [sflag:s23], $0x1  }
0xa3: {  	[sflag:s23] =	ssyncset.done $0x0  }
0xa4: {  	s25 =	simm.s32 $0x1B8E;
	s24 =	sld [smem:$0x3FFE];
	[sflag:s23] =	ssyncadd.s32 $0xFFFFFFFF  }
0xa5: {  	s26 =	simm.s32 $execute0_lowered;
	[smem:$0x3FD2] =	sst s25  }
0xa6: {  	s5 =	sshll.u32 s26, $0x1;
	_ =	strace $0x8000004C;
	[dreg:$0x1] =	wrdreg $0xFFFFFFFF  }
0xa7: {  	s28 =	simm.s32 $_size_execute0_lowered;
	s3 =	sadd.s32 s3, s5;
	[dreg:$0x0] =	wrdreg $0x0  }
0xa8: {  	s5 =	sshll.u32 s28, $0x1;
	[dreg:$0x2] =	wrdreg s3  }
0xa9: {  	[dreg:$0x3] =	wrdreg s5  }
0xaa: {  	[dreg:$0x4] =	wrdreg $0xC0  }
0xab: {  	_ =	task [dreg:s7], $0x5FFFF  }
0xac: {  	[dreg:$0x1] =	wrdreg $0xFFFFFFFF  }
0xad: {  	[dreg:$0x0] =	wrdreg $0x60  }
0xae: {  	[dreg:$0x2] =	wrdreg s24  }
0xaf: {  	[dreg:$0x3] =	wrdreg s2  }
0xb0: {  	[dreg:$0x4] =	wrdreg $0x6C000  }
0xb1: {  	[dreg:$0x5] =	wrdreg $0x9  }
0xb2: {  	_ =	task.clear_ibuf [dreg:s7], $0x6FFFF;
	_ =	strace $0x9000004C  }
0xb3: {  	s29 =	simm.s32 $0x9;
	_ =	strace $0x8000004E  }
0xb4: {  	_ =	swait.ge [sflag:s29], $0x1  }
0xb5: {  	[sflag:s29] =	ssyncadd.s32 $0xFFFFFFFF  }
0xb6: {  	_ =	strace $0x9000004E  }
0xb7: {  	_ =	sfence  }
0xb8: {  	s30 =	sld [smem:$0x0];
	_ =	sdelay $0x2  }
0xb9: {  	s31 =	sshll.u32 s1, $0xD;
	s1 =	sshrl.u32 s1, $0x2  }
0xba: {  	s3 =	sand.u32 $0x4000, s31;
	s1 =	sadd.s32 s1, s30  }
0xbb: {  	s0 =	sor.u32 s3, s0;
	s1 =	sshll.u32 s1, $0x11  }
0xbc: {  	s0 =	sor.u32 s1, s0  }
0xbd: {  	s0 =	sadd.s32 $0x8F2B, s0  }
0xbe: {  	[sflag:s0] =	ssyncadd.remote.s32 $0x1  }
0xbf: {  	_ =	sfence.sel $0xFFFF  }
0xc0: {  	[dreg:$0x0] =	wrdreg $0xFFFFFFFF;
	(pc) =	sbr.abs _section_cstart, $3  }
0xc1: {  	[dreg:$0x1] =	wrdreg $0xFFFFFFFF  }
0xc2: {  	_ =	task.clear_ibuf [dreg:s7], $0x2FFFF;
	_ =	strace $0x9FFFFFFF  }
0xc3: {  	(tm) =	ssettm $0x7FFFFFFF  }
tec
execute0_lowered:
.L_overlay_start_1:
0x0: {  	(tag) =	ssettag $0x1  }
0x1: {  	s0 =	rddreg [dreg:$0x0]  }
0x2: {  	s3 =	rddreg [dreg:$0x1]  }
0x3: {  	s1 =	rddreg [dreg:$0x2];
	s2 =	simm.s32 $0x0;
	s4 =	srdreg.scid  }
0x4: {  	s5 =	stileid.u32;
	s29 =	simm.s32 $0x200;
	s30 =	simm.s32 $0x1  }
0x5: {  	s31 =	simm.s32 $0x2;
	[smem:$0x7FF] =	sst s2;
	s14 =	smul.u32 $0x18800, s5  }
0x6: {  	s12 =	sand.u32 $0x1, s4;
	s11 =	sadd.s32 $0x32A00, s0;
	s13 =	smul.u32 $0xFFFFFCF0, s5  }
0x7: {  	s21 =	sshll.u32 s5, $0x6;
	_ =	strace $0x8000004D;
	s6 =	smul.u32 $0x31000, s12  }
0x8: {  	s4 =	sshll.u32 s12, $0x4;
	s7 =	ssub.s32 $0x2, s12;
	s17 =	smul.u32 $0xFFFFCF00, s12  }
0x9: {  	[dreg:$0x5] =	wrdreg s11;
	s18 =	smul.u32 $0x188000, s12;
	s8 =	sor.u32 s5, s4  }
0xa: {  	s4 =	sadd.s32 $0x1C00, s0;
	s9 =	sshrl.u32 s7, $0x1;
	s16 =	sadd.s32 s14, s1  }
0xb: {  	s10 =	smul.u32 $0xFFFFFCF0, s8;
	s0 =	sadd.s32 s6, s0;
	s15 =	ssub.s32 s7, s9  }
0xc: {  	s19 =	smul.u32 $0x3100, s8;
	s6 =	sor.u32 $0x1C04, s21;
	s9 =	sadd.s32 $0x61A80, s3  }
0xd: {  	s17 =	sadd.s32 s17, s13;
	s18 =	sadd.s32 s14, s18;
	s21 =	simm.s32 $0x80  }
0xe: {  	s17 =	sadd.s32 $0x61A8, s17;
	s0 =	sadd.s32 $0xC8A00, s0;
	s18 =	sor.u32 $0x600, s18  }
0xf: {  	s28 =	smax.u32 s15, $0x1;
	s20 =	sadd.s32 $0x61A8, s10;
	s23 =	sadd.s32 s3, s19  }
0x10: {  	s24 =	sor.u32 $0x40, s19;
	s25 =	sor.u32 $0x80, s19;
	[dreg:$0xb] =	wrdreg s28  }
0x11: {  	s17 =	sshrl.u32 s17, $0x2;
	s15 =	sshrl.u32 s18, $0x3;
	[dreg:$0x6] =	wrdreg s23  }
0x12: {  	s18 =	simm.s32 $0x4;
	s19 =	sadd.s32 s19, s9;
	[dreg:$0x7] =	wrdreg s24  }
0x13: {  	s22 =	sshrl.u32 s20, $0x2;
	s5 =	sadd.s32 s3, s24;
	[dreg:$0x8] =	wrdreg s25  }
0x14: {  	s26 =	sadd.s32 s3, s25;
	s20 =	sshrl.u32 s14, $0x3;
	s17 =	smin.u32 s17, $0xC4  }
0x15: {  	s25 =	sadd.s32 s15, s3;
	s7 =	smin.u32 s22, $0xC4;
	[dreg:$0x9] =	wrdreg s5  }
0x16: {  	[dreg:$0xa] =	wrdreg s26;
	s17 =	sshll.u32 s17, $0xB;
	s24 =	sadd.s32 s20, s0  }
0x17: {  	s0 =	simm.s32 $0x0;
	[dreg:$0x4] =	wrdreg s17;
	s17 =	sshrl.u32 s16, $0x3  }
.LBB2_1:
0x18: {  	s3 =	rddreg [dreg:$0x5]  }
0x19: {  	[spmem:s17], [sflag:s6] =	dma.local [hbm:s3], $0x3100  }
0x1a: {  	_ =	swait.ge [sflag:s18], $0x3100  }
0x1b: {  	[sflag:s18] =	ssyncset.done $0x0  }
0x1c: {  	[sflag:s18] =	ssyncadd.s32 $0xFFFFCF00  }
0x1d: {  	[bflag:$0x0] =	sbarrier.arrive $0xFFFF  }
0x1e: {  	s22 =	rddreg [dreg:$0x6]  }
0x1f: {  	[tilespmem:s2], [sflag:$0x3] =	stream.linear.gather [hbm4b:s22+s2], $0x200, $0x38;
	[tilespmem:$0x1F400] =	vst v63  }
0x20: {  	s23 =	simm.s32 $0x600;
	s3 =	simm.s32 $0x3  }
0x21: {  	[tilespmem:s23], [sflag:$0x3] =	stream.linear.gather [hbm4b:s19+s2], $0x200, $0x38;
	[tilespmem:$0x1F400] =	vst v63  }
0x22: {  	_ =	swait.ge [sflag:s3], $0x200  }
0x23: {  	[sflag:s3] =	ssyncset.done $0x0  }
0x24: {  	[sflag:s3] =	ssyncadd.s32 $0xFFFFFE00  }
0x25: {  	_ =	swait.ge [sflag:s3], $0x200  }
0x26: {  	[sflag:s3] =	ssyncset.done $0x0  }
0x27: {  	s20 =	simm.s32 $0xC00;
	[sflag:s3] =	ssyncadd.s32 $0xFFFFFE00  }
0x28: {  	[tilespmem:s20], [sflag:$0x1] =	stream.indirect.gather [hbm4b:s4+s21], $0x10, s2, s21, $0xb8;
	[tilespmem:$0x1F400] =	vst v63  }
0x29: {  	s5 =	simm.s32 $0x1400  }
0x2a: {  	[tilespmem:s5], [sflag:$0x1] =	stream.indirect.gather [hbm4b:s4+s21], $0x10, s21, s21, $0xb8;
	[tilespmem:$0x1F400] =	vst v63  }
0x2b: {  	s26 =	simm.s32 $0x100;
	s8 =	simm.s32 $0x1C00  }
0x2c: {  	[tilespmem:s8], [sflag:$0x1] =	stream.indirect.gather [hbm4b:s4+s21], $0x10, s26, s21, $0xb8;
	[tilespmem:$0x1F400] =	vst v63  }
0x2d: {  	s10 =	simm.s32 $0x180;
	s11 =	simm.s32 $0x2400;
	s12 =	rddreg [dreg:$0x9]  }
0x2e: {  	[tilespmem:s11], [sflag:$0x1] =	stream.indirect.gather [hbm4b:s4+s21], $0x10, s10, s21, $0xb8;
	[tilespmem:$0x1F400] =	vst v63  }
0x2f: {  	s13 =	rddreg [dreg:$0x7]  }
0x30: {  	[tilespmem:s29], [sflag:$0x3] =	stream.linear.gather [hbm4b:s12+s2], $0x200, $0x38;
	[tilespmem:$0x1F400] =	vst v63  }
0x31: {  	s14 =	simm.s32 $0x800;
	s16 =	sadd.s32 s13, s9  }
0x32: {  	[tilespmem:s14], [sflag:$0x3] =	stream.linear.gather [hbm4b:s16+s2], $0x200, $0x38;
	[tilespmem:$0x1F400] =	vst v63  }
0x33: {  	_ =	swait.ge [sflag:s3], $0x200  }
0x34: {  	[sflag:s3] =	ssyncset.done $0x0  }
0x35: {  	[sflag:s3] =	ssyncadd.s32 $0xFFFFFE00  }
0x36: {  	_ =	swait.ge [sflag:s3], $0x200  }
0x37: {  	[sflag:s3] =	ssyncset.done $0x0  }
0x38: {  	s22 =	simm.s32 $0x2C00;
	[sflag:s3] =	ssyncadd.s32 $0xFFFFFE00  }
0x39: {  	[tilespmem:s22], [sflag:$0x1] =	stream.indirect.gather [hbm4b:s4+s21], $0x10, s29, s21, $0xb8;
	[tilespmem:$0x1F400] =	vst v63  }
0x3a: {  	s23 =	simm.s32 $0x280;
	s26 =	simm.s32 $0x3400  }
0x3b: {  	[tilespmem:s26], [sflag:$0x1] =	stream.indirect.gather [hbm4b:s4+s21], $0x10, s23, s21, $0xb8;
	[tilespmem:$0x1F400] =	vst v63  }
0x3c: {  	s10 =	simm.s32 $0x300;
	s11 =	simm.s32 $0x3C00  }
0x3d: {  	[tilespmem:s11], [sflag:$0x1] =	stream.indirect.gather [hbm4b:s4+s21], $0x10, s10, s21, $0xb8;
	[tilespmem:$0x1F400] =	vst v63  }
0x3e: {  	s13 =	simm.s32 $0x4400;
	s12 =	simm.s32 $0x380;
	s14 =	rddreg [dreg:$0xa]  }
0x3f: {  	[tilespmem:s13], [sflag:$0x1] =	stream.indirect.gather [hbm4b:s4+s21], $0x10, s12, s21, $0xb8;
	[tilespmem:$0x1F400] =	vst v63  }
0x40: {  	s28 =	simm.s32 $0x0;
	s16 =	simm.s32 $0x400;
	s22 =	rddreg [dreg:$0x8]  }
0x41: {  	[tilespmem:s16], [sflag:$0x3] =	stream.linear.gather [hbm4b:s14+s2], $0x200, $0x38;
	[tilespmem:$0x1F400] =	vst v63  }
0x42: {  	s23 =	sadd.s32 s22, s9;
	s26 =	simm.s32 $0xA00;
	s22 =	sadd.s32 s9, s15  }
0x43: {  	[tilespmem:s26], [sflag:$0x3] =	stream.linear.gather [hbm4b:s23+s2], $0x200, $0x38;
	[tilespmem:$0x1F400] =	vst v63  }
0x44: {  	s16 =	smov.u32 s25;
	s23 =	simm.s32 $0x2;
	s26 =	simm.s32 $0x0  }
.LBB2_2:
0x45: {  	_ =	swait.ge [sflag:s30], $0x800  }
0x46: {  	[sflag:s30] =	ssyncset.done $0x0  }
0x47: {  	[sflag:s30] =	ssyncadd.s32 $0xFFFFF800  }
0x48: {  	_ =	swait.ge [sflag:s30], $0x800  }
0x49: {  	[sflag:s30] =	ssyncset.done $0x0  }
0x4a: {  	[sflag:s30] =	ssyncadd.s32 $0xFFFFF800  }
0x4b: {  	_ =	swait.ge [sflag:s30], $0x800  }
0x4c: {  	[sflag:s30] =	ssyncset.done $0x0  }
0x4d: {  	[sflag:s30] =	ssyncadd.s32 $0xFFFFF800  }
0x4e: {  	s8 =	sadd.s32 $0xFFFFFFFF, s3;
	_ =	swait.ge [sflag:s30], $0x800  }
0x4f: {  	s5 =	smulhi.u32 $0xAAAAAAAB, s23;
	p0 =	sge.u32 s8, s7;
	[sflag:s30] =	ssyncset.done $0x0  }
0x50: {  	s8 =	simm.s32 @!p0 $0x3;
	[sflag:s30] =	ssyncadd.s32 $0xFFFFF800  }
0x51: {  	s13 =	smulhi.u32 $0xAAAAAAAB, s28;
	s5 =	sshrl.u32 s5, $0x1;
	_ =	swait.ge @!p0 [sflag:s8], $0x200  }
0x52: {  	s12 =	smul.u32 $0xFFFFE800, s5;
	[sflag:s8] =	ssyncset.done @!p0 $0x0  }
0x53: {  	s5 =	smul.u32 $0xFFFE8000, s5;
	[sflag:s8] =	ssyncadd.s32 @!p0 $0xFFFFFE00  }
0x54: {  	s13 =	sshrl.u32 s13, $0x1;
	s10 =	sshra.s32 @!p0 s26, $0x2;
	_ =	swait.ge @!p0 [sflag:s8], $0x200  }
0x55: {  	s12 =	sshra.s32 s12, $0x2;
	s5 =	sshra.s32 @!p0 s5, $0x2;
	[sflag:s8] =	ssyncset.done @!p0 $0x0  }
0x56: {  	s5 =	sadd.s32 @!p0 s5, s20;
	[sflag:s8] =	ssyncadd.s32 @!p0 $0xFFFFFE00;
	s8 =	sadd.s32 @!p0 s10, s12  }
0x57: {  	s11 =	simm.s32 @!p0 $0x80;
	s10 =	sadd.s32 @!p0 $0x4000, s5;
	s12 =	sadd.s32 @!p0 $0x400, s8  }
0x58: {  	[tilespmem:s10], [sflag:$0x1] =	stream.indirect.gather @!p0 [hbm4b:s4+s11], $0x10, s12, s11, $0xb8;
	[tilespmem:$0x1F400] =	vst v63  }
0x59: {  	s14 =	sadd.s32 @!p0 $0x480, s8;
	s10 =	smul.u32 $0xFFFFE800, s13;
	s12 =	sadd.s32 @!p0 $0x4800, s5  }
0x5a: {  	[tilespmem:s12], [sflag:$0x1] =	stream.indirect.gather @!p0 [hbm4b:s4+s11], $0x10, s14, s11, $0xb8;
	[tilespmem:$0x1F400] =	vst v63  }
0x5b: {  	s12 =	smul.u32 $0x18000, s13;
	s13 =	sadd.s32 @!p0 $0x5000, s5;
	s14 =	sadd.s32 @!p0 $0x500, s8  }
0x5c: {  	[tilespmem:s13], [sflag:$0x1] =	stream.indirect.gather @!p0 [hbm4b:s4+s11], $0x10, s14, s11, $0xb8;
	[tilespmem:$0x1F400] =	vst v63  }
0x5d: {  	s5 =	sadd.s32 @!p0 $0x5800, s5;
	s8 =	sadd.s32 @!p0 $0x580, s8;
	s12 =	ssub.s32 $0x6000, s12  }
0x5e: {  	[tilespmem:s5], [sflag:$0x1] =	stream.indirect.gather @!p0 [hbm4b:s4+s11], $0x10, s8, s11, $0xb8;
	[tilespmem:$0x1F400] =	vst v63  }
0x5f: {  	s12 =	sshra.s32 s12, $0x2;
	s5 =	sshra.s32 s10, $0x2  }
0x60: {  	s13 =	sshra.s32 s26, $0x2;
	s8 =	sadd.s32 s12, s20;
	s10 =	sadd.s32 $0x600, s5  }
0x61: {  	s14 =	sadd.s32 $0xFFFFE800, s8;
	s11 =	sadd.s32 s13, s10  }
0x62: {  	[spmem:s1] =	stream.indirect.scatter.add.f32 [tilespmem:s14], [sflag:$0x2], $0x10, s11, s21, $0xb8;
	[tilespmem:$0x1F400] =	vst v63  }
0x63: {  	s13 =	sadd.s32 $0xFFFFF000, s8;
	s14 =	sadd.s32 $0x80, s11  }
0x64: {  	[spmem:s1] =	stream.indirect.scatter.add.f32 [tilespmem:s13], [sflag:$0x2], $0x10, s14, s21, $0xb8;
	[tilespmem:$0x1F400] =	vst v63  }
0x65: {  	s13 =	sadd.s32 $0xFFFFF800, s8;
	s14 =	sadd.s32 $0x100, s11  }
0x66: {  	[spmem:s1] =	stream.indirect.scatter.add.f32 [tilespmem:s13], [sflag:$0x2], $0x10, s14, s21, $0xb8;
	[tilespmem:$0x1F400] =	vst v63  }
0x67: {  	s11 =	sadd.s32 $0x180, s11  }
0x68: {  	[spmem:s1] =	stream.indirect.scatter.add.f32 [tilespmem:s8], [sflag:$0x2], $0x10, s11, s21, $0xb8;
	[tilespmem:$0x1F400] =	vst v63  }
0x69: {  	_ =	swait.ge [sflag:s31], $0x800  }
0x6a: {  	[sflag:s31] =	ssyncset.done $0x0  }
0x6b: {  	[sflag:s31] =	ssyncadd.s32 $0xFFFFF800  }
0x6c: {  	_ =	swait.ge [sflag:s31], $0x800  }
0x6d: {  	[sflag:s31] =	ssyncset.done $0x0  }
0x6e: {  	[sflag:s31] =	ssyncadd.s32 $0xFFFFF800  }
0x6f: {  	_ =	swait.ge [sflag:s31], $0x800  }
0x70: {  	[sflag:s31] =	ssyncset.done $0x0  }
0x71: {  	[sflag:s31] =	ssyncadd.s32 $0xFFFFF800  }
0x72: {  	p0 =	sge.u32 s3, s7;
	_ =	swait.ge [sflag:s31], $0x800  }
0x73: {  	s8 =	sshra.s32 @!p0 s26, $0x2;
	[sflag:s31] =	ssyncset.done $0x0  }
0x74: {  	s11 =	simm.s32 @!p0 $0x0;
	s5 =	sadd.s32 @!p0 s8, s5;
	[sflag:s31] =	ssyncadd.s32 $0xFFFFF800  }
0x75: {  	[tilespmem:s5], [sflag:$0x3] =	stream.linear.gather @!p0 [hbm4b:s16+s11], $0x200, $0x38;
	[tilespmem:$0x1F400] =	vst v63  }
0x76: {  	s26 =	sadd.s32 $0x800, s26;
	s14 =	rddreg [dreg:$0x4];
	s5 =	sadd.s32 @!p0 s8, s10  }
0x77: {  	[tilespmem:s5], [sflag:$0x3] =	stream.linear.gather @!p0 [hbm4b:s22+s11], $0x200, $0x38;
	[tilespmem:$0x1F400] =	vst v63  }
0x78: {  	p0 =	sne.s32 s14, s26  }
.Ltmp0:
0x79: {  	_ = 	snop;
	(pc) =	sbr.rel @p0 .LBB2_2-.Ltmp0, $3  }
0x7a: {  	_ =	sdelay $0x1  }
0x7b: {  	s28 =	sadd.s32 $0x1, s28;
	s23 =	sadd.s32 $0x1, s23;
	s3 =	sadd.s32 $0x1, s3  }
0x7c: {  	s20 =	sadd.s32 $0x2000, s20;
	s16 =	sadd.s32 $0x40, s16;
	s22 =	sadd.s32 $0x40, s22  }
0x7d: {  	[bflag:$0x0] =	sbarrier.arrive $0xFFFF  }
0x7e: {  	[hbm:s24], [sflag:s6] =	dma.local [spmem:s17], $0x3100  }
0x7f: {  	_ =	swait.ge [sflag:s18], $0x3100  }
0x80: {  	s0 =	sadd.s32 $0x1, s0;
	s3 =	rddreg [dreg:$0xb]  }
0x81: {  	p0 =	sne.s32 s0, s3  }
.Ltmp1:
0x82: {  	_ = 	snop;
	(pc) =	sbr.rel @p0 .LBB2_1-.Ltmp1, $3  }
0x83: {  	_ =	sdelay $0x1  }
0x84: {  	[sflag:s18] =	ssyncset.done $0x0  }
0x85: {  	[sflag:s18] =	ssyncadd.s32 $0xFFFFCF00  }
0x86: {  	_ =	sfence.sel $0x180000  }
0x87: {  	[bflag:$0x0] =	sbarrier.arrive $0xFFFF  }
0x88: {  	_ =	strace $0x9000004D  }
0x89: {  	s0 =	stileid.u32;
	[bflag:$0x2] =	sbarrier.arrive $0xFFFF  }
0x8a: {  	p0 =	sne.s32 s0, $0x0;
	s0 =	rddreg [dreg:$0x3]  }
0x8b: {  	s0 =	sadd.s32 @!p0 $0x100000, s0  }
0x8c: {  	[sflag:s0] =	ssyncadd.tile.s32 @!p0 $0x1;
	_ =	shalt  }
.Lfunc_end2:
_tile_overlayer_lowered:
.L_overlay_start_2:
0x8d: {  	(tag) =	ssettag $0x2  }
0x8e: {  	s0 =	rddreg [dreg:$0x0];
	s2 =	stileid.u32  }
0x8f: {  	s1 =	rddreg [dreg:$0x1];
	p0 =	sne.s32 s2, $0x0  }
0x90: {  	s3 =	rddreg [dreg:$0x2];
	[bflag:$0x3] =	sbarrier.arrive $0xFFFF;
	s2 =	simm.s32 @!p0 $0x1C04  }
0x91: {  	[timem:s3], [sflag:s2] =	dma.local @!p0 [hbm:s0], s1  }
0x92: {  	s0 =	simm.s32 @!p0 $0x4  }
0x93: {  	_ =	swait.ge @!p0 [sflag:s0], s1  }
0x94: {  	s1 =	ssub.s32 @!p0 $0x0, s1;
	[sflag:s0] =	ssyncset.done @!p0 $0x0  }
0x95: {  	[sflag:s0] =	ssyncadd.s32 @!p0 s1  }
0x96: {  	[bflag:$0x3] =	sbarrier.arrive $0xFFFF  }
0x97: {  	_ =	shalt  }

// kernel: kernel.20.cloned.1.call-start
scs
__scs_entry_jumppad:
0x0: {  	(pc) =	sbr.rel $0x88, $3  }
0x1: {  	(tag) =	ssettag $0x0;
	lr =	simm.s32 $0x1  }
0x2: {  	[smem:$0x3F8D] =	sst lr;
	_ =	strace $0xD0000000  }
0x3: {  	_ = 	snop  }
0x4: {  	_ = 	snop  }
0x5: {  	_ = 	snop  }
0x6: {  	_ = 	snop  }
0x7: {  	_ = 	snop  }
__scs_overlays_trampoline_lowered:
0x8: {  	[smem:$0x3F9C] =	sst s0  }
0x9: {  	[smem:$0x3F9D] =	sst s1  }
0xa: {  	[smem:$0x3F9E] =	sst s2  }
0xb: {  	[smem:$0x3F9F] =	sst s3  }
0xc: {  	[smem:$0x3FA0] =	sst s4  }
0xd: {  	[smem:$0x3FA1] =	sst s5  }
0xe: {  	[smem:$0x3FA2] =	sst s6  }
0xf: {  	[smem:$0x3FA3] =	sst s7  }
0x10: {  	[smem:$0x3FA4] =	sst s8  }
0x11: {  	[smem:$0x3FA5] =	sst s9;
	s0 =	simm.s32 @!p0 $0x0  }
0x12: {  	s1 =	sld [smem:$0x3F8B];
	s0 =	simm.s32 @p0 $0x1  }
0x13: {  	[smem:$0x3FA6] =	sst s0;
	s0 =	simm.s32 @!p1 $0x0  }
0x14: {  	s2 =	sld [smem:$0x3F8A];
	s0 =	simm.s32 @p1 $0x1  }
0x15: {  	[smem:$0x3FA7] =	sst s0;
	s0 =	simm.s32 @!p2 $0x0  }
0x16: {  	s3 =	sld [smem:$0x3FDB];
	s0 =	simm.s32 @p2 $0x1  }
0x17: {  	s4 =	simm.s32 $0x1BF5;
	[smem:$0x3FA9] =	sst s0  }
0x18: {  	s0 =	sld [smem:$0x3F8C];
	_ =	swait.ge [sflag:s4], $0x0  }
0x19: {  	s7 =	sld [smem:$0x3F8D]  }
0x1a: {  	s8 =	sadd.s32 $0xFFFFE003, lr  }
0x1b: {  	s9 =	sadd.s32 $0xFFFFFEF7, lr;
	s5 =	simm.s32 $0xFFFFFFFF;
	p2 =	slt.u32 s8, $0xFFFFF086  }
0x1c: {  	p1 =	slt.u32 s9, $0xF7A;
	s5 =	simm.s32 @!p2 $0x0  }
0x1d: {  	s5 =	simm.s32 @p1 $0x1;
	p0 =	seq.s32 s7, s2  }
0x1e: {  	s7 =	smul.u32 @!p0 $0xF7A, s2;
	p2 =	seq.s32 @!p0 s5, $0x0  }
0x1f: {  	s9 =	smul.u32 $0xF7A, s1;
	s8 =	simm.s32 @!p0 $0x1BF5;
	p2 =	por !p2, p0  }
0x20: {  	[sflag:s8] =	ssyncset.s32 @!p0 $0xFFFFF086;
	s6 =	sadd.s32 @!p0 s3, s7;
	s7 =	simm.s32 @!p0 $0x108  }
0x21: {  	s3 =	sadd.s32 s3, s9;
	s6 =	sadd.s32 @!p0 $0x88, s6;
	s7 =	simm.s32 @p2 $0x1082  }
0x22: {  	[simem:s7], [sflag:s8] =	dma.local @!p0 [hbm:s6], $0xF7A  }
0x23: {  	s9 =	sor.u32 $0xD0000000, s2;
	s6 =	simm.s32 $0x108;
	_ =	swait.ge @!p0 [sflag:s8], $0x0  }
0x24: {  	s3 =	sadd.s32 $0x88, s3;
	s6 =	simm.s32 @!p1 $0x1082;
	[sflag:s4] =	ssyncset.s32 $0xFFFFF086  }
0x25: {  	[simem:s6], [sflag:s4] =	dma.local [hbm:s3], $0xF7A  }
0x26: {  	[smem:$0x3F8D] =	sst s1;
	(tag) =	ssettag s2;
	_ =	strace s9  }
0x27: {  	s1 =	sld [smem:$0x3F9D]  }
0x28: {  	s2 =	sld [smem:$0x3F9E]  }
0x29: {  	s4 =	sld [smem:$0x3FA0]  }
0x2a: {  	p0 =	seq.s32 s5, $0x0;
	s5 =	sld [smem:$0x3FA1]  }
0x2b: {  	s6 =	sld [smem:$0x3FA2]  }
0x2c: {  	s7 =	sld [smem:$0x3FA3]  }
0x2d: {  	s3 =	simm.s32 $0x108;
	s8 =	sld [smem:$0x3FA4]  }
0x2e: {  	s3 =	simm.s32 @!p0 $0x1082;
	s9 =	sld [smem:$0x3FA5]  }
0x2f: {  	lr =	sadd.s32 s0, s3;
	s0 =	sld [smem:$0x3F9C]  }
0x30: {  	s3 =	sld [smem:$0x3F9F]  }
0x31: {  	[smem:$0x3FA8] =	sst s10  }
0x32: {  	s10 =	sld [smem:$0x3FA6];
	_ =	sdelay $0x3  }
0x33: {  	p0 =	seq.s32 s10, $0x1;
	s10 =	sld [smem:$0x3FA8];
	_ =	sdelay $0x3  }
0x34: {  	[smem:$0x3FA8] =	sst s10  }
0x35: {  	s10 =	sld [smem:$0x3FA7];
	_ =	sdelay $0x3  }
0x36: {  	p1 =	seq.s32 s10, $0x1;
	s10 =	sld [smem:$0x3FA8];
	_ =	sdelay $0x3  }
0x37: {  	[smem:$0x3FA8] =	sst s10  }
0x38: {  	s10 =	sld [smem:$0x3FA9]  }
0x39: {  	_ = 	snop;
	(pc) =	sbr.ind lr, $3  }
0x3a: {  	_ = 	snop  }
0x3b: {  	_ = 	snop  }
0x3c: {  	p2 =	seq.s32 s10, $0x1;
	s10 =	sld [smem:$0x3FA8]  }
0x3d: {  	_ =	shalt  }
0x3e: {  	_ =	shalt  }
0x3f: {  	_ =	shalt  }
0x40: {  	_ =	shalt  }
0x41: {  	_ =	shalt  }
0x42: {  	_ =	shalt  }
0x43: {  	_ =	shalt  }
0x44: {  	_ =	shalt  }
0x45: {  	_ =	shalt  }
0x46: {  	_ =	shalt  }
0x47: {  	_ =	shalt  }
0x48: {  	_ =	shalt  }
0x49: {  	_ =	shalt  }
0x4a: {  	_ =	shalt  }
0x4b: {  	_ =	shalt  }
0x4c: {  	_ =	shalt  }
0x4d: {  	_ =	shalt  }
0x4e: {  	_ =	shalt  }
0x4f: {  	_ =	shalt  }
0x50: {  	_ =	shalt  }
0x51: {  	_ =	shalt  }
0x52: {  	_ =	shalt  }
0x53: {  	_ =	shalt  }
0x54: {  	_ =	shalt  }
0x55: {  	_ =	shalt  }
0x56: {  	_ =	shalt  }
0x57: {  	_ =	shalt  }
0x58: {  	_ =	shalt  }
0x59: {  	_ =	shalt  }
0x5a: {  	_ =	shalt  }
0x5b: {  	_ =	shalt  }
0x5c: {  	_ =	shalt  }
0x5d: {  	_ =	shalt  }
0x5e: {  	_ =	shalt  }
0x5f: {  	_ =	shalt  }
0x60: {  	_ =	shalt  }
0x61: {  	_ =	shalt  }
0x62: {  	_ =	shalt  }
0x63: {  	_ =	shalt  }
0x64: {  	_ =	shalt  }
0x65: {  	_ =	shalt  }
0x66: {  	_ =	shalt  }
0x67: {  	_ =	shalt  }
0x68: {  	_ =	shalt  }
0x69: {  	_ =	shalt  }
0x6a: {  	_ =	shalt  }
0x6b: {  	_ =	shalt  }
0x6c: {  	_ =	shalt  }
0x6d: {  	_ =	shalt  }
0x6e: {  	_ =	shalt  }
0x6f: {  	_ =	shalt  }
0x70: {  	_ =	shalt  }
0x71: {  	_ =	shalt  }
0x72: {  	_ =	shalt  }
0x73: {  	_ =	shalt  }
0x74: {  	_ =	shalt  }
0x75: {  	_ =	shalt  }
0x76: {  	_ =	shalt  }
0x77: {  	_ =	shalt  }
0x78: {  	_ =	shalt  }
0x79: {  	_ =	shalt  }
0x7a: {  	_ =	shalt  }
0x7b: {  	_ =	shalt  }
0x7c: {  	_ =	shalt  }
0x7d: {  	_ =	shalt  }
0x7e: {  	_ =	shalt  }
0x7f: {  	_ =	shalt  }
0x80: {  	_ =	shalt  }
0x81: {  	_ =	shalt  }
0x82: {  	_ =	shalt  }
0x83: {  	_ =	shalt  }
0x84: {  	_ =	shalt  }
0x85: {  	_ =	shalt  }
0x86: {  	_ =	shalt  }
0x87: {  	_ =	shalt  }
.Lfunc_end0:
.L_simem_size_0:
called_computation.3_lowered:
.L_overlay_start_0:
0x88: {  	s2 =	sld [smem:$0x3FD9]  }
0x89: {  	s3 =	sld [smem:$0x3FFE];
	_ =	sdelay $0x1  }
0x8a: {  	s1 =	srdreg.scid  }
0x8b: {  	s0 =	sand.u32 $0x1, s1  }
0x8c: {  	s17 =	sshll.u32 s0, $0xA;
	s2 =	sadd.s32 s3, s2  }
0x8d: {  	s2 =	sadd.s32 s2, s17  }
0x8e: {  	[smem:$0x3FB4] =	sst s2  }
0x8f: {  	_ = 	snop  }
0x90: {  	s2 =	sld [smem:$0x3FD0];
	(tm) =	ssettm $0x1  }
0x91: {  	s18 =	sld [smem:$0x3FFB];
	_ =	sdelay $0x3  }
0x92: {  	_ =	strace s18  }
0x93: {  	s3 =	sld [smem:$0x3FFC];
	_ =	sdelay $0x3  }
0x94: {  	_ =	strace s3  }
0x95: {  	s3 =	sld [smem:$0x3FFD];
	_ =	sdelay $0x3  }
0x96: {  	_ =	strace s3  }
0x97: {  	_ =	strace $0x8FFFFFFF  }
0x98: {  	s19 =	sld [smem:$0x3FDB];
	_ =	sdelay $0x1  }
0x99: {  	s4 =	simm.s32 $_scs_section_size  }
0x9a: {  	s5 =	simm.s32 $_size__tile_overlayer_lowered;
	s6 =	simm.s32 $_tile_overlayer_lowered  }
0x9b: {  	s22 =	simm.s32 $0x1BFF;
	s21 =	sshll.u32 s6, $0x1;
	s3 =	sadd.s32 s4, s19  }
0x9c: {  	s7 =	simm.s32 $0x0;
	s20 =	sshll.u32 s5, $0x1;
	s5 =	sadd.s32 s21, s3  }
0x9d: {  	[timem:s7], [sflag:s22] =	dma.local [hbm:s5], s20  }
0x9e: {  	_ =	swait.ge [sflag:s22], s20  }
0x9f: {  	s4 =	ssub.s32 $0x0, s20;
	[sflag:s22] =	ssyncset.done $0x0  }
0xa0: {  	[sflag:s22] =	ssyncadd.s32 s4;
	_ =	sdelay $0x1  }
0xa1: {  	s23 =	simm.s32 $0x1B8B  }
0xa2: {  	_ =	swait.ge [sflag:s23], $0x1  }
0xa3: {  	[sflag:s23] =	ssyncset.done $0x0  }
0xa4: {  	s25 =	simm.s32 $0x1B8E;
	s24 =	sld [smem:$0x3FFE];
	[sflag:s23] =	ssyncadd.s32 $0xFFFFFFFF  }
0xa5: {  	s26 =	simm.s32 $execute0_lowered;
	[smem:$0x3FD2] =	sst s25  }
0xa6: {  	s5 =	sshll.u32 s26, $0x1;
	_ =	strace $0x8000004F;
	[dreg:$0x1] =	wrdreg $0xFFFFFFFF  }
0xa7: {  	s28 =	simm.s32 $_size_execute0_lowered;
	s3 =	sadd.s32 s3, s5;
	[dreg:$0x0] =	wrdreg $0x0  }
0xa8: {  	s5 =	sshll.u32 s28, $0x1;
	[dreg:$0x2] =	wrdreg s3  }
0xa9: {  	[dreg:$0x3] =	wrdreg s5  }
0xaa: {  	[dreg:$0x4] =	wrdreg $0xC0  }
0xab: {  	_ =	task [dreg:s7], $0x5FFFF  }
0xac: {  	[dreg:$0x1] =	wrdreg $0xFFFFFFFF  }
0xad: {  	[dreg:$0x0] =	wrdreg $0x60  }
0xae: {  	[dreg:$0x2] =	wrdreg s24  }
0xaf: {  	[dreg:$0x3] =	wrdreg s2  }
0xb0: {  	[dreg:$0x4] =	wrdreg $0x6C000  }
0xb1: {  	[dreg:$0x5] =	wrdreg $0x9  }
0xb2: {  	_ =	task.clear_ibuf [dreg:s7], $0x6FFFF;
	_ =	strace $0x9000004F  }
0xb3: {  	s29 =	simm.s32 $0x9;
	_ =	strace $0x80000051  }
0xb4: {  	_ =	swait.ge [sflag:s29], $0x1  }
0xb5: {  	[sflag:s29] =	ssyncadd.s32 $0xFFFFFFFF  }
0xb6: {  	_ =	strace $0x90000051  }
0xb7: {  	_ =	sfence  }
0xb8: {  	s30 =	sld [smem:$0x0];
	_ =	sdelay $0x2  }
0xb9: {  	s31 =	sshll.u32 s1, $0xD;
	s1 =	sshrl.u32 s1, $0x2  }
0xba: {  	s3 =	sand.u32 $0x4000, s31;
	s1 =	sadd.s32 s1, s30  }
0xbb: {  	s0 =	sor.u32 s3, s0;
	s1 =	sshll.u32 s1, $0x11  }
0xbc: {  	s0 =	sor.u32 s1, s0  }
0xbd: {  	s0 =	sadd.s32 $0x8F2B, s0  }
0xbe: {  	[sflag:s0] =	ssyncadd.remote.s32 $0x1  }
0xbf: {  	_ =	sfence.sel $0xFFFF  }
0xc0: {  	[dreg:$0x0] =	wrdreg $0xFFFFFFFF;
	(pc) =	sbr.abs _section_cstart, $3  }
0xc1: {  	[dreg:$0x1] =	wrdreg $0xFFFFFFFF  }
0xc2: {  	_ =	task.clear_ibuf [dreg:s7], $0x2FFFF;
	_ =	strace $0x9FFFFFFF  }
0xc3: {  	(tm) =	ssettm $0x7FFFFFFF  }
tec
execute0_lowered:
.L_overlay_start_1:
0x0: {  	(tag) =	ssettag $0x1  }
0x1: {  	s0 =	rddreg [dreg:$0x0]  }
0x2: {  	s3 =	rddreg [dreg:$0x1]  }
0x3: {  	s1 =	rddreg [dreg:$0x2];
	s2 =	simm.s32 $0x0;
	s4 =	srdreg.scid  }
0x4: {  	s5 =	stileid.u32;
	s29 =	simm.s32 $0x200;
	s30 =	simm.s32 $0x1  }
0x5: {  	s31 =	simm.s32 $0x2;
	[smem:$0x7FF] =	sst s2;
	s14 =	smul.u32 $0x18800, s5  }
0x6: {  	s12 =	sand.u32 $0x1, s4;
	s11 =	sadd.s32 $0x32A00, s0;
	s13 =	smul.u32 $0xFFFFFCF0, s5  }
0x7: {  	s21 =	sshll.u32 s5, $0x6;
	_ =	strace $0x80000050;
	s6 =	smul.u32 $0x31000, s12  }
0x8: {  	s4 =	sshll.u32 s12, $0x4;
	s7 =	ssub.s32 $0x2, s12;
	s17 =	smul.u32 $0xFFFFCF00, s12  }
0x9: {  	[dreg:$0x5] =	wrdreg s11;
	s18 =	smul.u32 $0x188000, s12;
	s8 =	sor.u32 s5, s4  }
0xa: {  	s4 =	sadd.s32 $0x1800, s0;
	s9 =	sshrl.u32 s7, $0x1;
	s16 =	sadd.s32 s14, s1  }
0xb: {  	s10 =	smul.u32 $0xFFFFFCF0, s8;
	s0 =	sadd.s32 s6, s0;
	s15 =	ssub.s32 s7, s9  }
0xc: {  	s19 =	smul.u32 $0x3100, s8;
	s6 =	sor.u32 $0x1C04, s21;
	s9 =	sadd.s32 $0x61A80, s3  }
0xd: {  	s17 =	sadd.s32 s17, s13;
	s18 =	sadd.s32 s14, s18;
	s21 =	simm.s32 $0x80  }
0xe: {  	s17 =	sadd.s32 $0x61A8, s17;
	s0 =	sadd.s32 $0x35C00, s0;
	s18 =	sor.u32 $0x600, s18  }
0xf: {  	s28 =	smax.u32 s15, $0x1;
	s20 =	sadd.s32 $0x61A8, s10;
	s23 =	sadd.s32 s3, s19  }
0x10: {  	s24 =	sor.u32 $0x40, s19;
	s25 =	sor.u32 $0x80, s19;
	[dreg:$0xb] =	wrdreg s28  }
0x11: {  	s17 =	sshrl.u32 s17, $0x2;
	s15 =	sshrl.u32 s18, $0x3;
	[dreg:$0x6] =	wrdreg s23  }
0x12: {  	s18 =	simm.s32 $0x4;
	s19 =	sadd.s32 s19, s9;
	[dreg:$0x7] =	wrdreg s24  }
0x13: {  	s22 =	sshrl.u32 s20, $0x2;
	s5 =	sadd.s32 s3, s24;
	[dreg:$0x8] =	wrdreg s25  }
0x14: {  	s26 =	sadd.s32 s3, s25;
	s20 =	sshrl.u32 s14, $0x3;
	s17 =	smin.u32 s17, $0xC4  }
0x15: {  	s25 =	sadd.s32 s15, s3;
	s7 =	smin.u32 s22, $0xC4;
	[dreg:$0x9] =	wrdreg s5  }
0x16: {  	[dreg:$0xa] =	wrdreg s26;
	s17 =	sshll.u32 s17, $0xB;
	s24 =	sadd.s32 s20, s0  }
0x17: {  	s0 =	simm.s32 $0x0;
	[dreg:$0x4] =	wrdreg s17;
	s17 =	sshrl.u32 s16, $0x3  }
.LBB2_1:
0x18: {  	s3 =	rddreg [dreg:$0x5]  }
0x19: {  	[spmem:s17], [sflag:s6] =	dma.local [hbm:s3], $0x3100  }
0x1a: {  	_ =	swait.ge [sflag:s18], $0x3100  }
0x1b: {  	[sflag:s18] =	ssyncset.done $0x0  }
0x1c: {  	[sflag:s18] =	ssyncadd.s32 $0xFFFFCF00  }
0x1d: {  	[bflag:$0x0] =	sbarrier.arrive $0xFFFF  }
0x1e: {  	s22 =	rddreg [dreg:$0x6]  }
0x1f: {  	[tilespmem:s2], [sflag:$0x3] =	stream.linear.gather [hbm4b:s22+s2], $0x200, $0x38;
	[tilespmem:$0x1F400] =	vst v63  }
0x20: {  	s23 =	simm.s32 $0x600;
	s3 =	simm.s32 $0x3  }
0x21: {  	[tilespmem:s23], [sflag:$0x3] =	stream.linear.gather [hbm4b:s19+s2], $0x200, $0x38;
	[tilespmem:$0x1F400] =	vst v63  }
0x22: {  	_ =	swait.ge [sflag:s3], $0x200  }
0x23: {  	[sflag:s3] =	ssyncset.done $0x0  }
0x24: {  	[sflag:s3] =	ssyncadd.s32 $0xFFFFFE00  }
0x25: {  	_ =	swait.ge [sflag:s3], $0x200  }
0x26: {  	[sflag:s3] =	ssyncset.done $0x0  }
0x27: {  	s20 =	simm.s32 $0xC00;
	[sflag:s3] =	ssyncadd.s32 $0xFFFFFE00  }
0x28: {  	[tilespmem:s20], [sflag:$0x1] =	stream.indirect.gather [hbm4b:s4+s21], $0x10, s2, s21, $0xb8;
	[tilespmem:$0x1F400] =	vst v63  }
0x29: {  	s5 =	simm.s32 $0x1400  }
0x2a: {  	[tilespmem:s5], [sflag:$0x1] =	stream.indirect.gather [hbm4b:s4+s21], $0x10, s21, s21, $0xb8;
	[tilespmem:$0x1F400] =	vst v63  }
0x2b: {  	s26 =	simm.s32 $0x100;
	s8 =	simm.s32 $0x1C00  }
0x2c: {  	[tilespmem:s8], [sflag:$0x1] =	stream.indirect.gather [hbm4b:s4+s21], $0x10, s26, s21, $0xb8;
	[tilespmem:$0x1F400] =	vst v63  }
0x2d: {  	s10 =	simm.s32 $0x180;
	s11 =	simm.s32 $0x2400;
	s12 =	rddreg [dreg:$0x9]  }
0x2e: {  	[tilespmem:s11], [sflag:$0x1] =	stream.indirect.gather [hbm4b:s4+s21], $0x10, s10, s21, $0xb8;
	[tilespmem:$0x1F400] =	vst v63  }
0x2f: {  	s13 =	rddreg [dreg:$0x7]  }
0x30: {  	[tilespmem:s29], [sflag:$0x3] =	stream.linear.gather [hbm4b:s12+s2], $0x200, $0x38;
	[tilespmem:$0x1F400] =	vst v63  }
0x31: {  	s14 =	simm.s32 $0x800;
	s16 =	sadd.s32 s13, s9  }
0x32: {  	[tilespmem:s14], [sflag:$0x3] =	stream.linear.gather [hbm4b:s16+s2], $0x200, $0x38;
	[tilespmem:$0x1F400] =	vst v63  }
0x33: {  	_ =	swait.ge [sflag:s3], $0x200  }
0x34: {  	[sflag:s3] =	ssyncset.done $0x0  }
0x35: {  	[sflag:s3] =	ssyncadd.s32 $0xFFFFFE00  }
0x36: {  	_ =	swait.ge [sflag:s3], $0x200  }
0x37: {  	[sflag:s3] =	ssyncset.done $0x0  }
0x38: {  	s22 =	simm.s32 $0x2C00;
	[sflag:s3] =	ssyncadd.s32 $0xFFFFFE00  }
0x39: {  	[tilespmem:s22], [sflag:$0x1] =	stream.indirect.gather [hbm4b:s4+s21], $0x10, s29, s21, $0xb8;
	[tilespmem:$0x1F400] =	vst v63  }
0x3a: {  	s23 =	simm.s32 $0x280;
	s26 =	simm.s32 $0x3400  }
0x3b: {  	[tilespmem:s26], [sflag:$0x1] =	stream.indirect.gather [hbm4b:s4+s21], $0x10, s23, s21, $0xb8;
	[tilespmem:$0x1F400] =	vst v63  }
0x3c: {  	s10 =	simm.s32 $0x300;
	s11 =	simm.s32 $0x3C00  }
0x3d: {  	[tilespmem:s11], [sflag:$0x1] =	stream.indirect.gather [hbm4b:s4+s21], $0x10, s10, s21, $0xb8;
	[tilespmem:$0x1F400] =	vst v63  }
0x3e: {  	s13 =	simm.s32 $0x4400;
	s12 =	simm.s32 $0x380;
	s14 =	rddreg [dreg:$0xa]  }
0x3f: {  	[tilespmem:s13], [sflag:$0x1] =	stream.indirect.gather [hbm4b:s4+s21], $0x10, s12, s21, $0xb8;
	[tilespmem:$0x1F400] =	vst v63  }
0x40: {  	s28 =	simm.s32 $0x0;
	s16 =	simm.s32 $0x400;
	s22 =	rddreg [dreg:$0x8]  }
0x41: {  	[tilespmem:s16], [sflag:$0x3] =	stream.linear.gather [hbm4b:s14+s2], $0x200, $0x38;
	[tilespmem:$0x1F400] =	vst v63  }
0x42: {  	s23 =	sadd.s32 s22, s9;
	s26 =	simm.s32 $0xA00;
	s22 =	sadd.s32 s9, s15  }
0x43: {  	[tilespmem:s26], [sflag:$0x3] =	stream.linear.gather [hbm4b:s23+s2], $0x200, $0x38;
	[tilespmem:$0x1F400] =	vst v63  }
0x44: {  	s16 =	smov.u32 s25;
	s23 =	simm.s32 $0x2;
	s26 =	simm.s32 $0x0  }
.LBB2_2:
0x45: {  	_ =	swait.ge [sflag:s30], $0x800  }
0x46: {  	[sflag:s30] =	ssyncset.done $0x0  }
0x47: {  	[sflag:s30] =	ssyncadd.s32 $0xFFFFF800  }
0x48: {  	_ =	swait.ge [sflag:s30], $0x800  }
0x49: {  	[sflag:s30] =	ssyncset.done $0x0  }
0x4a: {  	[sflag:s30] =	ssyncadd.s32 $0xFFFFF800  }
0x4b: {  	_ =	swait.ge [sflag:s30], $0x800  }
0x4c: {  	[sflag:s30] =	ssyncset.done $0x0  }
0x4d: {  	[sflag:s30] =	ssyncadd.s32 $0xFFFFF800  }
0x4e: {  	s8 =	sadd.s32 $0xFFFFFFFF, s3;
	_ =	swait.ge [sflag:s30], $0x800  }
0x4f: {  	s5 =	smulhi.u32 $0xAAAAAAAB, s23;
	p0 =	sge.u32 s8, s7;
	[sflag:s30] =	ssyncset.done $0x0  }
0x50: {  	s8 =	simm.s32 @!p0 $0x3;
	[sflag:s30] =	ssyncadd.s32 $0xFFFFF800  }
0x51: {  	s13 =	smulhi.u32 $0xAAAAAAAB, s28;
	s5 =	sshrl.u32 s5, $0x1;
	_ =	swait.ge @!p0 [sflag:s8], $0x200  }
0x52: {  	s12 =	smul.u32 $0xFFFFE800, s5;
	[sflag:s8] =	ssyncset.done @!p0 $0x0  }
0x53: {  	s5 =	smul.u32 $0xFFFE8000, s5;
	[sflag:s8] =	ssyncadd.s32 @!p0 $0xFFFFFE00  }
0x54: {  	s13 =	sshrl.u32 s13, $0x1;
	s10 =	sshra.s32 @!p0 s26, $0x2;
	_ =	swait.ge @!p0 [sflag:s8], $0x200  }
0x55: {  	s12 =	sshra.s32 s12, $0x2;
	s5 =	sshra.s32 @!p0 s5, $0x2;
	[sflag:s8] =	ssyncset.done @!p0 $0x0  }
0x56: {  	s5 =	sadd.s32 @!p0 s5, s20;
	[sflag:s8] =	ssyncadd.s32 @!p0 $0xFFFFFE00;
	s8 =	sadd.s32 @!p0 s10, s12  }
0x57: {  	s11 =	simm.s32 @!p0 $0x80;
	s10 =	sadd.s32 @!p0 $0x4000, s5;
	s12 =	sadd.s32 @!p0 $0x400, s8  }
0x58: {  	[tilespmem:s10], [sflag:$0x1] =	stream.indirect.gather @!p0 [hbm4b:s4+s11], $0x10, s12, s11, $0xb8;
	[tilespmem:$0x1F400] =	vst v63  }
0x59: {  	s14 =	sadd.s32 @!p0 $0x480, s8;
	s10 =	smul.u32 $0xFFFFE800, s13;
	s12 =	sadd.s32 @!p0 $0x4800, s5  }
0x5a: {  	[tilespmem:s12], [sflag:$0x1] =	stream.indirect.gather @!p0 [hbm4b:s4+s11], $0x10, s14, s11, $0xb8;
	[tilespmem:$0x1F400] =	vst v63  }
0x5b: {  	s12 =	smul.u32 $0x18000, s13;
	s13 =	sadd.s32 @!p0 $0x5000, s5;
	s14 =	sadd.s32 @!p0 $0x500, s8  }
0x5c: {  	[tilespmem:s13], [sflag:$0x1] =	stream.indirect.gather @!p0 [hbm4b:s4+s11], $0x10, s14, s11, $0xb8;
	[tilespmem:$0x1F400] =	vst v63  }
0x5d: {  	s5 =	sadd.s32 @!p0 $0x5800, s5;
	s8 =	sadd.s32 @!p0 $0x580, s8;
	s12 =	ssub.s32 $0x6000, s12  }
0x5e: {  	[tilespmem:s5], [sflag:$0x1] =	stream.indirect.gather @!p0 [hbm4b:s4+s11], $0x10, s8, s11, $0xb8;
	[tilespmem:$0x1F400] =	vst v63  }
0x5f: {  	s12 =	sshra.s32 s12, $0x2;
	s5 =	sshra.s32 s10, $0x2  }
0x60: {  	s13 =	sshra.s32 s26, $0x2;
	s8 =	sadd.s32 s12, s20;
	s10 =	sadd.s32 $0x600, s5  }
0x61: {  	s14 =	sadd.s32 $0xFFFFE800, s8;
	s11 =	sadd.s32 s13, s10  }
0x62: {  	[spmem:s1] =	stream.indirect.scatter.add.f32 [tilespmem:s14], [sflag:$0x2], $0x10, s11, s21, $0xb8;
	[tilespmem:$0x1F400] =	vst v63  }
0x63: {  	s13 =	sadd.s32 $0xFFFFF000, s8;
	s14 =	sadd.s32 $0x80, s11  }
0x64: {  	[spmem:s1] =	stream.indirect.scatter.add.f32 [tilespmem:s13], [sflag:$0x2], $0x10, s14, s21, $0xb8;
	[tilespmem:$0x1F400] =	vst v63  }
0x65: {  	s13 =	sadd.s32 $0xFFFFF800, s8;
	s14 =	sadd.s32 $0x100, s11  }
0x66: {  	[spmem:s1] =	stream.indirect.scatter.add.f32 [tilespmem:s13], [sflag:$0x2], $0x10, s14, s21, $0xb8;
	[tilespmem:$0x1F400] =	vst v63  }
0x67: {  	s11 =	sadd.s32 $0x180, s11  }
0x68: {  	[spmem:s1] =	stream.indirect.scatter.add.f32 [tilespmem:s8], [sflag:$0x2], $0x10, s11, s21, $0xb8;
	[tilespmem:$0x1F400] =	vst v63  }
0x69: {  	_ =	swait.ge [sflag:s31], $0x800  }
0x6a: {  	[sflag:s31] =	ssyncset.done $0x0  }
0x6b: {  	[sflag:s31] =	ssyncadd.s32 $0xFFFFF800  }
0x6c: {  	_ =	swait.ge [sflag:s31], $0x800  }
0x6d: {  	[sflag:s31] =	ssyncset.done $0x0  }
0x6e: {  	[sflag:s31] =	ssyncadd.s32 $0xFFFFF800  }
0x6f: {  	_ =	swait.ge [sflag:s31], $0x800  }
0x70: {  	[sflag:s31] =	ssyncset.done $0x0  }
0x71: {  	[sflag:s31] =	ssyncadd.s32 $0xFFFFF800  }
0x72: {  	p0 =	sge.u32 s3, s7;
	_ =	swait.ge [sflag:s31], $0x800  }
0x73: {  	s8 =	sshra.s32 @!p0 s26, $0x2;
	[sflag:s31] =	ssyncset.done $0x0  }
0x74: {  	s11 =	simm.s32 @!p0 $0x0;
	s5 =	sadd.s32 @!p0 s8, s5;
	[sflag:s31] =	ssyncadd.s32 $0xFFFFF800  }
0x75: {  	[tilespmem:s5], [sflag:$0x3] =	stream.linear.gather @!p0 [hbm4b:s16+s11], $0x200, $0x38;
	[tilespmem:$0x1F400] =	vst v63  }
0x76: {  	s26 =	sadd.s32 $0x800, s26;
	s14 =	rddreg [dreg:$0x4];
	s5 =	sadd.s32 @!p0 s8, s10  }
0x77: {  	[tilespmem:s5], [sflag:$0x3] =	stream.linear.gather @!p0 [hbm4b:s22+s11], $0x200, $0x38;
	[tilespmem:$0x1F400] =	vst v63  }
0x78: {  	p0 =	sne.s32 s14, s26  }
.Ltmp0:
0x79: {  	_ = 	snop;
	(pc) =	sbr.rel @p0 .LBB2_2-.Ltmp0, $3  }
0x7a: {  	_ =	sdelay $0x1  }
0x7b: {  	s28 =	sadd.s32 $0x1, s28;
	s23 =	sadd.s32 $0x1, s23;
	s3 =	sadd.s32 $0x1, s3  }
0x7c: {  	s20 =	sadd.s32 $0x2000, s20;
	s16 =	sadd.s32 $0x40, s16;
	s22 =	sadd.s32 $0x40, s22  }
0x7d: {  	[bflag:$0x0] =	sbarrier.arrive $0xFFFF  }
0x7e: {  	[hbm:s24], [sflag:s6] =	dma.local [spmem:s17], $0x3100  }
0x7f: {  	_ =	swait.ge [sflag:s18], $0x3100  }
0x80: {  	s0 =	sadd.s32 $0x1, s0;
	s3 =	rddreg [dreg:$0xb]  }
0x81: {  	p0 =	sne.s32 s0, s3  }
.Ltmp1:
0x82: {  	_ = 	snop;
	(pc) =	sbr.rel @p0 .LBB2_1-.Ltmp1, $3  }
0x83: {  	_ =	sdelay $0x1  }
0x84: {  	[sflag:s18] =	ssyncset.done $0x0  }
0x85: {  	[sflag:s18] =	ssyncadd.s32 $0xFFFFCF00  }
0x86: {  	_ =	sfence.sel $0x180000  }
0x87: {  	[bflag:$0x0] =	sbarrier.arrive $0xFFFF  }
0x88: {  	_ =	strace $0x90000050  }
0x89: {  	s0 =	stileid.u32;
	[bflag:$0x2] =	sbarrier.arrive $0xFFFF  }
0x8a: {  	p0 =	sne.s32 s0, $0x0;
	s0 =	rddreg [dreg:$0x3]  }
0x8b: {  	s0 =	sadd.s32 @!p0 $0x100000, s0  }
0x8c: {  	[sflag:s0] =	ssyncadd.tile.s32 @!p0 $0x1;
	_ =	shalt  }
.Lfunc_end2:
_tile_overlayer_lowered:
.L_overlay_start_2:
0x8d: {  	(tag) =	ssettag $0x2  }
0x8e: {  	s0 =	rddreg [dreg:$0x0];
	s2 =	stileid.u32  }
0x8f: {  	s1 =	rddreg [dreg:$0x1];
	p0 =	sne.s32 s2, $0x0  }
0x90: {  	s3 =	rddreg [dreg:$0x2];
	[bflag:$0x3] =	sbarrier.arrive $0xFFFF;
	s2 =	simm.s32 @!p0 $0x1C04  }
0x91: {  	[timem:s3], [sflag:s2] =	dma.local @!p0 [hbm:s0], s1  }
0x92: {  	s0 =	simm.s32 @!p0 $0x4  }
0x93: {  	_ =	swait.ge @!p0 [sflag:s0], s1  }
0x94: {  	s1 =	ssub.s32 @!p0 $0x0, s1;
	[sflag:s0] =	ssyncset.done @!p0 $0x0  }
0x95: {  	[sflag:s0] =	ssyncadd.s32 @!p0 s1  }
0x96: {  	[bflag:$0x3] =	sbarrier.arrive $0xFFFF  }
0x97: {  	_ =	shalt  }

</sc_bundles>
